<compile_context>
chip_gen: v7x
topology: tpu7x:2x2x1
jax: 0.10.2.dev20260603
libtpu: 0.0.44.dev20260713+nightly
codegen_flags: <defaults>
</compile_context>

<pallas_src>
import functools

import jax
import jax.numpy as jnp
from jax import lax
from jax.experimental import pallas as pl
from jax.experimental.pallas import tpu as pltpu
from jax.experimental.pallas import tpu_sc as plsc

N = 10000
E = 320000
D = 128
BN_EPS = 1e-5

NC = 2
NS = 16
NW = NC * NS
EPT = 10112
EPT_LAST = E - (NW - 1) * EPT
CHUNK = 64
CH_FULL = EPT // CHUNK
CH_LAST = EPT_LAST // CHUNK
NBUF = 3
DUMP_ROWS = 632
DUMP_LAST = N - 15 * DUMP_ROWS
ZROWS = 48


def _agg_body(x_hbm, ei_hbm, out0, out1,
              src_v, dst_v, dstr, rows0, rows1, rows2, acc,
              sem0, sem1, sem2):
    c = lax.axis_index("c")
    s = lax.axis_index("s")
    w = c * NS + s
    rows = (rows0, rows1, rows2)
    sems = (sem0, sem1, sem2)
    ebase = w * EPT
    nchunks = jnp.where(w == NW - 1, CH_LAST, CH_FULL)

    @pl.when(w < NW - 1)
    def _():
        pltpu.sync_copy(ei_hbm.at[0, pl.ds(ebase, EPT)], src_v)
        pltpu.sync_copy(ei_hbm.at[1, pl.ds(ebase, EPT)], dst_v)

    @pl.when(w == NW - 1)
    def _():
        pltpu.sync_copy(ei_hbm.at[0, pl.ds(ebase, EPT_LAST)],
                        src_v.at[pl.ds(0, EPT_LAST)])
        pltpu.sync_copy(ei_hbm.at[1, pl.ds(ebase, EPT_LAST)],
                        dst_v.at[pl.ds(0, EPT_LAST)])

    def stage_dst(j, b):
        base = j * CHUNK
        for t in range(CHUNK // 16):
            dstr[b, pl.ds(t * 16, 16)] = dst_v[pl.ds(base + t * 16, 16)]

    def fire_gather(j, b):
        pltpu.async_copy(x_hbm.at[src_v.at[pl.ds(j * CHUNK, CHUNK)]],
                         rows[b], sems[b])

    for b in (1, 2):
        stage_dst(b, b)
        fire_gather(b, b)

    def zfill(r, carry):
        for j in range(D // 16):
            rows0[r, pl.ds(j * 16, 16)] = jnp.zeros((16,), jnp.float32)
        return carry
    lax.fori_loop(0, ZROWS, zfill, 0)
    zbase = pl.multiple_of(s * 624, 8)
    for k in range(13):
        pltpu.sync_copy(rows0.at[pl.ds(0, ZROWS)],
                        acc.at[pl.ds(pl.multiple_of(zbase + k * ZROWS, 8),
                                     ZROWS)])

    @pl.when(s == 0)
    def _():
        pltpu.sync_copy(rows0.at[pl.ds(0, 16)], acc.at[pl.ds(N - 16, 16)])

    stage_dst(0, 0)
    fire_gather(0, 0)
    plsc.subcore_barrier()

    def ebody(j, carry):
        for b in range(NBUF):
            @pl.when(lax.rem(j, NBUF) == b)
            def _(b=b):
                pltpu.make_async_copy(
                    x_hbm.at[src_v.at[pl.ds(0, CHUNK)]], rows[b],
                    sems[b]).wait()
                pltpu.sync_copy(rows[b], acc.at[dstr.at[b]], add=True)

                @pl.when(j + NBUF < nchunks)
                def _(b=b):
                    stage_dst(j + NBUF, b)
                    fire_gather(j + NBUF, b)
        return carry
    lax.fori_loop(0, nchunks, ebody, 0)
    plsc.subcore_barrier()

    dbase = pl.multiple_of(s * DUMP_ROWS, 8)
    for core, out in ((0, out0), (1, out1)):
        @pl.when(jnp.logical_and(c == core, s < 15))
        def _(out=out, dbase=dbase):
            pltpu.sync_copy(acc.at[pl.ds(dbase, DUMP_ROWS)],
                            out.at[pl.ds(dbase, DUMP_ROWS)])

        @pl.when(jnp.logical_and(c == core, s == 15))
        def _(out=out, dbase=dbase):
            pltpu.sync_copy(acc.at[pl.ds(dbase, DUMP_LAST)],
                            out.at[pl.ds(dbase, DUMP_LAST)])


_agg = pl.kernel(
    _agg_body,
    out_type=(jax.ShapeDtypeStruct((N, D), jnp.float32),
              jax.ShapeDtypeStruct((N, D), jnp.float32)),
    mesh=plsc.VectorSubcoreMesh(core_axis_name="c", subcore_axis_name="s",
                                num_cores=NC, num_subcores=NS),
    scratch_types=(
        pltpu.VMEM((EPT,), jnp.int32),
        pltpu.VMEM((EPT,), jnp.int32),
        pltpu.VMEM((NBUF, CHUNK), jnp.int32),
        pltpu.VMEM((CHUNK, D), jnp.float32),
        pltpu.VMEM((CHUNK, D), jnp.float32),
        pltpu.VMEM((CHUNK, D), jnp.float32),
        pltpu.VMEM_SHARED((N, D), jnp.float32),
        pltpu.SemaphoreType.DMA,
        pltpu.SemaphoreType.DMA,
        pltpu.SemaphoreType.DMA,
    ),
)



BLK = 2000


def _mlp1_body(e_ref, x_ref, p0_ref, p1_ref, w_ref, b_ref, s_ref, t_ref,
               o_ref):
    m = x_ref[...] * e_ref[0, 0] + p0_ref[...] + p1_ref[...]
    z = jnp.dot(m, w_ref[...], preferred_element_type=jnp.float32) + b_ref[...]
    o_ref[...] = jnp.maximum(z, 0.0) * s_ref[...] + t_ref[...]


def _mlp2_body(e_ref, h_ref, p0_ref, p1_ref, w2_ref, b2_ref, w3_ref, b3_ref,
               o_ref):
    m = h_ref[...] * e_ref[0, 0] + p0_ref[...] + p1_ref[...]
    r = jnp.maximum(
        jnp.dot(m, w2_ref[...], preferred_element_type=jnp.float32)
        + b2_ref[...], 0.0)
    o_ref[...] = (jnp.dot(r, w3_ref[...], preferred_element_type=jnp.float32)
                  + b3_ref[...])


_scalar_spec = pl.BlockSpec((1, 1), lambda i: (0, 0))
_vec_spec = pl.BlockSpec((1, D), lambda i: (0, 0))
_mat_spec = pl.BlockSpec((D, D), lambda i: (0, 0))
_blk_spec = pl.BlockSpec((BLK, D), lambda i: (i, 0))

_mlp1 = pl.pallas_call(
    _mlp1_body,
    grid=(N // BLK,),
    in_specs=[_scalar_spec, _blk_spec, _blk_spec, _blk_spec,
              _mat_spec, _vec_spec, _vec_spec, _vec_spec],
    out_specs=_blk_spec,
    out_shape=jax.ShapeDtypeStruct((N, D), jnp.float32),
)

_mlp2 = pl.pallas_call(
    _mlp2_body,
    grid=(N // BLK,),
    in_specs=[_scalar_spec, _blk_spec, _blk_spec, _blk_spec,
              _mat_spec, _vec_spec, _mat_spec, _vec_spec],
    out_specs=_blk_spec,
    out_shape=jax.ShapeDtypeStruct((N, D), jnp.float32),
)


def kernel(x, edge_index, eps1, W1, b1, gm1, bm1, g1, be1,
           eps2, W2, b2, gm2, bm2, g2, be2, W3, b3):
    inv = 1.0 / jnp.sqrt(jnp.float32(1.0 + BN_EPS))

    s1a = gm1 * inv
    w1f = W1 * s1a[None, :]
    b1f = (b1 * s1a + bm1)[None, :]
    s1b = (g1 * inv)[None, :]
    t1b = be1[None, :]
    s2a = gm2 * inv
    w2f = W2 * s2a[None, :]
    b2f = (b2 * s2a + bm2)[None, :]
    s2b = g2 * inv
    w3f = s2b[:, None] * W3
    b3f = (b3 + be2 @ W3)[None, :]

    e1 = (1.0 + eps1).reshape(1, 1)
    e2 = (1.0 + eps2).reshape(1, 1)

    p0, p1 = _agg(x, edge_index)
    h = _mlp1(e1, x, p0, p1, w1f, b1f, s1b, t1b)
    q0, q1 = _agg(h, edge_index)
    out = _mlp2(e2, h, q0, q1, w2f, b2f, w3f, b3f)
    return out

# --- scband reference (transcript-rebuilt; emitter-appended) ---
"""Pipeline reference for scband-gin-60163901882503 (READ-ONLY COPY).

The authoritative reference and input builder live on the scoring server;
editing this copy changes nothing except your own understanding.
"""

import jax, jax.numpy as jnp
import numpy as np

N = 10000
E = 320000
D_IN = 128
D_H = 128
D_OUT = 128
BN_EPS = 1e-5


def setup_inputs(seed: int = 0) -> dict:
    key = jax.random.key(seed)
    ks = jax.random.split(key, 16)
    x = jax.random.normal(ks[0], (N, D_IN), dtype=jnp.float32)
    edge_index = jax.random.randint(ks[1], (2, E), 0, N, dtype=jnp.int32)
    # conv1 params: GINConv eps (train_eps=True, init 0) + MLP(Linear, BatchNorm1d)
    eps1 = jnp.zeros((), dtype=jnp.float32)
    W1 = jax.random.normal(ks[2], (D_IN, D_H), dtype=jnp.float32) * 0.05
    b1 = jnp.zeros((D_H,), dtype=jnp.float32)
    gm1 = jnp.ones((D_H,), dtype=jnp.float32)   # mlp1 BN gamma
    bm1 = jnp.zeros((D_H,), dtype=jnp.float32)  # mlp1 BN beta
    g1 = jnp.ones((D_H,), dtype=jnp.float32)    # bn1 gamma
    be1 = jnp.zeros((D_H,), dtype=jnp.float32)  # bn1 beta
    eps2 = jnp.zeros((), dtype=jnp.float32)
    W2 = jax.random.normal(ks[3], (D_H, D_H), dtype=jnp.float32) * 0.05
    b2 = jnp.zeros((D_H,), dtype=jnp.float32)
    gm2 = jnp.ones((D_H,), dtype=jnp.float32)
    bm2 = jnp.zeros((D_H,), dtype=jnp.float32)
    g2 = jnp.ones((D_H,), dtype=jnp.float32)
    be2 = jnp.zeros((D_H,), dtype=jnp.float32)
    W3 = jax.random.normal(ks[4], (D_H, D_OUT), dtype=jnp.float32) * 0.05
    b3 = jnp.zeros((D_OUT,), dtype=jnp.float32)
    return {"x": x, "edge_index": edge_index,
            "eps1": eps1, "W1": W1, "b1": b1, "gm1": gm1, "bm1": bm1, "g1": g1, "be1": be1,
            "eps2": eps2, "W2": W2, "b2": b2, "gm2": gm2, "bm2": bm2, "g2": g2, "be2": be2,
            "W3": W3, "b3": b3}


def _bn_eval(h, gamma, beta):
    # BatchNorm1d in eval mode: running_mean=0, running_var=1
    return h / jnp.sqrt(1.0 + BN_EPS) * gamma + beta


def reference(x, edge_index, eps1, W1, b1, gm1, bm1, g1, be1,
              eps2, W2, b2, gm2, bm2, g2, be2, W3, b3):
    src = edge_index[0]
    dst = edge_index[1]
    # GINConv layer 1: out = MLP((1+eps)*x_i + sum_{j in N(i)} x_j)
    agg1 = jax.ops.segment_sum(x[src], dst, num_segments=N)
    h = (1.0 + eps1) * x + agg1
    h = h @ W1 + b1
    h = _bn_eval(h, gm1, bm1)
    h = jax.nn.relu(h)
    h = _bn_eval(h, g1, be1)
    # dropout: identity in eval mode
    # GINConv layer 2
    agg2 = jax.ops.segment_sum(h[src], dst, num_segments=N)
    h2 = (1.0 + eps2) * h + agg2
    h2 = h2 @ W2 + b2
    h2 = _bn_eval(h2, gm2, bm2)
    h2 = jax.nn.relu(h2)
    h2 = _bn_eval(h2, g2, be2)
    out = h2 @ W3 + b3
    return out

if __name__ == "__main__":
    import jax
    _d = setup_inputs()
    print(jax.jit(kernel)(*tuple(_d.values())))

</pallas_src>

<mosaic_0001>
#map = affine_map<(d0, d1) -> (0, 0)>
module attributes {stable_mosaic.version = 14 : i64} {
  func.func @_agg_body(%arg0: i32, %arg1: i32, %arg2: memref<10000x128xf32, #tpu.memory_space<hbm>>, %arg3: memref<2x320000xi32, #tpu.memory_space<hbm>>, %arg4: memref<10000x128xf32, #tpu.memory_space<hbm>>, %arg5: memref<10000x128xf32, #tpu.memory_space<hbm>>, %arg6: memref<10112xi32, #tpu.memory_space<vmem>>, %arg7: memref<10112xi32, #tpu.memory_space<vmem>>, %arg8: memref<3x64xi32, #tpu.memory_space<vmem>>, %arg9: memref<64x128xf32, #tpu.memory_space<vmem>>, %arg10: memref<64x128xf32, #tpu.memory_space<vmem>>, %arg11: memref<64x128xf32, #tpu.memory_space<vmem>>, %arg12: memref<10000x128xf32, #tpu.memory_space<vmem_shared>>, %arg13: memref<!tpu.dma_semaphore, #tpu.memory_space<semaphore_mem>>, %arg14: memref<!tpu.dma_semaphore, #tpu.memory_space<semaphore_mem>>, %arg15: memref<!tpu.dma_semaphore, #tpu.memory_space<semaphore_mem>>) attributes {dimension_semantics = [#tpu.dimension_semantics<core_parallel>, #tpu.dimension_semantics<subcore_parallel>], iteration_bounds = array<i64: 2, 16>, scalar_prefetch = 0 : i64, scratch_operands = 10 : i64, tpu.core_type = #tpu.core_type<sc_vector_subcore>, window_params = [{transform_indices = #map}, {transform_indices = #map}, {transform_indices = #map}, {transform_indices = #map}]} {
    %mul3A = arith.constant 16 : i32
    %mul3A_0 = arith.muli %arg0, %mul3A : i32
    %add3A = arith.addi %mul3A_0, %arg1 : i32
    %mul3A_1 = arith.constant 10112 : i32
    %mul3A_2 = arith.muli %add3A, %mul3A_1 : i32
    %eq3A = arith.constant 31 : i32
    %eq3A_3 = arith.cmpi eq, %add3A, %eq3A : i32
    %jit3A = arith.constant 102 : i32
    %jit3A_4 = arith.constant 158 : i32
    %select_n3A = arith.select %eq3A_3, %jit3A, %jit3A_4 : i32
    %lt3A = arith.constant 31 : i32
    %lt3A_5 = arith.cmpi slt, %add3A, %lt3A : i32
    %convert_element_type3A = arith.extui %lt3A_5 : i1 to i32
    %cond3A = arith.constant 0 : i32
    %cond3A_6 = arith.cmpi ne, %convert_element_type3A, %cond3A : i32
    scf.if %cond3A_6 {
      %run_scoped3A = arith.constant 0 : i32
      "tpu.region"() ({
        %run_scoped3A_228 = tpu.sem_alloc : memref<!tpu.dma_semaphore, #tpu.memory_space<semaphore_mem>>
        %dma_start3A_229 = tpu.memref_slice %arg3[%run_scoped3A, %mul3A_2] : memref<2x320000xi32, #tpu.memory_space<hbm>> -> memref<1x10112xi32, #tpu.memory_space<hbm>>
        %dma_start3A_230 = tpu.memref_squeeze %dma_start3A_229 : memref<1x10112xi32, #tpu.memory_space<hbm>> -> memref<10112xi32, #tpu.memory_space<hbm>>
        %dma_start3A_231 = tpu.memref_slice %arg3[%run_scoped3A, %mul3A_2] : memref<2x320000xi32, #tpu.memory_space<hbm>> -> memref<1x10112xi32, #tpu.memory_space<hbm>>
        %dma_start3A_232 = tpu.memref_squeeze %dma_start3A_231 : memref<1x10112xi32, #tpu.memory_space<hbm>> -> memref<10112xi32, #tpu.memory_space<hbm>>
        tpu.enqueue_dma source(%dma_start3A_232 : memref<10112xi32, #tpu.memory_space<hbm>>) target(%arg6 : memref<10112xi32, #tpu.memory_space<vmem>>) target_semaphore(%run_scoped3A_228 : memref<!tpu.dma_semaphore, #tpu.memory_space<semaphore_mem>>)
        %dma_wait3A = tpu.memref_slice %arg3[%run_scoped3A, %mul3A_2] : memref<2x320000xi32, #tpu.memory_space<hbm>> -> memref<1x10112xi32, #tpu.memory_space<hbm>>
        %dma_wait3A_233 = tpu.memref_squeeze %dma_wait3A : memref<1x10112xi32, #tpu.memory_space<hbm>> -> memref<10112xi32, #tpu.memory_space<hbm>>
        %dma_wait3A_234 = tpu.memref_slice %arg3[%run_scoped3A, %mul3A_2] : memref<2x320000xi32, #tpu.memory_space<hbm>> -> memref<1x10112xi32, #tpu.memory_space<hbm>>
        %dma_wait3A_235 = tpu.memref_squeeze %dma_wait3A_234 : memref<1x10112xi32, #tpu.memory_space<hbm>> -> memref<10112xi32, #tpu.memory_space<hbm>>
        tpu.wait_dma2 semaphore(%run_scoped3A_228 : memref<!tpu.dma_semaphore, #tpu.memory_space<semaphore_mem>>) src(%dma_wait3A_235 : memref<10112xi32, #tpu.memory_space<hbm>>) dst(%arg6 : memref<10112xi32, #tpu.memory_space<vmem>>)
        tpu.yield
      }) : () -> ()
      %run_scoped3A_227 = arith.constant 1 : i32
      "tpu.region"() ({
        %run_scoped3A_228 = tpu.sem_alloc : memref<!tpu.dma_semaphore, #tpu.memory_space<semaphore_mem>>
        %dma_start3A_229 = tpu.memref_slice %arg3[%run_scoped3A_227, %mul3A_2] : memref<2x320000xi32, #tpu.memory_space<hbm>> -> memref<1x10112xi32, #tpu.memory_space<hbm>>
        %dma_start3A_230 = tpu.memref_squeeze %dma_start3A_229 : memref<1x10112xi32, #tpu.memory_space<hbm>> -> memref<10112xi32, #tpu.memory_space<hbm>>
        %dma_start3A_231 = tpu.memref_slice %arg3[%run_scoped3A_227, %mul3A_2] : memref<2x320000xi32, #tpu.memory_space<hbm>> -> memref<1x10112xi32, #tpu.memory_space<hbm>>
        %dma_start3A_232 = tpu.memref_squeeze %dma_start3A_231 : memref<1x10112xi32, #tpu.memory_space<hbm>> -> memref<10112xi32, #tpu.memory_space<hbm>>
        tpu.enqueue_dma source(%dma_start3A_232 : memref<10112xi32, #tpu.memory_space<hbm>>) target(%arg7 : memref<10112xi32, #tpu.memory_space<vmem>>) target_semaphore(%run_scoped3A_228 : memref<!tpu.dma_semaphore, #tpu.memory_space<semaphore_mem>>)
        %dma_wait3A = tpu.memref_slice %arg3[%run_scoped3A_227, %mul3A_2] : memref<2x320000xi32, #tpu.memory_space<hbm>> -> memref<1x10112xi32, #tpu.memory_space<hbm>>
        %dma_wait3A_233 = tpu.memref_squeeze %dma_wait3A : memref<1x10112xi32, #tpu.memory_space<hbm>> -> memref<10112xi32, #tpu.memory_space<hbm>>
        %dma_wait3A_234 = tpu.memref_slice %arg3[%run_scoped3A_227, %mul3A_2] : memref<2x320000xi32, #tpu.memory_space<hbm>> -> memref<1x10112xi32, #tpu.memory_space<hbm>>
        %dma_wait3A_235 = tpu.memref_squeeze %dma_wait3A_234 : memref<1x10112xi32, #tpu.memory_space<hbm>> -> memref<10112xi32, #tpu.memory_space<hbm>>
        tpu.wait_dma2 semaphore(%run_scoped3A_228 : memref<!tpu.dma_semaphore, #tpu.memory_space<semaphore_mem>>) src(%dma_wait3A_235 : memref<10112xi32, #tpu.memory_space<hbm>>) dst(%arg7 : memref<10112xi32, #tpu.memory_space<vmem>>)
        tpu.yield
      }) : () -> ()
    } else {
    }
    %eq3A_7 = arith.constant 31 : i32
    %eq3A_8 = arith.cmpi eq, %add3A, %eq3A_7 : i32
    %convert_element_type3A_9 = arith.extui %eq3A_8 : i1 to i32
    %cond3A_10 = arith.constant 0 : i32
    %cond3A_11 = arith.cmpi ne, %convert_element_type3A_9, %cond3A_10 : i32
    scf.if %cond3A_11 {
      %run_scoped3A = arith.constant 0 : i32
      "tpu.region"() ({
        %run_scoped3A_228 = tpu.sem_alloc : memref<!tpu.dma_semaphore, #tpu.memory_space<semaphore_mem>>
        %dma_start3A_229 = arith.constant 0 : i32
        %dma_start3A_230 = tpu.memref_slice %arg6[%dma_start3A_229] : memref<10112xi32, #tpu.memory_space<vmem>> -> memref<6528xi32, #tpu.memory_space<vmem>>
        %dma_start3A_231 = tpu.memref_slice %arg3[%run_scoped3A, %mul3A_2] : memref<2x320000xi32, #tpu.memory_space<hbm>> -> memref<1x6528xi32, #tpu.memory_space<hbm>>
        %dma_start3A_232 = tpu.memref_squeeze %dma_start3A_231 : memref<1x6528xi32, #tpu.memory_space<hbm>> -> memref<6528xi32, #tpu.memory_space<hbm>>
        %dma_start3A_233 = arith.constant 0 : i32
        %dma_start3A_234 = tpu.memref_slice %arg6[%dma_start3A_233] : memref<10112xi32, #tpu.memory_space<vmem>> -> memref<6528xi32, #tpu.memory_space<vmem>>
        %dma_start3A_235 = tpu.memref_slice %arg3[%run_scoped3A, %mul3A_2] : memref<2x320000xi32, #tpu.memory_space<hbm>> -> memref<1x6528xi32, #tpu.memory_space<hbm>>
        %dma_start3A_236 = tpu.memref_squeeze %dma_start3A_235 : memref<1x6528xi32, #tpu.memory_space<hbm>> -> memref<6528xi32, #tpu.memory_space<hbm>>
        tpu.enqueue_dma source(%dma_start3A_236 : memref<6528xi32, #tpu.memory_space<hbm>>) target(%dma_start3A_234 : memref<6528xi32, #tpu.memory_space<vmem>>) target_semaphore(%run_scoped3A_228 : memref<!tpu.dma_semaphore, #tpu.memory_space<semaphore_mem>>)
        %dma_wait3A = arith.constant 0 : i32
        %dma_wait3A_237 = tpu.memref_slice %arg6[%dma_wait3A] : memref<10112xi32, #tpu.memory_space<vmem>> -> memref<6528xi32, #tpu.memory_space<vmem>>
        %dma_wait3A_238 = tpu.memref_slice %arg3[%run_scoped3A, %mul3A_2] : memref<2x320000xi32, #tpu.memory_space<hbm>> -> memref<1x6528xi32, #tpu.memory_space<hbm>>
        %dma_wait3A_239 = tpu.memref_squeeze %dma_wait3A_238 : memref<1x6528xi32, #tpu.memory_space<hbm>> -> memref<6528xi32, #tpu.memory_space<hbm>>
        %dma_wait3A_240 = arith.constant 0 : i32
        %dma_wait3A_241 = tpu.memref_slice %arg6[%dma_wait3A_240] : memref<10112xi32, #tpu.memory_space<vmem>> -> memref<6528xi32, #tpu.memory_space<vmem>>
        %dma_wait3A_242 = tpu.memref_slice %arg3[%run_scoped3A, %mul3A_2] : memref<2x320000xi32, #tpu.memory_space<hbm>> -> memref<1x6528xi32, #tpu.memory_space<hbm>>
        %dma_wait3A_243 = tpu.memref_squeeze %dma_wait3A_242 : memref<1x6528xi32, #tpu.memory_space<hbm>> -> memref<6528xi32, #tpu.memory_space<hbm>>
        tpu.wait_dma2 semaphore(%run_scoped3A_228 : memref<!tpu.dma_semaphore, #tpu.memory_space<semaphore_mem>>) src(%dma_wait3A_243 : memref<6528xi32, #tpu.memory_space<hbm>>) dst(%dma_wait3A_241 : memref<6528xi32, #tpu.memory_space<vmem>>)
        tpu.yield
      }) : () -> ()
      %run_scoped3A_227 = arith.constant 1 : i32
      "tpu.region"() ({
        %run_scoped3A_228 = tpu.sem_alloc : memref<!tpu.dma_semaphore, #tpu.memory_space<semaphore_mem>>
        %dma_start3A_229 = arith.constant 0 : i32
        %dma_start3A_230 = tpu.memref_slice %arg7[%dma_start3A_229] : memref<10112xi32, #tpu.memory_space<vmem>> -> memref<6528xi32, #tpu.memory_space<vmem>>
        %dma_start3A_231 = tpu.memref_slice %arg3[%run_scoped3A_227, %mul3A_2] : memref<2x320000xi32, #tpu.memory_space<hbm>> -> memref<1x6528xi32, #tpu.memory_space<hbm>>
        %dma_start3A_232 = tpu.memref_squeeze %dma_start3A_231 : memref<1x6528xi32, #tpu.memory_space<hbm>> -> memref<6528xi32, #tpu.memory_space<hbm>>
        %dma_start3A_233 = arith.constant 0 : i32
        %dma_start3A_234 = tpu.memref_slice %arg7[%dma_start3A_233] : memref<10112xi32, #tpu.memory_space<vmem>> -> memref<6528xi32, #tpu.memory_space<vmem>>
        %dma_start3A_235 = tpu.memref_slice %arg3[%run_scoped3A_227, %mul3A_2] : memref<2x320000xi32, #tpu.memory_space<hbm>> -> memref<1x6528xi32, #tpu.memory_space<hbm>>
        %dma_start3A_236 = tpu.memref_squeeze %dma_start3A_235 : memref<1x6528xi32, #tpu.memory_space<hbm>> -> memref<6528xi32, #tpu.memory_space<hbm>>
        tpu.enqueue_dma source(%dma_start3A_236 : memref<6528xi32, #tpu.memory_space<hbm>>) target(%dma_start3A_234 : memref<6528xi32, #tpu.memory_space<vmem>>) target_semaphore(%run_scoped3A_228 : memref<!tpu.dma_semaphore, #tpu.memory_space<semaphore_mem>>)
        %dma_wait3A = arith.constant 0 : i32
        %dma_wait3A_237 = tpu.memref_slice %arg7[%dma_wait3A] : memref<10112xi32, #tpu.memory_space<vmem>> -> memref<6528xi32, #tpu.memory_space<vmem>>
        %dma_wait3A_238 = tpu.memref_slice %arg3[%run_scoped3A_227, %mul3A_2] : memref<2x320000xi32, #tpu.memory_space<hbm>> -> memref<1x6528xi32, #tpu.memory_space<hbm>>
        %dma_wait3A_239 = tpu.memref_squeeze %dma_wait3A_238 : memref<1x6528xi32, #tpu.memory_space<hbm>> -> memref<6528xi32, #tpu.memory_space<hbm>>
        %dma_wait3A_240 = arith.constant 0 : i32
        %dma_wait3A_241 = tpu.memref_slice %arg7[%dma_wait3A_240] : memref<10112xi32, #tpu.memory_space<vmem>> -> memref<6528xi32, #tpu.memory_space<vmem>>
        %dma_wait3A_242 = tpu.memref_slice %arg3[%run_scoped3A_227, %mul3A_2] : memref<2x320000xi32, #tpu.memory_space<hbm>> -> memref<1x6528xi32, #tpu.memory_space<hbm>>
        %dma_wait3A_243 = tpu.memref_squeeze %dma_wait3A_242 : memref<1x6528xi32, #tpu.memory_space<hbm>> -> memref<6528xi32, #tpu.memory_space<hbm>>
        tpu.wait_dma2 semaphore(%run_scoped3A_228 : memref<!tpu.dma_semaphore, #tpu.memory_space<semaphore_mem>>) src(%dma_wait3A_243 : memref<6528xi32, #tpu.memory_space<hbm>>) dst(%dma_wait3A_241 : memref<6528xi32, #tpu.memory_space<vmem>>)
        tpu.yield
      }) : () -> ()
    } else {
    }
    %get3A = arith.constant 64 : index
    %get3A_12 = tpu.vector_load %arg7[%get3A] {strides = array<i32>} : memref<10112xi32, #tpu.memory_space<vmem>>, vector<16xi32>,
    %get3A_13 = vector.shape_cast %get3A_12 : vector<16xi32> to vector<16xi32>
    %swap3A = arith.constant 1 : i32
    %swap3A_14 = arith.index_cast %swap3A : i32 to index
    %swap3A_15 = arith.constant 0 : index
    %swap3A_16 = tpu.vector_load %arg8[%swap3A_14, %swap3A_15] {strides = array<i32>} : memref<3x64xi32, #tpu.memory_space<vmem>>, vector<1x16xi32>,
    %swap3A_17 = vector.shape_cast %swap3A_16 : vector<1x16xi32> to vector<16xi32>
    %swap3A_18 = vector.shape_cast %get3A_13 : vector<16xi32> to vector<1x16xi32>
    tpu.vector_store %arg8[%swap3A_14, %swap3A_15], %swap3A_18 {strides = array<i32>} : memref<3x64xi32, #tpu.memory_space<vmem>>, vector<1x16xi32>,
    %get3A_19 = arith.constant 80 : index
    %get3A_20 = tpu.vector_load %arg7[%get3A_19] {strides = array<i32>} : memref<10112xi32, #tpu.memory_space<vmem>>, vector<16xi32>,
    %get3A_21 = vector.shape_cast %get3A_20 : vector<16xi32> to vector<16xi32>
    %swap3A_22 = arith.constant 1 : i32
    %swap3A_23 = arith.index_cast %swap3A_22 : i32 to index
    %swap3A_24 = arith.constant 16 : index
    %swap3A_25 = tpu.vector_load %arg8[%swap3A_23, %swap3A_24] {strides = array<i32>} : memref<3x64xi32, #tpu.memory_space<vmem>>, vector<1x16xi32>,
    %swap3A_26 = vector.shape_cast %swap3A_25 : vector<1x16xi32> to vector<16xi32>
    %swap3A_27 = vector.shape_cast %get3A_21 : vector<16xi32> to vector<1x16xi32>
    tpu.vector_store %arg8[%swap3A_23, %swap3A_24], %swap3A_27 {strides = array<i32>} : memref<3x64xi32, #tpu.memory_space<vmem>>, vector<1x16xi32>,
    %get3A_28 = arith.constant 96 : index
    %get3A_29 = tpu.vector_load %arg7[%get3A_28] {strides = array<i32>} : memref<10112xi32, #tpu.memory_space<vmem>>, vector<16xi32>,
    %get3A_30 = vector.shape_cast %get3A_29 : vector<16xi32> to vector<16xi32>
    %swap3A_31 = arith.constant 1 : i32
    %swap3A_32 = arith.index_cast %swap3A_31 : i32 to index
    %swap3A_33 = arith.constant 32 : index
    %swap3A_34 = tpu.vector_load %arg8[%swap3A_32, %swap3A_33] {strides = array<i32>} : memref<3x64xi32, #tpu.memory_space<vmem>>, vector<1x16xi32>,
    %swap3A_35 = vector.shape_cast %swap3A_34 : vector<1x16xi32> to vector<16xi32>
    %swap3A_36 = vector.shape_cast %get3A_30 : vector<16xi32> to vector<1x16xi32>
    tpu.vector_store %arg8[%swap3A_32, %swap3A_33], %swap3A_36 {strides = array<i32>} : memref<3x64xi32, #tpu.memory_space<vmem>>, vector<1x16xi32>,
    %get3A_37 = arith.constant 112 : index
    %get3A_38 = tpu.vector_load %arg7[%get3A_37] {strides = array<i32>} : memref<10112xi32, #tpu.memory_space<vmem>>, vector<16xi32>,
    %get3A_39 = vector.shape_cast %get3A_38 : vector<16xi32> to vector<16xi32>
    %swap3A_40 = arith.constant 1 : i32
    %swap3A_41 = arith.index_cast %swap3A_40 : i32 to index
    %swap3A_42 = arith.constant 48 : index
    %swap3A_43 = tpu.vector_load %arg8[%swap3A_41, %swap3A_42] {strides = array<i32>} : memref<3x64xi32, #tpu.memory_space<vmem>>, vector<1x16xi32>,
    %swap3A_44 = vector.shape_cast %swap3A_43 : vector<1x16xi32> to vector<16xi32>
    %swap3A_45 = vector.shape_cast %get3A_39 : vector<16xi32> to vector<1x16xi32>
    tpu.vector_store %arg8[%swap3A_41, %swap3A_42], %swap3A_45 {strides = array<i32>} : memref<3x64xi32, #tpu.memory_space<vmem>>, vector<1x16xi32>,
    %dma_start3A = arith.constant 64 : i32
    %dma_start3A_46 = tpu.memref_slice %arg6[%dma_start3A] : memref<10112xi32, #tpu.memory_space<vmem>> -> memref<64xi32, #tpu.memory_space<vmem>>
    %dma_start3A_47 = arith.constant 0 : i32
    %dma_start3A_48 = arith.constant 0 : i32
    %dma_start3A_49 = tpu.memref_slice %arg2[%dma_start3A_47, %dma_start3A_48] : memref<10000x128xf32, #tpu.memory_space<hbm>> -> memref<10000x128xf32, #tpu.memory_space<hbm>>
    tpu.enqueue_indirect_dma source(%dma_start3A_49 : memref<10000x128xf32, #tpu.memory_space<hbm>>) target(%arg10 : memref<64x128xf32, #tpu.memory_space<vmem>>) offsets(%dma_start3A_46 : memref<64xi32, #tpu.memory_space<vmem>>) semaphore(%arg14 : memref<!tpu.dma_semaphore, #tpu.memory_space<semaphore_mem>>)
    %get3A_50 = arith.constant 128 : index
    %get3A_51 = tpu.vector_load %arg7[%get3A_50] {strides = array<i32>} : memref<10112xi32, #tpu.memory_space<vmem>>, vector<16xi32>,
    %get3A_52 = vector.shape_cast %get3A_51 : vector<16xi32> to vector<16xi32>
    %swap3A_53 = arith.constant 2 : i32
    %swap3A_54 = arith.index_cast %swap3A_53 : i32 to index
    %swap3A_55 = arith.constant 0 : index
    %swap3A_56 = tpu.vector_load %arg8[%swap3A_54, %swap3A_55] {strides = array<i32>} : memref<3x64xi32, #tpu.memory_space<vmem>>, vector<1x16xi32>,
    %swap3A_57 = vector.shape_cast %swap3A_56 : vector<1x16xi32> to vector<16xi32>
    %swap3A_58 = vector.shape_cast %get3A_52 : vector<16xi32> to vector<1x16xi32>
    tpu.vector_store %arg8[%swap3A_54, %swap3A_55], %swap3A_58 {strides = array<i32>} : memref<3x64xi32, #tpu.memory_space<vmem>>, vector<1x16xi32>,
    %get3A_59 = arith.constant 144 : index
    %get3A_60 = tpu.vector_load %arg7[%get3A_59] {strides = array<i32>} : memref<10112xi32, #tpu.memory_space<vmem>>, vector<16xi32>,
    %get3A_61 = vector.shape_cast %get3A_60 : vector<16xi32> to vector<16xi32>
    %swap3A_62 = arith.constant 2 : i32
    %swap3A_63 = arith.index_cast %swap3A_62 : i32 to index
    %swap3A_64 = arith.constant 16 : index
    %swap3A_65 = tpu.vector_load %arg8[%swap3A_63, %swap3A_64] {strides = array<i32>} : memref<3x64xi32, #tpu.memory_space<vmem>>, vector<1x16xi32>,
    %swap3A_66 = vector.shape_cast %swap3A_65 : vector<1x16xi32> to vector<16xi32>
    %swap3A_67 = vector.shape_cast %get3A_61 : vector<16xi32> to vector<1x16xi32>
    tpu.vector_store %arg8[%swap3A_63, %swap3A_64], %swap3A_67 {strides = array<i32>} : memref<3x64xi32, #tpu.memory_space<vmem>>, vector<1x16xi32>,
    %get3A_68 = arith.constant 160 : index
    %get3A_69 = tpu.vector_load %arg7[%get3A_68] {strides = array<i32>} : memref<10112xi32, #tpu.memory_space<vmem>>, vector<16xi32>,
    %get3A_70 = vector.shape_cast %get3A_69 : vector<16xi32> to vector<16xi32>
    %swap3A_71 = arith.constant 2 : i32
    %swap3A_72 = arith.index_cast %swap3A_71 : i32 to index
    %swap3A_73 = arith.constant 32 : index
    %swap3A_74 = tpu.vector_load %arg8[%swap3A_72, %swap3A_73] {strides = array<i32>} : memref<3x64xi32, #tpu.memory_space<vmem>>, vector<1x16xi32>,
    %swap3A_75 = vector.shape_cast %swap3A_74 : vector<1x16xi32> to vector<16xi32>
    %swap3A_76 = vector.shape_cast %get3A_70 : vector<16xi32> to vector<1x16xi32>
    tpu.vector_store %arg8[%swap3A_72, %swap3A_73], %swap3A_76 {strides = array<i32>} : memref<3x64xi32, #tpu.memory_space<vmem>>, vector<1x16xi32>,
    %get3A_77 = arith.constant 176 : index
    %get3A_78 = tpu.vector_load %arg7[%get3A_77] {strides = array<i32>} : memref<10112xi32, #tpu.memory_space<vmem>>, vector<16xi32>,
    %get3A_79 = vector.shape_cast %get3A_78 : vector<16xi32> to vector<16xi32>
    %swap3A_80 = arith.constant 2 : i32
    %swap3A_81 = arith.index_cast %swap3A_80 : i32 to index
    %swap3A_82 = arith.constant 48 : index
    %swap3A_83 = tpu.vector_load %arg8[%swap3A_81, %swap3A_82] {strides = array<i32>} : memref<3x64xi32, #tpu.memory_space<vmem>>, vector<1x16xi32>,
    %swap3A_84 = vector.shape_cast %swap3A_83 : vector<1x16xi32> to vector<16xi32>
    %swap3A_85 = vector.shape_cast %get3A_79 : vector<16xi32> to vector<1x16xi32>
    tpu.vector_store %arg8[%swap3A_81, %swap3A_82], %swap3A_85 {strides = array<i32>} : memref<3x64xi32, #tpu.memory_space<vmem>>, vector<1x16xi32>,
    %dma_start3A_86 = arith.constant 128 : i32
    %dma_start3A_87 = tpu.memref_slice %arg6[%dma_start3A_86] : memref<10112xi32, #tpu.memory_space<vmem>> -> memref<64xi32, #tpu.memory_space<vmem>>
    %dma_start3A_88 = arith.constant 0 : i32
    %dma_start3A_89 = arith.constant 0 : i32
    %dma_start3A_90 = tpu.memref_slice %arg2[%dma_start3A_88, %dma_start3A_89] : memref<10000x128xf32, #tpu.memory_space<hbm>> -> memref<10000x128xf32, #tpu.memory_space<hbm>>
    tpu.enqueue_indirect_dma source(%dma_start3A_90 : memref<10000x128xf32, #tpu.memory_space<hbm>>) target(%arg11 : memref<64x128xf32, #tpu.memory_space<vmem>>) offsets(%dma_start3A_87 : memref<64xi32, #tpu.memory_space<vmem>>) semaphore(%arg15 : memref<!tpu.dma_semaphore, #tpu.memory_space<semaphore_mem>>)
    %scan3A = arith.constant 0 : i32
    %scan3A_91 = arith.constant 0 : i32
    %scan3A_92 = arith.constant 48 : i32
    %scan3A_93 = arith.addi %scan3A_91, %scan3A_92 : i32
    %scan3A_94 = arith.constant 1 : i32
    scf.for %scan3A_227 = %scan3A_91 to %scan3A_93 step %scan3A_94  : i32 {
      %broadcast_in_dim3A = arith.constant 0.000000e+00 : f32
      %broadcast_in_dim3A_228 = vector.broadcast %broadcast_in_dim3A : f32 to vector<16xf32>
      %swap3A_229 = arith.index_cast %scan3A_227 : i32 to index
      %swap3A_230 = arith.constant 0 : index
      %swap3A_231 = tpu.vector_load %arg9[%swap3A_229, %swap3A_230] {strides = array<i32>} : memref<64x128xf32, #tpu.memory_space<vmem>>, vector<1x16xf32>,
      %swap3A_232 = vector.shape_cast %swap3A_231 : vector<1x16xf32> to vector<16xf32>
      %swap3A_233 = vector.shape_cast %broadcast_in_dim3A_228 : vector<16xf32> to vector<1x16xf32>
      tpu.vector_store %arg9[%swap3A_229, %swap3A_230], %swap3A_233 {strides = array<i32>} : memref<64x128xf32, #tpu.memory_space<vmem>>, vector<1x16xf32>,
      %broadcast_in_dim3A_234 = arith.constant 0.000000e+00 : f32
      %broadcast_in_dim3A_235 = vector.broadcast %broadcast_in_dim3A_234 : f32 to vector<16xf32>
      %swap3A_236 = arith.index_cast %scan3A_227 : i32 to index
      %swap3A_237 = arith.constant 16 : index
      %swap3A_238 = tpu.vector_load %arg9[%swap3A_236, %swap3A_237] {strides = array<i32>} : memref<64x128xf32, #tpu.memory_space<vmem>>, vector<1x16xf32>,
      %swap3A_239 = vector.shape_cast %swap3A_238 : vector<1x16xf32> to vector<16xf32>
      %swap3A_240 = vector.shape_cast %broadcast_in_dim3A_235 : vector<16xf32> to vector<1x16xf32>
      tpu.vector_store %arg9[%swap3A_236, %swap3A_237], %swap3A_240 {strides = array<i32>} : memref<64x128xf32, #tpu.memory_space<vmem>>, vector<1x16xf32>,
      %broadcast_in_dim3A_241 = arith.constant 0.000000e+00 : f32
      %broadcast_in_dim3A_242 = vector.broadcast %broadcast_in_dim3A_241 : f32 to vector<16xf32>
      %swap3A_243 = arith.index_cast %scan3A_227 : i32 to index
      %swap3A_244 = arith.constant 32 : index
      %swap3A_245 = tpu.vector_load %arg9[%swap3A_243, %swap3A_244] {strides = array<i32>} : memref<64x128xf32, #tpu.memory_space<vmem>>, vector<1x16xf32>,
      %swap3A_246 = vector.shape_cast %swap3A_245 : vector<1x16xf32> to vector<16xf32>
      %swap3A_247 = vector.shape_cast %broadcast_in_dim3A_242 : vector<16xf32> to vector<1x16xf32>
      tpu.vector_store %arg9[%swap3A_243, %swap3A_244], %swap3A_247 {strides = array<i32>} : memref<64x128xf32, #tpu.memory_space<vmem>>, vector<1x16xf32>,
      %broadcast_in_dim3A_248 = arith.constant 0.000000e+00 : f32
      %broadcast_in_dim3A_249 = vector.broadcast %broadcast_in_dim3A_248 : f32 to vector<16xf32>
      %swap3A_250 = arith.index_cast %scan3A_227 : i32 to index
      %swap3A_251 = arith.constant 48 : index
      %swap3A_252 = tpu.vector_load %arg9[%swap3A_250, %swap3A_251] {strides = array<i32>} : memref<64x128xf32, #tpu.memory_space<vmem>>, vector<1x16xf32>,
      %swap3A_253 = vector.shape_cast %swap3A_252 : vector<1x16xf32> to vector<16xf32>
      %swap3A_254 = vector.shape_cast %broadcast_in_dim3A_249 : vector<16xf32> to vector<1x16xf32>
      tpu.vector_store %arg9[%swap3A_250, %swap3A_251], %swap3A_254 {strides = array<i32>} : memref<64x128xf32, #tpu.memory_space<vmem>>, vector<1x16xf32>,
      %broadcast_in_dim3A_255 = arith.constant 0.000000e+00 : f32
      %broadcast_in_dim3A_256 = vector.broadcast %broadcast_in_dim3A_255 : f32 to vector<16xf32>
      %swap3A_257 = arith.index_cast %scan3A_227 : i32 to index
      %swap3A_258 = arith.constant 64 : index
      %swap3A_259 = tpu.vector_load %arg9[%swap3A_257, %swap3A_258] {strides = array<i32>} : memref<64x128xf32, #tpu.memory_space<vmem>>, vector<1x16xf32>,
      %swap3A_260 = vector.shape_cast %swap3A_259 : vector<1x16xf32> to vector<16xf32>
      %swap3A_261 = vector.shape_cast %broadcast_in_dim3A_256 : vector<16xf32> to vector<1x16xf32>
      tpu.vector_store %arg9[%swap3A_257, %swap3A_258], %swap3A_261 {strides = array<i32>} : memref<64x128xf32, #tpu.memory_space<vmem>>, vector<1x16xf32>,
      %broadcast_in_dim3A_262 = arith.constant 0.000000e+00 : f32
      %broadcast_in_dim3A_263 = vector.broadcast %broadcast_in_dim3A_262 : f32 to vector<16xf32>
      %swap3A_264 = arith.index_cast %scan3A_227 : i32 to index
      %swap3A_265 = arith.constant 80 : index
      %swap3A_266 = tpu.vector_load %arg9[%swap3A_264, %swap3A_265] {strides = array<i32>} : memref<64x128xf32, #tpu.memory_space<vmem>>, vector<1x16xf32>,
      %swap3A_267 = vector.shape_cast %swap3A_266 : vector<1x16xf32> to vector<16xf32>
      %swap3A_268 = vector.shape_cast %broadcast_in_dim3A_263 : vector<16xf32> to vector<1x16xf32>
      tpu.vector_store %arg9[%swap3A_264, %swap3A_265], %swap3A_268 {strides = array<i32>} : memref<64x128xf32, #tpu.memory_space<vmem>>, vector<1x16xf32>,
      %broadcast_in_dim3A_269 = arith.constant 0.000000e+00 : f32
      %broadcast_in_dim3A_270 = vector.broadcast %broadcast_in_dim3A_269 : f32 to vector<16xf32>
      %swap3A_271 = arith.index_cast %scan3A_227 : i32 to index
      %swap3A_272 = arith.constant 96 : index
      %swap3A_273 = tpu.vector_load %arg9[%swap3A_271, %swap3A_272] {strides = array<i32>} : memref<64x128xf32, #tpu.memory_space<vmem>>, vector<1x16xf32>,
      %swap3A_274 = vector.shape_cast %swap3A_273 : vector<1x16xf32> to vector<16xf32>
      %swap3A_275 = vector.shape_cast %broadcast_in_dim3A_270 : vector<16xf32> to vector<1x16xf32>
      tpu.vector_store %arg9[%swap3A_271, %swap3A_272], %swap3A_275 {strides = array<i32>} : memref<64x128xf32, #tpu.memory_space<vmem>>, vector<1x16xf32>,
      %broadcast_in_dim3A_276 = arith.constant 0.000000e+00 : f32
      %broadcast_in_dim3A_277 = vector.broadcast %broadcast_in_dim3A_276 : f32 to vector<16xf32>
      %swap3A_278 = arith.index_cast %scan3A_227 : i32 to index
      %swap3A_279 = arith.constant 112 : index
      %swap3A_280 = tpu.vector_load %arg9[%swap3A_278, %swap3A_279] {strides = array<i32>} : memref<64x128xf32, #tpu.memory_space<vmem>>, vector<1x16xf32>,
      %swap3A_281 = vector.shape_cast %swap3A_280 : vector<1x16xf32> to vector<16xf32>
      %swap3A_282 = vector.shape_cast %broadcast_in_dim3A_277 : vector<16xf32> to vector<1x16xf32>
      tpu.vector_store %arg9[%swap3A_278, %swap3A_279], %swap3A_282 {strides = array<i32>} : memref<64x128xf32, #tpu.memory_space<vmem>>, vector<1x16xf32>,
    }
    %scan3A_95 = arith.constant 48 : i32
    %mul3A_96 = arith.constant 624 : i32
    %mul3A_97 = arith.muli %arg1, %mul3A_96 : i32
    %multiple_of3A = tpu.assume_multiple %mul3A_97, 8 : i32
    %add3A_98 = arith.constant 0 : i32
    %add3A_99 = arith.addi %multiple_of3A, %add3A_98 : i32
    %multiple_of3A_100 = tpu.assume_multiple %add3A_99, 8 : i32
    "tpu.region"() ({
      %run_scoped3A = tpu.sem_alloc : memref<!tpu.dma_semaphore, #tpu.memory_space<semaphore_mem>>
      %dma_start3A_227 = arith.constant 0 : i32
      %dma_start3A_228 = arith.constant 0 : i32
      %dma_start3A_229 = tpu.memref_slice %arg9[%dma_start3A_227, %dma_start3A_228] : memref<64x128xf32, #tpu.memory_space<vmem>> -> memref<48x128xf32, #tpu.memory_space<vmem>>
      %dma_start3A_230 = arith.constant 0 : i32
      %dma_start3A_231 = tpu.memref_slice %arg12[%multiple_of3A_100, %dma_start3A_230] : memref<10000x128xf32, #tpu.memory_space<vmem_shared>> -> memref<48x128xf32, #tpu.memory_space<vmem_shared>>
      %dma_start3A_232 = arith.constant 0 : i32
      %dma_start3A_233 = tpu.memref_slice %arg12[%multiple_of3A_100, %dma_start3A_232] : memref<10000x128xf32, #tpu.memory_space<vmem_shared>> -> memref<48x128xf32, #tpu.memory_space<vmem_shared>>
      %dma_start3A_234 = arith.constant 0 : i32
      %dma_start3A_235 = arith.constant 0 : i32
      %dma_start3A_236 = tpu.memref_slice %arg9[%dma_start3A_234, %dma_start3A_235] : memref<64x128xf32, #tpu.memory_space<vmem>> -> memref<48x128xf32, #tpu.memory_space<vmem>>
      tpu.enqueue_dma source(%dma_start3A_236 : memref<48x128xf32, #tpu.memory_space<vmem>>) target(%dma_start3A_233 : memref<48x128xf32, #tpu.memory_space<vmem_shared>>) target_semaphore(%run_scoped3A : memref<!tpu.dma_semaphore, #tpu.memory_space<semaphore_mem>>)
      %dma_wait3A = arith.constant 0 : i32
      %dma_wait3A_237 = arith.constant 0 : i32
      %dma_wait3A_238 = tpu.memref_slice %arg9[%dma_wait3A, %dma_wait3A_237] : memref<64x128xf32, #tpu.memory_space<vmem>> -> memref<48x128xf32, #tpu.memory_space<vmem>>
      %dma_wait3A_239 = arith.constant 0 : i32
      %dma_wait3A_240 = tpu.memref_slice %arg12[%multiple_of3A_100, %dma_wait3A_239] : memref<10000x128xf32, #tpu.memory_space<vmem_shared>> -> memref<48x128xf32, #tpu.memory_space<vmem_shared>>
      %dma_wait3A_241 = arith.constant 0 : i32
      %dma_wait3A_242 = tpu.memref_slice %arg12[%multiple_of3A_100, %dma_wait3A_241] : memref<10000x128xf32, #tpu.memory_space<vmem_shared>> -> memref<48x128xf32, #tpu.memory_space<vmem_shared>>
      %dma_wait3A_243 = arith.constant 0 : i32
      %dma_wait3A_244 = arith.constant 0 : i32
      %dma_wait3A_245 = tpu.memref_slice %arg9[%dma_wait3A_243, %dma_wait3A_244] : memref<64x128xf32, #tpu.memory_space<vmem>> -> memref<48x128xf32, #tpu.memory_space<vmem>>
      tpu.wait_dma2 semaphore(%run_scoped3A : memref<!tpu.dma_semaphore, #tpu.memory_space<semaphore_mem>>) src(%dma_wait3A_245 : memref<48x128xf32, #tpu.memory_space<vmem>>) dst(%dma_wait3A_242 : memref<48x128xf32, #tpu.memory_space<vmem_shared>>)
      tpu.yield
    }) : () -> ()
    %add3A_101 = arith.constant 48 : i32
    %add3A_102 = arith.addi %multiple_of3A, %add3A_101 : i32
    %multiple_of3A_103 = tpu.assume_multiple %add3A_102, 8 : i32
    "tpu.region"() ({
      %run_scoped3A = tpu.sem_alloc : memref<!tpu.dma_semaphore, #tpu.memory_space<semaphore_mem>>
      %dma_start3A_227 = arith.constant 0 : i32
      %dma_start3A_228 = arith.constant 0 : i32
      %dma_start3A_229 = tpu.memref_slice %arg9[%dma_start3A_227, %dma_start3A_228] : memref<64x128xf32, #tpu.memory_space<vmem>> -> memref<48x128xf32, #tpu.memory_space<vmem>>
      %dma_start3A_230 = arith.constant 0 : i32
      %dma_start3A_231 = tpu.memref_slice %arg12[%multiple_of3A_103, %dma_start3A_230] : memref<10000x128xf32, #tpu.memory_space<vmem_shared>> -> memref<48x128xf32, #tpu.memory_space<vmem_shared>>
      %dma_start3A_232 = arith.constant 0 : i32
      %dma_start3A_233 = tpu.memref_slice %arg12[%multiple_of3A_103, %dma_start3A_232] : memref<10000x128xf32, #tpu.memory_space<vmem_shared>> -> memref<48x128xf32, #tpu.memory_space<vmem_shared>>
      %dma_start3A_234 = arith.constant 0 : i32
      %dma_start3A_235 = arith.constant 0 : i32
      %dma_start3A_236 = tpu.memref_slice %arg9[%dma_start3A_234, %dma_start3A_235] : memref<64x128xf32, #tpu.memory_space<vmem>> -> memref<48x128xf32, #tpu.memory_space<vmem>>
      tpu.enqueue_dma source(%dma_start3A_236 : memref<48x128xf32, #tpu.memory_space<vmem>>) target(%dma_start3A_233 : memref<48x128xf32, #tpu.memory_space<vmem_shared>>) target_semaphore(%run_scoped3A : memref<!tpu.dma_semaphore, #tpu.memory_space<semaphore_mem>>)
      %dma_wait3A = arith.constant 0 : i32
      %dma_wait3A_237 = arith.constant 0 : i32
      %dma_wait3A_238 = tpu.memref_slice %arg9[%dma_wait3A, %dma_wait3A_237] : memref<64x128xf32, #tpu.memory_space<vmem>> -> memref<48x128xf32, #tpu.memory_space<vmem>>
      %dma_wait3A_239 = arith.constant 0 : i32
      %dma_wait3A_240 = tpu.memref_slice %arg12[%multiple_of3A_103, %dma_wait3A_239] : memref<10000x128xf32, #tpu.memory_space<vmem_shared>> -> memref<48x128xf32, #tpu.memory_space<vmem_shared>>
      %dma_wait3A_241 = arith.constant 0 : i32
      %dma_wait3A_242 = tpu.memref_slice %arg12[%multiple_of3A_103, %dma_wait3A_241] : memref<10000x128xf32, #tpu.memory_space<vmem_shared>> -> memref<48x128xf32, #tpu.memory_space<vmem_shared>>
      %dma_wait3A_243 = arith.constant 0 : i32
      %dma_wait3A_244 = arith.constant 0 : i32
      %dma_wait3A_245 = tpu.memref_slice %arg9[%dma_wait3A_243, %dma_wait3A_244] : memref<64x128xf32, #tpu.memory_space<vmem>> -> memref<48x128xf32, #tpu.memory_space<vmem>>
      tpu.wait_dma2 semaphore(%run_scoped3A : memref<!tpu.dma_semaphore, #tpu.memory_space<semaphore_mem>>) src(%dma_wait3A_245 : memref<48x128xf32, #tpu.memory_space<vmem>>) dst(%dma_wait3A_242 : memref<48x128xf32, #tpu.memory_space<vmem_shared>>)
      tpu.yield
    }) : () -> ()
    %add3A_104 = arith.constant 96 : i32
    %add3A_105 = arith.addi %multiple_of3A, %add3A_104 : i32
    %multiple_of3A_106 = tpu.assume_multiple %add3A_105, 8 : i32
    "tpu.region"() ({
      %run_scoped3A = tpu.sem_alloc : memref<!tpu.dma_semaphore, #tpu.memory_space<semaphore_mem>>
      %dma_start3A_227 = arith.constant 0 : i32
      %dma_start3A_228 = arith.constant 0 : i32
      %dma_start3A_229 = tpu.memref_slice %arg9[%dma_start3A_227, %dma_start3A_228] : memref<64x128xf32, #tpu.memory_space<vmem>> -> memref<48x128xf32, #tpu.memory_space<vmem>>
      %dma_start3A_230 = arith.constant 0 : i32
      %dma_start3A_231 = tpu.memref_slice %arg12[%multiple_of3A_106, %dma_start3A_230] : memref<10000x128xf32, #tpu.memory_space<vmem_shared>> -> memref<48x128xf32, #tpu.memory_space<vmem_shared>>
      %dma_start3A_232 = arith.constant 0 : i32
      %dma_start3A_233 = tpu.memref_slice %arg12[%multiple_of3A_106, %dma_start3A_232] : memref<10000x128xf32, #tpu.memory_space<vmem_shared>> -> memref<48x128xf32, #tpu.memory_space<vmem_shared>>
      %dma_start3A_234 = arith.constant 0 : i32
      %dma_start3A_235 = arith.constant 0 : i32
      %dma_start3A_236 = tpu.memref_slice %arg9[%dma_start3A_234, %dma_start3A_235] : memref<64x128xf32, #tpu.memory_space<vmem>> -> memref<48x128xf32, #tpu.memory_space<vmem>>
      tpu.enqueue_dma source(%dma_start3A_236 : memref<48x128xf32, #tpu.memory_space<vmem>>) target(%dma_start3A_233 : memref<48x128xf32, #tpu.memory_space<vmem_shared>>) target_semaphore(%run_scoped3A : memref<!tpu.dma_semaphore, #tpu.memory_space<semaphore_mem>>)
      %dma_wait3A = arith.constant 0 : i32
      %dma_wait3A_237 = arith.constant 0 : i32
      %dma_wait3A_238 = tpu.memref_slice %arg9[%dma_wait3A, %dma_wait3A_237] : memref<64x128xf32, #tpu.memory_space<vmem>> -> memref<48x128xf32, #tpu.memory_space<vmem>>
      %dma_wait3A_239 = arith.constant 0 : i32
      %dma_wait3A_240 = tpu.memref_slice %arg12[%multiple_of3A_106, %dma_wait3A_239] : memref<10000x128xf32, #tpu.memory_space<vmem_shared>> -> memref<48x128xf32, #tpu.memory_space<vmem_shared>>
      %dma_wait3A_241 = arith.constant 0 : i32
      %dma_wait3A_242 = tpu.memref_slice %arg12[%multiple_of3A_106, %dma_wait3A_241] : memref<10000x128xf32, #tpu.memory_space<vmem_shared>> -> memref<48x128xf32, #tpu.memory_space<vmem_shared>>
      %dma_wait3A_243 = arith.constant 0 : i32
      %dma_wait3A_244 = arith.constant 0 : i32
      %dma_wait3A_245 = tpu.memref_slice %arg9[%dma_wait3A_243, %dma_wait3A_244] : memref<64x128xf32, #tpu.memory_space<vmem>> -> memref<48x128xf32, #tpu.memory_space<vmem>>
      tpu.wait_dma2 semaphore(%run_scoped3A : memref<!tpu.dma_semaphore, #tpu.memory_space<semaphore_mem>>) src(%dma_wait3A_245 : memref<48x128xf32, #tpu.memory_space<vmem>>) dst(%dma_wait3A_242 : memref<48x128xf32, #tpu.memory_space<vmem_shared>>)
      tpu.yield
    }) : () -> ()
    %add3A_107 = arith.constant 144 : i32
    %add3A_108 = arith.addi %multiple_of3A, %add3A_107 : i32
    %multiple_of3A_109 = tpu.assume_multiple %add3A_108, 8 : i32
    "tpu.region"() ({
      %run_scoped3A = tpu.sem_alloc : memref<!tpu.dma_semaphore, #tpu.memory_space<semaphore_mem>>
      %dma_start3A_227 = arith.constant 0 : i32
      %dma_start3A_228 = arith.constant 0 : i32
      %dma_start3A_229 = tpu.memref_slice %arg9[%dma_start3A_227, %dma_start3A_228] : memref<64x128xf32, #tpu.memory_space<vmem>> -> memref<48x128xf32, #tpu.memory_space<vmem>>
      %dma_start3A_230 = arith.constant 0 : i32
      %dma_start3A_231 = tpu.memref_slice %arg12[%multiple_of3A_109, %dma_start3A_230] : memref<10000x128xf32, #tpu.memory_space<vmem_shared>> -> memref<48x128xf32, #tpu.memory_space<vmem_shared>>
      %dma_start3A_232 = arith.constant 0 : i32
      %dma_start3A_233 = tpu.memref_slice %arg12[%multiple_of3A_109, %dma_start3A_232] : memref<10000x128xf32, #tpu.memory_space<vmem_shared>> -> memref<48x128xf32, #tpu.memory_space<vmem_shared>>
      %dma_start3A_234 = arith.constant 0 : i32
      %dma_start3A_235 = arith.constant 0 : i32
      %dma_start3A_236 = tpu.memref_slice %arg9[%dma_start3A_234, %dma_start3A_235] : memref<64x128xf32, #tpu.memory_space<vmem>> -> memref<48x128xf32, #tpu.memory_space<vmem>>
      tpu.enqueue_dma source(%dma_start3A_236 : memref<48x128xf32, #tpu.memory_space<vmem>>) target(%dma_start3A_233 : memref<48x128xf32, #tpu.memory_space<vmem_shared>>) target_semaphore(%run_scoped3A : memref<!tpu.dma_semaphore, #tpu.memory_space<semaphore_mem>>)
      %dma_wait3A = arith.constant 0 : i32
      %dma_wait3A_237 = arith.constant 0 : i32
      %dma_wait3A_238 = tpu.memref_slice %arg9[%dma_wait3A, %dma_wait3A_237] : memref<64x128xf32, #tpu.memory_space<vmem>> -> memref<48x128xf32, #tpu.memory_space<vmem>>
      %dma_wait3A_239 = arith.constant 0 : i32
      %dma_wait3A_240 = tpu.memref_slice %arg12[%multiple_of3A_109, %dma_wait3A_239] : memref<10000x128xf32, #tpu.memory_space<vmem_shared>> -> memref<48x128xf32, #tpu.memory_space<vmem_shared>>
      %dma_wait3A_241 = arith.constant 0 : i32
      %dma_wait3A_242 = tpu.memref_slice %arg12[%multiple_of3A_109, %dma_wait3A_241] : memref<10000x128xf32, #tpu.memory_space<vmem_shared>> -> memref<48x128xf32, #tpu.memory_space<vmem_shared>>
      %dma_wait3A_243 = arith.constant 0 : i32
      %dma_wait3A_244 = arith.constant 0 : i32
      %dma_wait3A_245 = tpu.memref_slice %arg9[%dma_wait3A_243, %dma_wait3A_244] : memref<64x128xf32, #tpu.memory_space<vmem>> -> memref<48x128xf32, #tpu.memory_space<vmem>>
      tpu.wait_dma2 semaphore(%run_scoped3A : memref<!tpu.dma_semaphore, #tpu.memory_space<semaphore_mem>>) src(%dma_wait3A_245 : memref<48x128xf32, #tpu.memory_space<vmem>>) dst(%dma_wait3A_242 : memref<48x128xf32, #tpu.memory_space<vmem_shared>>)
      tpu.yield
    }) : () -> ()
    %add3A_110 = arith.constant 192 : i32
    %add3A_111 = arith.addi %multiple_of3A, %add3A_110 : i32
    %multiple_of3A_112 = tpu.assume_multiple %add3A_111, 8 : i32
    "tpu.region"() ({
      %run_scoped3A = tpu.sem_alloc : memref<!tpu.dma_semaphore, #tpu.memory_space<semaphore_mem>>
      %dma_start3A_227 = arith.constant 0 : i32
      %dma_start3A_228 = arith.constant 0 : i32
      %dma_start3A_229 = tpu.memref_slice %arg9[%dma_start3A_227, %dma_start3A_228] : memref<64x128xf32, #tpu.memory_space<vmem>> -> memref<48x128xf32, #tpu.memory_space<vmem>>
      %dma_start3A_230 = arith.constant 0 : i32
      %dma_start3A_231 = tpu.memref_slice %arg12[%multiple_of3A_112, %dma_start3A_230] : memref<10000x128xf32, #tpu.memory_space<vmem_shared>> -> memref<48x128xf32, #tpu.memory_space<vmem_shared>>
      %dma_start3A_232 = arith.constant 0 : i32
      %dma_start3A_233 = tpu.memref_slice %arg12[%multiple_of3A_112, %dma_start3A_232] : memref<10000x128xf32, #tpu.memory_space<vmem_shared>> -> memref<48x128xf32, #tpu.memory_space<vmem_shared>>
      %dma_start3A_234 = arith.constant 0 : i32
      %dma_start3A_235 = arith.constant 0 : i32
      %dma_start3A_236 = tpu.memref_slice %arg9[%dma_start3A_234, %dma_start3A_235] : memref<64x128xf32, #tpu.memory_space<vmem>> -> memref<48x128xf32, #tpu.memory_space<vmem>>
      tpu.enqueue_dma source(%dma_start3A_236 : memref<48x128xf32, #tpu.memory_space<vmem>>) target(%dma_start3A_233 : memref<48x128xf32, #tpu.memory_space<vmem_shared>>) target_semaphore(%run_scoped3A : memref<!tpu.dma_semaphore, #tpu.memory_space<semaphore_mem>>)
      %dma_wait3A = arith.constant 0 : i32
      %dma_wait3A_237 = arith.constant 0 : i32
      %dma_wait3A_238 = tpu.memref_slice %arg9[%dma_wait3A, %dma_wait3A_237] : memref<64x128xf32, #tpu.memory_space<vmem>> -> memref<48x128xf32, #tpu.memory_space<vmem>>
      %dma_wait3A_239 = arith.constant 0 : i32
      %dma_wait3A_240 = tpu.memref_slice %arg12[%multiple_of3A_112, %dma_wait3A_239] : memref<10000x128xf32, #tpu.memory_space<vmem_shared>> -> memref<48x128xf32, #tpu.memory_space<vmem_shared>>
      %dma_wait3A_241 = arith.constant 0 : i32
      %dma_wait3A_242 = tpu.memref_slice %arg12[%multiple_of3A_112, %dma_wait3A_241] : memref<10000x128xf32, #tpu.memory_space<vmem_shared>> -> memref<48x128xf32, #tpu.memory_space<vmem_shared>>
      %dma_wait3A_243 = arith.constant 0 : i32
      %dma_wait3A_244 = arith.constant 0 : i32
      %dma_wait3A_245 = tpu.memref_slice %arg9[%dma_wait3A_243, %dma_wait3A_244] : memref<64x128xf32, #tpu.memory_space<vmem>> -> memref<48x128xf32, #tpu.memory_space<vmem>>
      tpu.wait_dma2 semaphore(%run_scoped3A : memref<!tpu.dma_semaphore, #tpu.memory_space<semaphore_mem>>) src(%dma_wait3A_245 : memref<48x128xf32, #tpu.memory_space<vmem>>) dst(%dma_wait3A_242 : memref<48x128xf32, #tpu.memory_space<vmem_shared>>)
      tpu.yield
    }) : () -> ()
    %add3A_113 = arith.constant 240 : i32
    %add3A_114 = arith.addi %multiple_of3A, %add3A_113 : i32
    %multiple_of3A_115 = tpu.assume_multiple %add3A_114, 8 : i32
    "tpu.region"() ({
      %run_scoped3A = tpu.sem_alloc : memref<!tpu.dma_semaphore, #tpu.memory_space<semaphore_mem>>
      %dma_start3A_227 = arith.constant 0 : i32
      %dma_start3A_228 = arith.constant 0 : i32
      %dma_start3A_229 = tpu.memref_slice %arg9[%dma_start3A_227, %dma_start3A_228] : memref<64x128xf32, #tpu.memory_space<vmem>> -> memref<48x128xf32, #tpu.memory_space<vmem>>
      %dma_start3A_230 = arith.constant 0 : i32
      %dma_start3A_231 = tpu.memref_slice %arg12[%multiple_of3A_115, %dma_start3A_230] : memref<10000x128xf32, #tpu.memory_space<vmem_shared>> -> memref<48x128xf32, #tpu.memory_space<vmem_shared>>
      %dma_start3A_232 = arith.constant 0 : i32
      %dma_start3A_233 = tpu.memref_slice %arg12[%multiple_of3A_115, %dma_start3A_232] : memref<10000x128xf32, #tpu.memory_space<vmem_shared>> -> memref<48x128xf32, #tpu.memory_space<vmem_shared>>
      %dma_start3A_234 = arith.constant 0 : i32
      %dma_start3A_235 = arith.constant 0 : i32
      %dma_start3A_236 = tpu.memref_slice %arg9[%dma_start3A_234, %dma_start3A_235] : memref<64x128xf32, #tpu.memory_space<vmem>> -> memref<48x128xf32, #tpu.memory_space<vmem>>
      tpu.enqueue_dma source(%dma_start3A_236 : memref<48x128xf32, #tpu.memory_space<vmem>>) target(%dma_start3A_233 : memref<48x128xf32, #tpu.memory_space<vmem_shared>>) target_semaphore(%run_scoped3A : memref<!tpu.dma_semaphore, #tpu.memory_space<semaphore_mem>>)
      %dma_wait3A = arith.constant 0 : i32
      %dma_wait3A_237 = arith.constant 0 : i32
      %dma_wait3A_238 = tpu.memref_slice %arg9[%dma_wait3A, %dma_wait3A_237] : memref<64x128xf32, #tpu.memory_space<vmem>> -> memref<48x128xf32, #tpu.memory_space<vmem>>
      %dma_wait3A_239 = arith.constant 0 : i32
      %dma_wait3A_240 = tpu.memref_slice %arg12[%multiple_of3A_115, %dma_wait3A_239] : memref<10000x128xf32, #tpu.memory_space<vmem_shared>> -> memref<48x128xf32, #tpu.memory_space<vmem_shared>>
      %dma_wait3A_241 = arith.constant 0 : i32
      %dma_wait3A_242 = tpu.memref_slice %arg12[%multiple_of3A_115, %dma_wait3A_241] : memref<10000x128xf32, #tpu.memory_space<vmem_shared>> -> memref<48x128xf32, #tpu.memory_space<vmem_shared>>
      %dma_wait3A_243 = arith.constant 0 : i32
      %dma_wait3A_244 = arith.constant 0 : i32
      %dma_wait3A_245 = tpu.memref_slice %arg9[%dma_wait3A_243, %dma_wait3A_244] : memref<64x128xf32, #tpu.memory_space<vmem>> -> memref<48x128xf32, #tpu.memory_space<vmem>>
      tpu.wait_dma2 semaphore(%run_scoped3A : memref<!tpu.dma_semaphore, #tpu.memory_space<semaphore_mem>>) src(%dma_wait3A_245 : memref<48x128xf32, #tpu.memory_space<vmem>>) dst(%dma_wait3A_242 : memref<48x128xf32, #tpu.memory_space<vmem_shared>>)
      tpu.yield
    }) : () -> ()
    %add3A_116 = arith.constant 288 : i32
    %add3A_117 = arith.addi %multiple_of3A, %add3A_116 : i32
    %multiple_of3A_118 = tpu.assume_multiple %add3A_117, 8 : i32
    "tpu.region"() ({
      %run_scoped3A = tpu.sem_alloc : memref<!tpu.dma_semaphore, #tpu.memory_space<semaphore_mem>>
      %dma_start3A_227 = arith.constant 0 : i32
      %dma_start3A_228 = arith.constant 0 : i32
      %dma_start3A_229 = tpu.memref_slice %arg9[%dma_start3A_227, %dma_start3A_228] : memref<64x128xf32, #tpu.memory_space<vmem>> -> memref<48x128xf32, #tpu.memory_space<vmem>>
      %dma_start3A_230 = arith.constant 0 : i32
      %dma_start3A_231 = tpu.memref_slice %arg12[%multiple_of3A_118, %dma_start3A_230] : memref<10000x128xf32, #tpu.memory_space<vmem_shared>> -> memref<48x128xf32, #tpu.memory_space<vmem_shared>>
      %dma_start3A_232 = arith.constant 0 : i32
      %dma_start3A_233 = tpu.memref_slice %arg12[%multiple_of3A_118, %dma_start3A_232] : memref<10000x128xf32, #tpu.memory_space<vmem_shared>> -> memref<48x128xf32, #tpu.memory_space<vmem_shared>>
      %dma_start3A_234 = arith.constant 0 : i32
      %dma_start3A_235 = arith.constant 0 : i32
      %dma_start3A_236 = tpu.memref_slice %arg9[%dma_start3A_234, %dma_start3A_235] : memref<64x128xf32, #tpu.memory_space<vmem>> -> memref<48x128xf32, #tpu.memory_space<vmem>>
      tpu.enqueue_dma source(%dma_start3A_236 : memref<48x128xf32, #tpu.memory_space<vmem>>) target(%dma_start3A_233 : memref<48x128xf32, #tpu.memory_space<vmem_shared>>) target_semaphore(%run_scoped3A : memref<!tpu.dma_semaphore, #tpu.memory_space<semaphore_mem>>)
      %dma_wait3A = arith.constant 0 : i32
      %dma_wait3A_237 = arith.constant 0 : i32
      %dma_wait3A_238 = tpu.memref_slice %arg9[%dma_wait3A, %dma_wait3A_237] : memref<64x128xf32, #tpu.memory_space<vmem>> -> memref<48x128xf32, #tpu.memory_space<vmem>>
      %dma_wait3A_239 = arith.constant 0 : i32
      %dma_wait3A_240 = tpu.memref_slice %arg12[%multiple_of3A_118, %dma_wait3A_239] : memref<10000x128xf32, #tpu.memory_space<vmem_shared>> -> memref<48x128xf32, #tpu.memory_space<vmem_shared>>
      %dma_wait3A_241 = arith.constant 0 : i32
      %dma_wait3A_242 = tpu.memref_slice %arg12[%multiple_of3A_118, %dma_wait3A_241] : memref<10000x128xf32, #tpu.memory_space<vmem_shared>> -> memref<48x128xf32, #tpu.memory_space<vmem_shared>>
      %dma_wait3A_243 = arith.constant 0 : i32
      %dma_wait3A_244 = arith.constant 0 : i32
      %dma_wait3A_245 = tpu.memref_slice %arg9[%dma_wait3A_243, %dma_wait3A_244] : memref<64x128xf32, #tpu.memory_space<vmem>> -> memref<48x128xf32, #tpu.memory_space<vmem>>
      tpu.wait_dma2 semaphore(%run_scoped3A : memref<!tpu.dma_semaphore, #tpu.memory_space<semaphore_mem>>) src(%dma_wait3A_245 : memref<48x128xf32, #tpu.memory_space<vmem>>) dst(%dma_wait3A_242 : memref<48x128xf32, #tpu.memory_space<vmem_shared>>)
      tpu.yield
    }) : () -> ()
    %add3A_119 = arith.constant 336 : i32
    %add3A_120 = arith.addi %multiple_of3A, %add3A_119 : i32
    %multiple_of3A_121 = tpu.assume_multiple %add3A_120, 8 : i32
    "tpu.region"() ({
      %run_scoped3A = tpu.sem_alloc : memref<!tpu.dma_semaphore, #tpu.memory_space<semaphore_mem>>
      %dma_start3A_227 = arith.constant 0 : i32
      %dma_start3A_228 = arith.constant 0 : i32
      %dma_start3A_229 = tpu.memref_slice %arg9[%dma_start3A_227, %dma_start3A_228] : memref<64x128xf32, #tpu.memory_space<vmem>> -> memref<48x128xf32, #tpu.memory_space<vmem>>
      %dma_start3A_230 = arith.constant 0 : i32
      %dma_start3A_231 = tpu.memref_slice %arg12[%multiple_of3A_121, %dma_start3A_230] : memref<10000x128xf32, #tpu.memory_space<vmem_shared>> -> memref<48x128xf32, #tpu.memory_space<vmem_shared>>
      %dma_start3A_232 = arith.constant 0 : i32
      %dma_start3A_233 = tpu.memref_slice %arg12[%multiple_of3A_121, %dma_start3A_232] : memref<10000x128xf32, #tpu.memory_space<vmem_shared>> -> memref<48x128xf32, #tpu.memory_space<vmem_shared>>
      %dma_start3A_234 = arith.constant 0 : i32
      %dma_start3A_235 = arith.constant 0 : i32
      %dma_start3A_236 = tpu.memref_slice %arg9[%dma_start3A_234, %dma_start3A_235] : memref<64x128xf32, #tpu.memory_space<vmem>> -> memref<48x128xf32, #tpu.memory_space<vmem>>
      tpu.enqueue_dma source(%dma_start3A_236 : memref<48x128xf32, #tpu.memory_space<vmem>>) target(%dma_start3A_233 : memref<48x128xf32, #tpu.memory_space<vmem_shared>>) target_semaphore(%run_scoped3A : memref<!tpu.dma_semaphore, #tpu.memory_space<semaphore_mem>>)
      %dma_wait3A = arith.constant 0 : i32
      %dma_wait3A_237 = arith.constant 0 : i32
      %dma_wait3A_238 = tpu.memref_slice %arg9[%dma_wait3A, %dma_wait3A_237] : memref<64x128xf32, #tpu.memory_space<vmem>> -> memref<48x128xf32, #tpu.memory_space<vmem>>
      %dma_wait3A_239 = arith.constant 0 : i32
      %dma_wait3A_240 = tpu.memref_slice %arg12[%multiple_of3A_121, %dma_wait3A_239] : memref<10000x128xf32, #tpu.memory_space<vmem_shared>> -> memref<48x128xf32, #tpu.memory_space<vmem_shared>>
      %dma_wait3A_241 = arith.constant 0 : i32
      %dma_wait3A_242 = tpu.memref_slice %arg12[%multiple_of3A_121, %dma_wait3A_241] : memref<10000x128xf32, #tpu.memory_space<vmem_shared>> -> memref<48x128xf32, #tpu.memory_space<vmem_shared>>
      %dma_wait3A_243 = arith.constant 0 : i32
      %dma_wait3A_244 = arith.constant 0 : i32
      %dma_wait3A_245 = tpu.memref_slice %arg9[%dma_wait3A_243, %dma_wait3A_244] : memref<64x128xf32, #tpu.memory_space<vmem>> -> memref<48x128xf32, #tpu.memory_space<vmem>>
      tpu.wait_dma2 semaphore(%run_scoped3A : memref<!tpu.dma_semaphore, #tpu.memory_space<semaphore_mem>>) src(%dma_wait3A_245 : memref<48x128xf32, #tpu.memory_space<vmem>>) dst(%dma_wait3A_242 : memref<48x128xf32, #tpu.memory_space<vmem_shared>>)
      tpu.yield
    }) : () -> ()
    %add3A_122 = arith.constant 384 : i32
    %add3A_123 = arith.addi %multiple_of3A, %add3A_122 : i32
    %multiple_of3A_124 = tpu.assume_multiple %add3A_123, 8 : i32
    "tpu.region"() ({
      %run_scoped3A = tpu.sem_alloc : memref<!tpu.dma_semaphore, #tpu.memory_space<semaphore_mem>>
      %dma_start3A_227 = arith.constant 0 : i32
      %dma_start3A_228 = arith.constant 0 : i32
      %dma_start3A_229 = tpu.memref_slice %arg9[%dma_start3A_227, %dma_start3A_228] : memref<64x128xf32, #tpu.memory_space<vmem>> -> memref<48x128xf32, #tpu.memory_space<vmem>>
      %dma_start3A_230 = arith.constant 0 : i32
      %dma_start3A_231 = tpu.memref_slice %arg12[%multiple_of3A_124, %dma_start3A_230] : memref<10000x128xf32, #tpu.memory_space<vmem_shared>> -> memref<48x128xf32, #tpu.memory_space<vmem_shared>>
      %dma_start3A_232 = arith.constant 0 : i32
      %dma_start3A_233 = tpu.memref_slice %arg12[%multiple_of3A_124, %dma_start3A_232] : memref<10000x128xf32, #tpu.memory_space<vmem_shared>> -> memref<48x128xf32, #tpu.memory_space<vmem_shared>>
      %dma_start3A_234 = arith.constant 0 : i32
      %dma_start3A_235 = arith.constant 0 : i32
      %dma_start3A_236 = tpu.memref_slice %arg9[%dma_start3A_234, %dma_start3A_235] : memref<64x128xf32, #tpu.memory_space<vmem>> -> memref<48x128xf32, #tpu.memory_space<vmem>>
      tpu.enqueue_dma source(%dma_start3A_236 : memref<48x128xf32, #tpu.memory_space<vmem>>) target(%dma_start3A_233 : memref<48x128xf32, #tpu.memory_space<vmem_shared>>) target_semaphore(%run_scoped3A : memref<!tpu.dma_semaphore, #tpu.memory_space<semaphore_mem>>)
      %dma_wait3A = arith.constant 0 : i32
      %dma_wait3A_237 = arith.constant 0 : i32
      %dma_wait3A_238 = tpu.memref_slice %arg9[%dma_wait3A, %dma_wait3A_237] : memref<64x128xf32, #tpu.memory_space<vmem>> -> memref<48x128xf32, #tpu.memory_space<vmem>>
      %dma_wait3A_239 = arith.constant 0 : i32
      %dma_wait3A_240 = tpu.memref_slice %arg12[%multiple_of3A_124, %dma_wait3A_239] : memref<10000x128xf32, #tpu.memory_space<vmem_shared>> -> memref<48x128xf32, #tpu.memory_space<vmem_shared>>
      %dma_wait3A_241 = arith.constant 0 : i32
      %dma_wait3A_242 = tpu.memref_slice %arg12[%multiple_of3A_124, %dma_wait3A_241] : memref<10000x128xf32, #tpu.memory_space<vmem_shared>> -> memref<48x128xf32, #tpu.memory_space<vmem_shared>>
      %dma_wait3A_243 = arith.constant 0 : i32
      %dma_wait3A_244 = arith.constant 0 : i32
      %dma_wait3A_245 = tpu.memref_slice %arg9[%dma_wait3A_243, %dma_wait3A_244] : memref<64x128xf32, #tpu.memory_space<vmem>> -> memref<48x128xf32, #tpu.memory_space<vmem>>
      tpu.wait_dma2 semaphore(%run_scoped3A : memref<!tpu.dma_semaphore, #tpu.memory_space<semaphore_mem>>) src(%dma_wait3A_245 : memref<48x128xf32, #tpu.memory_space<vmem>>) dst(%dma_wait3A_242 : memref<48x128xf32, #tpu.memory_space<vmem_shared>>)
      tpu.yield
    }) : () -> ()
    %add3A_125 = arith.constant 432 : i32
    %add3A_126 = arith.addi %multiple_of3A, %add3A_125 : i32
    %multiple_of3A_127 = tpu.assume_multiple %add3A_126, 8 : i32
    "tpu.region"() ({
      %run_scoped3A = tpu.sem_alloc : memref<!tpu.dma_semaphore, #tpu.memory_space<semaphore_mem>>
      %dma_start3A_227 = arith.constant 0 : i32
      %dma_start3A_228 = arith.constant 0 : i32
      %dma_start3A_229 = tpu.memref_slice %arg9[%dma_start3A_227, %dma_start3A_228] : memref<64x128xf32, #tpu.memory_space<vmem>> -> memref<48x128xf32, #tpu.memory_space<vmem>>
      %dma_start3A_230 = arith.constant 0 : i32
      %dma_start3A_231 = tpu.memref_slice %arg12[%multiple_of3A_127, %dma_start3A_230] : memref<10000x128xf32, #tpu.memory_space<vmem_shared>> -> memref<48x128xf32, #tpu.memory_space<vmem_shared>>
      %dma_start3A_232 = arith.constant 0 : i32
      %dma_start3A_233 = tpu.memref_slice %arg12[%multiple_of3A_127, %dma_start3A_232] : memref<10000x128xf32, #tpu.memory_space<vmem_shared>> -> memref<48x128xf32, #tpu.memory_space<vmem_shared>>
      %dma_start3A_234 = arith.constant 0 : i32
      %dma_start3A_235 = arith.constant 0 : i32
      %dma_start3A_236 = tpu.memref_slice %arg9[%dma_start3A_234, %dma_start3A_235] : memref<64x128xf32, #tpu.memory_space<vmem>> -> memref<48x128xf32, #tpu.memory_space<vmem>>
      tpu.enqueue_dma source(%dma_start3A_236 : memref<48x128xf32, #tpu.memory_space<vmem>>) target(%dma_start3A_233 : memref<48x128xf32, #tpu.memory_space<vmem_shared>>) target_semaphore(%run_scoped3A : memref<!tpu.dma_semaphore, #tpu.memory_space<semaphore_mem>>)
      %dma_wait3A = arith.constant 0 : i32
      %dma_wait3A_237 = arith.constant 0 : i32
      %dma_wait3A_238 = tpu.memref_slice %arg9[%dma_wait3A, %dma_wait3A_237] : memref<64x128xf32, #tpu.memory_space<vmem>> -> memref<48x128xf32, #tpu.memory_space<vmem>>
      %dma_wait3A_239 = arith.constant 0 : i32
      %dma_wait3A_240 = tpu.memref_slice %arg12[%multiple_of3A_127, %dma_wait3A_239] : memref<10000x128xf32, #tpu.memory_space<vmem_shared>> -> memref<48x128xf32, #tpu.memory_space<vmem_shared>>
      %dma_wait3A_241 = arith.constant 0 : i32
      %dma_wait3A_242 = tpu.memref_slice %arg12[%multiple_of3A_127, %dma_wait3A_241] : memref<10000x128xf32, #tpu.memory_space<vmem_shared>> -> memref<48x128xf32, #tpu.memory_space<vmem_shared>>
      %dma_wait3A_243 = arith.constant 0 : i32
      %dma_wait3A_244 = arith.constant 0 : i32
      %dma_wait3A_245 = tpu.memref_slice %arg9[%dma_wait3A_243, %dma_wait3A_244] : memref<64x128xf32, #tpu.memory_space<vmem>> -> memref<48x128xf32, #tpu.memory_space<vmem>>
      tpu.wait_dma2 semaphore(%run_scoped3A : memref<!tpu.dma_semaphore, #tpu.memory_space<semaphore_mem>>) src(%dma_wait3A_245 : memref<48x128xf32, #tpu.memory_space<vmem>>) dst(%dma_wait3A_242 : memref<48x128xf32, #tpu.memory_space<vmem_shared>>)
      tpu.yield
    }) : () -> ()
    %add3A_128 = arith.constant 480 : i32
    %add3A_129 = arith.addi %multiple_of3A, %add3A_128 : i32
    %multiple_of3A_130 = tpu.assume_multiple %add3A_129, 8 : i32
    "tpu.region"() ({
      %run_scoped3A = tpu.sem_alloc : memref<!tpu.dma_semaphore, #tpu.memory_space<semaphore_mem>>
      %dma_start3A_227 = arith.constant 0 : i32
      %dma_start3A_228 = arith.constant 0 : i32
      %dma_start3A_229 = tpu.memref_slice %arg9[%dma_start3A_227, %dma_start3A_228] : memref<64x128xf32, #tpu.memory_space<vmem>> -> memref<48x128xf32, #tpu.memory_space<vmem>>
      %dma_start3A_230 = arith.constant 0 : i32
      %dma_start3A_231 = tpu.memref_slice %arg12[%multiple_of3A_130, %dma_start3A_230] : memref<10000x128xf32, #tpu.memory_space<vmem_shared>> -> memref<48x128xf32, #tpu.memory_space<vmem_shared>>
      %dma_start3A_232 = arith.constant 0 : i32
      %dma_start3A_233 = tpu.memref_slice %arg12[%multiple_of3A_130, %dma_start3A_232] : memref<10000x128xf32, #tpu.memory_space<vmem_shared>> -> memref<48x128xf32, #tpu.memory_space<vmem_shared>>
      %dma_start3A_234 = arith.constant 0 : i32
      %dma_start3A_235 = arith.constant 0 : i32
      %dma_start3A_236 = tpu.memref_slice %arg9[%dma_start3A_234, %dma_start3A_235] : memref<64x128xf32, #tpu.memory_space<vmem>> -> memref<48x128xf32, #tpu.memory_space<vmem>>
      tpu.enqueue_dma source(%dma_start3A_236 : memref<48x128xf32, #tpu.memory_space<vmem>>) target(%dma_start3A_233 : memref<48x128xf32, #tpu.memory_space<vmem_shared>>) target_semaphore(%run_scoped3A : memref<!tpu.dma_semaphore, #tpu.memory_space<semaphore_mem>>)
      %dma_wait3A = arith.constant 0 : i32
      %dma_wait3A_237 = arith.constant 0 : i32
      %dma_wait3A_238 = tpu.memref_slice %arg9[%dma_wait3A, %dma_wait3A_237] : memref<64x128xf32, #tpu.memory_space<vmem>> -> memref<48x128xf32, #tpu.memory_space<vmem>>
      %dma_wait3A_239 = arith.constant 0 : i32
      %dma_wait3A_240 = tpu.memref_slice %arg12[%multiple_of3A_130, %dma_wait3A_239] : memref<10000x128xf32, #tpu.memory_space<vmem_shared>> -> memref<48x128xf32, #tpu.memory_space<vmem_shared>>
      %dma_wait3A_241 = arith.constant 0 : i32
      %dma_wait3A_242 = tpu.memref_slice %arg12[%multiple_of3A_130, %dma_wait3A_241] : memref<10000x128xf32, #tpu.memory_space<vmem_shared>> -> memref<48x128xf32, #tpu.memory_space<vmem_shared>>
      %dma_wait3A_243 = arith.constant 0 : i32
      %dma_wait3A_244 = arith.constant 0 : i32
      %dma_wait3A_245 = tpu.memref_slice %arg9[%dma_wait3A_243, %dma_wait3A_244] : memref<64x128xf32, #tpu.memory_space<vmem>> -> memref<48x128xf32, #tpu.memory_space<vmem>>
      tpu.wait_dma2 semaphore(%run_scoped3A : memref<!tpu.dma_semaphore, #tpu.memory_space<semaphore_mem>>) src(%dma_wait3A_245 : memref<48x128xf32, #tpu.memory_space<vmem>>) dst(%dma_wait3A_242 : memref<48x128xf32, #tpu.memory_space<vmem_shared>>)
      tpu.yield
    }) : () -> ()
    %add3A_131 = arith.constant 528 : i32
    %add3A_132 = arith.addi %multiple_of3A, %add3A_131 : i32
    %multiple_of3A_133 = tpu.assume_multiple %add3A_132, 8 : i32
    "tpu.region"() ({
      %run_scoped3A = tpu.sem_alloc : memref<!tpu.dma_semaphore, #tpu.memory_space<semaphore_mem>>
      %dma_start3A_227 = arith.constant 0 : i32
      %dma_start3A_228 = arith.constant 0 : i32
      %dma_start3A_229 = tpu.memref_slice %arg9[%dma_start3A_227, %dma_start3A_228] : memref<64x128xf32, #tpu.memory_space<vmem>> -> memref<48x128xf32, #tpu.memory_space<vmem>>
      %dma_start3A_230 = arith.constant 0 : i32
      %dma_start3A_231 = tpu.memref_slice %arg12[%multiple_of3A_133, %dma_start3A_230] : memref<10000x128xf32, #tpu.memory_space<vmem_shared>> -> memref<48x128xf32, #tpu.memory_space<vmem_shared>>
      %dma_start3A_232 = arith.constant 0 : i32
      %dma_start3A_233 = tpu.memref_slice %arg12[%multiple_of3A_133, %dma_start3A_232] : memref<10000x128xf32, #tpu.memory_space<vmem_shared>> -> memref<48x128xf32, #tpu.memory_space<vmem_shared>>
      %dma_start3A_234 = arith.constant 0 : i32
      %dma_start3A_235 = arith.constant 0 : i32
      %dma_start3A_236 = tpu.memref_slice %arg9[%dma_start3A_234, %dma_start3A_235] : memref<64x128xf32, #tpu.memory_space<vmem>> -> memref<48x128xf32, #tpu.memory_space<vmem>>
      tpu.enqueue_dma source(%dma_start3A_236 : memref<48x128xf32, #tpu.memory_space<vmem>>) target(%dma_start3A_233 : memref<48x128xf32, #tpu.memory_space<vmem_shared>>) target_semaphore(%run_scoped3A : memref<!tpu.dma_semaphore, #tpu.memory_space<semaphore_mem>>)
      %dma_wait3A = arith.constant 0 : i32
      %dma_wait3A_237 = arith.constant 0 : i32
      %dma_wait3A_238 = tpu.memref_slice %arg9[%dma_wait3A, %dma_wait3A_237] : memref<64x128xf32, #tpu.memory_space<vmem>> -> memref<48x128xf32, #tpu.memory_space<vmem>>
      %dma_wait3A_239 = arith.constant 0 : i32
      %dma_wait3A_240 = tpu.memref_slice %arg12[%multiple_of3A_133, %dma_wait3A_239] : memref<10000x128xf32, #tpu.memory_space<vmem_shared>> -> memref<48x128xf32, #tpu.memory_space<vmem_shared>>
      %dma_wait3A_241 = arith.constant 0 : i32
      %dma_wait3A_242 = tpu.memref_slice %arg12[%multiple_of3A_133, %dma_wait3A_241] : memref<10000x128xf32, #tpu.memory_space<vmem_shared>> -> memref<48x128xf32, #tpu.memory_space<vmem_shared>>
      %dma_wait3A_243 = arith.constant 0 : i32
      %dma_wait3A_244 = arith.constant 0 : i32
      %dma_wait3A_245 = tpu.memref_slice %arg9[%dma_wait3A_243, %dma_wait3A_244] : memref<64x128xf32, #tpu.memory_space<vmem>> -> memref<48x128xf32, #tpu.memory_space<vmem>>
      tpu.wait_dma2 semaphore(%run_scoped3A : memref<!tpu.dma_semaphore, #tpu.memory_space<semaphore_mem>>) src(%dma_wait3A_245 : memref<48x128xf32, #tpu.memory_space<vmem>>) dst(%dma_wait3A_242 : memref<48x128xf32, #tpu.memory_space<vmem_shared>>)
      tpu.yield
    }) : () -> ()
    %add3A_134 = arith.constant 576 : i32
    %add3A_135 = arith.addi %multiple_of3A, %add3A_134 : i32
    %multiple_of3A_136 = tpu.assume_multiple %add3A_135, 8 : i32
    "tpu.region"() ({
      %run_scoped3A = tpu.sem_alloc : memref<!tpu.dma_semaphore, #tpu.memory_space<semaphore_mem>>
      %dma_start3A_227 = arith.constant 0 : i32
      %dma_start3A_228 = arith.constant 0 : i32
      %dma_start3A_229 = tpu.memref_slice %arg9[%dma_start3A_227, %dma_start3A_228] : memref<64x128xf32, #tpu.memory_space<vmem>> -> memref<48x128xf32, #tpu.memory_space<vmem>>
      %dma_start3A_230 = arith.constant 0 : i32
      %dma_start3A_231 = tpu.memref_slice %arg12[%multiple_of3A_136, %dma_start3A_230] : memref<10000x128xf32, #tpu.memory_space<vmem_shared>> -> memref<48x128xf32, #tpu.memory_space<vmem_shared>>
      %dma_start3A_232 = arith.constant 0 : i32
      %dma_start3A_233 = tpu.memref_slice %arg12[%multiple_of3A_136, %dma_start3A_232] : memref<10000x128xf32, #tpu.memory_space<vmem_shared>> -> memref<48x128xf32, #tpu.memory_space<vmem_shared>>
      %dma_start3A_234 = arith.constant 0 : i32
      %dma_start3A_235 = arith.constant 0 : i32
      %dma_start3A_236 = tpu.memref_slice %arg9[%dma_start3A_234, %dma_start3A_235] : memref<64x128xf32, #tpu.memory_space<vmem>> -> memref<48x128xf32, #tpu.memory_space<vmem>>
      tpu.enqueue_dma source(%dma_start3A_236 : memref<48x128xf32, #tpu.memory_space<vmem>>) target(%dma_start3A_233 : memref<48x128xf32, #tpu.memory_space<vmem_shared>>) target_semaphore(%run_scoped3A : memref<!tpu.dma_semaphore, #tpu.memory_space<semaphore_mem>>)
      %dma_wait3A = arith.constant 0 : i32
      %dma_wait3A_237 = arith.constant 0 : i32
      %dma_wait3A_238 = tpu.memref_slice %arg9[%dma_wait3A, %dma_wait3A_237] : memref<64x128xf32, #tpu.memory_space<vmem>> -> memref<48x128xf32, #tpu.memory_space<vmem>>
      %dma_wait3A_239 = arith.constant 0 : i32
      %dma_wait3A_240 = tpu.memref_slice %arg12[%multiple_of3A_136, %dma_wait3A_239] : memref<10000x128xf32, #tpu.memory_space<vmem_shared>> -> memref<48x128xf32, #tpu.memory_space<vmem_shared>>
      %dma_wait3A_241 = arith.constant 0 : i32
      %dma_wait3A_242 = tpu.memref_slice %arg12[%multiple_of3A_136, %dma_wait3A_241] : memref<10000x128xf32, #tpu.memory_space<vmem_shared>> -> memref<48x128xf32, #tpu.memory_space<vmem_shared>>
      %dma_wait3A_243 = arith.constant 0 : i32
      %dma_wait3A_244 = arith.constant 0 : i32
      %dma_wait3A_245 = tpu.memref_slice %arg9[%dma_wait3A_243, %dma_wait3A_244] : memref<64x128xf32, #tpu.memory_space<vmem>> -> memref<48x128xf32, #tpu.memory_space<vmem>>
      tpu.wait_dma2 semaphore(%run_scoped3A : memref<!tpu.dma_semaphore, #tpu.memory_space<semaphore_mem>>) src(%dma_wait3A_245 : memref<48x128xf32, #tpu.memory_space<vmem>>) dst(%dma_wait3A_242 : memref<48x128xf32, #tpu.memory_space<vmem_shared>>)
      tpu.yield
    }) : () -> ()
    %eq3A_137 = arith.constant 0 : i32
    %eq3A_138 = arith.cmpi eq, %arg1, %eq3A_137 : i32
    %convert_element_type3A_139 = arith.extui %eq3A_138 : i1 to i32
    %cond3A_140 = arith.constant 0 : i32
    %cond3A_141 = arith.cmpi ne, %convert_element_type3A_139, %cond3A_140 : i32
    scf.if %cond3A_141 {
      "tpu.region"() ({
        %run_scoped3A = tpu.sem_alloc : memref<!tpu.dma_semaphore, #tpu.memory_space<semaphore_mem>>
        %dma_start3A_227 = arith.constant 0 : i32
        %dma_start3A_228 = arith.constant 0 : i32
        %dma_start3A_229 = tpu.memref_slice %arg9[%dma_start3A_227, %dma_start3A_228] : memref<64x128xf32, #tpu.memory_space<vmem>> -> memref<16x128xf32, #tpu.memory_space<vmem>>
        %dma_start3A_230 = arith.constant 9984 : i32
        %dma_start3A_231 = arith.constant 0 : i32
        %dma_start3A_232 = tpu.memref_slice %arg12[%dma_start3A_230, %dma_start3A_231] : memref<10000x128xf32, #tpu.memory_space<vmem_shared>> -> memref<16x128xf32, #tpu.memory_space<vmem_shared>>
        %dma_start3A_233 = arith.constant 9984 : i32
        %dma_start3A_234 = arith.constant 0 : i32
        %dma_start3A_235 = tpu.memref_slice %arg12[%dma_start3A_233, %dma_start3A_234] : memref<10000x128xf32, #tpu.memory_space<vmem_shared>> -> memref<16x128xf32, #tpu.memory_space<vmem_shared>>
        %dma_start3A_236 = arith.constant 0 : i32
        %dma_start3A_237 = arith.constant 0 : i32
        %dma_start3A_238 = tpu.memref_slice %arg9[%dma_start3A_236, %dma_start3A_237] : memref<64x128xf32, #tpu.memory_space<vmem>> -> memref<16x128xf32, #tpu.memory_space<vmem>>
        tpu.enqueue_dma source(%dma_start3A_238 : memref<16x128xf32, #tpu.memory_space<vmem>>) target(%dma_start3A_235 : memref<16x128xf32, #tpu.memory_space<vmem_shared>>) target_semaphore(%run_scoped3A : memref<!tpu.dma_semaphore, #tpu.memory_space<semaphore_mem>>)
        %dma_wait3A = arith.constant 0 : i32
        %dma_wait3A_239 = arith.constant 0 : i32
        %dma_wait3A_240 = tpu.memref_slice %arg9[%dma_wait3A, %dma_wait3A_239] : memref<64x128xf32, #tpu.memory_space<vmem>> -> memref<16x128xf32, #tpu.memory_space<vmem>>
        %dma_wait3A_241 = arith.constant 9984 : i32
        %dma_wait3A_242 = arith.constant 0 : i32
        %dma_wait3A_243 = tpu.memref_slice %arg12[%dma_wait3A_241, %dma_wait3A_242] : memref<10000x128xf32, #tpu.memory_space<vmem_shared>> -> memref<16x128xf32, #tpu.memory_space<vmem_shared>>
        %dma_wait3A_244 = arith.constant 9984 : i32
        %dma_wait3A_245 = arith.constant 0 : i32
        %dma_wait3A_246 = tpu.memref_slice %arg12[%dma_wait3A_244, %dma_wait3A_245] : memref<10000x128xf32, #tpu.memory_space<vmem_shared>> -> memref<16x128xf32, #tpu.memory_space<vmem_shared>>
        %dma_wait3A_247 = arith.constant 0 : i32
        %dma_wait3A_248 = arith.constant 0 : i32
        %dma_wait3A_249 = tpu.memref_slice %arg9[%dma_wait3A_247, %dma_wait3A_248] : memref<64x128xf32, #tpu.memory_space<vmem>> -> memref<16x128xf32, #tpu.memory_space<vmem>>
        tpu.wait_dma2 semaphore(%run_scoped3A : memref<!tpu.dma_semaphore, #tpu.memory_space<semaphore_mem>>) src(%dma_wait3A_249 : memref<16x128xf32, #tpu.memory_space<vmem>>) dst(%dma_wait3A_246 : memref<16x128xf32, #tpu.memory_space<vmem_shared>>)
        tpu.yield
      }) : () -> ()
    } else {
    }
    %get3A_142 = arith.constant 0 : index
    %get3A_143 = tpu.vector_load %arg7[%get3A_142] {strides = array<i32>} : memref<10112xi32, #tpu.memory_space<vmem>>, vector<16xi32>,
    %get3A_144 = vector.shape_cast %get3A_143 : vector<16xi32> to vector<16xi32>
    %swap3A_145 = arith.constant 0 : i32
    %swap3A_146 = arith.index_cast %swap3A_145 : i32 to index
    %swap3A_147 = arith.constant 0 : index
    %swap3A_148 = tpu.vector_load %arg8[%swap3A_146, %swap3A_147] {strides = array<i32>} : memref<3x64xi32, #tpu.memory_space<vmem>>, vector<1x16xi32>,
    %swap3A_149 = vector.shape_cast %swap3A_148 : vector<1x16xi32> to vector<16xi32>
    %swap3A_150 = vector.shape_cast %get3A_144 : vector<16xi32> to vector<1x16xi32>
    tpu.vector_store %arg8[%swap3A_146, %swap3A_147], %swap3A_150 {strides = array<i32>} : memref<3x64xi32, #tpu.memory_space<vmem>>, vector<1x16xi32>,
    %get3A_151 = arith.constant 16 : index
    %get3A_152 = tpu.vector_load %arg7[%get3A_151] {strides = array<i32>} : memref<10112xi32, #tpu.memory_space<vmem>>, vector<16xi32>,
    %get3A_153 = vector.shape_cast %get3A_152 : vector<16xi32> to vector<16xi32>
    %swap3A_154 = arith.constant 0 : i32
    %swap3A_155 = arith.index_cast %swap3A_154 : i32 to index
    %swap3A_156 = arith.constant 16 : index
    %swap3A_157 = tpu.vector_load %arg8[%swap3A_155, %swap3A_156] {strides = array<i32>} : memref<3x64xi32, #tpu.memory_space<vmem>>, vector<1x16xi32>,
    %swap3A_158 = vector.shape_cast %swap3A_157 : vector<1x16xi32> to vector<16xi32>
    %swap3A_159 = vector.shape_cast %get3A_153 : vector<16xi32> to vector<1x16xi32>
    tpu.vector_store %arg8[%swap3A_155, %swap3A_156], %swap3A_159 {strides = array<i32>} : memref<3x64xi32, #tpu.memory_space<vmem>>, vector<1x16xi32>,
    %get3A_160 = arith.constant 32 : index
    %get3A_161 = tpu.vector_load %arg7[%get3A_160] {strides = array<i32>} : memref<10112xi32, #tpu.memory_space<vmem>>, vector<16xi32>,
    %get3A_162 = vector.shape_cast %get3A_161 : vector<16xi32> to vector<16xi32>
    %swap3A_163 = arith.constant 0 : i32
    %swap3A_164 = arith.index_cast %swap3A_163 : i32 to index
    %swap3A_165 = arith.constant 32 : index
    %swap3A_166 = tpu.vector_load %arg8[%swap3A_164, %swap3A_165] {strides = array<i32>} : memref<3x64xi32, #tpu.memory_space<vmem>>, vector<1x16xi32>,
    %swap3A_167 = vector.shape_cast %swap3A_166 : vector<1x16xi32> to vector<16xi32>
    %swap3A_168 = vector.shape_cast %get3A_162 : vector<16xi32> to vector<1x16xi32>
    tpu.vector_store %arg8[%swap3A_164, %swap3A_165], %swap3A_168 {strides = array<i32>} : memref<3x64xi32, #tpu.memory_space<vmem>>, vector<1x16xi32>,
    %get3A_169 = arith.constant 48 : index
    %get3A_170 = tpu.vector_load %arg7[%get3A_169] {strides = array<i32>} : memref<10112xi32, #tpu.memory_space<vmem>>, vector<16xi32>,
    %get3A_171 = vector.shape_cast %get3A_170 : vector<16xi32> to vector<16xi32>
    %swap3A_172 = arith.constant 0 : i32
    %swap3A_173 = arith.index_cast %swap3A_172 : i32 to index
    %swap3A_174 = arith.constant 48 : index
    %swap3A_175 = tpu.vector_load %arg8[%swap3A_173, %swap3A_174] {strides = array<i32>} : memref<3x64xi32, #tpu.memory_space<vmem>>, vector<1x16xi32>,
    %swap3A_176 = vector.shape_cast %swap3A_175 : vector<1x16xi32> to vector<16xi32>
    %swap3A_177 = vector.shape_cast %get3A_171 : vector<16xi32> to vector<1x16xi32>
    tpu.vector_store %arg8[%swap3A_173, %swap3A_174], %swap3A_177 {strides = array<i32>} : memref<3x64xi32, #tpu.memory_space<vmem>>, vector<1x16xi32>,
    %dma_start3A_178 = arith.constant 0 : i32
    %dma_start3A_179 = tpu.memref_slice %arg6[%dma_start3A_178] : memref<10112xi32, #tpu.memory_space<vmem>> -> memref<64xi32, #tpu.memory_space<vmem>>
    %dma_start3A_180 = arith.constant 0 : i32
    %dma_start3A_181 = arith.constant 0 : i32
    %dma_start3A_182 = tpu.memref_slice %arg2[%dma_start3A_180, %dma_start3A_181] : memref<10000x128xf32, #tpu.memory_space<hbm>> -> memref<10000x128xf32, #tpu.memory_space<hbm>>
    tpu.enqueue_indirect_dma source(%dma_start3A_182 : memref<10000x128xf32, #tpu.memory_space<hbm>>) target(%arg9 : memref<64x128xf32, #tpu.memory_space<vmem>>) offsets(%dma_start3A_179 : memref<64xi32, #tpu.memory_space<vmem>>) semaphore(%arg13 : memref<!tpu.dma_semaphore, #tpu.memory_space<semaphore_mem>>)
    %barrier3A = arith.constant 0 : index
    tpu.barrier barrier_id(%barrier3A)
    %while3A = arith.constant 0 : i32
    %while3A_183 = arith.constant 0 : i32
    %while3A_184 = arith.subi %select_n3A, %while3A_183 : i32
    %while3A_185 = arith.addi %while3A_183, %while3A_184 : i32
    %while3A_186 = arith.constant 1 : i32
    %while3A_187 = arith.divsi %while3A_184, %while3A_186 : i32
    %while3A_188 = arith.muli %while3A_187, %while3A_186 : i32
    %while3A_189 = arith.addi %while3A_183, %while3A_188 : i32
    %while3A_190 = arith.constant 1 : i32
    scf.for %while3A_227 = %while3A_183 to %while3A_189 step %while3A_190  : i32 {
      %rem3A = arith.constant 3 : i32
      %rem3A_228 = arith.remsi %while3A_227, %rem3A : i32
      %eq3A_229 = arith.constant 0 : i32
      %eq3A_230 = arith.cmpi eq, %rem3A_228, %eq3A_229 : i32
      %convert_element_type3A_231 = arith.extui %eq3A_230 : i1 to i32
      %cond3A_232 = arith.constant 0 : i32
      %cond3A_233 = arith.cmpi ne, %convert_element_type3A_231, %cond3A_232 : i32
      scf.if %cond3A_233 {
        %dma_wait3A = arith.constant 0 : i32
        %dma_wait3A_248 = tpu.memref_slice %arg6[%dma_wait3A] : memref<10112xi32, #tpu.memory_space<vmem>> -> memref<64xi32, #tpu.memory_space<vmem>>
        %dma_wait3A_249 = arith.constant 0 : i32
        %dma_wait3A_250 = arith.constant 0 : i32
        %dma_wait3A_251 = tpu.memref_slice %arg2[%dma_wait3A_249, %dma_wait3A_250] : memref<10000x128xf32, #tpu.memory_space<hbm>> -> memref<10000x128xf32, #tpu.memory_space<hbm>>
        tpu.wait_indirect_dma semaphore(%arg13 : memref<!tpu.dma_semaphore, #tpu.memory_space<semaphore_mem>>) src(%dma_wait3A_251 : memref<10000x128xf32, #tpu.memory_space<hbm>>) dst(%arg9 : memref<64x128xf32, #tpu.memory_space<vmem>>)
        %run_scoped3A = arith.constant 0 : i32
        "tpu.region"() ({
          %run_scoped3A_258 = tpu.sem_alloc : memref<!tpu.dma_semaphore, #tpu.memory_space<semaphore_mem>>
          %dma_start3A_259 = arith.constant 0 : i32
          %dma_start3A_260 = tpu.memref_slice %arg8[%run_scoped3A, %dma_start3A_259] : memref<3x64xi32, #tpu.memory_space<vmem>> -> memref<1x64xi32, #tpu.memory_space<vmem>>
          %dma_start3A_261 = tpu.memref_squeeze %dma_start3A_260 : memref<1x64xi32, #tpu.memory_space<vmem>> -> memref<64xi32, #tpu.memory_space<vmem>>
          %dma_start3A_262 = arith.constant 0 : i32
          %dma_start3A_263 = arith.constant 0 : i32
          %dma_start3A_264 = tpu.memref_slice %arg12[%dma_start3A_262, %dma_start3A_263] : memref<10000x128xf32, #tpu.memory_space<vmem_shared>> -> memref<10000x128xf32, #tpu.memory_space<vmem_shared>>
          tpu.enqueue_indirect_dma source(%arg9 : memref<64x128xf32, #tpu.memory_space<vmem>>) target(%dma_start3A_264 : memref<10000x128xf32, #tpu.memory_space<vmem_shared>>) offsets(%dma_start3A_261 : memref<64xi32, #tpu.memory_space<vmem>>) semaphore(%run_scoped3A_258 : memref<!tpu.dma_semaphore, #tpu.memory_space<semaphore_mem>>) {add = true}
          %dma_wait3A_265 = arith.constant 0 : i32
          %dma_wait3A_266 = tpu.memref_slice %arg8[%run_scoped3A, %dma_wait3A_265] : memref<3x64xi32, #tpu.memory_space<vmem>> -> memref<1x64xi32, #tpu.memory_space<vmem>>
          %dma_wait3A_267 = tpu.memref_squeeze %dma_wait3A_266 : memref<1x64xi32, #tpu.memory_space<vmem>> -> memref<64xi32, #tpu.memory_space<vmem>>
          %dma_wait3A_268 = arith.constant 0 : i32
          %dma_wait3A_269 = arith.constant 0 : i32
          %dma_wait3A_270 = tpu.memref_slice %arg12[%dma_wait3A_268, %dma_wait3A_269] : memref<10000x128xf32, #tpu.memory_space<vmem_shared>> -> memref<10000x128xf32, #tpu.memory_space<vmem_shared>>
          tpu.wait_indirect_dma semaphore(%run_scoped3A_258 : memref<!tpu.dma_semaphore, #tpu.memory_space<semaphore_mem>>) src(%arg9 : memref<64x128xf32, #tpu.memory_space<vmem>>) dst(%dma_wait3A_270 : memref<10000x128xf32, #tpu.memory_space<vmem_shared>>)
          tpu.yield
        }) : () -> ()
        %add3A_252 = arith.constant 3 : i32
        %add3A_253 = arith.addi %while3A_227, %add3A_252 : i32
        %lt3A_254 = arith.cmpi slt, %add3A_253, %select_n3A : i32
        %convert_element_type3A_255 = arith.extui %lt3A_254 : i1 to i32
        %cond3A_256 = arith.constant 0 : i32
        %cond3A_257 = arith.cmpi ne, %convert_element_type3A_255, %cond3A_256 : i32
        scf.if %cond3A_257 {
          %add3A_258 = arith.constant 3 : i32
          %add3A_259 = arith.addi %while3A_227, %add3A_258 : i32
          %mul3A_260 = arith.constant 64 : i32
          %mul3A_261 = arith.muli %add3A_259, %mul3A_260 : i32
          %add3A_262 = arith.constant 0 : i32
          %add3A_263 = arith.addi %mul3A_261, %add3A_262 : i32
          %get3A_264 = arith.index_cast %add3A_263 : i32 to index
          %get3A_265 = tpu.vector_load %arg7[%get3A_264] {strides = array<i32>} : memref<10112xi32, #tpu.memory_space<vmem>>, vector<16xi32>,
          %get3A_266 = vector.shape_cast %get3A_265 : vector<16xi32> to vector<16xi32>
          %swap3A_267 = arith.constant 0 : i32
          %swap3A_268 = arith.index_cast %swap3A_267 : i32 to index
          %swap3A_269 = arith.constant 0 : index
          %swap3A_270 = tpu.vector_load %arg8[%swap3A_268, %swap3A_269] {strides = array<i32>} : memref<3x64xi32, #tpu.memory_space<vmem>>, vector<1x16xi32>,
          %swap3A_271 = vector.shape_cast %swap3A_270 : vector<1x16xi32> to vector<16xi32>
          %swap3A_272 = vector.shape_cast %get3A_266 : vector<16xi32> to vector<1x16xi32>
          tpu.vector_store %arg8[%swap3A_268, %swap3A_269], %swap3A_272 {strides = array<i32>} : memref<3x64xi32, #tpu.memory_space<vmem>>, vector<1x16xi32>,
          %add3A_273 = arith.constant 16 : i32
          %add3A_274 = arith.addi %mul3A_261, %add3A_273 : i32
          %get3A_275 = arith.index_cast %add3A_274 : i32 to index
          %get3A_276 = tpu.vector_load %arg7[%get3A_275] {strides = array<i32>} : memref<10112xi32, #tpu.memory_space<vmem>>, vector<16xi32>,
          %get3A_277 = vector.shape_cast %get3A_276 : vector<16xi32> to vector<16xi32>
          %swap3A_278 = arith.constant 0 : i32
          %swap3A_279 = arith.index_cast %swap3A_278 : i32 to index
          %swap3A_280 = arith.constant 16 : index
          %swap3A_281 = tpu.vector_load %arg8[%swap3A_279, %swap3A_280] {strides = array<i32>} : memref<3x64xi32, #tpu.memory_space<vmem>>, vector<1x16xi32>,
          %swap3A_282 = vector.shape_cast %swap3A_281 : vector<1x16xi32> to vector<16xi32>
          %swap3A_283 = vector.shape_cast %get3A_277 : vector<16xi32> to vector<1x16xi32>
          tpu.vector_store %arg8[%swap3A_279, %swap3A_280], %swap3A_283 {strides = array<i32>} : memref<3x64xi32, #tpu.memory_space<vmem>>, vector<1x16xi32>,
          %add3A_284 = arith.constant 32 : i32
          %add3A_285 = arith.addi %mul3A_261, %add3A_284 : i32
          %get3A_286 = arith.index_cast %add3A_285 : i32 to index
          %get3A_287 = tpu.vector_load %arg7[%get3A_286] {strides = array<i32>} : memref<10112xi32, #tpu.memory_space<vmem>>, vector<16xi32>,
          %get3A_288 = vector.shape_cast %get3A_287 : vector<16xi32> to vector<16xi32>
          %swap3A_289 = arith.constant 0 : i32
          %swap3A_290 = arith.index_cast %swap3A_289 : i32 to index
          %swap3A_291 = arith.constant 32 : index
          %swap3A_292 = tpu.vector_load %arg8[%swap3A_290, %swap3A_291] {strides = array<i32>} : memref<3x64xi32, #tpu.memory_space<vmem>>, vector<1x16xi32>,
          %swap3A_293 = vector.shape_cast %swap3A_292 : vector<1x16xi32> to vector<16xi32>
          %swap3A_294 = vector.shape_cast %get3A_288 : vector<16xi32> to vector<1x16xi32>
          tpu.vector_store %arg8[%swap3A_290, %swap3A_291], %swap3A_294 {strides = array<i32>} : memref<3x64xi32, #tpu.memory_space<vmem>>, vector<1x16xi32>,
          %add3A_295 = arith.constant 48 : i32
          %add3A_296 = arith.addi %mul3A_261, %add3A_295 : i32
          %get3A_297 = arith.index_cast %add3A_296 : i32 to index
          %get3A_298 = tpu.vector_load %arg7[%get3A_297] {strides = array<i32>} : memref<10112xi32, #tpu.memory_space<vmem>>, vector<16xi32>,
          %get3A_299 = vector.shape_cast %get3A_298 : vector<16xi32> to vector<16xi32>
          %swap3A_300 = arith.constant 0 : i32
          %swap3A_301 = arith.index_cast %swap3A_300 : i32 to index
          %swap3A_302 = arith.constant 48 : index
          %swap3A_303 = tpu.vector_load %arg8[%swap3A_301, %swap3A_302] {strides = array<i32>} : memref<3x64xi32, #tpu.memory_space<vmem>>, vector<1x16xi32>,
          %swap3A_304 = vector.shape_cast %swap3A_303 : vector<1x16xi32> to vector<16xi32>
          %swap3A_305 = vector.shape_cast %get3A_299 : vector<16xi32> to vector<1x16xi32>
          tpu.vector_store %arg8[%swap3A_301, %swap3A_302], %swap3A_305 {strides = array<i32>} : memref<3x64xi32, #tpu.memory_space<vmem>>, vector<1x16xi32>,
          %add3A_306 = arith.constant 3 : i32
          %add3A_307 = arith.addi %while3A_227, %add3A_306 : i32
          %mul3A_308 = arith.constant 64 : i32
          %mul3A_309 = arith.muli %add3A_307, %mul3A_308 : i32
          %dma_start3A_310 = tpu.memref_slice %arg6[%mul3A_309] : memref<10112xi32, #tpu.memory_space<vmem>> -> memref<64xi32, #tpu.memory_space<vmem>>
          %dma_start3A_311 = arith.constant 0 : i32
          %dma_start3A_312 = arith.constant 0 : i32
          %dma_start3A_313 = tpu.memref_slice %arg2[%dma_start3A_311, %dma_start3A_312] : memref<10000x128xf32, #tpu.memory_space<hbm>> -> memref<10000x128xf32, #tpu.memory_space<hbm>>
          tpu.enqueue_indirect_dma source(%dma_start3A_313 : memref<10000x128xf32, #tpu.memory_space<hbm>>) target(%arg9 : memref<64x128xf32, #tpu.memory_space<vmem>>) offsets(%dma_start3A_310 : memref<64xi32, #tpu.memory_space<vmem>>) semaphore(%arg13 : memref<!tpu.dma_semaphore, #tpu.memory_space<semaphore_mem>>)
        } else {
        }
      } else {
      }
      %rem3A_234 = arith.constant 3 : i32
      %rem3A_235 = arith.remsi %while3A_227, %rem3A_234 : i32
      %eq3A_236 = arith.constant 1 : i32
      %eq3A_237 = arith.cmpi eq, %rem3A_235, %eq3A_236 : i32
      %convert_element_type3A_238 = arith.extui %eq3A_237 : i1 to i32
      %cond3A_239 = arith.constant 0 : i32
      %cond3A_240 = arith.cmpi ne, %convert_element_type3A_238, %cond3A_239 : i32
      scf.if %cond3A_240 {
        %dma_wait3A = arith.constant 0 : i32
        %dma_wait3A_248 = tpu.memref_slice %arg6[%dma_wait3A] : memref<10112xi32, #tpu.memory_space<vmem>> -> memref<64xi32, #tpu.memory_space<vmem>>
        %dma_wait3A_249 = arith.constant 0 : i32
        %dma_wait3A_250 = arith.constant 0 : i32
        %dma_wait3A_251 = tpu.memref_slice %arg2[%dma_wait3A_249, %dma_wait3A_250] : memref<10000x128xf32, #tpu.memory_space<hbm>> -> memref<10000x128xf32, #tpu.memory_space<hbm>>
        tpu.wait_indirect_dma semaphore(%arg14 : memref<!tpu.dma_semaphore, #tpu.memory_space<semaphore_mem>>) src(%dma_wait3A_251 : memref<10000x128xf32, #tpu.memory_space<hbm>>) dst(%arg10 : memref<64x128xf32, #tpu.memory_space<vmem>>)
        %run_scoped3A = arith.constant 1 : i32
        "tpu.region"() ({
          %run_scoped3A_258 = tpu.sem_alloc : memref<!tpu.dma_semaphore, #tpu.memory_space<semaphore_mem>>
          %dma_start3A_259 = arith.constant 0 : i32
          %dma_start3A_260 = tpu.memref_slice %arg8[%run_scoped3A, %dma_start3A_259] : memref<3x64xi32, #tpu.memory_space<vmem>> -> memref<1x64xi32, #tpu.memory_space<vmem>>
          %dma_start3A_261 = tpu.memref_squeeze %dma_start3A_260 : memref<1x64xi32, #tpu.memory_space<vmem>> -> memref<64xi32, #tpu.memory_space<vmem>>
          %dma_start3A_262 = arith.constant 0 : i32
          %dma_start3A_263 = arith.constant 0 : i32
          %dma_start3A_264 = tpu.memref_slice %arg12[%dma_start3A_262, %dma_start3A_263] : memref<10000x128xf32, #tpu.memory_space<vmem_shared>> -> memref<10000x128xf32, #tpu.memory_space<vmem_shared>>
          tpu.enqueue_indirect_dma source(%arg10 : memref<64x128xf32, #tpu.memory_space<vmem>>) target(%dma_start3A_264 : memref<10000x128xf32, #tpu.memory_space<vmem_shared>>) offsets(%dma_start3A_261 : memref<64xi32, #tpu.memory_space<vmem>>) semaphore(%run_scoped3A_258 : memref<!tpu.dma_semaphore, #tpu.memory_space<semaphore_mem>>) {add = true}
          %dma_wait3A_265 = arith.constant 0 : i32
          %dma_wait3A_266 = tpu.memref_slice %arg8[%run_scoped3A, %dma_wait3A_265] : memref<3x64xi32, #tpu.memory_space<vmem>> -> memref<1x64xi32, #tpu.memory_space<vmem>>
          %dma_wait3A_267 = tpu.memref_squeeze %dma_wait3A_266 : memref<1x64xi32, #tpu.memory_space<vmem>> -> memref<64xi32, #tpu.memory_space<vmem>>
          %dma_wait3A_268 = arith.constant 0 : i32
          %dma_wait3A_269 = arith.constant 0 : i32
          %dma_wait3A_270 = tpu.memref_slice %arg12[%dma_wait3A_268, %dma_wait3A_269] : memref<10000x128xf32, #tpu.memory_space<vmem_shared>> -> memref<10000x128xf32, #tpu.memory_space<vmem_shared>>
          tpu.wait_indirect_dma semaphore(%run_scoped3A_258 : memref<!tpu.dma_semaphore, #tpu.memory_space<semaphore_mem>>) src(%arg10 : memref<64x128xf32, #tpu.memory_space<vmem>>) dst(%dma_wait3A_270 : memref<10000x128xf32, #tpu.memory_space<vmem_shared>>)
          tpu.yield
        }) : () -> ()
        %add3A_252 = arith.constant 3 : i32
        %add3A_253 = arith.addi %while3A_227, %add3A_252 : i32
        %lt3A_254 = arith.cmpi slt, %add3A_253, %select_n3A : i32
        %convert_element_type3A_255 = arith.extui %lt3A_254 : i1 to i32
        %cond3A_256 = arith.constant 0 : i32
        %cond3A_257 = arith.cmpi ne, %convert_element_type3A_255, %cond3A_256 : i32
        scf.if %cond3A_257 {
          %add3A_258 = arith.constant 3 : i32
          %add3A_259 = arith.addi %while3A_227, %add3A_258 : i32
          %mul3A_260 = arith.constant 64 : i32
          %mul3A_261 = arith.muli %add3A_259, %mul3A_260 : i32
          %add3A_262 = arith.constant 0 : i32
          %add3A_263 = arith.addi %mul3A_261, %add3A_262 : i32
          %get3A_264 = arith.index_cast %add3A_263 : i32 to index
          %get3A_265 = tpu.vector_load %arg7[%get3A_264] {strides = array<i32>} : memref<10112xi32, #tpu.memory_space<vmem>>, vector<16xi32>,
          %get3A_266 = vector.shape_cast %get3A_265 : vector<16xi32> to vector<16xi32>
          %swap3A_267 = arith.constant 1 : i32
          %swap3A_268 = arith.index_cast %swap3A_267 : i32 to index
          %swap3A_269 = arith.constant 0 : index
          %swap3A_270 = tpu.vector_load %arg8[%swap3A_268, %swap3A_269] {strides = array<i32>} : memref<3x64xi32, #tpu.memory_space<vmem>>, vector<1x16xi32>,
          %swap3A_271 = vector.shape_cast %swap3A_270 : vector<1x16xi32> to vector<16xi32>
          %swap3A_272 = vector.shape_cast %get3A_266 : vector<16xi32> to vector<1x16xi32>
          tpu.vector_store %arg8[%swap3A_268, %swap3A_269], %swap3A_272 {strides = array<i32>} : memref<3x64xi32, #tpu.memory_space<vmem>>, vector<1x16xi32>,
          %add3A_273 = arith.constant 16 : i32
          %add3A_274 = arith.addi %mul3A_261, %add3A_273 : i32
          %get3A_275 = arith.index_cast %add3A_274 : i32 to index
          %get3A_276 = tpu.vector_load %arg7[%get3A_275] {strides = array<i32>} : memref<10112xi32, #tpu.memory_space<vmem>>, vector<16xi32>,
          %get3A_277 = vector.shape_cast %get3A_276 : vector<16xi32> to vector<16xi32>
          %swap3A_278 = arith.constant 1 : i32
          %swap3A_279 = arith.index_cast %swap3A_278 : i32 to index
          %swap3A_280 = arith.constant 16 : index
          %swap3A_281 = tpu.vector_load %arg8[%swap3A_279, %swap3A_280] {strides = array<i32>} : memref<3x64xi32, #tpu.memory_space<vmem>>, vector<1x16xi32>,
          %swap3A_282 = vector.shape_cast %swap3A_281 : vector<1x16xi32> to vector<16xi32>
          %swap3A_283 = vector.shape_cast %get3A_277 : vector<16xi32> to vector<1x16xi32>
          tpu.vector_store %arg8[%swap3A_279, %swap3A_280], %swap3A_283 {strides = array<i32>} : memref<3x64xi32, #tpu.memory_space<vmem>>, vector<1x16xi32>,
          %add3A_284 = arith.constant 32 : i32
          %add3A_285 = arith.addi %mul3A_261, %add3A_284 : i32
          %get3A_286 = arith.index_cast %add3A_285 : i32 to index
          %get3A_287 = tpu.vector_load %arg7[%get3A_286] {strides = array<i32>} : memref<10112xi32, #tpu.memory_space<vmem>>, vector<16xi32>,
          %get3A_288 = vector.shape_cast %get3A_287 : vector<16xi32> to vector<16xi32>
          %swap3A_289 = arith.constant 1 : i32
          %swap3A_290 = arith.index_cast %swap3A_289 : i32 to index
          %swap3A_291 = arith.constant 32 : index
          %swap3A_292 = tpu.vector_load %arg8[%swap3A_290, %swap3A_291] {strides = array<i32>} : memref<3x64xi32, #tpu.memory_space<vmem>>, vector<1x16xi32>,
          %swap3A_293 = vector.shape_cast %swap3A_292 : vector<1x16xi32> to vector<16xi32>
          %swap3A_294 = vector.shape_cast %get3A_288 : vector<16xi32> to vector<1x16xi32>
          tpu.vector_store %arg8[%swap3A_290, %swap3A_291], %swap3A_294 {strides = array<i32>} : memref<3x64xi32, #tpu.memory_space<vmem>>, vector<1x16xi32>,
          %add3A_295 = arith.constant 48 : i32
          %add3A_296 = arith.addi %mul3A_261, %add3A_295 : i32
          %get3A_297 = arith.index_cast %add3A_296 : i32 to index
          %get3A_298 = tpu.vector_load %arg7[%get3A_297] {strides = array<i32>} : memref<10112xi32, #tpu.memory_space<vmem>>, vector<16xi32>,
          %get3A_299 = vector.shape_cast %get3A_298 : vector<16xi32> to vector<16xi32>
          %swap3A_300 = arith.constant 1 : i32
          %swap3A_301 = arith.index_cast %swap3A_300 : i32 to index
          %swap3A_302 = arith.constant 48 : index
          %swap3A_303 = tpu.vector_load %arg8[%swap3A_301, %swap3A_302] {strides = array<i32>} : memref<3x64xi32, #tpu.memory_space<vmem>>, vector<1x16xi32>,
          %swap3A_304 = vector.shape_cast %swap3A_303 : vector<1x16xi32> to vector<16xi32>
          %swap3A_305 = vector.shape_cast %get3A_299 : vector<16xi32> to vector<1x16xi32>
          tpu.vector_store %arg8[%swap3A_301, %swap3A_302], %swap3A_305 {strides = array<i32>} : memref<3x64xi32, #tpu.memory_space<vmem>>, vector<1x16xi32>,
          %add3A_306 = arith.constant 3 : i32
          %add3A_307 = arith.addi %while3A_227, %add3A_306 : i32
          %mul3A_308 = arith.constant 64 : i32
          %mul3A_309 = arith.muli %add3A_307, %mul3A_308 : i32
          %dma_start3A_310 = tpu.memref_slice %arg6[%mul3A_309] : memref<10112xi32, #tpu.memory_space<vmem>> -> memref<64xi32, #tpu.memory_space<vmem>>
          %dma_start3A_311 = arith.constant 0 : i32
          %dma_start3A_312 = arith.constant 0 : i32
          %dma_start3A_313 = tpu.memref_slice %arg2[%dma_start3A_311, %dma_start3A_312] : memref<10000x128xf32, #tpu.memory_space<hbm>> -> memref<10000x128xf32, #tpu.memory_space<hbm>>
          tpu.enqueue_indirect_dma source(%dma_start3A_313 : memref<10000x128xf32, #tpu.memory_space<hbm>>) target(%arg10 : memref<64x128xf32, #tpu.memory_space<vmem>>) offsets(%dma_start3A_310 : memref<64xi32, #tpu.memory_space<vmem>>) semaphore(%arg14 : memref<!tpu.dma_semaphore, #tpu.memory_space<semaphore_mem>>)
        } else {
        }
      } else {
      }
      %rem3A_241 = arith.constant 3 : i32
      %rem3A_242 = arith.remsi %while3A_227, %rem3A_241 : i32
      %eq3A_243 = arith.constant 2 : i32
      %eq3A_244 = arith.cmpi eq, %rem3A_242, %eq3A_243 : i32
      %convert_element_type3A_245 = arith.extui %eq3A_244 : i1 to i32
      %cond3A_246 = arith.constant 0 : i32
      %cond3A_247 = arith.cmpi ne, %convert_element_type3A_245, %cond3A_246 : i32
      scf.if %cond3A_247 {
        %dma_wait3A = arith.constant 0 : i32
        %dma_wait3A_248 = tpu.memref_slice %arg6[%dma_wait3A] : memref<10112xi32, #tpu.memory_space<vmem>> -> memref<64xi32, #tpu.memory_space<vmem>>
        %dma_wait3A_249 = arith.constant 0 : i32
        %dma_wait3A_250 = arith.constant 0 : i32
        %dma_wait3A_251 = tpu.memref_slice %arg2[%dma_wait3A_249, %dma_wait3A_250] : memref<10000x128xf32, #tpu.memory_space<hbm>> -> memref<10000x128xf32, #tpu.memory_space<hbm>>
        tpu.wait_indirect_dma semaphore(%arg15 : memref<!tpu.dma_semaphore, #tpu.memory_space<semaphore_mem>>) src(%dma_wait3A_251 : memref<10000x128xf32, #tpu.memory_space<hbm>>) dst(%arg11 : memref<64x128xf32, #tpu.memory_space<vmem>>)
        %run_scoped3A = arith.constant 2 : i32
        "tpu.region"() ({
          %run_scoped3A_258 = tpu.sem_alloc : memref<!tpu.dma_semaphore, #tpu.memory_space<semaphore_mem>>
          %dma_start3A_259 = arith.constant 0 : i32
          %dma_start3A_260 = tpu.memref_slice %arg8[%run_scoped3A, %dma_start3A_259] : memref<3x64xi32, #tpu.memory_space<vmem>> -> memref<1x64xi32, #tpu.memory_space<vmem>>
          %dma_start3A_261 = tpu.memref_squeeze %dma_start3A_260 : memref<1x64xi32, #tpu.memory_space<vmem>> -> memref<64xi32, #tpu.memory_space<vmem>>
          %dma_start3A_262 = arith.constant 0 : i32
          %dma_start3A_263 = arith.constant 0 : i32
          %dma_start3A_264 = tpu.memref_slice %arg12[%dma_start3A_262, %dma_start3A_263] : memref<10000x128xf32, #tpu.memory_space<vmem_shared>> -> memref<10000x128xf32, #tpu.memory_space<vmem_shared>>
          tpu.enqueue_indirect_dma source(%arg11 : memref<64x128xf32, #tpu.memory_space<vmem>>) target(%dma_start3A_264 : memref<10000x128xf32, #tpu.memory_space<vmem_shared>>) offsets(%dma_start3A_261 : memref<64xi32, #tpu.memory_space<vmem>>) semaphore(%run_scoped3A_258 : memref<!tpu.dma_semaphore, #tpu.memory_space<semaphore_mem>>) {add = true}
          %dma_wait3A_265 = arith.constant 0 : i32
          %dma_wait3A_266 = tpu.memref_slice %arg8[%run_scoped3A, %dma_wait3A_265] : memref<3x64xi32, #tpu.memory_space<vmem>> -> memref<1x64xi32, #tpu.memory_space<vmem>>
          %dma_wait3A_267 = tpu.memref_squeeze %dma_wait3A_266 : memref<1x64xi32, #tpu.memory_space<vmem>> -> memref<64xi32, #tpu.memory_space<vmem>>
          %dma_wait3A_268 = arith.constant 0 : i32
          %dma_wait3A_269 = arith.constant 0 : i32
          %dma_wait3A_270 = tpu.memref_slice %arg12[%dma_wait3A_268, %dma_wait3A_269] : memref<10000x128xf32, #tpu.memory_space<vmem_shared>> -> memref<10000x128xf32, #tpu.memory_space<vmem_shared>>
          tpu.wait_indirect_dma semaphore(%run_scoped3A_258 : memref<!tpu.dma_semaphore, #tpu.memory_space<semaphore_mem>>) src(%arg11 : memref<64x128xf32, #tpu.memory_space<vmem>>) dst(%dma_wait3A_270 : memref<10000x128xf32, #tpu.memory_space<vmem_shared>>)
          tpu.yield
        }) : () -> ()
        %add3A_252 = arith.constant 3 : i32
        %add3A_253 = arith.addi %while3A_227, %add3A_252 : i32
        %lt3A_254 = arith.cmpi slt, %add3A_253, %select_n3A : i32
        %convert_element_type3A_255 = arith.extui %lt3A_254 : i1 to i32
        %cond3A_256 = arith.constant 0 : i32
        %cond3A_257 = arith.cmpi ne, %convert_element_type3A_255, %cond3A_256 : i32
        scf.if %cond3A_257 {
          %add3A_258 = arith.constant 3 : i32
          %add3A_259 = arith.addi %while3A_227, %add3A_258 : i32
          %mul3A_260 = arith.constant 64 : i32
          %mul3A_261 = arith.muli %add3A_259, %mul3A_260 : i32
          %add3A_262 = arith.constant 0 : i32
          %add3A_263 = arith.addi %mul3A_261, %add3A_262 : i32
          %get3A_264 = arith.index_cast %add3A_263 : i32 to index
          %get3A_265 = tpu.vector_load %arg7[%get3A_264] {strides = array<i32>} : memref<10112xi32, #tpu.memory_space<vmem>>, vector<16xi32>,
          %get3A_266 = vector.shape_cast %get3A_265 : vector<16xi32> to vector<16xi32>
          %swap3A_267 = arith.constant 2 : i32
          %swap3A_268 = arith.index_cast %swap3A_267 : i32 to index
          %swap3A_269 = arith.constant 0 : index
          %swap3A_270 = tpu.vector_load %arg8[%swap3A_268, %swap3A_269] {strides = array<i32>} : memref<3x64xi32, #tpu.memory_space<vmem>>, vector<1x16xi32>,
          %swap3A_271 = vector.shape_cast %swap3A_270 : vector<1x16xi32> to vector<16xi32>
          %swap3A_272 = vector.shape_cast %get3A_266 : vector<16xi32> to vector<1x16xi32>
          tpu.vector_store %arg8[%swap3A_268, %swap3A_269], %swap3A_272 {strides = array<i32>} : memref<3x64xi32, #tpu.memory_space<vmem>>, vector<1x16xi32>,
          %add3A_273 = arith.constant 16 : i32
          %add3A_274 = arith.addi %mul3A_261, %add3A_273 : i32
          %get3A_275 = arith.index_cast %add3A_274 : i32 to index
          %get3A_276 = tpu.vector_load %arg7[%get3A_275] {strides = array<i32>} : memref<10112xi32, #tpu.memory_space<vmem>>, vector<16xi32>,
          %get3A_277 = vector.shape_cast %get3A_276 : vector<16xi32> to vector<16xi32>
          %swap3A_278 = arith.constant 2 : i32
          %swap3A_279 = arith.index_cast %swap3A_278 : i32 to index
          %swap3A_280 = arith.constant 16 : index
          %swap3A_281 = tpu.vector_load %arg8[%swap3A_279, %swap3A_280] {strides = array<i32>} : memref<3x64xi32, #tpu.memory_space<vmem>>, vector<1x16xi32>,
          %swap3A_282 = vector.shape_cast %swap3A_281 : vector<1x16xi32> to vector<16xi32>
          %swap3A_283 = vector.shape_cast %get3A_277 : vector<16xi32> to vector<1x16xi32>
          tpu.vector_store %arg8[%swap3A_279, %swap3A_280], %swap3A_283 {strides = array<i32>} : memref<3x64xi32, #tpu.memory_space<vmem>>, vector<1x16xi32>,
          %add3A_284 = arith.constant 32 : i32
          %add3A_285 = arith.addi %mul3A_261, %add3A_284 : i32
          %get3A_286 = arith.index_cast %add3A_285 : i32 to index
          %get3A_287 = tpu.vector_load %arg7[%get3A_286] {strides = array<i32>} : memref<10112xi32, #tpu.memory_space<vmem>>, vector<16xi32>,
          %get3A_288 = vector.shape_cast %get3A_287 : vector<16xi32> to vector<16xi32>
          %swap3A_289 = arith.constant 2 : i32
          %swap3A_290 = arith.index_cast %swap3A_289 : i32 to index
          %swap3A_291 = arith.constant 32 : index
          %swap3A_292 = tpu.vector_load %arg8[%swap3A_290, %swap3A_291] {strides = array<i32>} : memref<3x64xi32, #tpu.memory_space<vmem>>, vector<1x16xi32>,
          %swap3A_293 = vector.shape_cast %swap3A_292 : vector<1x16xi32> to vector<16xi32>
          %swap3A_294 = vector.shape_cast %get3A_288 : vector<16xi32> to vector<1x16xi32>
          tpu.vector_store %arg8[%swap3A_290, %swap3A_291], %swap3A_294 {strides = array<i32>} : memref<3x64xi32, #tpu.memory_space<vmem>>, vector<1x16xi32>,
          %add3A_295 = arith.constant 48 : i32
          %add3A_296 = arith.addi %mul3A_261, %add3A_295 : i32
          %get3A_297 = arith.index_cast %add3A_296 : i32 to index
          %get3A_298 = tpu.vector_load %arg7[%get3A_297] {strides = array<i32>} : memref<10112xi32, #tpu.memory_space<vmem>>, vector<16xi32>,
          %get3A_299 = vector.shape_cast %get3A_298 : vector<16xi32> to vector<16xi32>
          %swap3A_300 = arith.constant 2 : i32
          %swap3A_301 = arith.index_cast %swap3A_300 : i32 to index
          %swap3A_302 = arith.constant 48 : index
          %swap3A_303 = tpu.vector_load %arg8[%swap3A_301, %swap3A_302] {strides = array<i32>} : memref<3x64xi32, #tpu.memory_space<vmem>>, vector<1x16xi32>,
          %swap3A_304 = vector.shape_cast %swap3A_303 : vector<1x16xi32> to vector<16xi32>
          %swap3A_305 = vector.shape_cast %get3A_299 : vector<16xi32> to vector<1x16xi32>
          tpu.vector_store %arg8[%swap3A_301, %swap3A_302], %swap3A_305 {strides = array<i32>} : memref<3x64xi32, #tpu.memory_space<vmem>>, vector<1x16xi32>,
          %add3A_306 = arith.constant 3 : i32
          %add3A_307 = arith.addi %while3A_227, %add3A_306 : i32
          %mul3A_308 = arith.constant 64 : i32
          %mul3A_309 = arith.muli %add3A_307, %mul3A_308 : i32
          %dma_start3A_310 = tpu.memref_slice %arg6[%mul3A_309] : memref<10112xi32, #tpu.memory_space<vmem>> -> memref<64xi32, #tpu.memory_space<vmem>>
          %dma_start3A_311 = arith.constant 0 : i32
          %dma_start3A_312 = arith.constant 0 : i32
          %dma_start3A_313 = tpu.memref_slice %arg2[%dma_start3A_311, %dma_start3A_312] : memref<10000x128xf32, #tpu.memory_space<hbm>> -> memref<10000x128xf32, #tpu.memory_space<hbm>>
          tpu.enqueue_indirect_dma source(%dma_start3A_313 : memref<10000x128xf32, #tpu.memory_space<hbm>>) target(%arg11 : memref<64x128xf32, #tpu.memory_space<vmem>>) offsets(%dma_start3A_310 : memref<64xi32, #tpu.memory_space<vmem>>) semaphore(%arg15 : memref<!tpu.dma_semaphore, #tpu.memory_space<semaphore_mem>>)
        } else {
        }
      } else {
      }
    }
    %while3A_191 = arith.constant 1 : i32
    scf.for %while3A_227 = %while3A_189 to %while3A_185 step %while3A_191  : i32 {
      %rem3A = arith.constant 3 : i32
      %rem3A_228 = arith.remsi %while3A_227, %rem3A : i32
      %eq3A_229 = arith.constant 0 : i32
      %eq3A_230 = arith.cmpi eq, %rem3A_228, %eq3A_229 : i32
      %convert_element_type3A_231 = arith.extui %eq3A_230 : i1 to i32
      %cond3A_232 = arith.constant 0 : i32
      %cond3A_233 = arith.cmpi ne, %convert_element_type3A_231, %cond3A_232 : i32
      scf.if %cond3A_233 {
        %dma_wait3A = arith.constant 0 : i32
        %dma_wait3A_248 = tpu.memref_slice %arg6[%dma_wait3A] : memref<10112xi32, #tpu.memory_space<vmem>> -> memref<64xi32, #tpu.memory_space<vmem>>
        %dma_wait3A_249 = arith.constant 0 : i32
        %dma_wait3A_250 = arith.constant 0 : i32
        %dma_wait3A_251 = tpu.memref_slice %arg2[%dma_wait3A_249, %dma_wait3A_250] : memref<10000x128xf32, #tpu.memory_space<hbm>> -> memref<10000x128xf32, #tpu.memory_space<hbm>>
        tpu.wait_indirect_dma semaphore(%arg13 : memref<!tpu.dma_semaphore, #tpu.memory_space<semaphore_mem>>) src(%dma_wait3A_251 : memref<10000x128xf32, #tpu.memory_space<hbm>>) dst(%arg9 : memref<64x128xf32, #tpu.memory_space<vmem>>)
        %run_scoped3A = arith.constant 0 : i32
        "tpu.region"() ({
          %run_scoped3A_258 = tpu.sem_alloc : memref<!tpu.dma_semaphore, #tpu.memory_space<semaphore_mem>>
          %dma_start3A_259 = arith.constant 0 : i32
          %dma_start3A_260 = tpu.memref_slice %arg8[%run_scoped3A, %dma_start3A_259] : memref<3x64xi32, #tpu.memory_space<vmem>> -> memref<1x64xi32, #tpu.memory_space<vmem>>
          %dma_start3A_261 = tpu.memref_squeeze %dma_start3A_260 : memref<1x64xi32, #tpu.memory_space<vmem>> -> memref<64xi32, #tpu.memory_space<vmem>>
          %dma_start3A_262 = arith.constant 0 : i32
          %dma_start3A_263 = arith.constant 0 : i32
          %dma_start3A_264 = tpu.memref_slice %arg12[%dma_start3A_262, %dma_start3A_263] : memref<10000x128xf32, #tpu.memory_space<vmem_shared>> -> memref<10000x128xf32, #tpu.memory_space<vmem_shared>>
          tpu.enqueue_indirect_dma source(%arg9 : memref<64x128xf32, #tpu.memory_space<vmem>>) target(%dma_start3A_264 : memref<10000x128xf32, #tpu.memory_space<vmem_shared>>) offsets(%dma_start3A_261 : memref<64xi32, #tpu.memory_space<vmem>>) semaphore(%run_scoped3A_258 : memref<!tpu.dma_semaphore, #tpu.memory_space<semaphore_mem>>) {add = true}
          %dma_wait3A_265 = arith.constant 0 : i32
          %dma_wait3A_266 = tpu.memref_slice %arg8[%run_scoped3A, %dma_wait3A_265] : memref<3x64xi32, #tpu.memory_space<vmem>> -> memref<1x64xi32, #tpu.memory_space<vmem>>
          %dma_wait3A_267 = tpu.memref_squeeze %dma_wait3A_266 : memref<1x64xi32, #tpu.memory_space<vmem>> -> memref<64xi32, #tpu.memory_space<vmem>>
          %dma_wait3A_268 = arith.constant 0 : i32
          %dma_wait3A_269 = arith.constant 0 : i32
          %dma_wait3A_270 = tpu.memref_slice %arg12[%dma_wait3A_268, %dma_wait3A_269] : memref<10000x128xf32, #tpu.memory_space<vmem_shared>> -> memref<10000x128xf32, #tpu.memory_space<vmem_shared>>
          tpu.wait_indirect_dma semaphore(%run_scoped3A_258 : memref<!tpu.dma_semaphore, #tpu.memory_space<semaphore_mem>>) src(%arg9 : memref<64x128xf32, #tpu.memory_space<vmem>>) dst(%dma_wait3A_270 : memref<10000x128xf32, #tpu.memory_space<vmem_shared>>)
          tpu.yield
        }) : () -> ()
        %add3A_252 = arith.constant 3 : i32
        %add3A_253 = arith.addi %while3A_227, %add3A_252 : i32
        %lt3A_254 = arith.cmpi slt, %add3A_253, %select_n3A : i32
        %convert_element_type3A_255 = arith.extui %lt3A_254 : i1 to i32
        %cond3A_256 = arith.constant 0 : i32
        %cond3A_257 = arith.cmpi ne, %convert_element_type3A_255, %cond3A_256 : i32
        scf.if %cond3A_257 {
          %add3A_258 = arith.constant 3 : i32
          %add3A_259 = arith.addi %while3A_227, %add3A_258 : i32
          %mul3A_260 = arith.constant 64 : i32
          %mul3A_261 = arith.muli %add3A_259, %mul3A_260 : i32
          %add3A_262 = arith.constant 0 : i32
          %add3A_263 = arith.addi %mul3A_261, %add3A_262 : i32
          %get3A_264 = arith.index_cast %add3A_263 : i32 to index
          %get3A_265 = tpu.vector_load %arg7[%get3A_264] {strides = array<i32>} : memref<10112xi32, #tpu.memory_space<vmem>>, vector<16xi32>,
          %get3A_266 = vector.shape_cast %get3A_265 : vector<16xi32> to vector<16xi32>
          %swap3A_267 = arith.constant 0 : i32
          %swap3A_268 = arith.index_cast %swap3A_267 : i32 to index
          %swap3A_269 = arith.constant 0 : index
          %swap3A_270 = tpu.vector_load %arg8[%swap3A_268, %swap3A_269] {strides = array<i32>} : memref<3x64xi32, #tpu.memory_space<vmem>>, vector<1x16xi32>,
          %swap3A_271 = vector.shape_cast %swap3A_270 : vector<1x16xi32> to vector<16xi32>
          %swap3A_272 = vector.shape_cast %get3A_266 : vector<16xi32> to vector<1x16xi32>
          tpu.vector_store %arg8[%swap3A_268, %swap3A_269], %swap3A_272 {strides = array<i32>} : memref<3x64xi32, #tpu.memory_space<vmem>>, vector<1x16xi32>,
          %add3A_273 = arith.constant 16 : i32
          %add3A_274 = arith.addi %mul3A_261, %add3A_273 : i32
          %get3A_275 = arith.index_cast %add3A_274 : i32 to index
          %get3A_276 = tpu.vector_load %arg7[%get3A_275] {strides = array<i32>} : memref<10112xi32, #tpu.memory_space<vmem>>, vector<16xi32>,
          %get3A_277 = vector.shape_cast %get3A_276 : vector<16xi32> to vector<16xi32>
          %swap3A_278 = arith.constant 0 : i32
          %swap3A_279 = arith.index_cast %swap3A_278 : i32 to index
          %swap3A_280 = arith.constant 16 : index
          %swap3A_281 = tpu.vector_load %arg8[%swap3A_279, %swap3A_280] {strides = array<i32>} : memref<3x64xi32, #tpu.memory_space<vmem>>, vector<1x16xi32>,
          %swap3A_282 = vector.shape_cast %swap3A_281 : vector<1x16xi32> to vector<16xi32>
          %swap3A_283 = vector.shape_cast %get3A_277 : vector<16xi32> to vector<1x16xi32>
          tpu.vector_store %arg8[%swap3A_279, %swap3A_280], %swap3A_283 {strides = array<i32>} : memref<3x64xi32, #tpu.memory_space<vmem>>, vector<1x16xi32>,
          %add3A_284 = arith.constant 32 : i32
          %add3A_285 = arith.addi %mul3A_261, %add3A_284 : i32
          %get3A_286 = arith.index_cast %add3A_285 : i32 to index
          %get3A_287 = tpu.vector_load %arg7[%get3A_286] {strides = array<i32>} : memref<10112xi32, #tpu.memory_space<vmem>>, vector<16xi32>,
          %get3A_288 = vector.shape_cast %get3A_287 : vector<16xi32> to vector<16xi32>
          %swap3A_289 = arith.constant 0 : i32
          %swap3A_290 = arith.index_cast %swap3A_289 : i32 to index
          %swap3A_291 = arith.constant 32 : index
          %swap3A_292 = tpu.vector_load %arg8[%swap3A_290, %swap3A_291] {strides = array<i32>} : memref<3x64xi32, #tpu.memory_space<vmem>>, vector<1x16xi32>,
          %swap3A_293 = vector.shape_cast %swap3A_292 : vector<1x16xi32> to vector<16xi32>
          %swap3A_294 = vector.shape_cast %get3A_288 : vector<16xi32> to vector<1x16xi32>
          tpu.vector_store %arg8[%swap3A_290, %swap3A_291], %swap3A_294 {strides = array<i32>} : memref<3x64xi32, #tpu.memory_space<vmem>>, vector<1x16xi32>,
          %add3A_295 = arith.constant 48 : i32
          %add3A_296 = arith.addi %mul3A_261, %add3A_295 : i32
          %get3A_297 = arith.index_cast %add3A_296 : i32 to index
          %get3A_298 = tpu.vector_load %arg7[%get3A_297] {strides = array<i32>} : memref<10112xi32, #tpu.memory_space<vmem>>, vector<16xi32>,
          %get3A_299 = vector.shape_cast %get3A_298 : vector<16xi32> to vector<16xi32>
          %swap3A_300 = arith.constant 0 : i32
          %swap3A_301 = arith.index_cast %swap3A_300 : i32 to index
          %swap3A_302 = arith.constant 48 : index
          %swap3A_303 = tpu.vector_load %arg8[%swap3A_301, %swap3A_302] {strides = array<i32>} : memref<3x64xi32, #tpu.memory_space<vmem>>, vector<1x16xi32>,
          %swap3A_304 = vector.shape_cast %swap3A_303 : vector<1x16xi32> to vector<16xi32>
          %swap3A_305 = vector.shape_cast %get3A_299 : vector<16xi32> to vector<1x16xi32>
          tpu.vector_store %arg8[%swap3A_301, %swap3A_302], %swap3A_305 {strides = array<i32>} : memref<3x64xi32, #tpu.memory_space<vmem>>, vector<1x16xi32>,
          %add3A_306 = arith.constant 3 : i32
          %add3A_307 = arith.addi %while3A_227, %add3A_306 : i32
          %mul3A_308 = arith.constant 64 : i32
          %mul3A_309 = arith.muli %add3A_307, %mul3A_308 : i32
          %dma_start3A_310 = tpu.memref_slice %arg6[%mul3A_309] : memref<10112xi32, #tpu.memory_space<vmem>> -> memref<64xi32, #tpu.memory_space<vmem>>
          %dma_start3A_311 = arith.constant 0 : i32
          %dma_start3A_312 = arith.constant 0 : i32
          %dma_start3A_313 = tpu.memref_slice %arg2[%dma_start3A_311, %dma_start3A_312] : memref<10000x128xf32, #tpu.memory_space<hbm>> -> memref<10000x128xf32, #tpu.memory_space<hbm>>
          tpu.enqueue_indirect_dma source(%dma_start3A_313 : memref<10000x128xf32, #tpu.memory_space<hbm>>) target(%arg9 : memref<64x128xf32, #tpu.memory_space<vmem>>) offsets(%dma_start3A_310 : memref<64xi32, #tpu.memory_space<vmem>>) semaphore(%arg13 : memref<!tpu.dma_semaphore, #tpu.memory_space<semaphore_mem>>)
        } else {
        }
      } else {
      }
      %rem3A_234 = arith.constant 3 : i32
      %rem3A_235 = arith.remsi %while3A_227, %rem3A_234 : i32
      %eq3A_236 = arith.constant 1 : i32
      %eq3A_237 = arith.cmpi eq, %rem3A_235, %eq3A_236 : i32
      %convert_element_type3A_238 = arith.extui %eq3A_237 : i1 to i32
      %cond3A_239 = arith.constant 0 : i32
      %cond3A_240 = arith.cmpi ne, %convert_element_type3A_238, %cond3A_239 : i32
      scf.if %cond3A_240 {
        %dma_wait3A = arith.constant 0 : i32
        %dma_wait3A_248 = tpu.memref_slice %arg6[%dma_wait3A] : memref<10112xi32, #tpu.memory_space<vmem>> -> memref<64xi32, #tpu.memory_space<vmem>>
        %dma_wait3A_249 = arith.constant 0 : i32
        %dma_wait3A_250 = arith.constant 0 : i32
        %dma_wait3A_251 = tpu.memref_slice %arg2[%dma_wait3A_249, %dma_wait3A_250] : memref<10000x128xf32, #tpu.memory_space<hbm>> -> memref<10000x128xf32, #tpu.memory_space<hbm>>
        tpu.wait_indirect_dma semaphore(%arg14 : memref<!tpu.dma_semaphore, #tpu.memory_space<semaphore_mem>>) src(%dma_wait3A_251 : memref<10000x128xf32, #tpu.memory_space<hbm>>) dst(%arg10 : memref<64x128xf32, #tpu.memory_space<vmem>>)
        %run_scoped3A = arith.constant 1 : i32
        "tpu.region"() ({
          %run_scoped3A_258 = tpu.sem_alloc : memref<!tpu.dma_semaphore, #tpu.memory_space<semaphore_mem>>
          %dma_start3A_259 = arith.constant 0 : i32
          %dma_start3A_260 = tpu.memref_slice %arg8[%run_scoped3A, %dma_start3A_259] : memref<3x64xi32, #tpu.memory_space<vmem>> -> memref<1x64xi32, #tpu.memory_space<vmem>>
          %dma_start3A_261 = tpu.memref_squeeze %dma_start3A_260 : memref<1x64xi32, #tpu.memory_space<vmem>> -> memref<64xi32, #tpu.memory_space<vmem>>
          %dma_start3A_262 = arith.constant 0 : i32
          %dma_start3A_263 = arith.constant 0 : i32
          %dma_start3A_264 = tpu.memref_slice %arg12[%dma_start3A_262, %dma_start3A_263] : memref<10000x128xf32, #tpu.memory_space<vmem_shared>> -> memref<10000x128xf32, #tpu.memory_space<vmem_shared>>
          tpu.enqueue_indirect_dma source(%arg10 : memref<64x128xf32, #tpu.memory_space<vmem>>) target(%dma_start3A_264 : memref<10000x128xf32, #tpu.memory_space<vmem_shared>>) offsets(%dma_start3A_261 : memref<64xi32, #tpu.memory_space<vmem>>) semaphore(%run_scoped3A_258 : memref<!tpu.dma_semaphore, #tpu.memory_space<semaphore_mem>>) {add = true}
          %dma_wait3A_265 = arith.constant 0 : i32
          %dma_wait3A_266 = tpu.memref_slice %arg8[%run_scoped3A, %dma_wait3A_265] : memref<3x64xi32, #tpu.memory_space<vmem>> -> memref<1x64xi32, #tpu.memory_space<vmem>>
          %dma_wait3A_267 = tpu.memref_squeeze %dma_wait3A_266 : memref<1x64xi32, #tpu.memory_space<vmem>> -> memref<64xi32, #tpu.memory_space<vmem>>
          %dma_wait3A_268 = arith.constant 0 : i32
          %dma_wait3A_269 = arith.constant 0 : i32
          %dma_wait3A_270 = tpu.memref_slice %arg12[%dma_wait3A_268, %dma_wait3A_269] : memref<10000x128xf32, #tpu.memory_space<vmem_shared>> -> memref<10000x128xf32, #tpu.memory_space<vmem_shared>>
          tpu.wait_indirect_dma semaphore(%run_scoped3A_258 : memref<!tpu.dma_semaphore, #tpu.memory_space<semaphore_mem>>) src(%arg10 : memref<64x128xf32, #tpu.memory_space<vmem>>) dst(%dma_wait3A_270 : memref<10000x128xf32, #tpu.memory_space<vmem_shared>>)
          tpu.yield
        }) : () -> ()
        %add3A_252 = arith.constant 3 : i32
        %add3A_253 = arith.addi %while3A_227, %add3A_252 : i32
        %lt3A_254 = arith.cmpi slt, %add3A_253, %select_n3A : i32
        %convert_element_type3A_255 = arith.extui %lt3A_254 : i1 to i32
        %cond3A_256 = arith.constant 0 : i32
        %cond3A_257 = arith.cmpi ne, %convert_element_type3A_255, %cond3A_256 : i32
        scf.if %cond3A_257 {
          %add3A_258 = arith.constant 3 : i32
          %add3A_259 = arith.addi %while3A_227, %add3A_258 : i32
          %mul3A_260 = arith.constant 64 : i32
          %mul3A_261 = arith.muli %add3A_259, %mul3A_260 : i32
          %add3A_262 = arith.constant 0 : i32
          %add3A_263 = arith.addi %mul3A_261, %add3A_262 : i32
          %get3A_264 = arith.index_cast %add3A_263 : i32 to index
          %get3A_265 = tpu.vector_load %arg7[%get3A_264] {strides = array<i32>} : memref<10112xi32, #tpu.memory_space<vmem>>, vector<16xi32>,
          %get3A_266 = vector.shape_cast %get3A_265 : vector<16xi32> to vector<16xi32>
          %swap3A_267 = arith.constant 1 : i32
          %swap3A_268 = arith.index_cast %swap3A_267 : i32 to index
          %swap3A_269 = arith.constant 0 : index
          %swap3A_270 = tpu.vector_load %arg8[%swap3A_268, %swap3A_269] {strides = array<i32>} : memref<3x64xi32, #tpu.memory_space<vmem>>, vector<1x16xi32>,
          %swap3A_271 = vector.shape_cast %swap3A_270 : vector<1x16xi32> to vector<16xi32>
          %swap3A_272 = vector.shape_cast %get3A_266 : vector<16xi32> to vector<1x16xi32>
          tpu.vector_store %arg8[%swap3A_268, %swap3A_269], %swap3A_272 {strides = array<i32>} : memref<3x64xi32, #tpu.memory_space<vmem>>, vector<1x16xi32>,
          %add3A_273 = arith.constant 16 : i32
          %add3A_274 = arith.addi %mul3A_261, %add3A_273 : i32
          %get3A_275 = arith.index_cast %add3A_274 : i32 to index
          %get3A_276 = tpu.vector_load %arg7[%get3A_275] {strides = array<i32>} : memref<10112xi32, #tpu.memory_space<vmem>>, vector<16xi32>,
          %get3A_277 = vector.shape_cast %get3A_276 : vector<16xi32> to vector<16xi32>
          %swap3A_278 = arith.constant 1 : i32
          %swap3A_279 = arith.index_cast %swap3A_278 : i32 to index
          %swap3A_280 = arith.constant 16 : index
          %swap3A_281 = tpu.vector_load %arg8[%swap3A_279, %swap3A_280] {strides = array<i32>} : memref<3x64xi32, #tpu.memory_space<vmem>>, vector<1x16xi32>,
          %swap3A_282 = vector.shape_cast %swap3A_281 : vector<1x16xi32> to vector<16xi32>
          %swap3A_283 = vector.shape_cast %get3A_277 : vector<16xi32> to vector<1x16xi32>
          tpu.vector_store %arg8[%swap3A_279, %swap3A_280], %swap3A_283 {strides = array<i32>} : memref<3x64xi32, #tpu.memory_space<vmem>>, vector<1x16xi32>,
          %add3A_284 = arith.constant 32 : i32
          %add3A_285 = arith.addi %mul3A_261, %add3A_284 : i32
          %get3A_286 = arith.index_cast %add3A_285 : i32 to index
          %get3A_287 = tpu.vector_load %arg7[%get3A_286] {strides = array<i32>} : memref<10112xi32, #tpu.memory_space<vmem>>, vector<16xi32>,
          %get3A_288 = vector.shape_cast %get3A_287 : vector<16xi32> to vector<16xi32>
          %swap3A_289 = arith.constant 1 : i32
          %swap3A_290 = arith.index_cast %swap3A_289 : i32 to index
          %swap3A_291 = arith.constant 32 : index
          %swap3A_292 = tpu.vector_load %arg8[%swap3A_290, %swap3A_291] {strides = array<i32>} : memref<3x64xi32, #tpu.memory_space<vmem>>, vector<1x16xi32>,
          %swap3A_293 = vector.shape_cast %swap3A_292 : vector<1x16xi32> to vector<16xi32>
          %swap3A_294 = vector.shape_cast %get3A_288 : vector<16xi32> to vector<1x16xi32>
          tpu.vector_store %arg8[%swap3A_290, %swap3A_291], %swap3A_294 {strides = array<i32>} : memref<3x64xi32, #tpu.memory_space<vmem>>, vector<1x16xi32>,
          %add3A_295 = arith.constant 48 : i32
          %add3A_296 = arith.addi %mul3A_261, %add3A_295 : i32
          %get3A_297 = arith.index_cast %add3A_296 : i32 to index
          %get3A_298 = tpu.vector_load %arg7[%get3A_297] {strides = array<i32>} : memref<10112xi32, #tpu.memory_space<vmem>>, vector<16xi32>,
          %get3A_299 = vector.shape_cast %get3A_298 : vector<16xi32> to vector<16xi32>
          %swap3A_300 = arith.constant 1 : i32
          %swap3A_301 = arith.index_cast %swap3A_300 : i32 to index
          %swap3A_302 = arith.constant 48 : index
          %swap3A_303 = tpu.vector_load %arg8[%swap3A_301, %swap3A_302] {strides = array<i32>} : memref<3x64xi32, #tpu.memory_space<vmem>>, vector<1x16xi32>,
          %swap3A_304 = vector.shape_cast %swap3A_303 : vector<1x16xi32> to vector<16xi32>
          %swap3A_305 = vector.shape_cast %get3A_299 : vector<16xi32> to vector<1x16xi32>
          tpu.vector_store %arg8[%swap3A_301, %swap3A_302], %swap3A_305 {strides = array<i32>} : memref<3x64xi32, #tpu.memory_space<vmem>>, vector<1x16xi32>,
          %add3A_306 = arith.constant 3 : i32
          %add3A_307 = arith.addi %while3A_227, %add3A_306 : i32
          %mul3A_308 = arith.constant 64 : i32
          %mul3A_309 = arith.muli %add3A_307, %mul3A_308 : i32
          %dma_start3A_310 = tpu.memref_slice %arg6[%mul3A_309] : memref<10112xi32, #tpu.memory_space<vmem>> -> memref<64xi32, #tpu.memory_space<vmem>>
          %dma_start3A_311 = arith.constant 0 : i32
          %dma_start3A_312 = arith.constant 0 : i32
          %dma_start3A_313 = tpu.memref_slice %arg2[%dma_start3A_311, %dma_start3A_312] : memref<10000x128xf32, #tpu.memory_space<hbm>> -> memref<10000x128xf32, #tpu.memory_space<hbm>>
          tpu.enqueue_indirect_dma source(%dma_start3A_313 : memref<10000x128xf32, #tpu.memory_space<hbm>>) target(%arg10 : memref<64x128xf32, #tpu.memory_space<vmem>>) offsets(%dma_start3A_310 : memref<64xi32, #tpu.memory_space<vmem>>) semaphore(%arg14 : memref<!tpu.dma_semaphore, #tpu.memory_space<semaphore_mem>>)
        } else {
        }
      } else {
      }
      %rem3A_241 = arith.constant 3 : i32
      %rem3A_242 = arith.remsi %while3A_227, %rem3A_241 : i32
      %eq3A_243 = arith.constant 2 : i32
      %eq3A_244 = arith.cmpi eq, %rem3A_242, %eq3A_243 : i32
      %convert_element_type3A_245 = arith.extui %eq3A_244 : i1 to i32
      %cond3A_246 = arith.constant 0 : i32
      %cond3A_247 = arith.cmpi ne, %convert_element_type3A_245, %cond3A_246 : i32
      scf.if %cond3A_247 {
        %dma_wait3A = arith.constant 0 : i32
        %dma_wait3A_248 = tpu.memref_slice %arg6[%dma_wait3A] : memref<10112xi32, #tpu.memory_space<vmem>> -> memref<64xi32, #tpu.memory_space<vmem>>
        %dma_wait3A_249 = arith.constant 0 : i32
        %dma_wait3A_250 = arith.constant 0 : i32
        %dma_wait3A_251 = tpu.memref_slice %arg2[%dma_wait3A_249, %dma_wait3A_250] : memref<10000x128xf32, #tpu.memory_space<hbm>> -> memref<10000x128xf32, #tpu.memory_space<hbm>>
        tpu.wait_indirect_dma semaphore(%arg15 : memref<!tpu.dma_semaphore, #tpu.memory_space<semaphore_mem>>) src(%dma_wait3A_251 : memref<10000x128xf32, #tpu.memory_space<hbm>>) dst(%arg11 : memref<64x128xf32, #tpu.memory_space<vmem>>)
        %run_scoped3A = arith.constant 2 : i32
        "tpu.region"() ({
          %run_scoped3A_258 = tpu.sem_alloc : memref<!tpu.dma_semaphore, #tpu.memory_space<semaphore_mem>>
          %dma_start3A_259 = arith.constant 0 : i32
          %dma_start3A_260 = tpu.memref_slice %arg8[%run_scoped3A, %dma_start3A_259] : memref<3x64xi32, #tpu.memory_space<vmem>> -> memref<1x64xi32, #tpu.memory_space<vmem>>
          %dma_start3A_261 = tpu.memref_squeeze %dma_start3A_260 : memref<1x64xi32, #tpu.memory_space<vmem>> -> memref<64xi32, #tpu.memory_space<vmem>>
          %dma_start3A_262 = arith.constant 0 : i32
          %dma_start3A_263 = arith.constant 0 : i32
          %dma_start3A_264 = tpu.memref_slice %arg12[%dma_start3A_262, %dma_start3A_263] : memref<10000x128xf32, #tpu.memory_space<vmem_shared>> -> memref<10000x128xf32, #tpu.memory_space<vmem_shared>>
          tpu.enqueue_indirect_dma source(%arg11 : memref<64x128xf32, #tpu.memory_space<vmem>>) target(%dma_start3A_264 : memref<10000x128xf32, #tpu.memory_space<vmem_shared>>) offsets(%dma_start3A_261 : memref<64xi32, #tpu.memory_space<vmem>>) semaphore(%run_scoped3A_258 : memref<!tpu.dma_semaphore, #tpu.memory_space<semaphore_mem>>) {add = true}
          %dma_wait3A_265 = arith.constant 0 : i32
          %dma_wait3A_266 = tpu.memref_slice %arg8[%run_scoped3A, %dma_wait3A_265] : memref<3x64xi32, #tpu.memory_space<vmem>> -> memref<1x64xi32, #tpu.memory_space<vmem>>
          %dma_wait3A_267 = tpu.memref_squeeze %dma_wait3A_266 : memref<1x64xi32, #tpu.memory_space<vmem>> -> memref<64xi32, #tpu.memory_space<vmem>>
          %dma_wait3A_268 = arith.constant 0 : i32
          %dma_wait3A_269 = arith.constant 0 : i32
          %dma_wait3A_270 = tpu.memref_slice %arg12[%dma_wait3A_268, %dma_wait3A_269] : memref<10000x128xf32, #tpu.memory_space<vmem_shared>> -> memref<10000x128xf32, #tpu.memory_space<vmem_shared>>
          tpu.wait_indirect_dma semaphore(%run_scoped3A_258 : memref<!tpu.dma_semaphore, #tpu.memory_space<semaphore_mem>>) src(%arg11 : memref<64x128xf32, #tpu.memory_space<vmem>>) dst(%dma_wait3A_270 : memref<10000x128xf32, #tpu.memory_space<vmem_shared>>)
          tpu.yield
        }) : () -> ()
        %add3A_252 = arith.constant 3 : i32
        %add3A_253 = arith.addi %while3A_227, %add3A_252 : i32
        %lt3A_254 = arith.cmpi slt, %add3A_253, %select_n3A : i32
        %convert_element_type3A_255 = arith.extui %lt3A_254 : i1 to i32
        %cond3A_256 = arith.constant 0 : i32
        %cond3A_257 = arith.cmpi ne, %convert_element_type3A_255, %cond3A_256 : i32
        scf.if %cond3A_257 {
          %add3A_258 = arith.constant 3 : i32
          %add3A_259 = arith.addi %while3A_227, %add3A_258 : i32
          %mul3A_260 = arith.constant 64 : i32
          %mul3A_261 = arith.muli %add3A_259, %mul3A_260 : i32
          %add3A_262 = arith.constant 0 : i32
          %add3A_263 = arith.addi %mul3A_261, %add3A_262 : i32
          %get3A_264 = arith.index_cast %add3A_263 : i32 to index
          %get3A_265 = tpu.vector_load %arg7[%get3A_264] {strides = array<i32>} : memref<10112xi32, #tpu.memory_space<vmem>>, vector<16xi32>,
          %get3A_266 = vector.shape_cast %get3A_265 : vector<16xi32> to vector<16xi32>
          %swap3A_267 = arith.constant 2 : i32
          %swap3A_268 = arith.index_cast %swap3A_267 : i32 to index
          %swap3A_269 = arith.constant 0 : index
          %swap3A_270 = tpu.vector_load %arg8[%swap3A_268, %swap3A_269] {strides = array<i32>} : memref<3x64xi32, #tpu.memory_space<vmem>>, vector<1x16xi32>,
          %swap3A_271 = vector.shape_cast %swap3A_270 : vector<1x16xi32> to vector<16xi32>
          %swap3A_272 = vector.shape_cast %get3A_266 : vector<16xi32> to vector<1x16xi32>
          tpu.vector_store %arg8[%swap3A_268, %swap3A_269], %swap3A_272 {strides = array<i32>} : memref<3x64xi32, #tpu.memory_space<vmem>>, vector<1x16xi32>,
          %add3A_273 = arith.constant 16 : i32
          %add3A_274 = arith.addi %mul3A_261, %add3A_273 : i32
          %get3A_275 = arith.index_cast %add3A_274 : i32 to index
          %get3A_276 = tpu.vector_load %arg7[%get3A_275] {strides = array<i32>} : memref<10112xi32, #tpu.memory_space<vmem>>, vector<16xi32>,
          %get3A_277 = vector.shape_cast %get3A_276 : vector<16xi32> to vector<16xi32>
          %swap3A_278 = arith.constant 2 : i32
          %swap3A_279 = arith.index_cast %swap3A_278 : i32 to index
          %swap3A_280 = arith.constant 16 : index
          %swap3A_281 = tpu.vector_load %arg8[%swap3A_279, %swap3A_280] {strides = array<i32>} : memref<3x64xi32, #tpu.memory_space<vmem>>, vector<1x16xi32>,
          %swap3A_282 = vector.shape_cast %swap3A_281 : vector<1x16xi32> to vector<16xi32>
          %swap3A_283 = vector.shape_cast %get3A_277 : vector<16xi32> to vector<1x16xi32>
          tpu.vector_store %arg8[%swap3A_279, %swap3A_280], %swap3A_283 {strides = array<i32>} : memref<3x64xi32, #tpu.memory_space<vmem>>, vector<1x16xi32>,
          %add3A_284 = arith.constant 32 : i32
          %add3A_285 = arith.addi %mul3A_261, %add3A_284 : i32
          %get3A_286 = arith.index_cast %add3A_285 : i32 to index
          %get3A_287 = tpu.vector_load %arg7[%get3A_286] {strides = array<i32>} : memref<10112xi32, #tpu.memory_space<vmem>>, vector<16xi32>,
          %get3A_288 = vector.shape_cast %get3A_287 : vector<16xi32> to vector<16xi32>
          %swap3A_289 = arith.constant 2 : i32
          %swap3A_290 = arith.index_cast %swap3A_289 : i32 to index
          %swap3A_291 = arith.constant 32 : index
          %swap3A_292 = tpu.vector_load %arg8[%swap3A_290, %swap3A_291] {strides = array<i32>} : memref<3x64xi32, #tpu.memory_space<vmem>>, vector<1x16xi32>,
          %swap3A_293 = vector.shape_cast %swap3A_292 : vector<1x16xi32> to vector<16xi32>
          %swap3A_294 = vector.shape_cast %get3A_288 : vector<16xi32> to vector<1x16xi32>
          tpu.vector_store %arg8[%swap3A_290, %swap3A_291], %swap3A_294 {strides = array<i32>} : memref<3x64xi32, #tpu.memory_space<vmem>>, vector<1x16xi32>,
          %add3A_295 = arith.constant 48 : i32
          %add3A_296 = arith.addi %mul3A_261, %add3A_295 : i32
          %get3A_297 = arith.index_cast %add3A_296 : i32 to index
          %get3A_298 = tpu.vector_load %arg7[%get3A_297] {strides = array<i32>} : memref<10112xi32, #tpu.memory_space<vmem>>, vector<16xi32>,
          %get3A_299 = vector.shape_cast %get3A_298 : vector<16xi32> to vector<16xi32>
          %swap3A_300 = arith.constant 2 : i32
          %swap3A_301 = arith.index_cast %swap3A_300 : i32 to index
          %swap3A_302 = arith.constant 48 : index
          %swap3A_303 = tpu.vector_load %arg8[%swap3A_301, %swap3A_302] {strides = array<i32>} : memref<3x64xi32, #tpu.memory_space<vmem>>, vector<1x16xi32>,
          %swap3A_304 = vector.shape_cast %swap3A_303 : vector<1x16xi32> to vector<16xi32>
          %swap3A_305 = vector.shape_cast %get3A_299 : vector<16xi32> to vector<1x16xi32>
          tpu.vector_store %arg8[%swap3A_301, %swap3A_302], %swap3A_305 {strides = array<i32>} : memref<3x64xi32, #tpu.memory_space<vmem>>, vector<1x16xi32>,
          %add3A_306 = arith.constant 3 : i32
          %add3A_307 = arith.addi %while3A_227, %add3A_306 : i32
          %mul3A_308 = arith.constant 64 : i32
          %mul3A_309 = arith.muli %add3A_307, %mul3A_308 : i32
          %dma_start3A_310 = tpu.memref_slice %arg6[%mul3A_309] : memref<10112xi32, #tpu.memory_space<vmem>> -> memref<64xi32, #tpu.memory_space<vmem>>
          %dma_start3A_311 = arith.constant 0 : i32
          %dma_start3A_312 = arith.constant 0 : i32
          %dma_start3A_313 = tpu.memref_slice %arg2[%dma_start3A_311, %dma_start3A_312] : memref<10000x128xf32, #tpu.memory_space<hbm>> -> memref<10000x128xf32, #tpu.memory_space<hbm>>
          tpu.enqueue_indirect_dma source(%dma_start3A_313 : memref<10000x128xf32, #tpu.memory_space<hbm>>) target(%arg11 : memref<64x128xf32, #tpu.memory_space<vmem>>) offsets(%dma_start3A_310 : memref<64xi32, #tpu.memory_space<vmem>>) semaphore(%arg15 : memref<!tpu.dma_semaphore, #tpu.memory_space<semaphore_mem>>)
        } else {
        }
      } else {
      }
    }
    %barrier3A_192 = arith.constant 0 : index
    tpu.barrier barrier_id(%barrier3A_192)
    %mul3A_193 = arith.constant 632 : i32
    %mul3A_194 = arith.muli %arg1, %mul3A_193 : i32
    %multiple_of3A_195 = tpu.assume_multiple %mul3A_194, 8 : i32
    %eq3A_196 = arith.constant 0 : i32
    %eq3A_197 = arith.cmpi eq, %arg0, %eq3A_196 : i32
    %lt3A_198 = arith.constant 15 : i32
    %lt3A_199 = arith.cmpi slt, %arg1, %lt3A_198 : i32
    %and3A = arith.andi %eq3A_197, %lt3A_199 : i1
    %convert_element_type3A_200 = arith.extui %and3A : i1 to i32
    %cond3A_201 = arith.constant 0 : i32
    %cond3A_202 = arith.cmpi ne, %convert_element_type3A_200, %cond3A_201 : i32
    scf.if %cond3A_202 {
      "tpu.region"() ({
        %run_scoped3A = tpu.sem_alloc : memref<!tpu.dma_semaphore, #tpu.memory_space<semaphore_mem>>
        %dma_start3A_227 = arith.constant 0 : i32
        %dma_start3A_228 = tpu.memref_slice %arg4[%multiple_of3A_195, %dma_start3A_227] : memref<10000x128xf32, #tpu.memory_space<hbm>> -> memref<632x128xf32, #tpu.memory_space<hbm>>
        %dma_start3A_229 = arith.constant 0 : i32
        %dma_start3A_230 = tpu.memref_slice %arg12[%multiple_of3A_195, %dma_start3A_229] : memref<10000x128xf32, #tpu.memory_space<vmem_shared>> -> memref<632x128xf32, #tpu.memory_space<vmem_shared>>
        tpu.enqueue_dma source(%dma_start3A_230 : memref<632x128xf32, #tpu.memory_space<vmem_shared>>) target(%dma_start3A_228 : memref<632x128xf32, #tpu.memory_space<hbm>>) target_semaphore(%run_scoped3A : memref<!tpu.dma_semaphore, #tpu.memory_space<semaphore_mem>>)
        %dma_wait3A = arith.constant 0 : i32
        %dma_wait3A_231 = tpu.memref_slice %arg4[%multiple_of3A_195, %dma_wait3A] : memref<10000x128xf32, #tpu.memory_space<hbm>> -> memref<632x128xf32, #tpu.memory_space<hbm>>
        %dma_wait3A_232 = arith.constant 0 : i32
        %dma_wait3A_233 = tpu.memref_slice %arg12[%multiple_of3A_195, %dma_wait3A_232] : memref<10000x128xf32, #tpu.memory_space<vmem_shared>> -> memref<632x128xf32, #tpu.memory_space<vmem_shared>>
        tpu.wait_dma2 semaphore(%run_scoped3A : memref<!tpu.dma_semaphore, #tpu.memory_space<semaphore_mem>>) src(%dma_wait3A_233 : memref<632x128xf32, #tpu.memory_space<vmem_shared>>) dst(%dma_wait3A_231 : memref<632x128xf32, #tpu.memory_space<hbm>>)
        tpu.yield
      }) : () -> ()
    } else {
    }
    %eq3A_203 = arith.constant 0 : i32
    %eq3A_204 = arith.cmpi eq, %arg0, %eq3A_203 : i32
    %eq3A_205 = arith.constant 15 : i32
    %eq3A_206 = arith.cmpi eq, %arg1, %eq3A_205 : i32
    %and3A_207 = arith.andi %eq3A_204, %eq3A_206 : i1
    %convert_element_type3A_208 = arith.extui %and3A_207 : i1 to i32
    %cond3A_209 = arith.constant 0 : i32
    %cond3A_210 = arith.cmpi ne, %convert_element_type3A_208, %cond3A_209 : i32
    scf.if %cond3A_210 {
      "tpu.region"() ({
        %run_scoped3A = tpu.sem_alloc : memref<!tpu.dma_semaphore, #tpu.memory_space<semaphore_mem>>
        %dma_start3A_227 = arith.constant 0 : i32
        %dma_start3A_228 = tpu.memref_slice %arg4[%multiple_of3A_195, %dma_start3A_227] : memref<10000x128xf32, #tpu.memory_space<hbm>> -> memref<520x128xf32, #tpu.memory_space<hbm>>
        %dma_start3A_229 = arith.constant 0 : i32
        %dma_start3A_230 = tpu.memref_slice %arg12[%multiple_of3A_195, %dma_start3A_229] : memref<10000x128xf32, #tpu.memory_space<vmem_shared>> -> memref<520x128xf32, #tpu.memory_space<vmem_shared>>
        tpu.enqueue_dma source(%dma_start3A_230 : memref<520x128xf32, #tpu.memory_space<vmem_shared>>) target(%dma_start3A_228 : memref<520x128xf32, #tpu.memory_space<hbm>>) target_semaphore(%run_scoped3A : memref<!tpu.dma_semaphore, #tpu.memory_space<semaphore_mem>>)
        %dma_wait3A = arith.constant 0 : i32
        %dma_wait3A_231 = tpu.memref_slice %arg4[%multiple_of3A_195, %dma_wait3A] : memref<10000x128xf32, #tpu.memory_space<hbm>> -> memref<520x128xf32, #tpu.memory_space<hbm>>
        %dma_wait3A_232 = arith.constant 0 : i32
        %dma_wait3A_233 = tpu.memref_slice %arg12[%multiple_of3A_195, %dma_wait3A_232] : memref<10000x128xf32, #tpu.memory_space<vmem_shared>> -> memref<520x128xf32, #tpu.memory_space<vmem_shared>>
        tpu.wait_dma2 semaphore(%run_scoped3A : memref<!tpu.dma_semaphore, #tpu.memory_space<semaphore_mem>>) src(%dma_wait3A_233 : memref<520x128xf32, #tpu.memory_space<vmem_shared>>) dst(%dma_wait3A_231 : memref<520x128xf32, #tpu.memory_space<hbm>>)
        tpu.yield
      }) : () -> ()
    } else {
    }
    %eq3A_211 = arith.constant 1 : i32
    %eq3A_212 = arith.cmpi eq, %arg0, %eq3A_211 : i32
    %lt3A_213 = arith.constant 15 : i32
    %lt3A_214 = arith.cmpi slt, %arg1, %lt3A_213 : i32
    %and3A_215 = arith.andi %eq3A_212, %lt3A_214 : i1
    %convert_element_type3A_216 = arith.extui %and3A_215 : i1 to i32
    %cond3A_217 = arith.constant 0 : i32
    %cond3A_218 = arith.cmpi ne, %convert_element_type3A_216, %cond3A_217 : i32
    scf.if %cond3A_218 {
      "tpu.region"() ({
        %run_scoped3A = tpu.sem_alloc : memref<!tpu.dma_semaphore, #tpu.memory_space<semaphore_mem>>
        %dma_start3A_227 = arith.constant 0 : i32
        %dma_start3A_228 = tpu.memref_slice %arg5[%multiple_of3A_195, %dma_start3A_227] : memref<10000x128xf32, #tpu.memory_space<hbm>> -> memref<632x128xf32, #tpu.memory_space<hbm>>
        %dma_start3A_229 = arith.constant 0 : i32
        %dma_start3A_230 = tpu.memref_slice %arg12[%multiple_of3A_195, %dma_start3A_229] : memref<10000x128xf32, #tpu.memory_space<vmem_shared>> -> memref<632x128xf32, #tpu.memory_space<vmem_shared>>
        tpu.enqueue_dma source(%dma_start3A_230 : memref<632x128xf32, #tpu.memory_space<vmem_shared>>) target(%dma_start3A_228 : memref<632x128xf32, #tpu.memory_space<hbm>>) target_semaphore(%run_scoped3A : memref<!tpu.dma_semaphore, #tpu.memory_space<semaphore_mem>>)
        %dma_wait3A = arith.constant 0 : i32
        %dma_wait3A_231 = tpu.memref_slice %arg5[%multiple_of3A_195, %dma_wait3A] : memref<10000x128xf32, #tpu.memory_space<hbm>> -> memref<632x128xf32, #tpu.memory_space<hbm>>
        %dma_wait3A_232 = arith.constant 0 : i32
        %dma_wait3A_233 = tpu.memref_slice %arg12[%multiple_of3A_195, %dma_wait3A_232] : memref<10000x128xf32, #tpu.memory_space<vmem_shared>> -> memref<632x128xf32, #tpu.memory_space<vmem_shared>>
        tpu.wait_dma2 semaphore(%run_scoped3A : memref<!tpu.dma_semaphore, #tpu.memory_space<semaphore_mem>>) src(%dma_wait3A_233 : memref<632x128xf32, #tpu.memory_space<vmem_shared>>) dst(%dma_wait3A_231 : memref<632x128xf32, #tpu.memory_space<hbm>>)
        tpu.yield
      }) : () -> ()
    } else {
    }
    %eq3A_219 = arith.constant 1 : i32
    %eq3A_220 = arith.cmpi eq, %arg0, %eq3A_219 : i32
    %eq3A_221 = arith.constant 15 : i32
    %eq3A_222 = arith.cmpi eq, %arg1, %eq3A_221 : i32
    %and3A_223 = arith.andi %eq3A_220, %eq3A_222 : i1
    %convert_element_type3A_224 = arith.extui %and3A_223 : i1 to i32
    %cond3A_225 = arith.constant 0 : i32
    %cond3A_226 = arith.cmpi ne, %convert_element_type3A_224, %cond3A_225 : i32
    scf.if %cond3A_226 {
      "tpu.region"() ({
        %run_scoped3A = tpu.sem_alloc : memref<!tpu.dma_semaphore, #tpu.memory_space<semaphore_mem>>
        %dma_start3A_227 = arith.constant 0 : i32
        %dma_start3A_228 = tpu.memref_slice %arg5[%multiple_of3A_195, %dma_start3A_227] : memref<10000x128xf32, #tpu.memory_space<hbm>> -> memref<520x128xf32, #tpu.memory_space<hbm>>
        %dma_start3A_229 = arith.constant 0 : i32
        %dma_start3A_230 = tpu.memref_slice %arg12[%multiple_of3A_195, %dma_start3A_229] : memref<10000x128xf32, #tpu.memory_space<vmem_shared>> -> memref<520x128xf32, #tpu.memory_space<vmem_shared>>
        tpu.enqueue_dma source(%dma_start3A_230 : memref<520x128xf32, #tpu.memory_space<vmem_shared>>) target(%dma_start3A_228 : memref<520x128xf32, #tpu.memory_space<hbm>>) target_semaphore(%run_scoped3A : memref<!tpu.dma_semaphore, #tpu.memory_space<semaphore_mem>>)
        %dma_wait3A = arith.constant 0 : i32
        %dma_wait3A_231 = tpu.memref_slice %arg5[%multiple_of3A_195, %dma_wait3A] : memref<10000x128xf32, #tpu.memory_space<hbm>> -> memref<520x128xf32, #tpu.memory_space<hbm>>
        %dma_wait3A_232 = arith.constant 0 : i32
        %dma_wait3A_233 = tpu.memref_slice %arg12[%multiple_of3A_195, %dma_wait3A_232] : memref<10000x128xf32, #tpu.memory_space<vmem_shared>> -> memref<520x128xf32, #tpu.memory_space<vmem_shared>>
        tpu.wait_dma2 semaphore(%run_scoped3A : memref<!tpu.dma_semaphore, #tpu.memory_space<semaphore_mem>>) src(%dma_wait3A_233 : memref<520x128xf32, #tpu.memory_space<vmem_shared>>) dst(%dma_wait3A_231 : memref<520x128xf32, #tpu.memory_space<hbm>>)
        tpu.yield
      }) : () -> ()
    } else {
    }
    return
  }
}

#map = affine_map<(d0, d1) -> (0, 0)>
module attributes {stable_mosaic.version = 14 : i64} {
  func.func @_agg_body(%arg0: i32, %arg1: i32, %arg2: memref<10000x128xf32, #tpu.memory_space<hbm>>, %arg3: memref<2x320000xi32, #tpu.memory_space<hbm>>, %arg4: memref<10000x128xf32, #tpu.memory_space<hbm>>, %arg5: memref<10000x128xf32, #tpu.memory_space<hbm>>, %arg6: memref<10112xi32, #tpu.memory_space<vmem>>, %arg7: memref<10112xi32, #tpu.memory_space<vmem>>, %arg8: memref<3x64xi32, #tpu.memory_space<vmem>>, %arg9: memref<64x128xf32, #tpu.memory_space<vmem>>, %arg10: memref<64x128xf32, #tpu.memory_space<vmem>>, %arg11: memref<64x128xf32, #tpu.memory_space<vmem>>, %arg12: memref<10000x128xf32, #tpu.memory_space<vmem_shared>>, %arg13: memref<!tpu.dma_semaphore, #tpu.memory_space<semaphore_mem>>, %arg14: memref<!tpu.dma_semaphore, #tpu.memory_space<semaphore_mem>>, %arg15: memref<!tpu.dma_semaphore, #tpu.memory_space<semaphore_mem>>) attributes {dimension_semantics = [#tpu.dimension_semantics<core_parallel>, #tpu.dimension_semantics<subcore_parallel>], iteration_bounds = array<i64: 2, 16>, scalar_prefetch = 0 : i64, scratch_operands = 10 : i64, tpu.core_type = #tpu.core_type<sc_vector_subcore>, window_params = [{transform_indices = #map}, {transform_indices = #map}, {transform_indices = #map}, {transform_indices = #map}]} {
    %mul3A = arith.constant 16 : i32
    %mul3A_0 = arith.muli %arg0, %mul3A : i32
    %add3A = arith.addi %mul3A_0, %arg1 : i32
    %mul3A_1 = arith.constant 10112 : i32
    %mul3A_2 = arith.muli %add3A, %mul3A_1 : i32
    %eq3A = arith.constant 31 : i32
    %eq3A_3 = arith.cmpi eq, %add3A, %eq3A : i32
    %jit3A = arith.constant 102 : i32
    %jit3A_4 = arith.constant 158 : i32
    %select_n3A = arith.select %eq3A_3, %jit3A, %jit3A_4 : i32
    %lt3A = arith.constant 31 : i32
    %lt3A_5 = arith.cmpi slt, %add3A, %lt3A : i32
    %convert_element_type3A = arith.extui %lt3A_5 : i1 to i32
    %cond3A = arith.constant 0 : i32
    %cond3A_6 = arith.cmpi ne, %convert_element_type3A, %cond3A : i32
    scf.if %cond3A_6 {
      %run_scoped3A = arith.constant 0 : i32
      "tpu.region"() ({
        %run_scoped3A_228 = tpu.sem_alloc : memref<!tpu.dma_semaphore, #tpu.memory_space<semaphore_mem>>
        %dma_start3A_229 = tpu.memref_slice %arg3[%run_scoped3A, %mul3A_2] : memref<2x320000xi32, #tpu.memory_space<hbm>> -> memref<1x10112xi32, #tpu.memory_space<hbm>>
        %dma_start3A_230 = tpu.memref_squeeze %dma_start3A_229 : memref<1x10112xi32, #tpu.memory_space<hbm>> -> memref<10112xi32, #tpu.memory_space<hbm>>
        %dma_start3A_231 = tpu.memref_slice %arg3[%run_scoped3A, %mul3A_2] : memref<2x320000xi32, #tpu.memory_space<hbm>> -> memref<1x10112xi32, #tpu.memory_space<hbm>>
        %dma_start3A_232 = tpu.memref_squeeze %dma_start3A_231 : memref<1x10112xi32, #tpu.memory_space<hbm>> -> memref<10112xi32, #tpu.memory_space<hbm>>
        tpu.enqueue_dma source(%dma_start3A_232 : memref<10112xi32, #tpu.memory_space<hbm>>) target(%arg6 : memref<10112xi32, #tpu.memory_space<vmem>>) target_semaphore(%run_scoped3A_228 : memref<!tpu.dma_semaphore, #tpu.memory_space<semaphore_mem>>)
        %dma_wait3A = tpu.memref_slice %arg3[%run_scoped3A, %mul3A_2] : memref<2x320000xi32, #tpu.memory_space<hbm>> -> memref<1x10112xi32, #tpu.memory_space<hbm>>
        %dma_wait3A_233 = tpu.memref_squeeze %dma_wait3A : memref<1x10112xi32, #tpu.memory_space<hbm>> -> memref<10112xi32, #tpu.memory_space<hbm>>
        %dma_wait3A_234 = tpu.memref_slice %arg3[%run_scoped3A, %mul3A_2] : memref<2x320000xi32, #tpu.memory_space<hbm>> -> memref<1x10112xi32, #tpu.memory_space<hbm>>
        %dma_wait3A_235 = tpu.memref_squeeze %dma_wait3A_234 : memref<1x10112xi32, #tpu.memory_space<hbm>> -> memref<10112xi32, #tpu.memory_space<hbm>>
        tpu.wait_dma2 semaphore(%run_scoped3A_228 : memref<!tpu.dma_semaphore, #tpu.memory_space<semaphore_mem>>) src(%dma_wait3A_235 : memref<10112xi32, #tpu.memory_space<hbm>>) dst(%arg6 : memref<10112xi32, #tpu.memory_space<vmem>>)
        tpu.yield
      }) : () -> ()
      %run_scoped3A_227 = arith.constant 1 : i32
      "tpu.region"() ({
        %run_scoped3A_228 = tpu.sem_alloc : memref<!tpu.dma_semaphore, #tpu.memory_space<semaphore_mem>>
        %dma_start3A_229 = tpu.memref_slice %arg3[%run_scoped3A_227, %mul3A_2] : memref<2x320000xi32, #tpu.memory_space<hbm>> -> memref<1x10112xi32, #tpu.memory_space<hbm>>
        %dma_start3A_230 = tpu.memref_squeeze %dma_start3A_229 : memref<1x10112xi32, #tpu.memory_space<hbm>> -> memref<10112xi32, #tpu.memory_space<hbm>>
        %dma_start3A_231 = tpu.memref_slice %arg3[%run_scoped3A_227, %mul3A_2] : memref<2x320000xi32, #tpu.memory_space<hbm>> -> memref<1x10112xi32, #tpu.memory_space<hbm>>
        %dma_start3A_232 = tpu.memref_squeeze %dma_start3A_231 : memref<1x10112xi32, #tpu.memory_space<hbm>> -> memref<10112xi32, #tpu.memory_space<hbm>>
        tpu.enqueue_dma source(%dma_start3A_232 : memref<10112xi32, #tpu.memory_space<hbm>>) target(%arg7 : memref<10112xi32, #tpu.memory_space<vmem>>) target_semaphore(%run_scoped3A_228 : memref<!tpu.dma_semaphore, #tpu.memory_space<semaphore_mem>>)
        %dma_wait3A = tpu.memref_slice %arg3[%run_scoped3A_227, %mul3A_2] : memref<2x320000xi32, #tpu.memory_space<hbm>> -> memref<1x10112xi32, #tpu.memory_space<hbm>>
        %dma_wait3A_233 = tpu.memref_squeeze %dma_wait3A : memref<1x10112xi32, #tpu.memory_space<hbm>> -> memref<10112xi32, #tpu.memory_space<hbm>>
        %dma_wait3A_234 = tpu.memref_slice %arg3[%run_scoped3A_227, %mul3A_2] : memref<2x320000xi32, #tpu.memory_space<hbm>> -> memref<1x10112xi32, #tpu.memory_space<hbm>>
        %dma_wait3A_235 = tpu.memref_squeeze %dma_wait3A_234 : memref<1x10112xi32, #tpu.memory_space<hbm>> -> memref<10112xi32, #tpu.memory_space<hbm>>
        tpu.wait_dma2 semaphore(%run_scoped3A_228 : memref<!tpu.dma_semaphore, #tpu.memory_space<semaphore_mem>>) src(%dma_wait3A_235 : memref<10112xi32, #tpu.memory_space<hbm>>) dst(%arg7 : memref<10112xi32, #tpu.memory_space<vmem>>)
        tpu.yield
      }) : () -> ()
    } else {
    }
    %eq3A_7 = arith.constant 31 : i32
    %eq3A_8 = arith.cmpi eq, %add3A, %eq3A_7 : i32
    %convert_element_type3A_9 = arith.extui %eq3A_8 : i1 to i32
    %cond3A_10 = arith.constant 0 : i32
    %cond3A_11 = arith.cmpi ne, %convert_element_type3A_9, %cond3A_10 : i32
    scf.if %cond3A_11 {
      %run_scoped3A = arith.constant 0 : i32
      "tpu.region"() ({
        %run_scoped3A_228 = tpu.sem_alloc : memref<!tpu.dma_semaphore, #tpu.memory_space<semaphore_mem>>
        %dma_start3A_229 = arith.constant 0 : i32
        %dma_start3A_230 = tpu.memref_slice %arg6[%dma_start3A_229] : memref<10112xi32, #tpu.memory_space<vmem>> -> memref<6528xi32, #tpu.memory_space<vmem>>
        %dma_start3A_231 = tpu.memref_slice %arg3[%run_scoped3A, %mul3A_2] : memref<2x320000xi32, #tpu.memory_space<hbm>> -> memref<1x6528xi32, #tpu.memory_space<hbm>>
        %dma_start3A_232 = tpu.memref_squeeze %dma_start3A_231 : memref<1x6528xi32, #tpu.memory_space<hbm>> -> memref<6528xi32, #tpu.memory_space<hbm>>
        %dma_start3A_233 = arith.constant 0 : i32
        %dma_start3A_234 = tpu.memref_slice %arg6[%dma_start3A_233] : memref<10112xi32, #tpu.memory_space<vmem>> -> memref<6528xi32, #tpu.memory_space<vmem>>
        %dma_start3A_235 = tpu.memref_slice %arg3[%run_scoped3A, %mul3A_2] : memref<2x320000xi32, #tpu.memory_space<hbm>> -> memref<1x6528xi32, #tpu.memory_space<hbm>>
        %dma_start3A_236 = tpu.memref_squeeze %dma_start3A_235 : memref<1x6528xi32, #tpu.memory_space<hbm>> -> memref<6528xi32, #tpu.memory_space<hbm>>
        tpu.enqueue_dma source(%dma_start3A_236 : memref<6528xi32, #tpu.memory_space<hbm>>) target(%dma_start3A_234 : memref<6528xi32, #tpu.memory_space<vmem>>) target_semaphore(%run_scoped3A_228 : memref<!tpu.dma_semaphore, #tpu.memory_space<semaphore_mem>>)
        %dma_wait3A = arith.constant 0 : i32
        %dma_wait3A_237 = tpu.memref_slice %arg6[%dma_wait3A] : memref<10112xi32, #tpu.memory_space<vmem>> -> memref<6528xi32, #tpu.memory_space<vmem>>
        %dma_wait3A_238 = tpu.memref_slice %arg3[%run_scoped3A, %mul3A_2] : memref<2x320000xi32, #tpu.memory_space<hbm>> -> memref<1x6528xi32, #tpu.memory_space<hbm>>
        %dma_wait3A_239 = tpu.memref_squeeze %dma_wait3A_238 : memref<1x6528xi32, #tpu.memory_space<hbm>> -> memref<6528xi32, #tpu.memory_space<hbm>>
        %dma_wait3A_240 = arith.constant 0 : i32
        %dma_wait3A_241 = tpu.memref_slice %arg6[%dma_wait3A_240] : memref<10112xi32, #tpu.memory_space<vmem>> -> memref<6528xi32, #tpu.memory_space<vmem>>
        %dma_wait3A_242 = tpu.memref_slice %arg3[%run_scoped3A, %mul3A_2] : memref<2x320000xi32, #tpu.memory_space<hbm>> -> memref<1x6528xi32, #tpu.memory_space<hbm>>
        %dma_wait3A_243 = tpu.memref_squeeze %dma_wait3A_242 : memref<1x6528xi32, #tpu.memory_space<hbm>> -> memref<6528xi32, #tpu.memory_space<hbm>>
        tpu.wait_dma2 semaphore(%run_scoped3A_228 : memref<!tpu.dma_semaphore, #tpu.memory_space<semaphore_mem>>) src(%dma_wait3A_243 : memref<6528xi32, #tpu.memory_space<hbm>>) dst(%dma_wait3A_241 : memref<6528xi32, #tpu.memory_space<vmem>>)
        tpu.yield
      }) : () -> ()
      %run_scoped3A_227 = arith.constant 1 : i32
      "tpu.region"() ({
        %run_scoped3A_228 = tpu.sem_alloc : memref<!tpu.dma_semaphore, #tpu.memory_space<semaphore_mem>>
        %dma_start3A_229 = arith.constant 0 : i32
        %dma_start3A_230 = tpu.memref_slice %arg7[%dma_start3A_229] : memref<10112xi32, #tpu.memory_space<vmem>> -> memref<6528xi32, #tpu.memory_space<vmem>>
        %dma_start3A_231 = tpu.memref_slice %arg3[%run_scoped3A_227, %mul3A_2] : memref<2x320000xi32, #tpu.memory_space<hbm>> -> memref<1x6528xi32, #tpu.memory_space<hbm>>
        %dma_start3A_232 = tpu.memref_squeeze %dma_start3A_231 : memref<1x6528xi32, #tpu.memory_space<hbm>> -> memref<6528xi32, #tpu.memory_space<hbm>>
        %dma_start3A_233 = arith.constant 0 : i32
        %dma_start3A_234 = tpu.memref_slice %arg7[%dma_start3A_233] : memref<10112xi32, #tpu.memory_space<vmem>> -> memref<6528xi32, #tpu.memory_space<vmem>>
        %dma_start3A_235 = tpu.memref_slice %arg3[%run_scoped3A_227, %mul3A_2] : memref<2x320000xi32, #tpu.memory_space<hbm>> -> memref<1x6528xi32, #tpu.memory_space<hbm>>
        %dma_start3A_236 = tpu.memref_squeeze %dma_start3A_235 : memref<1x6528xi32, #tpu.memory_space<hbm>> -> memref<6528xi32, #tpu.memory_space<hbm>>
        tpu.enqueue_dma source(%dma_start3A_236 : memref<6528xi32, #tpu.memory_space<hbm>>) target(%dma_start3A_234 : memref<6528xi32, #tpu.memory_space<vmem>>) target_semaphore(%run_scoped3A_228 : memref<!tpu.dma_semaphore, #tpu.memory_space<semaphore_mem>>)
        %dma_wait3A = arith.constant 0 : i32
        %dma_wait3A_237 = tpu.memref_slice %arg7[%dma_wait3A] : memref<10112xi32, #tpu.memory_space<vmem>> -> memref<6528xi32, #tpu.memory_space<vmem>>
        %dma_wait3A_238 = tpu.memref_slice %arg3[%run_scoped3A_227, %mul3A_2] : memref<2x320000xi32, #tpu.memory_space<hbm>> -> memref<1x6528xi32, #tpu.memory_space<hbm>>
        %dma_wait3A_239 = tpu.memref_squeeze %dma_wait3A_238 : memref<1x6528xi32, #tpu.memory_space<hbm>> -> memref<6528xi32, #tpu.memory_space<hbm>>
        %dma_wait3A_240 = arith.constant 0 : i32
        %dma_wait3A_241 = tpu.memref_slice %arg7[%dma_wait3A_240] : memref<10112xi32, #tpu.memory_space<vmem>> -> memref<6528xi32, #tpu.memory_space<vmem>>
        %dma_wait3A_242 = tpu.memref_slice %arg3[%run_scoped3A_227, %mul3A_2] : memref<2x320000xi32, #tpu.memory_space<hbm>> -> memref<1x6528xi32, #tpu.memory_space<hbm>>
        %dma_wait3A_243 = tpu.memref_squeeze %dma_wait3A_242 : memref<1x6528xi32, #tpu.memory_space<hbm>> -> memref<6528xi32, #tpu.memory_space<hbm>>
        tpu.wait_dma2 semaphore(%run_scoped3A_228 : memref<!tpu.dma_semaphore, #tpu.memory_space<semaphore_mem>>) src(%dma_wait3A_243 : memref<6528xi32, #tpu.memory_space<hbm>>) dst(%dma_wait3A_241 : memref<6528xi32, #tpu.memory_space<vmem>>)
        tpu.yield
      }) : () -> ()
    } else {
    }
    %get3A = arith.constant 64 : index
    %get3A_12 = tpu.vector_load %arg7[%get3A] {strides = array<i32>} : memref<10112xi32, #tpu.memory_space<vmem>>, vector<16xi32>,
    %get3A_13 = vector.shape_cast %get3A_12 : vector<16xi32> to vector<16xi32>
    %swap3A = arith.constant 1 : i32
    %swap3A_14 = arith.index_cast %swap3A : i32 to index
    %swap3A_15 = arith.constant 0 : index
    %swap3A_16 = tpu.vector_load %arg8[%swap3A_14, %swap3A_15] {strides = array<i32>} : memref<3x64xi32, #tpu.memory_space<vmem>>, vector<1x16xi32>,
    %swap3A_17 = vector.shape_cast %swap3A_16 : vector<1x16xi32> to vector<16xi32>
    %swap3A_18 = vector.shape_cast %get3A_13 : vector<16xi32> to vector<1x16xi32>
    tpu.vector_store %arg8[%swap3A_14, %swap3A_15], %swap3A_18 {strides = array<i32>} : memref<3x64xi32, #tpu.memory_space<vmem>>, vector<1x16xi32>,
    %get3A_19 = arith.constant 80 : index
    %get3A_20 = tpu.vector_load %arg7[%get3A_19] {strides = array<i32>} : memref<10112xi32, #tpu.memory_space<vmem>>, vector<16xi32>,
    %get3A_21 = vector.shape_cast %get3A_20 : vector<16xi32> to vector<16xi32>
    %swap3A_22 = arith.constant 1 : i32
    %swap3A_23 = arith.index_cast %swap3A_22 : i32 to index
    %swap3A_24 = arith.constant 16 : index
    %swap3A_25 = tpu.vector_load %arg8[%swap3A_23, %swap3A_24] {strides = array<i32>} : memref<3x64xi32, #tpu.memory_space<vmem>>, vector<1x16xi32>,
    %swap3A_26 = vector.shape_cast %swap3A_25 : vector<1x16xi32> to vector<16xi32>
    %swap3A_27 = vector.shape_cast %get3A_21 : vector<16xi32> to vector<1x16xi32>
    tpu.vector_store %arg8[%swap3A_23, %swap3A_24], %swap3A_27 {strides = array<i32>} : memref<3x64xi32, #tpu.memory_space<vmem>>, vector<1x16xi32>,
    %get3A_28 = arith.constant 96 : index
    %get3A_29 = tpu.vector_load %arg7[%get3A_28] {strides = array<i32>} : memref<10112xi32, #tpu.memory_space<vmem>>, vector<16xi32>,
    %get3A_30 = vector.shape_cast %get3A_29 : vector<16xi32> to vector<16xi32>
    %swap3A_31 = arith.constant 1 : i32
    %swap3A_32 = arith.index_cast %swap3A_31 : i32 to index
    %swap3A_33 = arith.constant 32 : index
    %swap3A_34 = tpu.vector_load %arg8[%swap3A_32, %swap3A_33] {strides = array<i32>} : memref<3x64xi32, #tpu.memory_space<vmem>>, vector<1x16xi32>,
    %swap3A_35 = vector.shape_cast %swap3A_34 : vector<1x16xi32> to vector<16xi32>
    %swap3A_36 = vector.shape_cast %get3A_30 : vector<16xi32> to vector<1x16xi32>
    tpu.vector_store %arg8[%swap3A_32, %swap3A_33], %swap3A_36 {strides = array<i32>} : memref<3x64xi32, #tpu.memory_space<vmem>>, vector<1x16xi32>,
    %get3A_37 = arith.constant 112 : index
    %get3A_38 = tpu.vector_load %arg7[%get3A_37] {strides = array<i32>} : memref<10112xi32, #tpu.memory_space<vmem>>, vector<16xi32>,
    %get3A_39 = vector.shape_cast %get3A_38 : vector<16xi32> to vector<16xi32>
    %swap3A_40 = arith.constant 1 : i32
    %swap3A_41 = arith.index_cast %swap3A_40 : i32 to index
    %swap3A_42 = arith.constant 48 : index
    %swap3A_43 = tpu.vector_load %arg8[%swap3A_41, %swap3A_42] {strides = array<i32>} : memref<3x64xi32, #tpu.memory_space<vmem>>, vector<1x16xi32>,
    %swap3A_44 = vector.shape_cast %swap3A_43 : vector<1x16xi32> to vector<16xi32>
    %swap3A_45 = vector.shape_cast %get3A_39 : vector<16xi32> to vector<1x16xi32>
    tpu.vector_store %arg8[%swap3A_41, %swap3A_42], %swap3A_45 {strides = array<i32>} : memref<3x64xi32, #tpu.memory_space<vmem>>, vector<1x16xi32>,
    %dma_start3A = arith.constant 64 : i32
    %dma_start3A_46 = tpu.memref_slice %arg6[%dma_start3A] : memref<10112xi32, #tpu.memory_space<vmem>> -> memref<64xi32, #tpu.memory_space<vmem>>
    %dma_start3A_47 = arith.constant 0 : i32
    %dma_start3A_48 = arith.constant 0 : i32
    %dma_start3A_49 = tpu.memref_slice %arg2[%dma_start3A_47, %dma_start3A_48] : memref<10000x128xf32, #tpu.memory_space<hbm>> -> memref<10000x128xf32, #tpu.memory_space<hbm>>
    tpu.enqueue_indirect_dma source(%dma_start3A_49 : memref<10000x128xf32, #tpu.memory_space<hbm>>) target(%arg10 : memref<64x128xf32, #tpu.memory_space<vmem>>) offsets(%dma_start3A_46 : memref<64xi32, #tpu.memory_space<vmem>>) semaphore(%arg14 : memref<!tpu.dma_semaphore, #tpu.memory_space<semaphore_mem>>)
    %get3A_50 = arith.constant 128 : index
    %get3A_51 = tpu.vector_load %arg7[%get3A_50] {strides = array<i32>} : memref<10112xi32, #tpu.memory_space<vmem>>, vector<16xi32>,
    %get3A_52 = vector.shape_cast %get3A_51 : vector<16xi32> to vector<16xi32>
    %swap3A_53 = arith.constant 2 : i32
    %swap3A_54 = arith.index_cast %swap3A_53 : i32 to index
    %swap3A_55 = arith.constant 0 : index
    %swap3A_56 = tpu.vector_load %arg8[%swap3A_54, %swap3A_55] {strides = array<i32>} : memref<3x64xi32, #tpu.memory_space<vmem>>, vector<1x16xi32>,
    %swap3A_57 = vector.shape_cast %swap3A_56 : vector<1x16xi32> to vector<16xi32>
    %swap3A_58 = vector.shape_cast %get3A_52 : vector<16xi32> to vector<1x16xi32>
    tpu.vector_store %arg8[%swap3A_54, %swap3A_55], %swap3A_58 {strides = array<i32>} : memref<3x64xi32, #tpu.memory_space<vmem>>, vector<1x16xi32>,
    %get3A_59 = arith.constant 144 : index
    %get3A_60 = tpu.vector_load %arg7[%get3A_59] {strides = array<i32>} : memref<10112xi32, #tpu.memory_space<vmem>>, vector<16xi32>,
    %get3A_61 = vector.shape_cast %get3A_60 : vector<16xi32> to vector<16xi32>
    %swap3A_62 = arith.constant 2 : i32
    %swap3A_63 = arith.index_cast %swap3A_62 : i32 to index
    %swap3A_64 = arith.constant 16 : index
    %swap3A_65 = tpu.vector_load %arg8[%swap3A_63, %swap3A_64] {strides = array<i32>} : memref<3x64xi32, #tpu.memory_space<vmem>>, vector<1x16xi32>,
    %swap3A_66 = vector.shape_cast %swap3A_65 : vector<1x16xi32> to vector<16xi32>
    %swap3A_67 = vector.shape_cast %get3A_61 : vector<16xi32> to vector<1x16xi32>
    tpu.vector_store %arg8[%swap3A_63, %swap3A_64], %swap3A_67 {strides = array<i32>} : memref<3x64xi32, #tpu.memory_space<vmem>>, vector<1x16xi32>,
    %get3A_68 = arith.constant 160 : index
    %get3A_69 = tpu.vector_load %arg7[%get3A_68] {strides = array<i32>} : memref<10112xi32, #tpu.memory_space<vmem>>, vector<16xi32>,
    %get3A_70 = vector.shape_cast %get3A_69 : vector<16xi32> to vector<16xi32>
    %swap3A_71 = arith.constant 2 : i32
    %swap3A_72 = arith.index_cast %swap3A_71 : i32 to index
    %swap3A_73 = arith.constant 32 : index
    %swap3A_74 = tpu.vector_load %arg8[%swap3A_72, %swap3A_73] {strides = array<i32>} : memref<3x64xi32, #tpu.memory_space<vmem>>, vector<1x16xi32>,
    %swap3A_75 = vector.shape_cast %swap3A_74 : vector<1x16xi32> to vector<16xi32>
    %swap3A_76 = vector.shape_cast %get3A_70 : vector<16xi32> to vector<1x16xi32>
    tpu.vector_store %arg8[%swap3A_72, %swap3A_73], %swap3A_76 {strides = array<i32>} : memref<3x64xi32, #tpu.memory_space<vmem>>, vector<1x16xi32>,
    %get3A_77 = arith.constant 176 : index
    %get3A_78 = tpu.vector_load %arg7[%get3A_77] {strides = array<i32>} : memref<10112xi32, #tpu.memory_space<vmem>>, vector<16xi32>,
    %get3A_79 = vector.shape_cast %get3A_78 : vector<16xi32> to vector<16xi32>
    %swap3A_80 = arith.constant 2 : i32
    %swap3A_81 = arith.index_cast %swap3A_80 : i32 to index
    %swap3A_82 = arith.constant 48 : index
    %swap3A_83 = tpu.vector_load %arg8[%swap3A_81, %swap3A_82] {strides = array<i32>} : memref<3x64xi32, #tpu.memory_space<vmem>>, vector<1x16xi32>,
    %swap3A_84 = vector.shape_cast %swap3A_83 : vector<1x16xi32> to vector<16xi32>
    %swap3A_85 = vector.shape_cast %get3A_79 : vector<16xi32> to vector<1x16xi32>
    tpu.vector_store %arg8[%swap3A_81, %swap3A_82], %swap3A_85 {strides = array<i32>} : memref<3x64xi32, #tpu.memory_space<vmem>>, vector<1x16xi32>,
    %dma_start3A_86 = arith.constant 128 : i32
    %dma_start3A_87 = tpu.memref_slice %arg6[%dma_start3A_86] : memref<10112xi32, #tpu.memory_space<vmem>> -> memref<64xi32, #tpu.memory_space<vmem>>
    %dma_start3A_88 = arith.constant 0 : i32
    %dma_start3A_89 = arith.constant 0 : i32
    %dma_start3A_90 = tpu.memref_slice %arg2[%dma_start3A_88, %dma_start3A_89] : memref<10000x128xf32, #tpu.memory_space<hbm>> -> memref<10000x128xf32, #tpu.memory_space<hbm>>
    tpu.enqueue_indirect_dma source(%dma_start3A_90 : memref<10000x128xf32, #tpu.memory_space<hbm>>) target(%arg11 : memref<64x128xf32, #tpu.memory_space<vmem>>) offsets(%dma_start3A_87 : memref<64xi32, #tpu.memory_space<vmem>>) semaphore(%arg15 : memref<!tpu.dma_semaphore, #tpu.memory_space<semaphore_mem>>)
    %scan3A = arith.constant 0 : i32
    %scan3A_91 = arith.constant 0 : i32
    %scan3A_92 = arith.constant 48 : i32
    %scan3A_93 = arith.addi %scan3A_91, %scan3A_92 : i32
    %scan3A_94 = arith.constant 1 : i32
    scf.for %scan3A_227 = %scan3A_91 to %scan3A_93 step %scan3A_94  : i32 {
      %broadcast_in_dim3A = arith.constant 0.000000e+00 : f32
      %broadcast_in_dim3A_228 = vector.broadcast %broadcast_in_dim3A : f32 to vector<16xf32>
      %swap3A_229 = arith.index_cast %scan3A_227 : i32 to index
      %swap3A_230 = arith.constant 0 : index
      %swap3A_231 = tpu.vector_load %arg9[%swap3A_229, %swap3A_230] {strides = array<i32>} : memref<64x128xf32, #tpu.memory_space<vmem>>, vector<1x16xf32>,
      %swap3A_232 = vector.shape_cast %swap3A_231 : vector<1x16xf32> to vector<16xf32>
      %swap3A_233 = vector.shape_cast %broadcast_in_dim3A_228 : vector<16xf32> to vector<1x16xf32>
      tpu.vector_store %arg9[%swap3A_229, %swap3A_230], %swap3A_233 {strides = array<i32>} : memref<64x128xf32, #tpu.memory_space<vmem>>, vector<1x16xf32>,
      %broadcast_in_dim3A_234 = arith.constant 0.000000e+00 : f32
      %broadcast_in_dim3A_235 = vector.broadcast %broadcast_in_dim3A_234 : f32 to vector<16xf32>
      %swap3A_236 = arith.index_cast %scan3A_227 : i32 to index
      %swap3A_237 = arith.constant 16 : index
      %swap3A_238 = tpu.vector_load %arg9[%swap3A_236, %swap3A_237] {strides = array<i32>} : memref<64x128xf32, #tpu.memory_space<vmem>>, vector<1x16xf32>,
      %swap3A_239 = vector.shape_cast %swap3A_238 : vector<1x16xf32> to vector<16xf32>
      %swap3A_240 = vector.shape_cast %broadcast_in_dim3A_235 : vector<16xf32> to vector<1x16xf32>
      tpu.vector_store %arg9[%swap3A_236, %swap3A_237], %swap3A_240 {strides = array<i32>} : memref<64x128xf32, #tpu.memory_space<vmem>>, vector<1x16xf32>,
      %broadcast_in_dim3A_241 = arith.constant 0.000000e+00 : f32
      %broadcast_in_dim3A_242 = vector.broadcast %broadcast_in_dim3A_241 : f32 to vector<16xf32>
      %swap3A_243 = arith.index_cast %scan3A_227 : i32 to index
      %swap3A_244 = arith.constant 32 : index
      %swap3A_245 = tpu.vector_load %arg9[%swap3A_243, %swap3A_244] {strides = array<i32>} : memref<64x128xf32, #tpu.memory_space<vmem>>, vector<1x16xf32>,
      %swap3A_246 = vector.shape_cast %swap3A_245 : vector<1x16xf32> to vector<16xf32>
      %swap3A_247 = vector.shape_cast %broadcast_in_dim3A_242 : vector<16xf32> to vector<1x16xf32>
      tpu.vector_store %arg9[%swap3A_243, %swap3A_244], %swap3A_247 {strides = array<i32>} : memref<64x128xf32, #tpu.memory_space<vmem>>, vector<1x16xf32>,
      %broadcast_in_dim3A_248 = arith.constant 0.000000e+00 : f32
      %broadcast_in_dim3A_249 = vector.broadcast %broadcast_in_dim3A_248 : f32 to vector<16xf32>
      %swap3A_250 = arith.index_cast %scan3A_227 : i32 to index
      %swap3A_251 = arith.constant 48 : index
      %swap3A_252 = tpu.vector_load %arg9[%swap3A_250, %swap3A_251] {strides = array<i32>} : memref<64x128xf32, #tpu.memory_space<vmem>>, vector<1x16xf32>,
      %swap3A_253 = vector.shape_cast %swap3A_252 : vector<1x16xf32> to vector<16xf32>
      %swap3A_254 = vector.shape_cast %broadcast_in_dim3A_249 : vector<16xf32> to vector<1x16xf32>
      tpu.vector_store %arg9[%swap3A_250, %swap3A_251], %swap3A_254 {strides = array<i32>} : memref<64x128xf32, #tpu.memory_space<vmem>>, vector<1x16xf32>,
      %broadcast_in_dim3A_255 = arith.constant 0.000000e+00 : f32
      %broadcast_in_dim3A_256 = vector.broadcast %broadcast_in_dim3A_255 : f32 to vector<16xf32>
      %swap3A_257 = arith.index_cast %scan3A_227 : i32 to index
      %swap3A_258 = arith.constant 64 : index
      %swap3A_259 = tpu.vector_load %arg9[%swap3A_257, %swap3A_258] {strides = array<i32>} : memref<64x128xf32, #tpu.memory_space<vmem>>, vector<1x16xf32>,
      %swap3A_260 = vector.shape_cast %swap3A_259 : vector<1x16xf32> to vector<16xf32>
      %swap3A_261 = vector.shape_cast %broadcast_in_dim3A_256 : vector<16xf32> to vector<1x16xf32>
      tpu.vector_store %arg9[%swap3A_257, %swap3A_258], %swap3A_261 {strides = array<i32>} : memref<64x128xf32, #tpu.memory_space<vmem>>, vector<1x16xf32>,
      %broadcast_in_dim3A_262 = arith.constant 0.000000e+00 : f32
      %broadcast_in_dim3A_263 = vector.broadcast %broadcast_in_dim3A_262 : f32 to vector<16xf32>
      %swap3A_264 = arith.index_cast %scan3A_227 : i32 to index
      %swap3A_265 = arith.constant 80 : index
      %swap3A_266 = tpu.vector_load %arg9[%swap3A_264, %swap3A_265] {strides = array<i32>} : memref<64x128xf32, #tpu.memory_space<vmem>>, vector<1x16xf32>,
      %swap3A_267 = vector.shape_cast %swap3A_266 : vector<1x16xf32> to vector<16xf32>
      %swap3A_268 = vector.shape_cast %broadcast_in_dim3A_263 : vector<16xf32> to vector<1x16xf32>
      tpu.vector_store %arg9[%swap3A_264, %swap3A_265], %swap3A_268 {strides = array<i32>} : memref<64x128xf32, #tpu.memory_space<vmem>>, vector<1x16xf32>,
      %broadcast_in_dim3A_269 = arith.constant 0.000000e+00 : f32
      %broadcast_in_dim3A_270 = vector.broadcast %broadcast_in_dim3A_269 : f32 to vector<16xf32>
      %swap3A_271 = arith.index_cast %scan3A_227 : i32 to index
      %swap3A_272 = arith.constant 96 : index
      %swap3A_273 = tpu.vector_load %arg9[%swap3A_271, %swap3A_272] {strides = array<i32>} : memref<64x128xf32, #tpu.memory_space<vmem>>, vector<1x16xf32>,
      %swap3A_274 = vector.shape_cast %swap3A_273 : vector<1x16xf32> to vector<16xf32>
      %swap3A_275 = vector.shape_cast %broadcast_in_dim3A_270 : vector<16xf32> to vector<1x16xf32>
      tpu.vector_store %arg9[%swap3A_271, %swap3A_272], %swap3A_275 {strides = array<i32>} : memref<64x128xf32, #tpu.memory_space<vmem>>, vector<1x16xf32>,
      %broadcast_in_dim3A_276 = arith.constant 0.000000e+00 : f32
      %broadcast_in_dim3A_277 = vector.broadcast %broadcast_in_dim3A_276 : f32 to vector<16xf32>
      %swap3A_278 = arith.index_cast %scan3A_227 : i32 to index
      %swap3A_279 = arith.constant 112 : index
      %swap3A_280 = tpu.vector_load %arg9[%swap3A_278, %swap3A_279] {strides = array<i32>} : memref<64x128xf32, #tpu.memory_space<vmem>>, vector<1x16xf32>,
      %swap3A_281 = vector.shape_cast %swap3A_280 : vector<1x16xf32> to vector<16xf32>
      %swap3A_282 = vector.shape_cast %broadcast_in_dim3A_277 : vector<16xf32> to vector<1x16xf32>
      tpu.vector_store %arg9[%swap3A_278, %swap3A_279], %swap3A_282 {strides = array<i32>} : memref<64x128xf32, #tpu.memory_space<vmem>>, vector<1x16xf32>,
    }
    %scan3A_95 = arith.constant 48 : i32
    %mul3A_96 = arith.constant 624 : i32
    %mul3A_97 = arith.muli %arg1, %mul3A_96 : i32
    %multiple_of3A = tpu.assume_multiple %mul3A_97, 8 : i32
    %add3A_98 = arith.constant 0 : i32
    %add3A_99 = arith.addi %multiple_of3A, %add3A_98 : i32
    %multiple_of3A_100 = tpu.assume_multiple %add3A_99, 8 : i32
    "tpu.region"() ({
      %run_scoped3A = tpu.sem_alloc : memref<!tpu.dma_semaphore, #tpu.memory_space<semaphore_mem>>
      %dma_start3A_227 = arith.constant 0 : i32
      %dma_start3A_228 = arith.constant 0 : i32
      %dma_start3A_229 = tpu.memref_slice %arg9[%dma_start3A_227, %dma_start3A_228] : memref<64x128xf32, #tpu.memory_space<vmem>> -> memref<48x128xf32, #tpu.memory_space<vmem>>
      %dma_start3A_230 = arith.constant 0 : i32
      %dma_start3A_231 = tpu.memref_slice %arg12[%multiple_of3A_100, %dma_start3A_230] : memref<10000x128xf32, #tpu.memory_space<vmem_shared>> -> memref<48x128xf32, #tpu.memory_space<vmem_shared>>
      %dma_start3A_232 = arith.constant 0 : i32
      %dma_start3A_233 = tpu.memref_slice %arg12[%multiple_of3A_100, %dma_start3A_232] : memref<10000x128xf32, #tpu.memory_space<vmem_shared>> -> memref<48x128xf32, #tpu.memory_space<vmem_shared>>
      %dma_start3A_234 = arith.constant 0 : i32
      %dma_start3A_235 = arith.constant 0 : i32
      %dma_start3A_236 = tpu.memref_slice %arg9[%dma_start3A_234, %dma_start3A_235] : memref<64x128xf32, #tpu.memory_space<vmem>> -> memref<48x128xf32, #tpu.memory_space<vmem>>
      tpu.enqueue_dma source(%dma_start3A_236 : memref<48x128xf32, #tpu.memory_space<vmem>>) target(%dma_start3A_233 : memref<48x128xf32, #tpu.memory_space<vmem_shared>>) target_semaphore(%run_scoped3A : memref<!tpu.dma_semaphore, #tpu.memory_space<semaphore_mem>>)
      %dma_wait3A = arith.constant 0 : i32
      %dma_wait3A_237 = arith.constant 0 : i32
      %dma_wait3A_238 = tpu.memref_slice %arg9[%dma_wait3A, %dma_wait3A_237] : memref<64x128xf32, #tpu.memory_space<vmem>> -> memref<48x128xf32, #tpu.memory_space<vmem>>
      %dma_wait3A_239 = arith.constant 0 : i32
      %dma_wait3A_240 = tpu.memref_slice %arg12[%multiple_of3A_100, %dma_wait3A_239] : memref<10000x128xf32, #tpu.memory_space<vmem_shared>> -> memref<48x128xf32, #tpu.memory_space<vmem_shared>>
      %dma_wait3A_241 = arith.constant 0 : i32
      %dma_wait3A_242 = tpu.memref_slice %arg12[%multiple_of3A_100, %dma_wait3A_241] : memref<10000x128xf32, #tpu.memory_space<vmem_shared>> -> memref<48x128xf32, #tpu.memory_space<vmem_shared>>
      %dma_wait3A_243 = arith.constant 0 : i32
      %dma_wait3A_244 = arith.constant 0 : i32
      %dma_wait3A_245 = tpu.memref_slice %arg9[%dma_wait3A_243, %dma_wait3A_244] : memref<64x128xf32, #tpu.memory_space<vmem>> -> memref<48x128xf32, #tpu.memory_space<vmem>>
      tpu.wait_dma2 semaphore(%run_scoped3A : memref<!tpu.dma_semaphore, #tpu.memory_space<semaphore_mem>>) src(%dma_wait3A_245 : memref<48x128xf32, #tpu.memory_space<vmem>>) dst(%dma_wait3A_242 : memref<48x128xf32, #tpu.memory_space<vmem_shared>>)
      tpu.yield
    }) : () -> ()
    %add3A_101 = arith.constant 48 : i32
    %add3A_102 = arith.addi %multiple_of3A, %add3A_101 : i32
    %multiple_of3A_103 = tpu.assume_multiple %add3A_102, 8 : i32
    "tpu.region"() ({
      %run_scoped3A = tpu.sem_alloc : memref<!tpu.dma_semaphore, #tpu.memory_space<semaphore_mem>>
      %dma_start3A_227 = arith.constant 0 : i32
      %dma_start3A_228 = arith.constant 0 : i32
      %dma_start3A_229 = tpu.memref_slice %arg9[%dma_start3A_227, %dma_start3A_228] : memref<64x128xf32, #tpu.memory_space<vmem>> -> memref<48x128xf32, #tpu.memory_space<vmem>>
      %dma_start3A_230 = arith.constant 0 : i32
      %dma_start3A_231 = tpu.memref_slice %arg12[%multiple_of3A_103, %dma_start3A_230] : memref<10000x128xf32, #tpu.memory_space<vmem_shared>> -> memref<48x128xf32, #tpu.memory_space<vmem_shared>>
      %dma_start3A_232 = arith.constant 0 : i32
      %dma_start3A_233 = tpu.memref_slice %arg12[%multiple_of3A_103, %dma_start3A_232] : memref<10000x128xf32, #tpu.memory_space<vmem_shared>> -> memref<48x128xf32, #tpu.memory_space<vmem_shared>>
      %dma_start3A_234 = arith.constant 0 : i32
      %dma_start3A_235 = arith.constant 0 : i32
      %dma_start3A_236 = tpu.memref_slice %arg9[%dma_start3A_234, %dma_start3A_235] : memref<64x128xf32, #tpu.memory_space<vmem>> -> memref<48x128xf32, #tpu.memory_space<vmem>>
      tpu.enqueue_dma source(%dma_start3A_236 : memref<48x128xf32, #tpu.memory_space<vmem>>) target(%dma_start3A_233 : memref<48x128xf32, #tpu.memory_space<vmem_shared>>) target_semaphore(%run_scoped3A : memref<!tpu.dma_semaphore, #tpu.memory_space<semaphore_mem>>)
      %dma_wait3A = arith.constant 0 : i32
      %dma_wait3A_237 = arith.constant 0 : i32
      %dma_wait3A_238 = tpu.memref_slice %arg9[%dma_wait3A, %dma_wait3A_237] : memref<64x128xf32, #tpu.memory_space<vmem>> -> memref<48x128xf32, #tpu.memory_space<vmem>>
      %dma_wait3A_239 = arith.constant 0 : i32
      %dma_wait3A_240 = tpu.memref_slice %arg12[%multiple_of3A_103, %dma_wait3A_239] : memref<10000x128xf32, #tpu.memory_space<vmem_shared>> -> memref<48x128xf32, #tpu.memory_space<vmem_shared>>
      %dma_wait3A_241 = arith.constant 0 : i32
      %dma_wait3A_242 = tpu.memref_slice %arg12[%multiple_of3A_103, %dma_wait3A_241] : memref<10000x128xf32, #tpu.memory_space<vmem_shared>> -> memref<48x128xf32, #tpu.memory_space<vmem_shared>>
      %dma_wait3A_243 = arith.constant 0 : i32
      %dma_wait3A_244 = arith.constant 0 : i32
      %dma_wait3A_245 = tpu.memref_slice %arg9[%dma_wait3A_243, %dma_wait3A_244] : memref<64x128xf32, #tpu.memory_space<vmem>> -> memref<48x128xf32, #tpu.memory_space<vmem>>
      tpu.wait_dma2 semaphore(%run_scoped3A : memref<!tpu.dma_semaphore, #tpu.memory_space<semaphore_mem>>) src(%dma_wait3A_245 : memref<48x128xf32, #tpu.memory_space<vmem>>) dst(%dma_wait3A_242 : memref<48x128xf32, #tpu.memory_space<vmem_shared>>)
      tpu.yield
    }) : () -> ()
    %add3A_104 = arith.constant 96 : i32
    %add3A_105 = arith.addi %multiple_of3A, %add3A_104 : i32
    %multiple_of3A_106 = tpu.assume_multiple %add3A_105, 8 : i32
    "tpu.region"() ({
      %run_scoped3A = tpu.sem_alloc : memref<!tpu.dma_semaphore, #tpu.memory_space<semaphore_mem>>
      %dma_start3A_227 = arith.constant 0 : i32
      %dma_start3A_228 = arith.constant 0 : i32
      %dma_start3A_229 = tpu.memref_slice %arg9[%dma_start3A_227, %dma_start3A_228] : memref<64x128xf32, #tpu.memory_space<vmem>> -> memref<48x128xf32, #tpu.memory_space<vmem>>
      %dma_start3A_230 = arith.constant 0 : i32
      %dma_start3A_231 = tpu.memref_slice %arg12[%multiple_of3A_106, %dma_start3A_230] : memref<10000x128xf32, #tpu.memory_space<vmem_shared>> -> memref<48x128xf32, #tpu.memory_space<vmem_shared>>
      %dma_start3A_232 = arith.constant 0 : i32
      %dma_start3A_233 = tpu.memref_slice %arg12[%multiple_of3A_106, %dma_start3A_232] : memref<10000x128xf32, #tpu.memory_space<vmem_shared>> -> memref<48x128xf32, #tpu.memory_space<vmem_shared>>
      %dma_start3A_234 = arith.constant 0 : i32
      %dma_start3A_235 = arith.constant 0 : i32
      %dma_start3A_236 = tpu.memref_slice %arg9[%dma_start3A_234, %dma_start3A_235] : memref<64x128xf32, #tpu.memory_space<vmem>> -> memref<48x128xf32, #tpu.memory_space<vmem>>
      tpu.enqueue_dma source(%dma_start3A_236 : memref<48x128xf32, #tpu.memory_space<vmem>>) target(%dma_start3A_233 : memref<48x128xf32, #tpu.memory_space<vmem_shared>>) target_semaphore(%run_scoped3A : memref<!tpu.dma_semaphore, #tpu.memory_space<semaphore_mem>>)
      %dma_wait3A = arith.constant 0 : i32
      %dma_wait3A_237 = arith.constant 0 : i32
      %dma_wait3A_238 = tpu.memref_slice %arg9[%dma_wait3A, %dma_wait3A_237] : memref<64x128xf32, #tpu.memory_space<vmem>> -> memref<48x128xf32, #tpu.memory_space<vmem>>
      %dma_wait3A_239 = arith.constant 0 : i32
      %dma_wait3A_240 = tpu.memref_slice %arg12[%multiple_of3A_106, %dma_wait3A_239] : memref<10000x128xf32, #tpu.memory_space<vmem_shared>> -> memref<48x128xf32, #tpu.memory_space<vmem_shared>>
      %dma_wait3A_241 = arith.constant 0 : i32
      %dma_wait3A_242 = tpu.memref_slice %arg12[%multiple_of3A_106, %dma_wait3A_241] : memref<10000x128xf32, #tpu.memory_space<vmem_shared>> -> memref<48x128xf32, #tpu.memory_space<vmem_shared>>
      %dma_wait3A_243 = arith.constant 0 : i32
      %dma_wait3A_244 = arith.constant 0 : i32
      %dma_wait3A_245 = tpu.memref_slice %arg9[%dma_wait3A_243, %dma_wait3A_244] : memref<64x128xf32, #tpu.memory_space<vmem>> -> memref<48x128xf32, #tpu.memory_space<vmem>>
      tpu.wait_dma2 semaphore(%run_scoped3A : memref<!tpu.dma_semaphore, #tpu.memory_space<semaphore_mem>>) src(%dma_wait3A_245 : memref<48x128xf32, #tpu.memory_space<vmem>>) dst(%dma_wait3A_242 : memref<48x128xf32, #tpu.memory_space<vmem_shared>>)
      tpu.yield
    }) : () -> ()
    %add3A_107 = arith.constant 144 : i32
    %add3A_108 = arith.addi %multiple_of3A, %add3A_107 : i32
    %multiple_of3A_109 = tpu.assume_multiple %add3A_108, 8 : i32
    "tpu.region"() ({
      %run_scoped3A = tpu.sem_alloc : memref<!tpu.dma_semaphore, #tpu.memory_space<semaphore_mem>>
      %dma_start3A_227 = arith.constant 0 : i32
      %dma_start3A_228 = arith.constant 0 : i32
      %dma_start3A_229 = tpu.memref_slice %arg9[%dma_start3A_227, %dma_start3A_228] : memref<64x128xf32, #tpu.memory_space<vmem>> -> memref<48x128xf32, #tpu.memory_space<vmem>>
      %dma_start3A_230 = arith.constant 0 : i32
      %dma_start3A_231 = tpu.memref_slice %arg12[%multiple_of3A_109, %dma_start3A_230] : memref<10000x128xf32, #tpu.memory_space<vmem_shared>> -> memref<48x128xf32, #tpu.memory_space<vmem_shared>>
      %dma_start3A_232 = arith.constant 0 : i32
      %dma_start3A_233 = tpu.memref_slice %arg12[%multiple_of3A_109, %dma_start3A_232] : memref<10000x128xf32, #tpu.memory_space<vmem_shared>> -> memref<48x128xf32, #tpu.memory_space<vmem_shared>>
      %dma_start3A_234 = arith.constant 0 : i32
      %dma_start3A_235 = arith.constant 0 : i32
      %dma_start3A_236 = tpu.memref_slice %arg9[%dma_start3A_234, %dma_start3A_235] : memref<64x128xf32, #tpu.memory_space<vmem>> -> memref<48x128xf32, #tpu.memory_space<vmem>>
      tpu.enqueue_dma source(%dma_start3A_236 : memref<48x128xf32, #tpu.memory_space<vmem>>) target(%dma_start3A_233 : memref<48x128xf32, #tpu.memory_space<vmem_shared>>) target_semaphore(%run_scoped3A : memref<!tpu.dma_semaphore, #tpu.memory_space<semaphore_mem>>)
      %dma_wait3A = arith.constant 0 : i32
      %dma_wait3A_237 = arith.constant 0 : i32
      %dma_wait3A_238 = tpu.memref_slice %arg9[%dma_wait3A, %dma_wait3A_237] : memref<64x128xf32, #tpu.memory_space<vmem>> -> memref<48x128xf32, #tpu.memory_space<vmem>>
      %dma_wait3A_239 = arith.constant 0 : i32
      %dma_wait3A_240 = tpu.memref_slice %arg12[%multiple_of3A_109, %dma_wait3A_239] : memref<10000x128xf32, #tpu.memory_space<vmem_shared>> -> memref<48x128xf32, #tpu.memory_space<vmem_shared>>
      %dma_wait3A_241 = arith.constant 0 : i32
      %dma_wait3A_242 = tpu.memref_slice %arg12[%multiple_of3A_109, %dma_wait3A_241] : memref<10000x128xf32, #tpu.memory_space<vmem_shared>> -> memref<48x128xf32, #tpu.memory_space<vmem_shared>>
      %dma_wait3A_243 = arith.constant 0 : i32
      %dma_wait3A_244 = arith.constant 0 : i32
      %dma_wait3A_245 = tpu.memref_slice %arg9[%dma_wait3A_243, %dma_wait3A_244] : memref<64x128xf32, #tpu.memory_space<vmem>> -> memref<48x128xf32, #tpu.memory_space<vmem>>
      tpu.wait_dma2 semaphore(%run_scoped3A : memref<!tpu.dma_semaphore, #tpu.memory_space<semaphore_mem>>) src(%dma_wait3A_245 : memref<48x128xf32, #tpu.memory_space<vmem>>) dst(%dma_wait3A_242 : memref<48x128xf32, #tpu.memory_space<vmem_shared>>)
      tpu.yield
    }) : () -> ()
    %add3A_110 = arith.constant 192 : i32
    %add3A_111 = arith.addi %multiple_of3A, %add3A_110 : i32
    %multiple_of3A_112 = tpu.assume_multiple %add3A_111, 8 : i32
    "tpu.region"() ({
      %run_scoped3A = tpu.sem_alloc : memref<!tpu.dma_semaphore, #tpu.memory_space<semaphore_mem>>
      %dma_start3A_227 = arith.constant 0 : i32
      %dma_start3A_228 = arith.constant 0 : i32
      %dma_start3A_229 = tpu.memref_slice %arg9[%dma_start3A_227, %dma_start3A_228] : memref<64x128xf32, #tpu.memory_space<vmem>> -> memref<48x128xf32, #tpu.memory_space<vmem>>
      %dma_start3A_230 = arith.constant 0 : i32
      %dma_start3A_231 = tpu.memref_slice %arg12[%multiple_of3A_112, %dma_start3A_230] : memref<10000x128xf32, #tpu.memory_space<vmem_shared>> -> memref<48x128xf32, #tpu.memory_space<vmem_shared>>
      %dma_start3A_232 = arith.constant 0 : i32
      %dma_start3A_233 = tpu.memref_slice %arg12[%multiple_of3A_112, %dma_start3A_232] : memref<10000x128xf32, #tpu.memory_space<vmem_shared>> -> memref<48x128xf32, #tpu.memory_space<vmem_shared>>
      %dma_start3A_234 = arith.constant 0 : i32
      %dma_start3A_235 = arith.constant 0 : i32
      %dma_start3A_236 = tpu.memref_slice %arg9[%dma_start3A_234, %dma_start3A_235] : memref<64x128xf32, #tpu.memory_space<vmem>> -> memref<48x128xf32, #tpu.memory_space<vmem>>
      tpu.enqueue_dma source(%dma_start3A_236 : memref<48x128xf32, #tpu.memory_space<vmem>>) target(%dma_start3A_233 : memref<48x128xf32, #tpu.memory_space<vmem_shared>>) target_semaphore(%run_scoped3A : memref<!tpu.dma_semaphore, #tpu.memory_space<semaphore_mem>>)
      %dma_wait3A = arith.constant 0 : i32
      %dma_wait3A_237 = arith.constant 0 : i32
      %dma_wait3A_238 = tpu.memref_slice %arg9[%dma_wait3A, %dma_wait3A_237] : memref<64x128xf32, #tpu.memory_space<vmem>> -> memref<48x128xf32, #tpu.memory_space<vmem>>
      %dma_wait3A_239 = arith.constant 0 : i32
      %dma_wait3A_240 = tpu.memref_slice %arg12[%multiple_of3A_112, %dma_wait3A_239] : memref<10000x128xf32, #tpu.memory_space<vmem_shared>> -> memref<48x128xf32, #tpu.memory_space<vmem_shared>>
      %dma_wait3A_241 = arith.constant 0 : i32
      %dma_wait3A_242 = tpu.memref_slice %arg12[%multiple_of3A_112, %dma_wait3A_241] : memref<10000x128xf32, #tpu.memory_space<vmem_shared>> -> memref<48x128xf32, #tpu.memory_space<vmem_shared>>
      %dma_wait3A_243 = arith.constant 0 : i32
      %dma_wait3A_244 = arith.constant 0 : i32
      %dma_wait3A_245 = tpu.memref_slice %arg9[%dma_wait3A_243, %dma_wait3A_244] : memref<64x128xf32, #tpu.memory_space<vmem>> -> memref<48x128xf32, #tpu.memory_space<vmem>>
      tpu.wait_dma2 semaphore(%run_scoped3A : memref<!tpu.dma_semaphore, #tpu.memory_space<semaphore_mem>>) src(%dma_wait3A_245 : memref<48x128xf32, #tpu.memory_space<vmem>>) dst(%dma_wait3A_242 : memref<48x128xf32, #tpu.memory_space<vmem_shared>>)
      tpu.yield
    }) : () -> ()
    %add3A_113 = arith.constant 240 : i32
    %add3A_114 = arith.addi %multiple_of3A, %add3A_113 : i32
    %multiple_of3A_115 = tpu.assume_multiple %add3A_114, 8 : i32
    "tpu.region"() ({
      %run_scoped3A = tpu.sem_alloc : memref<!tpu.dma_semaphore, #tpu.memory_space<semaphore_mem>>
      %dma_start3A_227 = arith.constant 0 : i32
      %dma_start3A_228 = arith.constant 0 : i32
      %dma_start3A_229 = tpu.memref_slice %arg9[%dma_start3A_227, %dma_start3A_228] : memref<64x128xf32, #tpu.memory_space<vmem>> -> memref<48x128xf32, #tpu.memory_space<vmem>>
      %dma_start3A_230 = arith.constant 0 : i32
      %dma_start3A_231 = tpu.memref_slice %arg12[%multiple_of3A_115, %dma_start3A_230] : memref<10000x128xf32, #tpu.memory_space<vmem_shared>> -> memref<48x128xf32, #tpu.memory_space<vmem_shared>>
      %dma_start3A_232 = arith.constant 0 : i32
      %dma_start3A_233 = tpu.memref_slice %arg12[%multiple_of3A_115, %dma_start3A_232] : memref<10000x128xf32, #tpu.memory_space<vmem_shared>> -> memref<48x128xf32, #tpu.memory_space<vmem_shared>>
      %dma_start3A_234 = arith.constant 0 : i32
      %dma_start3A_235 = arith.constant 0 : i32
      %dma_start3A_236 = tpu.memref_slice %arg9[%dma_start3A_234, %dma_start3A_235] : memref<64x128xf32, #tpu.memory_space<vmem>> -> memref<48x128xf32, #tpu.memory_space<vmem>>
      tpu.enqueue_dma source(%dma_start3A_236 : memref<48x128xf32, #tpu.memory_space<vmem>>) target(%dma_start3A_233 : memref<48x128xf32, #tpu.memory_space<vmem_shared>>) target_semaphore(%run_scoped3A : memref<!tpu.dma_semaphore, #tpu.memory_space<semaphore_mem>>)
      %dma_wait3A = arith.constant 0 : i32
      %dma_wait3A_237 = arith.constant 0 : i32
      %dma_wait3A_238 = tpu.memref_slice %arg9[%dma_wait3A, %dma_wait3A_237] : memref<64x128xf32, #tpu.memory_space<vmem>> -> memref<48x128xf32, #tpu.memory_space<vmem>>
      %dma_wait3A_239 = arith.constant 0 : i32
      %dma_wait3A_240 = tpu.memref_slice %arg12[%multiple_of3A_115, %dma_wait3A_239] : memref<10000x128xf32, #tpu.memory_space<vmem_shared>> -> memref<48x128xf32, #tpu.memory_space<vmem_shared>>
      %dma_wait3A_241 = arith.constant 0 : i32
      %dma_wait3A_242 = tpu.memref_slice %arg12[%multiple_of3A_115, %dma_wait3A_241] : memref<10000x128xf32, #tpu.memory_space<vmem_shared>> -> memref<48x128xf32, #tpu.memory_space<vmem_shared>>
      %dma_wait3A_243 = arith.constant 0 : i32
      %dma_wait3A_244 = arith.constant 0 : i32
      %dma_wait3A_245 = tpu.memref_slice %arg9[%dma_wait3A_243, %dma_wait3A_244] : memref<64x128xf32, #tpu.memory_space<vmem>> -> memref<48x128xf32, #tpu.memory_space<vmem>>
      tpu.wait_dma2 semaphore(%run_scoped3A : memref<!tpu.dma_semaphore, #tpu.memory_space<semaphore_mem>>) src(%dma_wait3A_245 : memref<48x128xf32, #tpu.memory_space<vmem>>) dst(%dma_wait3A_242 : memref<48x128xf32, #tpu.memory_space<vmem_shared>>)
      tpu.yield
    }) : () -> ()
    %add3A_116 = arith.constant 288 : i32
    %add3A_117 = arith.addi %multiple_of3A, %add3A_116 : i32
    %multiple_of3A_118 = tpu.assume_multiple %add3A_117, 8 : i32
    "tpu.region"() ({
      %run_scoped3A = tpu.sem_alloc : memref<!tpu.dma_semaphore, #tpu.memory_space<semaphore_mem>>
      %dma_start3A_227 = arith.constant 0 : i32
      %dma_start3A_228 = arith.constant 0 : i32
      %dma_start3A_229 = tpu.memref_slice %arg9[%dma_start3A_227, %dma_start3A_228] : memref<64x128xf32, #tpu.memory_space<vmem>> -> memref<48x128xf32, #tpu.memory_space<vmem>>
      %dma_start3A_230 = arith.constant 0 : i32
      %dma_start3A_231 = tpu.memref_slice %arg12[%multiple_of3A_118, %dma_start3A_230] : memref<10000x128xf32, #tpu.memory_space<vmem_shared>> -> memref<48x128xf32, #tpu.memory_space<vmem_shared>>
      %dma_start3A_232 = arith.constant 0 : i32
      %dma_start3A_233 = tpu.memref_slice %arg12[%multiple_of3A_118, %dma_start3A_232] : memref<10000x128xf32, #tpu.memory_space<vmem_shared>> -> memref<48x128xf32, #tpu.memory_space<vmem_shared>>
      %dma_start3A_234 = arith.constant 0 : i32
      %dma_start3A_235 = arith.constant 0 : i32
      %dma_start3A_236 = tpu.memref_slice %arg9[%dma_start3A_234, %dma_start3A_235] : memref<64x128xf32, #tpu.memory_space<vmem>> -> memref<48x128xf32, #tpu.memory_space<vmem>>
      tpu.enqueue_dma source(%dma_start3A_236 : memref<48x128xf32, #tpu.memory_space<vmem>>) target(%dma_start3A_233 : memref<48x128xf32, #tpu.memory_space<vmem_shared>>) target_semaphore(%run_scoped3A : memref<!tpu.dma_semaphore, #tpu.memory_space<semaphore_mem>>)
      %dma_wait3A = arith.constant 0 : i32
      %dma_wait3A_237 = arith.constant 0 : i32
      %dma_wait3A_238 = tpu.memref_slice %arg9[%dma_wait3A, %dma_wait3A_237] : memref<64x128xf32, #tpu.memory_space<vmem>> -> memref<48x128xf32, #tpu.memory_space<vmem>>
      %dma_wait3A_239 = arith.constant 0 : i32
      %dma_wait3A_240 = tpu.memref_slice %arg12[%multiple_of3A_118, %dma_wait3A_239] : memref<10000x128xf32, #tpu.memory_space<vmem_shared>> -> memref<48x128xf32, #tpu.memory_space<vmem_shared>>
      %dma_wait3A_241 = arith.constant 0 : i32
      %dma_wait3A_242 = tpu.memref_slice %arg12[%multiple_of3A_118, %dma_wait3A_241] : memref<10000x128xf32, #tpu.memory_space<vmem_shared>> -> memref<48x128xf32, #tpu.memory_space<vmem_shared>>
      %dma_wait3A_243 = arith.constant 0 : i32
      %dma_wait3A_244 = arith.constant 0 : i32
      %dma_wait3A_245 = tpu.memref_slice %arg9[%dma_wait3A_243, %dma_wait3A_244] : memref<64x128xf32, #tpu.memory_space<vmem>> -> memref<48x128xf32, #tpu.memory_space<vmem>>
      tpu.wait_dma2 semaphore(%run_scoped3A : memref<!tpu.dma_semaphore, #tpu.memory_space<semaphore_mem>>) src(%dma_wait3A_245 : memref<48x128xf32, #tpu.memory_space<vmem>>) dst(%dma_wait3A_242 : memref<48x128xf32, #tpu.memory_space<vmem_shared>>)
      tpu.yield
    }) : () -> ()
    %add3A_119 = arith.constant 336 : i32
    %add3A_120 = arith.addi %multiple_of3A, %add3A_119 : i32
    %multiple_of3A_121 = tpu.assume_multiple %add3A_120, 8 : i32
    "tpu.region"() ({
      %run_scoped3A = tpu.sem_alloc : memref<!tpu.dma_semaphore, #tpu.memory_space<semaphore_mem>>
      %dma_start3A_227 = arith.constant 0 : i32
      %dma_start3A_228 = arith.constant 0 : i32
      %dma_start3A_229 = tpu.memref_slice %arg9[%dma_start3A_227, %dma_start3A_228] : memref<64x128xf32, #tpu.memory_space<vmem>> -> memref<48x128xf32, #tpu.memory_space<vmem>>
      %dma_start3A_230 = arith.constant 0 : i32
      %dma_start3A_231 = tpu.memref_slice %arg12[%multiple_of3A_121, %dma_start3A_230] : memref<10000x128xf32, #tpu.memory_space<vmem_shared>> -> memref<48x128xf32, #tpu.memory_space<vmem_shared>>
      %dma_start3A_232 = arith.constant 0 : i32
      %dma_start3A_233 = tpu.memref_slice %arg12[%multiple_of3A_121, %dma_start3A_232] : memref<10000x128xf32, #tpu.memory_space<vmem_shared>> -> memref<48x128xf32, #tpu.memory_space<vmem_shared>>
      %dma_start3A_234 = arith.constant 0 : i32
      %dma_start3A_235 = arith.constant 0 : i32
      %dma_start3A_236 = tpu.memref_slice %arg9[%dma_start3A_234, %dma_start3A_235] : memref<64x128xf32, #tpu.memory_space<vmem>> -> memref<48x128xf32, #tpu.memory_space<vmem>>
      tpu.enqueue_dma source(%dma_start3A_236 : memref<48x128xf32, #tpu.memory_space<vmem>>) target(%dma_start3A_233 : memref<48x128xf32, #tpu.memory_space<vmem_shared>>) target_semaphore(%run_scoped3A : memref<!tpu.dma_semaphore, #tpu.memory_space<semaphore_mem>>)
      %dma_wait3A = arith.constant 0 : i32
      %dma_wait3A_237 = arith.constant 0 : i32
      %dma_wait3A_238 = tpu.memref_slice %arg9[%dma_wait3A, %dma_wait3A_237] : memref<64x128xf32, #tpu.memory_space<vmem>> -> memref<48x128xf32, #tpu.memory_space<vmem>>
      %dma_wait3A_239 = arith.constant 0 : i32
      %dma_wait3A_240 = tpu.memref_slice %arg12[%multiple_of3A_121, %dma_wait3A_239] : memref<10000x128xf32, #tpu.memory_space<vmem_shared>> -> memref<48x128xf32, #tpu.memory_space<vmem_shared>>
      %dma_wait3A_241 = arith.constant 0 : i32
      %dma_wait3A_242 = tpu.memref_slice %arg12[%multiple_of3A_121, %dma_wait3A_241] : memref<10000x128xf32, #tpu.memory_space<vmem_shared>> -> memref<48x128xf32, #tpu.memory_space<vmem_shared>>
      %dma_wait3A_243 = arith.constant 0 : i32
      %dma_wait3A_244 = arith.constant 0 : i32
      %dma_wait3A_245 = tpu.memref_slice %arg9[%dma_wait3A_243, %dma_wait3A_244] : memref<64x128xf32, #tpu.memory_space<vmem>> -> memref<48x128xf32, #tpu.memory_space<vmem>>
      tpu.wait_dma2 semaphore(%run_scoped3A : memref<!tpu.dma_semaphore, #tpu.memory_space<semaphore_mem>>) src(%dma_wait3A_245 : memref<48x128xf32, #tpu.memory_space<vmem>>) dst(%dma_wait3A_242 : memref<48x128xf32, #tpu.memory_space<vmem_shared>>)
      tpu.yield
    }) : () -> ()
    %add3A_122 = arith.constant 384 : i32
    %add3A_123 = arith.addi %multiple_of3A, %add3A_122 : i32
    %multiple_of3A_124 = tpu.assume_multiple %add3A_123, 8 : i32
    "tpu.region"() ({
      %run_scoped3A = tpu.sem_alloc : memref<!tpu.dma_semaphore, #tpu.memory_space<semaphore_mem>>
      %dma_start3A_227 = arith.constant 0 : i32
      %dma_start3A_228 = arith.constant 0 : i32
      %dma_start3A_229 = tpu.memref_slice %arg9[%dma_start3A_227, %dma_start3A_228] : memref<64x128xf32, #tpu.memory_space<vmem>> -> memref<48x128xf32, #tpu.memory_space<vmem>>
      %dma_start3A_230 = arith.constant 0 : i32
      %dma_start3A_231 = tpu.memref_slice %arg12[%multiple_of3A_124, %dma_start3A_230] : memref<10000x128xf32, #tpu.memory_space<vmem_shared>> -> memref<48x128xf32, #tpu.memory_space<vmem_shared>>
      %dma_start3A_232 = arith.constant 0 : i32
      %dma_start3A_233 = tpu.memref_slice %arg12[%multiple_of3A_124, %dma_start3A_232] : memref<10000x128xf32, #tpu.memory_space<vmem_shared>> -> memref<48x128xf32, #tpu.memory_space<vmem_shared>>
      %dma_start3A_234 = arith.constant 0 : i32
      %dma_start3A_235 = arith.constant 0 : i32
      %dma_start3A_236 = tpu.memref_slice %arg9[%dma_start3A_234, %dma_start3A_235] : memref<64x128xf32, #tpu.memory_space<vmem>> -> memref<48x128xf32, #tpu.memory_space<vmem>>
      tpu.enqueue_dma source(%dma_start3A_236 : memref<48x128xf32, #tpu.memory_space<vmem>>) target(%dma_start3A_233 : memref<48x128xf32, #tpu.memory_space<vmem_shared>>) target_semaphore(%run_scoped3A : memref<!tpu.dma_semaphore, #tpu.memory_space<semaphore_mem>>)
      %dma_wait3A = arith.constant 0 : i32
      %dma_wait3A_237 = arith.constant 0 : i32
      %dma_wait3A_238 = tpu.memref_slice %arg9[%dma_wait3A, %dma_wait3A_237] : memref<64x128xf32, #tpu.memory_space<vmem>> -> memref<48x128xf32, #tpu.memory_space<vmem>>
      %dma_wait3A_239 = arith.constant 0 : i32
      %dma_wait3A_240 = tpu.memref_slice %arg12[%multiple_of3A_124, %dma_wait3A_239] : memref<10000x128xf32, #tpu.memory_space<vmem_shared>> -> memref<48x128xf32, #tpu.memory_space<vmem_shared>>
      %dma_wait3A_241 = arith.constant 0 : i32
      %dma_wait3A_242 = tpu.memref_slice %arg12[%multiple_of3A_124, %dma_wait3A_241] : memref<10000x128xf32, #tpu.memory_space<vmem_shared>> -> memref<48x128xf32, #tpu.memory_space<vmem_shared>>
      %dma_wait3A_243 = arith.constant 0 : i32
      %dma_wait3A_244 = arith.constant 0 : i32
      %dma_wait3A_245 = tpu.memref_slice %arg9[%dma_wait3A_243, %dma_wait3A_244] : memref<64x128xf32, #tpu.memory_space<vmem>> -> memref<48x128xf32, #tpu.memory_space<vmem>>
      tpu.wait_dma2 semaphore(%run_scoped3A : memref<!tpu.dma_semaphore, #tpu.memory_space<semaphore_mem>>) src(%dma_wait3A_245 : memref<48x128xf32, #tpu.memory_space<vmem>>) dst(%dma_wait3A_242 : memref<48x128xf32, #tpu.memory_space<vmem_shared>>)
      tpu.yield
    }) : () -> ()
    %add3A_125 = arith.constant 432 : i32
    %add3A_126 = arith.addi %multiple_of3A, %add3A_125 : i32
    %multiple_of3A_127 = tpu.assume_multiple %add3A_126, 8 : i32
    "tpu.region"() ({
      %run_scoped3A = tpu.sem_alloc : memref<!tpu.dma_semaphore, #tpu.memory_space<semaphore_mem>>
      %dma_start3A_227 = arith.constant 0 : i32
      %dma_start3A_228 = arith.constant 0 : i32
      %dma_start3A_229 = tpu.memref_slice %arg9[%dma_start3A_227, %dma_start3A_228] : memref<64x128xf32, #tpu.memory_space<vmem>> -> memref<48x128xf32, #tpu.memory_space<vmem>>
      %dma_start3A_230 = arith.constant 0 : i32
      %dma_start3A_231 = tpu.memref_slice %arg12[%multiple_of3A_127, %dma_start3A_230] : memref<10000x128xf32, #tpu.memory_space<vmem_shared>> -> memref<48x128xf32, #tpu.memory_space<vmem_shared>>
      %dma_start3A_232 = arith.constant 0 : i32
      %dma_start3A_233 = tpu.memref_slice %arg12[%multiple_of3A_127, %dma_start3A_232] : memref<10000x128xf32, #tpu.memory_space<vmem_shared>> -> memref<48x128xf32, #tpu.memory_space<vmem_shared>>
      %dma_start3A_234 = arith.constant 0 : i32
      %dma_start3A_235 = arith.constant 0 : i32
      %dma_start3A_236 = tpu.memref_slice %arg9[%dma_start3A_234, %dma_start3A_235] : memref<64x128xf32, #tpu.memory_space<vmem>> -> memref<48x128xf32, #tpu.memory_space<vmem>>
      tpu.enqueue_dma source(%dma_start3A_236 : memref<48x128xf32, #tpu.memory_space<vmem>>) target(%dma_start3A_233 : memref<48x128xf32, #tpu.memory_space<vmem_shared>>) target_semaphore(%run_scoped3A : memref<!tpu.dma_semaphore, #tpu.memory_space<semaphore_mem>>)
      %dma_wait3A = arith.constant 0 : i32
      %dma_wait3A_237 = arith.constant 0 : i32
      %dma_wait3A_238 = tpu.memref_slice %arg9[%dma_wait3A, %dma_wait3A_237] : memref<64x128xf32, #tpu.memory_space<vmem>> -> memref<48x128xf32, #tpu.memory_space<vmem>>
      %dma_wait3A_239 = arith.constant 0 : i32
      %dma_wait3A_240 = tpu.memref_slice %arg12[%multiple_of3A_127, %dma_wait3A_239] : memref<10000x128xf32, #tpu.memory_space<vmem_shared>> -> memref<48x128xf32, #tpu.memory_space<vmem_shared>>
      %dma_wait3A_241 = arith.constant 0 : i32
      %dma_wait3A_242 = tpu.memref_slice %arg12[%multiple_of3A_127, %dma_wait3A_241] : memref<10000x128xf32, #tpu.memory_space<vmem_shared>> -> memref<48x128xf32, #tpu.memory_space<vmem_shared>>
      %dma_wait3A_243 = arith.constant 0 : i32
      %dma_wait3A_244 = arith.constant 0 : i32
      %dma_wait3A_245 = tpu.memref_slice %arg9[%dma_wait3A_243, %dma_wait3A_244] : memref<64x128xf32, #tpu.memory_space<vmem>> -> memref<48x128xf32, #tpu.memory_space<vmem>>
      tpu.wait_dma2 semaphore(%run_scoped3A : memref<!tpu.dma_semaphore, #tpu.memory_space<semaphore_mem>>) src(%dma_wait3A_245 : memref<48x128xf32, #tpu.memory_space<vmem>>) dst(%dma_wait3A_242 : memref<48x128xf32, #tpu.memory_space<vmem_shared>>)
      tpu.yield
    }) : () -> ()
    %add3A_128 = arith.constant 480 : i32
    %add3A_129 = arith.addi %multiple_of3A, %add3A_128 : i32
    %multiple_of3A_130 = tpu.assume_multiple %add3A_129, 8 : i32
    "tpu.region"() ({
      %run_scoped3A = tpu.sem_alloc : memref<!tpu.dma_semaphore, #tpu.memory_space<semaphore_mem>>
      %dma_start3A_227 = arith.constant 0 : i32
      %dma_start3A_228 = arith.constant 0 : i32
      %dma_start3A_229 = tpu.memref_slice %arg9[%dma_start3A_227, %dma_start3A_228] : memref<64x128xf32, #tpu.memory_space<vmem>> -> memref<48x128xf32, #tpu.memory_space<vmem>>
      %dma_start3A_230 = arith.constant 0 : i32
      %dma_start3A_231 = tpu.memref_slice %arg12[%multiple_of3A_130, %dma_start3A_230] : memref<10000x128xf32, #tpu.memory_space<vmem_shared>> -> memref<48x128xf32, #tpu.memory_space<vmem_shared>>
      %dma_start3A_232 = arith.constant 0 : i32
      %dma_start3A_233 = tpu.memref_slice %arg12[%multiple_of3A_130, %dma_start3A_232] : memref<10000x128xf32, #tpu.memory_space<vmem_shared>> -> memref<48x128xf32, #tpu.memory_space<vmem_shared>>
      %dma_start3A_234 = arith.constant 0 : i32
      %dma_start3A_235 = arith.constant 0 : i32
      %dma_start3A_236 = tpu.memref_slice %arg9[%dma_start3A_234, %dma_start3A_235] : memref<64x128xf32, #tpu.memory_space<vmem>> -> memref<48x128xf32, #tpu.memory_space<vmem>>
      tpu.enqueue_dma source(%dma_start3A_236 : memref<48x128xf32, #tpu.memory_space<vmem>>) target(%dma_start3A_233 : memref<48x128xf32, #tpu.memory_space<vmem_shared>>) target_semaphore(%run_scoped3A : memref<!tpu.dma_semaphore, #tpu.memory_space<semaphore_mem>>)
      %dma_wait3A = arith.constant 0 : i32
      %dma_wait3A_237 = arith.constant 0 : i32
      %dma_wait3A_238 = tpu.memref_slice %arg9[%dma_wait3A, %dma_wait3A_237] : memref<64x128xf32, #tpu.memory_space<vmem>> -> memref<48x128xf32, #tpu.memory_space<vmem>>
      %dma_wait3A_239 = arith.constant 0 : i32
      %dma_wait3A_240 = tpu.memref_slice %arg12[%multiple_of3A_130, %dma_wait3A_239] : memref<10000x128xf32, #tpu.memory_space<vmem_shared>> -> memref<48x128xf32, #tpu.memory_space<vmem_shared>>
      %dma_wait3A_241 = arith.constant 0 : i32
      %dma_wait3A_242 = tpu.memref_slice %arg12[%multiple_of3A_130, %dma_wait3A_241] : memref<10000x128xf32, #tpu.memory_space<vmem_shared>> -> memref<48x128xf32, #tpu.memory_space<vmem_shared>>
      %dma_wait3A_243 = arith.constant 0 : i32
      %dma_wait3A_244 = arith.constant 0 : i32
      %dma_wait3A_245 = tpu.memref_slice %arg9[%dma_wait3A_243, %dma_wait3A_244] : memref<64x128xf32, #tpu.memory_space<vmem>> -> memref<48x128xf32, #tpu.memory_space<vmem>>
      tpu.wait_dma2 semaphore(%run_scoped3A : memref<!tpu.dma_semaphore, #tpu.memory_space<semaphore_mem>>) src(%dma_wait3A_245 : memref<48x128xf32, #tpu.memory_space<vmem>>) dst(%dma_wait3A_242 : memref<48x128xf32, #tpu.memory_space<vmem_shared>>)
      tpu.yield
    }) : () -> ()
    %add3A_131 = arith.constant 528 : i32
    %add3A_132 = arith.addi %multiple_of3A, %add3A_131 : i32
    %multiple_of3A_133 = tpu.assume_multiple %add3A_132, 8 : i32
    "tpu.region"() ({
      %run_scoped3A = tpu.sem_alloc : memref<!tpu.dma_semaphore, #tpu.memory_space<semaphore_mem>>
      %dma_start3A_227 = arith.constant 0 : i32
      %dma_start3A_228 = arith.constant 0 : i32
      %dma_start3A_229 = tpu.memref_slice %arg9[%dma_start3A_227, %dma_start3A_228] : memref<64x128xf32, #tpu.memory_space<vmem>> -> memref<48x128xf32, #tpu.memory_space<vmem>>
      %dma_start3A_230 = arith.constant 0 : i32
      %dma_start3A_231 = tpu.memref_slice %arg12[%multiple_of3A_133, %dma_start3A_230] : memref<10000x128xf32, #tpu.memory_space<vmem_shared>> -> memref<48x128xf32, #tpu.memory_space<vmem_shared>>
      %dma_start3A_232 = arith.constant 0 : i32
      %dma_start3A_233 = tpu.memref_slice %arg12[%multiple_of3A_133, %dma_start3A_232] : memref<10000x128xf32, #tpu.memory_space<vmem_shared>> -> memref<48x128xf32, #tpu.memory_space<vmem_shared>>
      %dma_start3A_234 = arith.constant 0 : i32
      %dma_start3A_235 = arith.constant 0 : i32
      %dma_start3A_236 = tpu.memref_slice %arg9[%dma_start3A_234, %dma_start3A_235] : memref<64x128xf32, #tpu.memory_space<vmem>> -> memref<48x128xf32, #tpu.memory_space<vmem>>
      tpu.enqueue_dma source(%dma_start3A_236 : memref<48x128xf32, #tpu.memory_space<vmem>>) target(%dma_start3A_233 : memref<48x128xf32, #tpu.memory_space<vmem_shared>>) target_semaphore(%run_scoped3A : memref<!tpu.dma_semaphore, #tpu.memory_space<semaphore_mem>>)
      %dma_wait3A = arith.constant 0 : i32
      %dma_wait3A_237 = arith.constant 0 : i32
      %dma_wait3A_238 = tpu.memref_slice %arg9[%dma_wait3A, %dma_wait3A_237] : memref<64x128xf32, #tpu.memory_space<vmem>> -> memref<48x128xf32, #tpu.memory_space<vmem>>
      %dma_wait3A_239 = arith.constant 0 : i32
      %dma_wait3A_240 = tpu.memref_slice %arg12[%multiple_of3A_133, %dma_wait3A_239] : memref<10000x128xf32, #tpu.memory_space<vmem_shared>> -> memref<48x128xf32, #tpu.memory_space<vmem_shared>>
      %dma_wait3A_241 = arith.constant 0 : i32
      %dma_wait3A_242 = tpu.memref_slice %arg12[%multiple_of3A_133, %dma_wait3A_241] : memref<10000x128xf32, #tpu.memory_space<vmem_shared>> -> memref<48x128xf32, #tpu.memory_space<vmem_shared>>
      %dma_wait3A_243 = arith.constant 0 : i32
      %dma_wait3A_244 = arith.constant 0 : i32
      %dma_wait3A_245 = tpu.memref_slice %arg9[%dma_wait3A_243, %dma_wait3A_244] : memref<64x128xf32, #tpu.memory_space<vmem>> -> memref<48x128xf32, #tpu.memory_space<vmem>>
      tpu.wait_dma2 semaphore(%run_scoped3A : memref<!tpu.dma_semaphore, #tpu.memory_space<semaphore_mem>>) src(%dma_wait3A_245 : memref<48x128xf32, #tpu.memory_space<vmem>>) dst(%dma_wait3A_242 : memref<48x128xf32, #tpu.memory_space<vmem_shared>>)
      tpu.yield
    }) : () -> ()
    %add3A_134 = arith.constant 576 : i32
    %add3A_135 = arith.addi %multiple_of3A, %add3A_134 : i32
    %multiple_of3A_136 = tpu.assume_multiple %add3A_135, 8 : i32
    "tpu.region"() ({
      %run_scoped3A = tpu.sem_alloc : memref<!tpu.dma_semaphore, #tpu.memory_space<semaphore_mem>>
      %dma_start3A_227 = arith.constant 0 : i32
      %dma_start3A_228 = arith.constant 0 : i32
      %dma_start3A_229 = tpu.memref_slice %arg9[%dma_start3A_227, %dma_start3A_228] : memref<64x128xf32, #tpu.memory_space<vmem>> -> memref<48x128xf32, #tpu.memory_space<vmem>>
      %dma_start3A_230 = arith.constant 0 : i32
      %dma_start3A_231 = tpu.memref_slice %arg12[%multiple_of3A_136, %dma_start3A_230] : memref<10000x128xf32, #tpu.memory_space<vmem_shared>> -> memref<48x128xf32, #tpu.memory_space<vmem_shared>>
      %dma_start3A_232 = arith.constant 0 : i32
      %dma_start3A_233 = tpu.memref_slice %arg12[%multiple_of3A_136, %dma_start3A_232] : memref<10000x128xf32, #tpu.memory_space<vmem_shared>> -> memref<48x128xf32, #tpu.memory_space<vmem_shared>>
      %dma_start3A_234 = arith.constant 0 : i32
      %dma_start3A_235 = arith.constant 0 : i32
      %dma_start3A_236 = tpu.memref_slice %arg9[%dma_start3A_234, %dma_start3A_235] : memref<64x128xf32, #tpu.memory_space<vmem>> -> memref<48x128xf32, #tpu.memory_space<vmem>>
      tpu.enqueue_dma source(%dma_start3A_236 : memref<48x128xf32, #tpu.memory_space<vmem>>) target(%dma_start3A_233 : memref<48x128xf32, #tpu.memory_space<vmem_shared>>) target_semaphore(%run_scoped3A : memref<!tpu.dma_semaphore, #tpu.memory_space<semaphore_mem>>)
      %dma_wait3A = arith.constant 0 : i32
      %dma_wait3A_237 = arith.constant 0 : i32
      %dma_wait3A_238 = tpu.memref_slice %arg9[%dma_wait3A, %dma_wait3A_237] : memref<64x128xf32, #tpu.memory_space<vmem>> -> memref<48x128xf32, #tpu.memory_space<vmem>>
      %dma_wait3A_239 = arith.constant 0 : i32
      %dma_wait3A_240 = tpu.memref_slice %arg12[%multiple_of3A_136, %dma_wait3A_239] : memref<10000x128xf32, #tpu.memory_space<vmem_shared>> -> memref<48x128xf32, #tpu.memory_space<vmem_shared>>
      %dma_wait3A_241 = arith.constant 0 : i32
      %dma_wait3A_242 = tpu.memref_slice %arg12[%multiple_of3A_136, %dma_wait3A_241] : memref<10000x128xf32, #tpu.memory_space<vmem_shared>> -> memref<48x128xf32, #tpu.memory_space<vmem_shared>>
      %dma_wait3A_243 = arith.constant 0 : i32
      %dma_wait3A_244 = arith.constant 0 : i32
      %dma_wait3A_245 = tpu.memref_slice %arg9[%dma_wait3A_243, %dma_wait3A_244] : memref<64x128xf32, #tpu.memory_space<vmem>> -> memref<48x128xf32, #tpu.memory_space<vmem>>
      tpu.wait_dma2 semaphore(%run_scoped3A : memref<!tpu.dma_semaphore, #tpu.memory_space<semaphore_mem>>) src(%dma_wait3A_245 : memref<48x128xf32, #tpu.memory_space<vmem>>) dst(%dma_wait3A_242 : memref<48x128xf32, #tpu.memory_space<vmem_shared>>)
      tpu.yield
    }) : () -> ()
    %eq3A_137 = arith.constant 0 : i32
    %eq3A_138 = arith.cmpi eq, %arg1, %eq3A_137 : i32
    %convert_element_type3A_139 = arith.extui %eq3A_138 : i1 to i32
    %cond3A_140 = arith.constant 0 : i32
    %cond3A_141 = arith.cmpi ne, %convert_element_type3A_139, %cond3A_140 : i32
    scf.if %cond3A_141 {
      "tpu.region"() ({
        %run_scoped3A = tpu.sem_alloc : memref<!tpu.dma_semaphore, #tpu.memory_space<semaphore_mem>>
        %dma_start3A_227 = arith.constant 0 : i32
        %dma_start3A_228 = arith.constant 0 : i32
        %dma_start3A_229 = tpu.memref_slice %arg9[%dma_start3A_227, %dma_start3A_228] : memref<64x128xf32, #tpu.memory_space<vmem>> -> memref<16x128xf32, #tpu.memory_space<vmem>>
        %dma_start3A_230 = arith.constant 9984 : i32
        %dma_start3A_231 = arith.constant 0 : i32
        %dma_start3A_232 = tpu.memref_slice %arg12[%dma_start3A_230, %dma_start3A_231] : memref<10000x128xf32, #tpu.memory_space<vmem_shared>> -> memref<16x128xf32, #tpu.memory_space<vmem_shared>>
        %dma_start3A_233 = arith.constant 9984 : i32
        %dma_start3A_234 = arith.constant 0 : i32
        %dma_start3A_235 = tpu.memref_slice %arg12[%dma_start3A_233, %dma_start3A_234] : memref<10000x128xf32, #tpu.memory_space<vmem_shared>> -> memref<16x128xf32, #tpu.memory_space<vmem_shared>>
        %dma_start3A_236 = arith.constant 0 : i32
        %dma_start3A_237 = arith.constant 0 : i32
        %dma_start3A_238 = tpu.memref_slice %arg9[%dma_start3A_236, %dma_start3A_237] : memref<64x128xf32, #tpu.memory_space<vmem>> -> memref<16x128xf32, #tpu.memory_space<vmem>>
        tpu.enqueue_dma source(%dma_start3A_238 : memref<16x128xf32, #tpu.memory_space<vmem>>) target(%dma_start3A_235 : memref<16x128xf32, #tpu.memory_space<vmem_shared>>) target_semaphore(%run_scoped3A : memref<!tpu.dma_semaphore, #tpu.memory_space<semaphore_mem>>)
        %dma_wait3A = arith.constant 0 : i32
        %dma_wait3A_239 = arith.constant 0 : i32
        %dma_wait3A_240 = tpu.memref_slice %arg9[%dma_wait3A, %dma_wait3A_239] : memref<64x128xf32, #tpu.memory_space<vmem>> -> memref<16x128xf32, #tpu.memory_space<vmem>>
        %dma_wait3A_241 = arith.constant 9984 : i32
        %dma_wait3A_242 = arith.constant 0 : i32
        %dma_wait3A_243 = tpu.memref_slice %arg12[%dma_wait3A_241, %dma_wait3A_242] : memref<10000x128xf32, #tpu.memory_space<vmem_shared>> -> memref<16x128xf32, #tpu.memory_space<vmem_shared>>
        %dma_wait3A_244 = arith.constant 9984 : i32
        %dma_wait3A_245 = arith.constant 0 : i32
        %dma_wait3A_246 = tpu.memref_slice %arg12[%dma_wait3A_244, %dma_wait3A_245] : memref<10000x128xf32, #tpu.memory_space<vmem_shared>> -> memref<16x128xf32, #tpu.memory_space<vmem_shared>>
        %dma_wait3A_247 = arith.constant 0 : i32
        %dma_wait3A_248 = arith.constant 0 : i32
        %dma_wait3A_249 = tpu.memref_slice %arg9[%dma_wait3A_247, %dma_wait3A_248] : memref<64x128xf32, #tpu.memory_space<vmem>> -> memref<16x128xf32, #tpu.memory_space<vmem>>
        tpu.wait_dma2 semaphore(%run_scoped3A : memref<!tpu.dma_semaphore, #tpu.memory_space<semaphore_mem>>) src(%dma_wait3A_249 : memref<16x128xf32, #tpu.memory_space<vmem>>) dst(%dma_wait3A_246 : memref<16x128xf32, #tpu.memory_space<vmem_shared>>)
        tpu.yield
      }) : () -> ()
    } else {
    }
    %get3A_142 = arith.constant 0 : index
    %get3A_143 = tpu.vector_load %arg7[%get3A_142] {strides = array<i32>} : memref<10112xi32, #tpu.memory_space<vmem>>, vector<16xi32>,
    %get3A_144 = vector.shape_cast %get3A_143 : vector<16xi32> to vector<16xi32>
    %swap3A_145 = arith.constant 0 : i32
    %swap3A_146 = arith.index_cast %swap3A_145 : i32 to index
    %swap3A_147 = arith.constant 0 : index
    %swap3A_148 = tpu.vector_load %arg8[%swap3A_146, %swap3A_147] {strides = array<i32>} : memref<3x64xi32, #tpu.memory_space<vmem>>, vector<1x16xi32>,
    %swap3A_149 = vector.shape_cast %swap3A_148 : vector<1x16xi32> to vector<16xi32>
    %swap3A_150 = vector.shape_cast %get3A_144 : vector<16xi32> to vector<1x16xi32>
    tpu.vector_store %arg8[%swap3A_146, %swap3A_147], %swap3A_150 {strides = array<i32>} : memref<3x64xi32, #tpu.memory_space<vmem>>, vector<1x16xi32>,
    %get3A_151 = arith.constant 16 : index
    %get3A_152 = tpu.vector_load %arg7[%get3A_151] {strides = array<i32>} : memref<10112xi32, #tpu.memory_space<vmem>>, vector<16xi32>,
    %get3A_153 = vector.shape_cast %get3A_152 : vector<16xi32> to vector<16xi32>
    %swap3A_154 = arith.constant 0 : i32
    %swap3A_155 = arith.index_cast %swap3A_154 : i32 to index
    %swap3A_156 = arith.constant 16 : index
    %swap3A_157 = tpu.vector_load %arg8[%swap3A_155, %swap3A_156] {strides = array<i32>} : memref<3x64xi32, #tpu.memory_space<vmem>>, vector<1x16xi32>,
    %swap3A_158 = vector.shape_cast %swap3A_157 : vector<1x16xi32> to vector<16xi32>
    %swap3A_159 = vector.shape_cast %get3A_153 : vector<16xi32> to vector<1x16xi32>
    tpu.vector_store %arg8[%swap3A_155, %swap3A_156], %swap3A_159 {strides = array<i32>} : memref<3x64xi32, #tpu.memory_space<vmem>>, vector<1x16xi32>,
    %get3A_160 = arith.constant 32 : index
    %get3A_161 = tpu.vector_load %arg7[%get3A_160] {strides = array<i32>} : memref<10112xi32, #tpu.memory_space<vmem>>, vector<16xi32>,
    %get3A_162 = vector.shape_cast %get3A_161 : vector<16xi32> to vector<16xi32>
    %swap3A_163 = arith.constant 0 : i32
    %swap3A_164 = arith.index_cast %swap3A_163 : i32 to index
    %swap3A_165 = arith.constant 32 : index
    %swap3A_166 = tpu.vector_load %arg8[%swap3A_164, %swap3A_165] {strides = array<i32>} : memref<3x64xi32, #tpu.memory_space<vmem>>, vector<1x16xi32>,
    %swap3A_167 = vector.shape_cast %swap3A_166 : vector<1x16xi32> to vector<16xi32>
    %swap3A_168 = vector.shape_cast %get3A_162 : vector<16xi32> to vector<1x16xi32>
    tpu.vector_store %arg8[%swap3A_164, %swap3A_165], %swap3A_168 {strides = array<i32>} : memref<3x64xi32, #tpu.memory_space<vmem>>, vector<1x16xi32>,
    %get3A_169 = arith.constant 48 : index
    %get3A_170 = tpu.vector_load %arg7[%get3A_169] {strides = array<i32>} : memref<10112xi32, #tpu.memory_space<vmem>>, vector<16xi32>,
    %get3A_171 = vector.shape_cast %get3A_170 : vector<16xi32> to vector<16xi32>
    %swap3A_172 = arith.constant 0 : i32
    %swap3A_173 = arith.index_cast %swap3A_172 : i32 to index
    %swap3A_174 = arith.constant 48 : index
    %swap3A_175 = tpu.vector_load %arg8[%swap3A_173, %swap3A_174] {strides = array<i32>} : memref<3x64xi32, #tpu.memory_space<vmem>>, vector<1x16xi32>,
    %swap3A_176 = vector.shape_cast %swap3A_175 : vector<1x16xi32> to vector<16xi32>
    %swap3A_177 = vector.shape_cast %get3A_171 : vector<16xi32> to vector<1x16xi32>
    tpu.vector_store %arg8[%swap3A_173, %swap3A_174], %swap3A_177 {strides = array<i32>} : memref<3x64xi32, #tpu.memory_space<vmem>>, vector<1x16xi32>,
    %dma_start3A_178 = arith.constant 0 : i32
    %dma_start3A_179 = tpu.memref_slice %arg6[%dma_start3A_178] : memref<10112xi32, #tpu.memory_space<vmem>> -> memref<64xi32, #tpu.memory_space<vmem>>
    %dma_start3A_180 = arith.constant 0 : i32
    %dma_start3A_181 = arith.constant 0 : i32
    %dma_start3A_182 = tpu.memref_slice %arg2[%dma_start3A_180, %dma_start3A_181] : memref<10000x128xf32, #tpu.memory_space<hbm>> -> memref<10000x128xf32, #tpu.memory_space<hbm>>
    tpu.enqueue_indirect_dma source(%dma_start3A_182 : memref<10000x128xf32, #tpu.memory_space<hbm>>) target(%arg9 : memref<64x128xf32, #tpu.memory_space<vmem>>) offsets(%dma_start3A_179 : memref<64xi32, #tpu.memory_space<vmem>>) semaphore(%arg13 : memref<!tpu.dma_semaphore, #tpu.memory_space<semaphore_mem>>)
    %barrier3A = arith.constant 0 : index
    tpu.barrier barrier_id(%barrier3A)
    %while3A = arith.constant 0 : i32
    %while3A_183 = arith.constant 0 : i32
    %while3A_184 = arith.subi %select_n3A, %while3A_183 : i32
    %while3A_185 = arith.addi %while3A_183, %while3A_184 : i32
    %while3A_186 = arith.constant 1 : i32
    %while3A_187 = arith.divsi %while3A_184, %while3A_186 : i32
    %while3A_188 = arith.muli %while3A_187, %while3A_186 : i32
    %while3A_189 = arith.addi %while3A_183, %while3A_188 : i32
    %while3A_190 = arith.constant 1 : i32
    scf.for %while3A_227 = %while3A_183 to %while3A_189 step %while3A_190  : i32 {
      %rem3A = arith.constant 3 : i32
      %rem3A_228 = arith.remsi %while3A_227, %rem3A : i32
      %eq3A_229 = arith.constant 0 : i32
      %eq3A_230 = arith.cmpi eq, %rem3A_228, %eq3A_229 : i32
      %convert_element_type3A_231 = arith.extui %eq3A_230 : i1 to i32
      %cond3A_232 = arith.constant 0 : i32
      %cond3A_233 = arith.cmpi ne, %convert_element_type3A_231, %cond3A_232 : i32
      scf.if %cond3A_233 {
        %dma_wait3A = arith.constant 0 : i32
        %dma_wait3A_248 = tpu.memref_slice %arg6[%dma_wait3A] : memref<10112xi32, #tpu.memory_space<vmem>> -> memref<64xi32, #tpu.memory_space<vmem>>
        %dma_wait3A_249 = arith.constant 0 : i32
        %dma_wait3A_250 = arith.constant 0 : i32
        %dma_wait3A_251 = tpu.memref_slice %arg2[%dma_wait3A_249, %dma_wait3A_250] : memref<10000x128xf32, #tpu.memory_space<hbm>> -> memref<10000x128xf32, #tpu.memory_space<hbm>>
        tpu.wait_indirect_dma semaphore(%arg13 : memref<!tpu.dma_semaphore, #tpu.memory_space<semaphore_mem>>) src(%dma_wait3A_251 : memref<10000x128xf32, #tpu.memory_space<hbm>>) dst(%arg9 : memref<64x128xf32, #tpu.memory_space<vmem>>)
        %run_scoped3A = arith.constant 0 : i32
        "tpu.region"() ({
          %run_scoped3A_258 = tpu.sem_alloc : memref<!tpu.dma_semaphore, #tpu.memory_space<semaphore_mem>>
          %dma_start3A_259 = arith.constant 0 : i32
          %dma_start3A_260 = tpu.memref_slice %arg8[%run_scoped3A, %dma_start3A_259] : memref<3x64xi32, #tpu.memory_space<vmem>> -> memref<1x64xi32, #tpu.memory_space<vmem>>
          %dma_start3A_261 = tpu.memref_squeeze %dma_start3A_260 : memref<1x64xi32, #tpu.memory_space<vmem>> -> memref<64xi32, #tpu.memory_space<vmem>>
          %dma_start3A_262 = arith.constant 0 : i32
          %dma_start3A_263 = arith.constant 0 : i32
          %dma_start3A_264 = tpu.memref_slice %arg12[%dma_start3A_262, %dma_start3A_263] : memref<10000x128xf32, #tpu.memory_space<vmem_shared>> -> memref<10000x128xf32, #tpu.memory_space<vmem_shared>>
          tpu.enqueue_indirect_dma source(%arg9 : memref<64x128xf32, #tpu.memory_space<vmem>>) target(%dma_start3A_264 : memref<10000x128xf32, #tpu.memory_space<vmem_shared>>) offsets(%dma_start3A_261 : memref<64xi32, #tpu.memory_space<vmem>>) semaphore(%run_scoped3A_258 : memref<!tpu.dma_semaphore, #tpu.memory_space<semaphore_mem>>) {add = true}
          %dma_wait3A_265 = arith.constant 0 : i32
          %dma_wait3A_266 = tpu.memref_slice %arg8[%run_scoped3A, %dma_wait3A_265] : memref<3x64xi32, #tpu.memory_space<vmem>> -> memref<1x64xi32, #tpu.memory_space<vmem>>
          %dma_wait3A_267 = tpu.memref_squeeze %dma_wait3A_266 : memref<1x64xi32, #tpu.memory_space<vmem>> -> memref<64xi32, #tpu.memory_space<vmem>>
          %dma_wait3A_268 = arith.constant 0 : i32
          %dma_wait3A_269 = arith.constant 0 : i32
          %dma_wait3A_270 = tpu.memref_slice %arg12[%dma_wait3A_268, %dma_wait3A_269] : memref<10000x128xf32, #tpu.memory_space<vmem_shared>> -> memref<10000x128xf32, #tpu.memory_space<vmem_shared>>
          tpu.wait_indirect_dma semaphore(%run_scoped3A_258 : memref<!tpu.dma_semaphore, #tpu.memory_space<semaphore_mem>>) src(%arg9 : memref<64x128xf32, #tpu.memory_space<vmem>>) dst(%dma_wait3A_270 : memref<10000x128xf32, #tpu.memory_space<vmem_shared>>)
          tpu.yield
        }) : () -> ()
        %add3A_252 = arith.constant 3 : i32
        %add3A_253 = arith.addi %while3A_227, %add3A_252 : i32
        %lt3A_254 = arith.cmpi slt, %add3A_253, %select_n3A : i32
        %convert_element_type3A_255 = arith.extui %lt3A_254 : i1 to i32
        %cond3A_256 = arith.constant 0 : i32
        %cond3A_257 = arith.cmpi ne, %convert_element_type3A_255, %cond3A_256 : i32
        scf.if %cond3A_257 {
          %add3A_258 = arith.constant 3 : i32
          %add3A_259 = arith.addi %while3A_227, %add3A_258 : i32
          %mul3A_260 = arith.constant 64 : i32
          %mul3A_261 = arith.muli %add3A_259, %mul3A_260 : i32
          %add3A_262 = arith.constant 0 : i32
          %add3A_263 = arith.addi %mul3A_261, %add3A_262 : i32
          %get3A_264 = arith.index_cast %add3A_263 : i32 to index
          %get3A_265 = tpu.vector_load %arg7[%get3A_264] {strides = array<i32>} : memref<10112xi32, #tpu.memory_space<vmem>>, vector<16xi32>,
          %get3A_266 = vector.shape_cast %get3A_265 : vector<16xi32> to vector<16xi32>
          %swap3A_267 = arith.constant 0 : i32
          %swap3A_268 = arith.index_cast %swap3A_267 : i32 to index
          %swap3A_269 = arith.constant 0 : index
          %swap3A_270 = tpu.vector_load %arg8[%swap3A_268, %swap3A_269] {strides = array<i32>} : memref<3x64xi32, #tpu.memory_space<vmem>>, vector<1x16xi32>,
          %swap3A_271 = vector.shape_cast %swap3A_270 : vector<1x16xi32> to vector<16xi32>
          %swap3A_272 = vector.shape_cast %get3A_266 : vector<16xi32> to vector<1x16xi32>
          tpu.vector_store %arg8[%swap3A_268, %swap3A_269], %swap3A_272 {strides = array<i32>} : memref<3x64xi32, #tpu.memory_space<vmem>>, vector<1x16xi32>,
          %add3A_273 = arith.constant 16 : i32
          %add3A_274 = arith.addi %mul3A_261, %add3A_273 : i32
          %get3A_275 = arith.index_cast %add3A_274 : i32 to index
          %get3A_276 = tpu.vector_load %arg7[%get3A_275] {strides = array<i32>} : memref<10112xi32, #tpu.memory_space<vmem>>, vector<16xi32>,
          %get3A_277 = vector.shape_cast %get3A_276 : vector<16xi32> to vector<16xi32>
          %swap3A_278 = arith.constant 0 : i32
          %swap3A_279 = arith.index_cast %swap3A_278 : i32 to index
          %swap3A_280 = arith.constant 16 : index
          %swap3A_281 = tpu.vector_load %arg8[%swap3A_279, %swap3A_280] {strides = array<i32>} : memref<3x64xi32, #tpu.memory_space<vmem>>, vector<1x16xi32>,
          %swap3A_282 = vector.shape_cast %swap3A_281 : vector<1x16xi32> to vector<16xi32>
          %swap3A_283 = vector.shape_cast %get3A_277 : vector<16xi32> to vector<1x16xi32>
          tpu.vector_store %arg8[%swap3A_279, %swap3A_280], %swap3A_283 {strides = array<i32>} : memref<3x64xi32, #tpu.memory_space<vmem>>, vector<1x16xi32>,
          %add3A_284 = arith.constant 32 : i32
          %add3A_285 = arith.addi %mul3A_261, %add3A_284 : i32
          %get3A_286 = arith.index_cast %add3A_285 : i32 to index
          %get3A_287 = tpu.vector_load %arg7[%get3A_286] {strides = array<i32>} : memref<10112xi32, #tpu.memory_space<vmem>>, vector<16xi32>,
          %get3A_288 = vector.shape_cast %get3A_287 : vector<16xi32> to vector<16xi32>
          %swap3A_289 = arith.constant 0 : i32
          %swap3A_290 = arith.index_cast %swap3A_289 : i32 to index
          %swap3A_291 = arith.constant 32 : index
          %swap3A_292 = tpu.vector_load %arg8[%swap3A_290, %swap3A_291] {strides = array<i32>} : memref<3x64xi32, #tpu.memory_space<vmem>>, vector<1x16xi32>,
          %swap3A_293 = vector.shape_cast %swap3A_292 : vector<1x16xi32> to vector<16xi32>
          %swap3A_294 = vector.shape_cast %get3A_288 : vector<16xi32> to vector<1x16xi32>
          tpu.vector_store %arg8[%swap3A_290, %swap3A_291], %swap3A_294 {strides = array<i32>} : memref<3x64xi32, #tpu.memory_space<vmem>>, vector<1x16xi32>,
          %add3A_295 = arith.constant 48 : i32
          %add3A_296 = arith.addi %mul3A_261, %add3A_295 : i32
          %get3A_297 = arith.index_cast %add3A_296 : i32 to index
          %get3A_298 = tpu.vector_load %arg7[%get3A_297] {strides = array<i32>} : memref<10112xi32, #tpu.memory_space<vmem>>, vector<16xi32>,
          %get3A_299 = vector.shape_cast %get3A_298 : vector<16xi32> to vector<16xi32>
          %swap3A_300 = arith.constant 0 : i32
          %swap3A_301 = arith.index_cast %swap3A_300 : i32 to index
          %swap3A_302 = arith.constant 48 : index
          %swap3A_303 = tpu.vector_load %arg8[%swap3A_301, %swap3A_302] {strides = array<i32>} : memref<3x64xi32, #tpu.memory_space<vmem>>, vector<1x16xi32>,
          %swap3A_304 = vector.shape_cast %swap3A_303 : vector<1x16xi32> to vector<16xi32>
          %swap3A_305 = vector.shape_cast %get3A_299 : vector<16xi32> to vector<1x16xi32>
          tpu.vector_store %arg8[%swap3A_301, %swap3A_302], %swap3A_305 {strides = array<i32>} : memref<3x64xi32, #tpu.memory_space<vmem>>, vector<1x16xi32>,
          %add3A_306 = arith.constant 3 : i32
          %add3A_307 = arith.addi %while3A_227, %add3A_306 : i32
          %mul3A_308 = arith.constant 64 : i32
          %mul3A_309 = arith.muli %add3A_307, %mul3A_308 : i32
          %dma_start3A_310 = tpu.memref_slice %arg6[%mul3A_309] : memref<10112xi32, #tpu.memory_space<vmem>> -> memref<64xi32, #tpu.memory_space<vmem>>
          %dma_start3A_311 = arith.constant 0 : i32
          %dma_start3A_312 = arith.constant 0 : i32
          %dma_start3A_313 = tpu.memref_slice %arg2[%dma_start3A_311, %dma_start3A_312] : memref<10000x128xf32, #tpu.memory_space<hbm>> -> memref<10000x128xf32, #tpu.memory_space<hbm>>
          tpu.enqueue_indirect_dma source(%dma_start3A_313 : memref<10000x128xf32, #tpu.memory_space<hbm>>) target(%arg9 : memref<64x128xf32, #tpu.memory_space<vmem>>) offsets(%dma_start3A_310 : memref<64xi32, #tpu.memory_space<vmem>>) semaphore(%arg13 : memref<!tpu.dma_semaphore, #tpu.memory_space<semaphore_mem>>)
        } else {
        }
      } else {
      }
      %rem3A_234 = arith.constant 3 : i32
      %rem3A_235 = arith.remsi %while3A_227, %rem3A_234 : i32
      %eq3A_236 = arith.constant 1 : i32
      %eq3A_237 = arith.cmpi eq, %rem3A_235, %eq3A_236 : i32
      %convert_element_type3A_238 = arith.extui %eq3A_237 : i1 to i32
      %cond3A_239 = arith.constant 0 : i32
      %cond3A_240 = arith.cmpi ne, %convert_element_type3A_238, %cond3A_239 : i32
      scf.if %cond3A_240 {
        %dma_wait3A = arith.constant 0 : i32
        %dma_wait3A_248 = tpu.memref_slice %arg6[%dma_wait3A] : memref<10112xi32, #tpu.memory_space<vmem>> -> memref<64xi32, #tpu.memory_space<vmem>>
        %dma_wait3A_249 = arith.constant 0 : i32
        %dma_wait3A_250 = arith.constant 0 : i32
        %dma_wait3A_251 = tpu.memref_slice %arg2[%dma_wait3A_249, %dma_wait3A_250] : memref<10000x128xf32, #tpu.memory_space<hbm>> -> memref<10000x128xf32, #tpu.memory_space<hbm>>
        tpu.wait_indirect_dma semaphore(%arg14 : memref<!tpu.dma_semaphore, #tpu.memory_space<semaphore_mem>>) src(%dma_wait3A_251 : memref<10000x128xf32, #tpu.memory_space<hbm>>) dst(%arg10 : memref<64x128xf32, #tpu.memory_space<vmem>>)
        %run_scoped3A = arith.constant 1 : i32
        "tpu.region"() ({
          %run_scoped3A_258 = tpu.sem_alloc : memref<!tpu.dma_semaphore, #tpu.memory_space<semaphore_mem>>
          %dma_start3A_259 = arith.constant 0 : i32
          %dma_start3A_260 = tpu.memref_slice %arg8[%run_scoped3A, %dma_start3A_259] : memref<3x64xi32, #tpu.memory_space<vmem>> -> memref<1x64xi32, #tpu.memory_space<vmem>>
          %dma_start3A_261 = tpu.memref_squeeze %dma_start3A_260 : memref<1x64xi32, #tpu.memory_space<vmem>> -> memref<64xi32, #tpu.memory_space<vmem>>
          %dma_start3A_262 = arith.constant 0 : i32
          %dma_start3A_263 = arith.constant 0 : i32
          %dma_start3A_264 = tpu.memref_slice %arg12[%dma_start3A_262, %dma_start3A_263] : memref<10000x128xf32, #tpu.memory_space<vmem_shared>> -> memref<10000x128xf32, #tpu.memory_space<vmem_shared>>
          tpu.enqueue_indirect_dma source(%arg10 : memref<64x128xf32, #tpu.memory_space<vmem>>) target(%dma_start3A_264 : memref<10000x128xf32, #tpu.memory_space<vmem_shared>>) offsets(%dma_start3A_261 : memref<64xi32, #tpu.memory_space<vmem>>) semaphore(%run_scoped3A_258 : memref<!tpu.dma_semaphore, #tpu.memory_space<semaphore_mem>>) {add = true}
          %dma_wait3A_265 = arith.constant 0 : i32
          %dma_wait3A_266 = tpu.memref_slice %arg8[%run_scoped3A, %dma_wait3A_265] : memref<3x64xi32, #tpu.memory_space<vmem>> -> memref<1x64xi32, #tpu.memory_space<vmem>>
          %dma_wait3A_267 = tpu.memref_squeeze %dma_wait3A_266 : memref<1x64xi32, #tpu.memory_space<vmem>> -> memref<64xi32, #tpu.memory_space<vmem>>
          %dma_wait3A_268 = arith.constant 0 : i32
          %dma_wait3A_269 = arith.constant 0 : i32
          %dma_wait3A_270 = tpu.memref_slice %arg12[%dma_wait3A_268, %dma_wait3A_269] : memref<10000x128xf32, #tpu.memory_space<vmem_shared>> -> memref<10000x128xf32, #tpu.memory_space<vmem_shared>>
          tpu.wait_indirect_dma semaphore(%run_scoped3A_258 : memref<!tpu.dma_semaphore, #tpu.memory_space<semaphore_mem>>) src(%arg10 : memref<64x128xf32, #tpu.memory_space<vmem>>) dst(%dma_wait3A_270 : memref<10000x128xf32, #tpu.memory_space<vmem_shared>>)
          tpu.yield
        }) : () -> ()
        %add3A_252 = arith.constant 3 : i32
        %add3A_253 = arith.addi %while3A_227, %add3A_252 : i32
        %lt3A_254 = arith.cmpi slt, %add3A_253, %select_n3A : i32
        %convert_element_type3A_255 = arith.extui %lt3A_254 : i1 to i32
        %cond3A_256 = arith.constant 0 : i32
        %cond3A_257 = arith.cmpi ne, %convert_element_type3A_255, %cond3A_256 : i32
        scf.if %cond3A_257 {
          %add3A_258 = arith.constant 3 : i32
          %add3A_259 = arith.addi %while3A_227, %add3A_258 : i32
          %mul3A_260 = arith.constant 64 : i32
          %mul3A_261 = arith.muli %add3A_259, %mul3A_260 : i32
          %add3A_262 = arith.constant 0 : i32
          %add3A_263 = arith.addi %mul3A_261, %add3A_262 : i32
          %get3A_264 = arith.index_cast %add3A_263 : i32 to index
          %get3A_265 = tpu.vector_load %arg7[%get3A_264] {strides = array<i32>} : memref<10112xi32, #tpu.memory_space<vmem>>, vector<16xi32>,
          %get3A_266 = vector.shape_cast %get3A_265 : vector<16xi32> to vector<16xi32>
          %swap3A_267 = arith.constant 1 : i32
          %swap3A_268 = arith.index_cast %swap3A_267 : i32 to index
          %swap3A_269 = arith.constant 0 : index
          %swap3A_270 = tpu.vector_load %arg8[%swap3A_268, %swap3A_269] {strides = array<i32>} : memref<3x64xi32, #tpu.memory_space<vmem>>, vector<1x16xi32>,
          %swap3A_271 = vector.shape_cast %swap3A_270 : vector<1x16xi32> to vector<16xi32>
          %swap3A_272 = vector.shape_cast %get3A_266 : vector<16xi32> to vector<1x16xi32>
          tpu.vector_store %arg8[%swap3A_268, %swap3A_269], %swap3A_272 {strides = array<i32>} : memref<3x64xi32, #tpu.memory_space<vmem>>, vector<1x16xi32>,
          %add3A_273 = arith.constant 16 : i32
          %add3A_274 = arith.addi %mul3A_261, %add3A_273 : i32
          %get3A_275 = arith.index_cast %add3A_274 : i32 to index
          %get3A_276 = tpu.vector_load %arg7[%get3A_275] {strides = array<i32>} : memref<10112xi32, #tpu.memory_space<vmem>>, vector<16xi32>,
          %get3A_277 = vector.shape_cast %get3A_276 : vector<16xi32> to vector<16xi32>
          %swap3A_278 = arith.constant 1 : i32
          %swap3A_279 = arith.index_cast %swap3A_278 : i32 to index
          %swap3A_280 = arith.constant 16 : index
          %swap3A_281 = tpu.vector_load %arg8[%swap3A_279, %swap3A_280] {strides = array<i32>} : memref<3x64xi32, #tpu.memory_space<vmem>>, vector<1x16xi32>,
          %swap3A_282 = vector.shape_cast %swap3A_281 : vector<1x16xi32> to vector<16xi32>
          %swap3A_283 = vector.shape_cast %get3A_277 : vector<16xi32> to vector<1x16xi32>
          tpu.vector_store %arg8[%swap3A_279, %swap3A_280], %swap3A_283 {strides = array<i32>} : memref<3x64xi32, #tpu.memory_space<vmem>>, vector<1x16xi32>,
          %add3A_284 = arith.constant 32 : i32
          %add3A_285 = arith.addi %mul3A_261, %add3A_284 : i32
          %get3A_286 = arith.index_cast %add3A_285 : i32 to index
          %get3A_287 = tpu.vector_load %arg7[%get3A_286] {strides = array<i32>} : memref<10112xi32, #tpu.memory_space<vmem>>, vector<16xi32>,
          %get3A_288 = vector.shape_cast %get3A_287 : vector<16xi32> to vector<16xi32>
          %swap3A_289 = arith.constant 1 : i32
          %swap3A_290 = arith.index_cast %swap3A_289 : i32 to index
          %swap3A_291 = arith.constant 32 : index
          %swap3A_292 = tpu.vector_load %arg8[%swap3A_290, %swap3A_291] {strides = array<i32>} : memref<3x64xi32, #tpu.memory_space<vmem>>, vector<1x16xi32>,
          %swap3A_293 = vector.shape_cast %swap3A_292 : vector<1x16xi32> to vector<16xi32>
          %swap3A_294 = vector.shape_cast %get3A_288 : vector<16xi32> to vector<1x16xi32>
          tpu.vector_store %arg8[%swap3A_290, %swap3A_291], %swap3A_294 {strides = array<i32>} : memref<3x64xi32, #tpu.memory_space<vmem>>, vector<1x16xi32>,
          %add3A_295 = arith.constant 48 : i32
          %add3A_296 = arith.addi %mul3A_261, %add3A_295 : i32
          %get3A_297 = arith.index_cast %add3A_296 : i32 to index
          %get3A_298 = tpu.vector_load %arg7[%get3A_297] {strides = array<i32>} : memref<10112xi32, #tpu.memory_space<vmem>>, vector<16xi32>,
          %get3A_299 = vector.shape_cast %get3A_298 : vector<16xi32> to vector<16xi32>
          %swap3A_300 = arith.constant 1 : i32
          %swap3A_301 = arith.index_cast %swap3A_300 : i32 to index
          %swap3A_302 = arith.constant 48 : index
          %swap3A_303 = tpu.vector_load %arg8[%swap3A_301, %swap3A_302] {strides = array<i32>} : memref<3x64xi32, #tpu.memory_space<vmem>>, vector<1x16xi32>,
          %swap3A_304 = vector.shape_cast %swap3A_303 : vector<1x16xi32> to vector<16xi32>
          %swap3A_305 = vector.shape_cast %get3A_299 : vector<16xi32> to vector<1x16xi32>
          tpu.vector_store %arg8[%swap3A_301, %swap3A_302], %swap3A_305 {strides = array<i32>} : memref<3x64xi32, #tpu.memory_space<vmem>>, vector<1x16xi32>,
          %add3A_306 = arith.constant 3 : i32
          %add3A_307 = arith.addi %while3A_227, %add3A_306 : i32
          %mul3A_308 = arith.constant 64 : i32
          %mul3A_309 = arith.muli %add3A_307, %mul3A_308 : i32
          %dma_start3A_310 = tpu.memref_slice %arg6[%mul3A_309] : memref<10112xi32, #tpu.memory_space<vmem>> -> memref<64xi32, #tpu.memory_space<vmem>>
          %dma_start3A_311 = arith.constant 0 : i32
          %dma_start3A_312 = arith.constant 0 : i32
          %dma_start3A_313 = tpu.memref_slice %arg2[%dma_start3A_311, %dma_start3A_312] : memref<10000x128xf32, #tpu.memory_space<hbm>> -> memref<10000x128xf32, #tpu.memory_space<hbm>>
          tpu.enqueue_indirect_dma source(%dma_start3A_313 : memref<10000x128xf32, #tpu.memory_space<hbm>>) target(%arg10 : memref<64x128xf32, #tpu.memory_space<vmem>>) offsets(%dma_start3A_310 : memref<64xi32, #tpu.memory_space<vmem>>) semaphore(%arg14 : memref<!tpu.dma_semaphore, #tpu.memory_space<semaphore_mem>>)
        } else {
        }
      } else {
      }
      %rem3A_241 = arith.constant 3 : i32
      %rem3A_242 = arith.remsi %while3A_227, %rem3A_241 : i32
      %eq3A_243 = arith.constant 2 : i32
      %eq3A_244 = arith.cmpi eq, %rem3A_242, %eq3A_243 : i32
      %convert_element_type3A_245 = arith.extui %eq3A_244 : i1 to i32
      %cond3A_246 = arith.constant 0 : i32
      %cond3A_247 = arith.cmpi ne, %convert_element_type3A_245, %cond3A_246 : i32
      scf.if %cond3A_247 {
        %dma_wait3A = arith.constant 0 : i32
        %dma_wait3A_248 = tpu.memref_slice %arg6[%dma_wait3A] : memref<10112xi32, #tpu.memory_space<vmem>> -> memref<64xi32, #tpu.memory_space<vmem>>
        %dma_wait3A_249 = arith.constant 0 : i32
        %dma_wait3A_250 = arith.constant 0 : i32
        %dma_wait3A_251 = tpu.memref_slice %arg2[%dma_wait3A_249, %dma_wait3A_250] : memref<10000x128xf32, #tpu.memory_space<hbm>> -> memref<10000x128xf32, #tpu.memory_space<hbm>>
        tpu.wait_indirect_dma semaphore(%arg15 : memref<!tpu.dma_semaphore, #tpu.memory_space<semaphore_mem>>) src(%dma_wait3A_251 : memref<10000x128xf32, #tpu.memory_space<hbm>>) dst(%arg11 : memref<64x128xf32, #tpu.memory_space<vmem>>)
        %run_scoped3A = arith.constant 2 : i32
        "tpu.region"() ({
          %run_scoped3A_258 = tpu.sem_alloc : memref<!tpu.dma_semaphore, #tpu.memory_space<semaphore_mem>>
          %dma_start3A_259 = arith.constant 0 : i32
          %dma_start3A_260 = tpu.memref_slice %arg8[%run_scoped3A, %dma_start3A_259] : memref<3x64xi32, #tpu.memory_space<vmem>> -> memref<1x64xi32, #tpu.memory_space<vmem>>
          %dma_start3A_261 = tpu.memref_squeeze %dma_start3A_260 : memref<1x64xi32, #tpu.memory_space<vmem>> -> memref<64xi32, #tpu.memory_space<vmem>>
          %dma_start3A_262 = arith.constant 0 : i32
          %dma_start3A_263 = arith.constant 0 : i32
          %dma_start3A_264 = tpu.memref_slice %arg12[%dma_start3A_262, %dma_start3A_263] : memref<10000x128xf32, #tpu.memory_space<vmem_shared>> -> memref<10000x128xf32, #tpu.memory_space<vmem_shared>>
          tpu.enqueue_indirect_dma source(%arg11 : memref<64x128xf32, #tpu.memory_space<vmem>>) target(%dma_start3A_264 : memref<10000x128xf32, #tpu.memory_space<vmem_shared>>) offsets(%dma_start3A_261 : memref<64xi32, #tpu.memory_space<vmem>>) semaphore(%run_scoped3A_258 : memref<!tpu.dma_semaphore, #tpu.memory_space<semaphore_mem>>) {add = true}
          %dma_wait3A_265 = arith.constant 0 : i32
          %dma_wait3A_266 = tpu.memref_slice %arg8[%run_scoped3A, %dma_wait3A_265] : memref<3x64xi32, #tpu.memory_space<vmem>> -> memref<1x64xi32, #tpu.memory_space<vmem>>
          %dma_wait3A_267 = tpu.memref_squeeze %dma_wait3A_266 : memref<1x64xi32, #tpu.memory_space<vmem>> -> memref<64xi32, #tpu.memory_space<vmem>>
          %dma_wait3A_268 = arith.constant 0 : i32
          %dma_wait3A_269 = arith.constant 0 : i32
          %dma_wait3A_270 = tpu.memref_slice %arg12[%dma_wait3A_268, %dma_wait3A_269] : memref<10000x128xf32, #tpu.memory_space<vmem_shared>> -> memref<10000x128xf32, #tpu.memory_space<vmem_shared>>
          tpu.wait_indirect_dma semaphore(%run_scoped3A_258 : memref<!tpu.dma_semaphore, #tpu.memory_space<semaphore_mem>>) src(%arg11 : memref<64x128xf32, #tpu.memory_space<vmem>>) dst(%dma_wait3A_270 : memref<10000x128xf32, #tpu.memory_space<vmem_shared>>)
          tpu.yield
        }) : () -> ()
        %add3A_252 = arith.constant 3 : i32
        %add3A_253 = arith.addi %while3A_227, %add3A_252 : i32
        %lt3A_254 = arith.cmpi slt, %add3A_253, %select_n3A : i32
        %convert_element_type3A_255 = arith.extui %lt3A_254 : i1 to i32
        %cond3A_256 = arith.constant 0 : i32
        %cond3A_257 = arith.cmpi ne, %convert_element_type3A_255, %cond3A_256 : i32
        scf.if %cond3A_257 {
          %add3A_258 = arith.constant 3 : i32
          %add3A_259 = arith.addi %while3A_227, %add3A_258 : i32
          %mul3A_260 = arith.constant 64 : i32
          %mul3A_261 = arith.muli %add3A_259, %mul3A_260 : i32
          %add3A_262 = arith.constant 0 : i32
          %add3A_263 = arith.addi %mul3A_261, %add3A_262 : i32
          %get3A_264 = arith.index_cast %add3A_263 : i32 to index
          %get3A_265 = tpu.vector_load %arg7[%get3A_264] {strides = array<i32>} : memref<10112xi32, #tpu.memory_space<vmem>>, vector<16xi32>,
          %get3A_266 = vector.shape_cast %get3A_265 : vector<16xi32> to vector<16xi32>
          %swap3A_267 = arith.constant 2 : i32
          %swap3A_268 = arith.index_cast %swap3A_267 : i32 to index
          %swap3A_269 = arith.constant 0 : index
          %swap3A_270 = tpu.vector_load %arg8[%swap3A_268, %swap3A_269] {strides = array<i32>} : memref<3x64xi32, #tpu.memory_space<vmem>>, vector<1x16xi32>,
          %swap3A_271 = vector.shape_cast %swap3A_270 : vector<1x16xi32> to vector<16xi32>
          %swap3A_272 = vector.shape_cast %get3A_266 : vector<16xi32> to vector<1x16xi32>
          tpu.vector_store %arg8[%swap3A_268, %swap3A_269], %swap3A_272 {strides = array<i32>} : memref<3x64xi32, #tpu.memory_space<vmem>>, vector<1x16xi32>,
          %add3A_273 = arith.constant 16 : i32
          %add3A_274 = arith.addi %mul3A_261, %add3A_273 : i32
          %get3A_275 = arith.index_cast %add3A_274 : i32 to index
          %get3A_276 = tpu.vector_load %arg7[%get3A_275] {strides = array<i32>} : memref<10112xi32, #tpu.memory_space<vmem>>, vector<16xi32>,
          %get3A_277 = vector.shape_cast %get3A_276 : vector<16xi32> to vector<16xi32>
          %swap3A_278 = arith.constant 2 : i32
          %swap3A_279 = arith.index_cast %swap3A_278 : i32 to index
          %swap3A_280 = arith.constant 16 : index
          %swap3A_281 = tpu.vector_load %arg8[%swap3A_279, %swap3A_280] {strides = array<i32>} : memref<3x64xi32, #tpu.memory_space<vmem>>, vector<1x16xi32>,
          %swap3A_282 = vector.shape_cast %swap3A_281 : vector<1x16xi32> to vector<16xi32>
          %swap3A_283 = vector.shape_cast %get3A_277 : vector<16xi32> to vector<1x16xi32>
          tpu.vector_store %arg8[%swap3A_279, %swap3A_280], %swap3A_283 {strides = array<i32>} : memref<3x64xi32, #tpu.memory_space<vmem>>, vector<1x16xi32>,
          %add3A_284 = arith.constant 32 : i32
          %add3A_285 = arith.addi %mul3A_261, %add3A_284 : i32
          %get3A_286 = arith.index_cast %add3A_285 : i32 to index
          %get3A_287 = tpu.vector_load %arg7[%get3A_286] {strides = array<i32>} : memref<10112xi32, #tpu.memory_space<vmem>>, vector<16xi32>,
          %get3A_288 = vector.shape_cast %get3A_287 : vector<16xi32> to vector<16xi32>
          %swap3A_289 = arith.constant 2 : i32
          %swap3A_290 = arith.index_cast %swap3A_289 : i32 to index
          %swap3A_291 = arith.constant 32 : index
          %swap3A_292 = tpu.vector_load %arg8[%swap3A_290, %swap3A_291] {strides = array<i32>} : memref<3x64xi32, #tpu.memory_space<vmem>>, vector<1x16xi32>,
          %swap3A_293 = vector.shape_cast %swap3A_292 : vector<1x16xi32> to vector<16xi32>
          %swap3A_294 = vector.shape_cast %get3A_288 : vector<16xi32> to vector<1x16xi32>
          tpu.vector_store %arg8[%swap3A_290, %swap3A_291], %swap3A_294 {strides = array<i32>} : memref<3x64xi32, #tpu.memory_space<vmem>>, vector<1x16xi32>,
          %add3A_295 = arith.constant 48 : i32
          %add3A_296 = arith.addi %mul3A_261, %add3A_295 : i32
          %get3A_297 = arith.index_cast %add3A_296 : i32 to index
          %get3A_298 = tpu.vector_load %arg7[%get3A_297] {strides = array<i32>} : memref<10112xi32, #tpu.memory_space<vmem>>, vector<16xi32>,
          %get3A_299 = vector.shape_cast %get3A_298 : vector<16xi32> to vector<16xi32>
          %swap3A_300 = arith.constant 2 : i32
          %swap3A_301 = arith.index_cast %swap3A_300 : i32 to index
          %swap3A_302 = arith.constant 48 : index
          %swap3A_303 = tpu.vector_load %arg8[%swap3A_301, %swap3A_302] {strides = array<i32>} : memref<3x64xi32, #tpu.memory_space<vmem>>, vector<1x16xi32>,
          %swap3A_304 = vector.shape_cast %swap3A_303 : vector<1x16xi32> to vector<16xi32>
          %swap3A_305 = vector.shape_cast %get3A_299 : vector<16xi32> to vector<1x16xi32>
          tpu.vector_store %arg8[%swap3A_301, %swap3A_302], %swap3A_305 {strides = array<i32>} : memref<3x64xi32, #tpu.memory_space<vmem>>, vector<1x16xi32>,
          %add3A_306 = arith.constant 3 : i32
          %add3A_307 = arith.addi %while3A_227, %add3A_306 : i32
          %mul3A_308 = arith.constant 64 : i32
          %mul3A_309 = arith.muli %add3A_307, %mul3A_308 : i32
          %dma_start3A_310 = tpu.memref_slice %arg6[%mul3A_309] : memref<10112xi32, #tpu.memory_space<vmem>> -> memref<64xi32, #tpu.memory_space<vmem>>
          %dma_start3A_311 = arith.constant 0 : i32
          %dma_start3A_312 = arith.constant 0 : i32
          %dma_start3A_313 = tpu.memref_slice %arg2[%dma_start3A_311, %dma_start3A_312] : memref<10000x128xf32, #tpu.memory_space<hbm>> -> memref<10000x128xf32, #tpu.memory_space<hbm>>
          tpu.enqueue_indirect_dma source(%dma_start3A_313 : memref<10000x128xf32, #tpu.memory_space<hbm>>) target(%arg11 : memref<64x128xf32, #tpu.memory_space<vmem>>) offsets(%dma_start3A_310 : memref<64xi32, #tpu.memory_space<vmem>>) semaphore(%arg15 : memref<!tpu.dma_semaphore, #tpu.memory_space<semaphore_mem>>)
        } else {
        }
      } else {
      }
    }
    %while3A_191 = arith.constant 1 : i32
    scf.for %while3A_227 = %while3A_189 to %while3A_185 step %while3A_191  : i32 {
      %rem3A = arith.constant 3 : i32
      %rem3A_228 = arith.remsi %while3A_227, %rem3A : i32
      %eq3A_229 = arith.constant 0 : i32
      %eq3A_230 = arith.cmpi eq, %rem3A_228, %eq3A_229 : i32
      %convert_element_type3A_231 = arith.extui %eq3A_230 : i1 to i32
      %cond3A_232 = arith.constant 0 : i32
      %cond3A_233 = arith.cmpi ne, %convert_element_type3A_231, %cond3A_232 : i32
      scf.if %cond3A_233 {
        %dma_wait3A = arith.constant 0 : i32
        %dma_wait3A_248 = tpu.memref_slice %arg6[%dma_wait3A] : memref<10112xi32, #tpu.memory_space<vmem>> -> memref<64xi32, #tpu.memory_space<vmem>>
        %dma_wait3A_249 = arith.constant 0 : i32
        %dma_wait3A_250 = arith.constant 0 : i32
        %dma_wait3A_251 = tpu.memref_slice %arg2[%dma_wait3A_249, %dma_wait3A_250] : memref<10000x128xf32, #tpu.memory_space<hbm>> -> memref<10000x128xf32, #tpu.memory_space<hbm>>
        tpu.wait_indirect_dma semaphore(%arg13 : memref<!tpu.dma_semaphore, #tpu.memory_space<semaphore_mem>>) src(%dma_wait3A_251 : memref<10000x128xf32, #tpu.memory_space<hbm>>) dst(%arg9 : memref<64x128xf32, #tpu.memory_space<vmem>>)
        %run_scoped3A = arith.constant 0 : i32
        "tpu.region"() ({
          %run_scoped3A_258 = tpu.sem_alloc : memref<!tpu.dma_semaphore, #tpu.memory_space<semaphore_mem>>
          %dma_start3A_259 = arith.constant 0 : i32
          %dma_start3A_260 = tpu.memref_slice %arg8[%run_scoped3A, %dma_start3A_259] : memref<3x64xi32, #tpu.memory_space<vmem>> -> memref<1x64xi32, #tpu.memory_space<vmem>>
          %dma_start3A_261 = tpu.memref_squeeze %dma_start3A_260 : memref<1x64xi32, #tpu.memory_space<vmem>> -> memref<64xi32, #tpu.memory_space<vmem>>
          %dma_start3A_262 = arith.constant 0 : i32
          %dma_start3A_263 = arith.constant 0 : i32
          %dma_start3A_264 = tpu.memref_slice %arg12[%dma_start3A_262, %dma_start3A_263] : memref<10000x128xf32, #tpu.memory_space<vmem_shared>> -> memref<10000x128xf32, #tpu.memory_space<vmem_shared>>
          tpu.enqueue_indirect_dma source(%arg9 : memref<64x128xf32, #tpu.memory_space<vmem>>) target(%dma_start3A_264 : memref<10000x128xf32, #tpu.memory_space<vmem_shared>>) offsets(%dma_start3A_261 : memref<64xi32, #tpu.memory_space<vmem>>) semaphore(%run_scoped3A_258 : memref<!tpu.dma_semaphore, #tpu.memory_space<semaphore_mem>>) {add = true}
          %dma_wait3A_265 = arith.constant 0 : i32
          %dma_wait3A_266 = tpu.memref_slice %arg8[%run_scoped3A, %dma_wait3A_265] : memref<3x64xi32, #tpu.memory_space<vmem>> -> memref<1x64xi32, #tpu.memory_space<vmem>>
          %dma_wait3A_267 = tpu.memref_squeeze %dma_wait3A_266 : memref<1x64xi32, #tpu.memory_space<vmem>> -> memref<64xi32, #tpu.memory_space<vmem>>
          %dma_wait3A_268 = arith.constant 0 : i32
          %dma_wait3A_269 = arith.constant 0 : i32
          %dma_wait3A_270 = tpu.memref_slice %arg12[%dma_wait3A_268, %dma_wait3A_269] : memref<10000x128xf32, #tpu.memory_space<vmem_shared>> -> memref<10000x128xf32, #tpu.memory_space<vmem_shared>>
          tpu.wait_indirect_dma semaphore(%run_scoped3A_258 : memref<!tpu.dma_semaphore, #tpu.memory_space<semaphore_mem>>) src(%arg9 : memref<64x128xf32, #tpu.memory_space<vmem>>) dst(%dma_wait3A_270 : memref<10000x128xf32, #tpu.memory_space<vmem_shared>>)
          tpu.yield
        }) : () -> ()
        %add3A_252 = arith.constant 3 : i32
        %add3A_253 = arith.addi %while3A_227, %add3A_252 : i32
        %lt3A_254 = arith.cmpi slt, %add3A_253, %select_n3A : i32
        %convert_element_type3A_255 = arith.extui %lt3A_254 : i1 to i32
        %cond3A_256 = arith.constant 0 : i32
        %cond3A_257 = arith.cmpi ne, %convert_element_type3A_255, %cond3A_256 : i32
        scf.if %cond3A_257 {
          %add3A_258 = arith.constant 3 : i32
          %add3A_259 = arith.addi %while3A_227, %add3A_258 : i32
          %mul3A_260 = arith.constant 64 : i32
          %mul3A_261 = arith.muli %add3A_259, %mul3A_260 : i32
          %add3A_262 = arith.constant 0 : i32
          %add3A_263 = arith.addi %mul3A_261, %add3A_262 : i32
          %get3A_264 = arith.index_cast %add3A_263 : i32 to index
          %get3A_265 = tpu.vector_load %arg7[%get3A_264] {strides = array<i32>} : memref<10112xi32, #tpu.memory_space<vmem>>, vector<16xi32>,
          %get3A_266 = vector.shape_cast %get3A_265 : vector<16xi32> to vector<16xi32>
          %swap3A_267 = arith.constant 0 : i32
          %swap3A_268 = arith.index_cast %swap3A_267 : i32 to index
          %swap3A_269 = arith.constant 0 : index
          %swap3A_270 = tpu.vector_load %arg8[%swap3A_268, %swap3A_269] {strides = array<i32>} : memref<3x64xi32, #tpu.memory_space<vmem>>, vector<1x16xi32>,
          %swap3A_271 = vector.shape_cast %swap3A_270 : vector<1x16xi32> to vector<16xi32>
          %swap3A_272 = vector.shape_cast %get3A_266 : vector<16xi32> to vector<1x16xi32>
          tpu.vector_store %arg8[%swap3A_268, %swap3A_269], %swap3A_272 {strides = array<i32>} : memref<3x64xi32, #tpu.memory_space<vmem>>, vector<1x16xi32>,
          %add3A_273 = arith.constant 16 : i32
          %add3A_274 = arith.addi %mul3A_261, %add3A_273 : i32
          %get3A_275 = arith.index_cast %add3A_274 : i32 to index
          %get3A_276 = tpu.vector_load %arg7[%get3A_275] {strides = array<i32>} : memref<10112xi32, #tpu.memory_space<vmem>>, vector<16xi32>,
          %get3A_277 = vector.shape_cast %get3A_276 : vector<16xi32> to vector<16xi32>
          %swap3A_278 = arith.constant 0 : i32
          %swap3A_279 = arith.index_cast %swap3A_278 : i32 to index
          %swap3A_280 = arith.constant 16 : index
          %swap3A_281 = tpu.vector_load %arg8[%swap3A_279, %swap3A_280] {strides = array<i32>} : memref<3x64xi32, #tpu.memory_space<vmem>>, vector<1x16xi32>,
          %swap3A_282 = vector.shape_cast %swap3A_281 : vector<1x16xi32> to vector<16xi32>
          %swap3A_283 = vector.shape_cast %get3A_277 : vector<16xi32> to vector<1x16xi32>
          tpu.vector_store %arg8[%swap3A_279, %swap3A_280], %swap3A_283 {strides = array<i32>} : memref<3x64xi32, #tpu.memory_space<vmem>>, vector<1x16xi32>,
          %add3A_284 = arith.constant 32 : i32
          %add3A_285 = arith.addi %mul3A_261, %add3A_284 : i32
          %get3A_286 = arith.index_cast %add3A_285 : i32 to index
          %get3A_287 = tpu.vector_load %arg7[%get3A_286] {strides = array<i32>} : memref<10112xi32, #tpu.memory_space<vmem>>, vector<16xi32>,
          %get3A_288 = vector.shape_cast %get3A_287 : vector<16xi32> to vector<16xi32>
          %swap3A_289 = arith.constant 0 : i32
          %swap3A_290 = arith.index_cast %swap3A_289 : i32 to index
          %swap3A_291 = arith.constant 32 : index
          %swap3A_292 = tpu.vector_load %arg8[%swap3A_290, %swap3A_291] {strides = array<i32>} : memref<3x64xi32, #tpu.memory_space<vmem>>, vector<1x16xi32>,
          %swap3A_293 = vector.shape_cast %swap3A_292 : vector<1x16xi32> to vector<16xi32>
          %swap3A_294 = vector.shape_cast %get3A_288 : vector<16xi32> to vector<1x16xi32>
          tpu.vector_store %arg8[%swap3A_290, %swap3A_291], %swap3A_294 {strides = array<i32>} : memref<3x64xi32, #tpu.memory_space<vmem>>, vector<1x16xi32>,
          %add3A_295 = arith.constant 48 : i32
          %add3A_296 = arith.addi %mul3A_261, %add3A_295 : i32
          %get3A_297 = arith.index_cast %add3A_296 : i32 to index
          %get3A_298 = tpu.vector_load %arg7[%get3A_297] {strides = array<i32>} : memref<10112xi32, #tpu.memory_space<vmem>>, vector<16xi32>,
          %get3A_299 = vector.shape_cast %get3A_298 : vector<16xi32> to vector<16xi32>
          %swap3A_300 = arith.constant 0 : i32
          %swap3A_301 = arith.index_cast %swap3A_300 : i32 to index
          %swap3A_302 = arith.constant 48 : index
          %swap3A_303 = tpu.vector_load %arg8[%swap3A_301, %swap3A_302] {strides = array<i32>} : memref<3x64xi32, #tpu.memory_space<vmem>>, vector<1x16xi32>,
          %swap3A_304 = vector.shape_cast %swap3A_303 : vector<1x16xi32> to vector<16xi32>
          %swap3A_305 = vector.shape_cast %get3A_299 : vector<16xi32> to vector<1x16xi32>
          tpu.vector_store %arg8[%swap3A_301, %swap3A_302], %swap3A_305 {strides = array<i32>} : memref<3x64xi32, #tpu.memory_space<vmem>>, vector<1x16xi32>,
          %add3A_306 = arith.constant 3 : i32
          %add3A_307 = arith.addi %while3A_227, %add3A_306 : i32
          %mul3A_308 = arith.constant 64 : i32
          %mul3A_309 = arith.muli %add3A_307, %mul3A_308 : i32
          %dma_start3A_310 = tpu.memref_slice %arg6[%mul3A_309] : memref<10112xi32, #tpu.memory_space<vmem>> -> memref<64xi32, #tpu.memory_space<vmem>>
          %dma_start3A_311 = arith.constant 0 : i32
          %dma_start3A_312 = arith.constant 0 : i32
          %dma_start3A_313 = tpu.memref_slice %arg2[%dma_start3A_311, %dma_start3A_312] : memref<10000x128xf32, #tpu.memory_space<hbm>> -> memref<10000x128xf32, #tpu.memory_space<hbm>>
          tpu.enqueue_indirect_dma source(%dma_start3A_313 : memref<10000x128xf32, #tpu.memory_space<hbm>>) target(%arg9 : memref<64x128xf32, #tpu.memory_space<vmem>>) offsets(%dma_start3A_310 : memref<64xi32, #tpu.memory_space<vmem>>) semaphore(%arg13 : memref<!tpu.dma_semaphore, #tpu.memory_space<semaphore_mem>>)
        } else {
        }
      } else {
      }
      %rem3A_234 = arith.constant 3 : i32
      %rem3A_235 = arith.remsi %while3A_227, %rem3A_234 : i32
      %eq3A_236 = arith.constant 1 : i32
      %eq3A_237 = arith.cmpi eq, %rem3A_235, %eq3A_236 : i32
      %convert_element_type3A_238 = arith.extui %eq3A_237 : i1 to i32
      %cond3A_239 = arith.constant 0 : i32
      %cond3A_240 = arith.cmpi ne, %convert_element_type3A_238, %cond3A_239 : i32
      scf.if %cond3A_240 {
        %dma_wait3A = arith.constant 0 : i32
        %dma_wait3A_248 = tpu.memref_slice %arg6[%dma_wait3A] : memref<10112xi32, #tpu.memory_space<vmem>> -> memref<64xi32, #tpu.memory_space<vmem>>
        %dma_wait3A_249 = arith.constant 0 : i32
        %dma_wait3A_250 = arith.constant 0 : i32
        %dma_wait3A_251 = tpu.memref_slice %arg2[%dma_wait3A_249, %dma_wait3A_250] : memref<10000x128xf32, #tpu.memory_space<hbm>> -> memref<10000x128xf32, #tpu.memory_space<hbm>>
        tpu.wait_indirect_dma semaphore(%arg14 : memref<!tpu.dma_semaphore, #tpu.memory_space<semaphore_mem>>) src(%dma_wait3A_251 : memref<10000x128xf32, #tpu.memory_space<hbm>>) dst(%arg10 : memref<64x128xf32, #tpu.memory_space<vmem>>)
        %run_scoped3A = arith.constant 1 : i32
        "tpu.region"() ({
          %run_scoped3A_258 = tpu.sem_alloc : memref<!tpu.dma_semaphore, #tpu.memory_space<semaphore_mem>>
          %dma_start3A_259 = arith.constant 0 : i32
          %dma_start3A_260 = tpu.memref_slice %arg8[%run_scoped3A, %dma_start3A_259] : memref<3x64xi32, #tpu.memory_space<vmem>> -> memref<1x64xi32, #tpu.memory_space<vmem>>
          %dma_start3A_261 = tpu.memref_squeeze %dma_start3A_260 : memref<1x64xi32, #tpu.memory_space<vmem>> -> memref<64xi32, #tpu.memory_space<vmem>>
          %dma_start3A_262 = arith.constant 0 : i32
          %dma_start3A_263 = arith.constant 0 : i32
          %dma_start3A_264 = tpu.memref_slice %arg12[%dma_start3A_262, %dma_start3A_263] : memref<10000x128xf32, #tpu.memory_space<vmem_shared>> -> memref<10000x128xf32, #tpu.memory_space<vmem_shared>>
          tpu.enqueue_indirect_dma source(%arg10 : memref<64x128xf32, #tpu.memory_space<vmem>>) target(%dma_start3A_264 : memref<10000x128xf32, #tpu.memory_space<vmem_shared>>) offsets(%dma_start3A_261 : memref<64xi32, #tpu.memory_space<vmem>>) semaphore(%run_scoped3A_258 : memref<!tpu.dma_semaphore, #tpu.memory_space<semaphore_mem>>) {add = true}
          %dma_wait3A_265 = arith.constant 0 : i32
          %dma_wait3A_266 = tpu.memref_slice %arg8[%run_scoped3A, %dma_wait3A_265] : memref<3x64xi32, #tpu.memory_space<vmem>> -> memref<1x64xi32, #tpu.memory_space<vmem>>
          %dma_wait3A_267 = tpu.memref_squeeze %dma_wait3A_266 : memref<1x64xi32, #tpu.memory_space<vmem>> -> memref<64xi32, #tpu.memory_space<vmem>>
          %dma_wait3A_268 = arith.constant 0 : i32
          %dma_wait3A_269 = arith.constant 0 : i32
          %dma_wait3A_270 = tpu.memref_slice %arg12[%dma_wait3A_268, %dma_wait3A_269] : memref<10000x128xf32, #tpu.memory_space<vmem_shared>> -> memref<10000x128xf32, #tpu.memory_space<vmem_shared>>
          tpu.wait_indirect_dma semaphore(%run_scoped3A_258 : memref<!tpu.dma_semaphore, #tpu.memory_space<semaphore_mem>>) src(%arg10 : memref<64x128xf32, #tpu.memory_space<vmem>>) dst(%dma_wait3A_270 : memref<10000x128xf32, #tpu.memory_space<vmem_shared>>)
          tpu.yield
        }) : () -> ()
        %add3A_252 = arith.constant 3 : i32
        %add3A_253 = arith.addi %while3A_227, %add3A_252 : i32
        %lt3A_254 = arith.cmpi slt, %add3A_253, %select_n3A : i32
        %convert_element_type3A_255 = arith.extui %lt3A_254 : i1 to i32
        %cond3A_256 = arith.constant 0 : i32
        %cond3A_257 = arith.cmpi ne, %convert_element_type3A_255, %cond3A_256 : i32
        scf.if %cond3A_257 {
          %add3A_258 = arith.constant 3 : i32
          %add3A_259 = arith.addi %while3A_227, %add3A_258 : i32
          %mul3A_260 = arith.constant 64 : i32
          %mul3A_261 = arith.muli %add3A_259, %mul3A_260 : i32
          %add3A_262 = arith.constant 0 : i32
          %add3A_263 = arith.addi %mul3A_261, %add3A_262 : i32
          %get3A_264 = arith.index_cast %add3A_263 : i32 to index
          %get3A_265 = tpu.vector_load %arg7[%get3A_264] {strides = array<i32>} : memref<10112xi32, #tpu.memory_space<vmem>>, vector<16xi32>,
          %get3A_266 = vector.shape_cast %get3A_265 : vector<16xi32> to vector<16xi32>
          %swap3A_267 = arith.constant 1 : i32
          %swap3A_268 = arith.index_cast %swap3A_267 : i32 to index
          %swap3A_269 = arith.constant 0 : index
          %swap3A_270 = tpu.vector_load %arg8[%swap3A_268, %swap3A_269] {strides = array<i32>} : memref<3x64xi32, #tpu.memory_space<vmem>>, vector<1x16xi32>,
          %swap3A_271 = vector.shape_cast %swap3A_270 : vector<1x16xi32> to vector<16xi32>
          %swap3A_272 = vector.shape_cast %get3A_266 : vector<16xi32> to vector<1x16xi32>
          tpu.vector_store %arg8[%swap3A_268, %swap3A_269], %swap3A_272 {strides = array<i32>} : memref<3x64xi32, #tpu.memory_space<vmem>>, vector<1x16xi32>,
          %add3A_273 = arith.constant 16 : i32
          %add3A_274 = arith.addi %mul3A_261, %add3A_273 : i32
          %get3A_275 = arith.index_cast %add3A_274 : i32 to index
          %get3A_276 = tpu.vector_load %arg7[%get3A_275] {strides = array<i32>} : memref<10112xi32, #tpu.memory_space<vmem>>, vector<16xi32>,
          %get3A_277 = vector.shape_cast %get3A_276 : vector<16xi32> to vector<16xi32>
          %swap3A_278 = arith.constant 1 : i32
          %swap3A_279 = arith.index_cast %swap3A_278 : i32 to index
          %swap3A_280 = arith.constant 16 : index
          %swap3A_281 = tpu.vector_load %arg8[%swap3A_279, %swap3A_280] {strides = array<i32>} : memref<3x64xi32, #tpu.memory_space<vmem>>, vector<1x16xi32>,
          %swap3A_282 = vector.shape_cast %swap3A_281 : vector<1x16xi32> to vector<16xi32>
          %swap3A_283 = vector.shape_cast %get3A_277 : vector<16xi32> to vector<1x16xi32>
          tpu.vector_store %arg8[%swap3A_279, %swap3A_280], %swap3A_283 {strides = array<i32>} : memref<3x64xi32, #tpu.memory_space<vmem>>, vector<1x16xi32>,
          %add3A_284 = arith.constant 32 : i32
          %add3A_285 = arith.addi %mul3A_261, %add3A_284 : i32
          %get3A_286 = arith.index_cast %add3A_285 : i32 to index
          %get3A_287 = tpu.vector_load %arg7[%get3A_286] {strides = array<i32>} : memref<10112xi32, #tpu.memory_space<vmem>>, vector<16xi32>,
          %get3A_288 = vector.shape_cast %get3A_287 : vector<16xi32> to vector<16xi32>
          %swap3A_289 = arith.constant 1 : i32
          %swap3A_290 = arith.index_cast %swap3A_289 : i32 to index
          %swap3A_291 = arith.constant 32 : index
          %swap3A_292 = tpu.vector_load %arg8[%swap3A_290, %swap3A_291] {strides = array<i32>} : memref<3x64xi32, #tpu.memory_space<vmem>>, vector<1x16xi32>,
          %swap3A_293 = vector.shape_cast %swap3A_292 : vector<1x16xi32> to vector<16xi32>
          %swap3A_294 = vector.shape_cast %get3A_288 : vector<16xi32> to vector<1x16xi32>
          tpu.vector_store %arg8[%swap3A_290, %swap3A_291], %swap3A_294 {strides = array<i32>} : memref<3x64xi32, #tpu.memory_space<vmem>>, vector<1x16xi32>,
          %add3A_295 = arith.constant 48 : i32
          %add3A_296 = arith.addi %mul3A_261, %add3A_295 : i32
          %get3A_297 = arith.index_cast %add3A_296 : i32 to index
          %get3A_298 = tpu.vector_load %arg7[%get3A_297] {strides = array<i32>} : memref<10112xi32, #tpu.memory_space<vmem>>, vector<16xi32>,
          %get3A_299 = vector.shape_cast %get3A_298 : vector<16xi32> to vector<16xi32>
          %swap3A_300 = arith.constant 1 : i32
          %swap3A_301 = arith.index_cast %swap3A_300 : i32 to index
          %swap3A_302 = arith.constant 48 : index
          %swap3A_303 = tpu.vector_load %arg8[%swap3A_301, %swap3A_302] {strides = array<i32>} : memref<3x64xi32, #tpu.memory_space<vmem>>, vector<1x16xi32>,
          %swap3A_304 = vector.shape_cast %swap3A_303 : vector<1x16xi32> to vector<16xi32>
          %swap3A_305 = vector.shape_cast %get3A_299 : vector<16xi32> to vector<1x16xi32>
          tpu.vector_store %arg8[%swap3A_301, %swap3A_302], %swap3A_305 {strides = array<i32>} : memref<3x64xi32, #tpu.memory_space<vmem>>, vector<1x16xi32>,
          %add3A_306 = arith.constant 3 : i32
          %add3A_307 = arith.addi %while3A_227, %add3A_306 : i32
          %mul3A_308 = arith.constant 64 : i32
          %mul3A_309 = arith.muli %add3A_307, %mul3A_308 : i32
          %dma_start3A_310 = tpu.memref_slice %arg6[%mul3A_309] : memref<10112xi32, #tpu.memory_space<vmem>> -> memref<64xi32, #tpu.memory_space<vmem>>
          %dma_start3A_311 = arith.constant 0 : i32
          %dma_start3A_312 = arith.constant 0 : i32
          %dma_start3A_313 = tpu.memref_slice %arg2[%dma_start3A_311, %dma_start3A_312] : memref<10000x128xf32, #tpu.memory_space<hbm>> -> memref<10000x128xf32, #tpu.memory_space<hbm>>
          tpu.enqueue_indirect_dma source(%dma_start3A_313 : memref<10000x128xf32, #tpu.memory_space<hbm>>) target(%arg10 : memref<64x128xf32, #tpu.memory_space<vmem>>) offsets(%dma_start3A_310 : memref<64xi32, #tpu.memory_space<vmem>>) semaphore(%arg14 : memref<!tpu.dma_semaphore, #tpu.memory_space<semaphore_mem>>)
        } else {
        }
      } else {
      }
      %rem3A_241 = arith.constant 3 : i32
      %rem3A_242 = arith.remsi %while3A_227, %rem3A_241 : i32
      %eq3A_243 = arith.constant 2 : i32
      %eq3A_244 = arith.cmpi eq, %rem3A_242, %eq3A_243 : i32
      %convert_element_type3A_245 = arith.extui %eq3A_244 : i1 to i32
      %cond3A_246 = arith.constant 0 : i32
      %cond3A_247 = arith.cmpi ne, %convert_element_type3A_245, %cond3A_246 : i32
      scf.if %cond3A_247 {
        %dma_wait3A = arith.constant 0 : i32
        %dma_wait3A_248 = tpu.memref_slice %arg6[%dma_wait3A] : memref<10112xi32, #tpu.memory_space<vmem>> -> memref<64xi32, #tpu.memory_space<vmem>>
        %dma_wait3A_249 = arith.constant 0 : i32
        %dma_wait3A_250 = arith.constant 0 : i32
        %dma_wait3A_251 = tpu.memref_slice %arg2[%dma_wait3A_249, %dma_wait3A_250] : memref<10000x128xf32, #tpu.memory_space<hbm>> -> memref<10000x128xf32, #tpu.memory_space<hbm>>
        tpu.wait_indirect_dma semaphore(%arg15 : memref<!tpu.dma_semaphore, #tpu.memory_space<semaphore_mem>>) src(%dma_wait3A_251 : memref<10000x128xf32, #tpu.memory_space<hbm>>) dst(%arg11 : memref<64x128xf32, #tpu.memory_space<vmem>>)
        %run_scoped3A = arith.constant 2 : i32
        "tpu.region"() ({
          %run_scoped3A_258 = tpu.sem_alloc : memref<!tpu.dma_semaphore, #tpu.memory_space<semaphore_mem>>
          %dma_start3A_259 = arith.constant 0 : i32
          %dma_start3A_260 = tpu.memref_slice %arg8[%run_scoped3A, %dma_start3A_259] : memref<3x64xi32, #tpu.memory_space<vmem>> -> memref<1x64xi32, #tpu.memory_space<vmem>>
          %dma_start3A_261 = tpu.memref_squeeze %dma_start3A_260 : memref<1x64xi32, #tpu.memory_space<vmem>> -> memref<64xi32, #tpu.memory_space<vmem>>
          %dma_start3A_262 = arith.constant 0 : i32
          %dma_start3A_263 = arith.constant 0 : i32
          %dma_start3A_264 = tpu.memref_slice %arg12[%dma_start3A_262, %dma_start3A_263] : memref<10000x128xf32, #tpu.memory_space<vmem_shared>> -> memref<10000x128xf32, #tpu.memory_space<vmem_shared>>
          tpu.enqueue_indirect_dma source(%arg11 : memref<64x128xf32, #tpu.memory_space<vmem>>) target(%dma_start3A_264 : memref<10000x128xf32, #tpu.memory_space<vmem_shared>>) offsets(%dma_start3A_261 : memref<64xi32, #tpu.memory_space<vmem>>) semaphore(%run_scoped3A_258 : memref<!tpu.dma_semaphore, #tpu.memory_space<semaphore_mem>>) {add = true}
          %dma_wait3A_265 = arith.constant 0 : i32
          %dma_wait3A_266 = tpu.memref_slice %arg8[%run_scoped3A, %dma_wait3A_265] : memref<3x64xi32, #tpu.memory_space<vmem>> -> memref<1x64xi32, #tpu.memory_space<vmem>>
          %dma_wait3A_267 = tpu.memref_squeeze %dma_wait3A_266 : memref<1x64xi32, #tpu.memory_space<vmem>> -> memref<64xi32, #tpu.memory_space<vmem>>
          %dma_wait3A_268 = arith.constant 0 : i32
          %dma_wait3A_269 = arith.constant 0 : i32
          %dma_wait3A_270 = tpu.memref_slice %arg12[%dma_wait3A_268, %dma_wait3A_269] : memref<10000x128xf32, #tpu.memory_space<vmem_shared>> -> memref<10000x128xf32, #tpu.memory_space<vmem_shared>>
          tpu.wait_indirect_dma semaphore(%run_scoped3A_258 : memref<!tpu.dma_semaphore, #tpu.memory_space<semaphore_mem>>) src(%arg11 : memref<64x128xf32, #tpu.memory_space<vmem>>) dst(%dma_wait3A_270 : memref<10000x128xf32, #tpu.memory_space<vmem_shared>>)
          tpu.yield
        }) : () -> ()
        %add3A_252 = arith.constant 3 : i32
        %add3A_253 = arith.addi %while3A_227, %add3A_252 : i32
        %lt3A_254 = arith.cmpi slt, %add3A_253, %select_n3A : i32
        %convert_element_type3A_255 = arith.extui %lt3A_254 : i1 to i32
        %cond3A_256 = arith.constant 0 : i32
        %cond3A_257 = arith.cmpi ne, %convert_element_type3A_255, %cond3A_256 : i32
        scf.if %cond3A_257 {
          %add3A_258 = arith.constant 3 : i32
          %add3A_259 = arith.addi %while3A_227, %add3A_258 : i32
          %mul3A_260 = arith.constant 64 : i32
          %mul3A_261 = arith.muli %add3A_259, %mul3A_260 : i32
          %add3A_262 = arith.constant 0 : i32
          %add3A_263 = arith.addi %mul3A_261, %add3A_262 : i32
          %get3A_264 = arith.index_cast %add3A_263 : i32 to index
          %get3A_265 = tpu.vector_load %arg7[%get3A_264] {strides = array<i32>} : memref<10112xi32, #tpu.memory_space<vmem>>, vector<16xi32>,
          %get3A_266 = vector.shape_cast %get3A_265 : vector<16xi32> to vector<16xi32>
          %swap3A_267 = arith.constant 2 : i32
          %swap3A_268 = arith.index_cast %swap3A_267 : i32 to index
          %swap3A_269 = arith.constant 0 : index
          %swap3A_270 = tpu.vector_load %arg8[%swap3A_268, %swap3A_269] {strides = array<i32>} : memref<3x64xi32, #tpu.memory_space<vmem>>, vector<1x16xi32>,
          %swap3A_271 = vector.shape_cast %swap3A_270 : vector<1x16xi32> to vector<16xi32>
          %swap3A_272 = vector.shape_cast %get3A_266 : vector<16xi32> to vector<1x16xi32>
          tpu.vector_store %arg8[%swap3A_268, %swap3A_269], %swap3A_272 {strides = array<i32>} : memref<3x64xi32, #tpu.memory_space<vmem>>, vector<1x16xi32>,
          %add3A_273 = arith.constant 16 : i32
          %add3A_274 = arith.addi %mul3A_261, %add3A_273 : i32
          %get3A_275 = arith.index_cast %add3A_274 : i32 to index
          %get3A_276 = tpu.vector_load %arg7[%get3A_275] {strides = array<i32>} : memref<10112xi32, #tpu.memory_space<vmem>>, vector<16xi32>,
          %get3A_277 = vector.shape_cast %get3A_276 : vector<16xi32> to vector<16xi32>
          %swap3A_278 = arith.constant 2 : i32
          %swap3A_279 = arith.index_cast %swap3A_278 : i32 to index
          %swap3A_280 = arith.constant 16 : index
          %swap3A_281 = tpu.vector_load %arg8[%swap3A_279, %swap3A_280] {strides = array<i32>} : memref<3x64xi32, #tpu.memory_space<vmem>>, vector<1x16xi32>,
          %swap3A_282 = vector.shape_cast %swap3A_281 : vector<1x16xi32> to vector<16xi32>
          %swap3A_283 = vector.shape_cast %get3A_277 : vector<16xi32> to vector<1x16xi32>
          tpu.vector_store %arg8[%swap3A_279, %swap3A_280], %swap3A_283 {strides = array<i32>} : memref<3x64xi32, #tpu.memory_space<vmem>>, vector<1x16xi32>,
          %add3A_284 = arith.constant 32 : i32
          %add3A_285 = arith.addi %mul3A_261, %add3A_284 : i32
          %get3A_286 = arith.index_cast %add3A_285 : i32 to index
          %get3A_287 = tpu.vector_load %arg7[%get3A_286] {strides = array<i32>} : memref<10112xi32, #tpu.memory_space<vmem>>, vector<16xi32>,
          %get3A_288 = vector.shape_cast %get3A_287 : vector<16xi32> to vector<16xi32>
          %swap3A_289 = arith.constant 2 : i32
          %swap3A_290 = arith.index_cast %swap3A_289 : i32 to index
          %swap3A_291 = arith.constant 32 : index
          %swap3A_292 = tpu.vector_load %arg8[%swap3A_290, %swap3A_291] {strides = array<i32>} : memref<3x64xi32, #tpu.memory_space<vmem>>, vector<1x16xi32>,
          %swap3A_293 = vector.shape_cast %swap3A_292 : vector<1x16xi32> to vector<16xi32>
          %swap3A_294 = vector.shape_cast %get3A_288 : vector<16xi32> to vector<1x16xi32>
          tpu.vector_store %arg8[%swap3A_290, %swap3A_291], %swap3A_294 {strides = array<i32>} : memref<3x64xi32, #tpu.memory_space<vmem>>, vector<1x16xi32>,
          %add3A_295 = arith.constant 48 : i32
          %add3A_296 = arith.addi %mul3A_261, %add3A_295 : i32
          %get3A_297 = arith.index_cast %add3A_296 : i32 to index
          %get3A_298 = tpu.vector_load %arg7[%get3A_297] {strides = array<i32>} : memref<10112xi32, #tpu.memory_space<vmem>>, vector<16xi32>,
          %get3A_299 = vector.shape_cast %get3A_298 : vector<16xi32> to vector<16xi32>
          %swap3A_300 = arith.constant 2 : i32
          %swap3A_301 = arith.index_cast %swap3A_300 : i32 to index
          %swap3A_302 = arith.constant 48 : index
          %swap3A_303 = tpu.vector_load %arg8[%swap3A_301, %swap3A_302] {strides = array<i32>} : memref<3x64xi32, #tpu.memory_space<vmem>>, vector<1x16xi32>,
          %swap3A_304 = vector.shape_cast %swap3A_303 : vector<1x16xi32> to vector<16xi32>
          %swap3A_305 = vector.shape_cast %get3A_299 : vector<16xi32> to vector<1x16xi32>
          tpu.vector_store %arg8[%swap3A_301, %swap3A_302], %swap3A_305 {strides = array<i32>} : memref<3x64xi32, #tpu.memory_space<vmem>>, vector<1x16xi32>,
          %add3A_306 = arith.constant 3 : i32
          %add3A_307 = arith.addi %while3A_227, %add3A_306 : i32
          %mul3A_308 = arith.constant 64 : i32
          %mul3A_309 = arith.muli %add3A_307, %mul3A_308 : i32
          %dma_start3A_310 = tpu.memref_slice %arg6[%mul3A_309] : memref<10112xi32, #tpu.memory_space<vmem>> -> memref<64xi32, #tpu.memory_space<vmem>>
          %dma_start3A_311 = arith.constant 0 : i32
          %dma_start3A_312 = arith.constant 0 : i32
          %dma_start3A_313 = tpu.memref_slice %arg2[%dma_start3A_311, %dma_start3A_312] : memref<10000x128xf32, #tpu.memory_space<hbm>> -> memref<10000x128xf32, #tpu.memory_space<hbm>>
          tpu.enqueue_indirect_dma source(%dma_start3A_313 : memref<10000x128xf32, #tpu.memory_space<hbm>>) target(%arg11 : memref<64x128xf32, #tpu.memory_space<vmem>>) offsets(%dma_start3A_310 : memref<64xi32, #tpu.memory_space<vmem>>) semaphore(%arg15 : memref<!tpu.dma_semaphore, #tpu.memory_space<semaphore_mem>>)
        } else {
        }
      } else {
      }
    }
    %barrier3A_192 = arith.constant 0 : index
    tpu.barrier barrier_id(%barrier3A_192)
    %mul3A_193 = arith.constant 632 : i32
    %mul3A_194 = arith.muli %arg1, %mul3A_193 : i32
    %multiple_of3A_195 = tpu.assume_multiple %mul3A_194, 8 : i32
    %eq3A_196 = arith.constant 0 : i32
    %eq3A_197 = arith.cmpi eq, %arg0, %eq3A_196 : i32
    %lt3A_198 = arith.constant 15 : i32
    %lt3A_199 = arith.cmpi slt, %arg1, %lt3A_198 : i32
    %and3A = arith.andi %eq3A_197, %lt3A_199 : i1
    %convert_element_type3A_200 = arith.extui %and3A : i1 to i32
    %cond3A_201 = arith.constant 0 : i32
    %cond3A_202 = arith.cmpi ne, %convert_element_type3A_200, %cond3A_201 : i32
    scf.if %cond3A_202 {
      "tpu.region"() ({
        %run_scoped3A = tpu.sem_alloc : memref<!tpu.dma_semaphore, #tpu.memory_space<semaphore_mem>>
        %dma_start3A_227 = arith.constant 0 : i32
        %dma_start3A_228 = tpu.memref_slice %arg4[%multiple_of3A_195, %dma_start3A_227] : memref<10000x128xf32, #tpu.memory_space<hbm>> -> memref<632x128xf32, #tpu.memory_space<hbm>>
        %dma_start3A_229 = arith.constant 0 : i32
        %dma_start3A_230 = tpu.memref_slice %arg12[%multiple_of3A_195, %dma_start3A_229] : memref<10000x128xf32, #tpu.memory_space<vmem_shared>> -> memref<632x128xf32, #tpu.memory_space<vmem_shared>>
        tpu.enqueue_dma source(%dma_start3A_230 : memref<632x128xf32, #tpu.memory_space<vmem_shared>>) target(%dma_start3A_228 : memref<632x128xf32, #tpu.memory_space<hbm>>) target_semaphore(%run_scoped3A : memref<!tpu.dma_semaphore, #tpu.memory_space<semaphore_mem>>)
        %dma_wait3A = arith.constant 0 : i32
        %dma_wait3A_231 = tpu.memref_slice %arg4[%multiple_of3A_195, %dma_wait3A] : memref<10000x128xf32, #tpu.memory_space<hbm>> -> memref<632x128xf32, #tpu.memory_space<hbm>>
        %dma_wait3A_232 = arith.constant 0 : i32
        %dma_wait3A_233 = tpu.memref_slice %arg12[%multiple_of3A_195, %dma_wait3A_232] : memref<10000x128xf32, #tpu.memory_space<vmem_shared>> -> memref<632x128xf32, #tpu.memory_space<vmem_shared>>
        tpu.wait_dma2 semaphore(%run_scoped3A : memref<!tpu.dma_semaphore, #tpu.memory_space<semaphore_mem>>) src(%dma_wait3A_233 : memref<632x128xf32, #tpu.memory_space<vmem_shared>>) dst(%dma_wait3A_231 : memref<632x128xf32, #tpu.memory_space<hbm>>)
        tpu.yield
      }) : () -> ()
    } else {
    }
    %eq3A_203 = arith.constant 0 : i32
    %eq3A_204 = arith.cmpi eq, %arg0, %eq3A_203 : i32
    %eq3A_205 = arith.constant 15 : i32
    %eq3A_206 = arith.cmpi eq, %arg1, %eq3A_205 : i32
    %and3A_207 = arith.andi %eq3A_204, %eq3A_206 : i1
    %convert_element_type3A_208 = arith.extui %and3A_207 : i1 to i32
    %cond3A_209 = arith.constant 0 : i32
    %cond3A_210 = arith.cmpi ne, %convert_element_type3A_208, %cond3A_209 : i32
    scf.if %cond3A_210 {
      "tpu.region"() ({
        %run_scoped3A = tpu.sem_alloc : memref<!tpu.dma_semaphore, #tpu.memory_space<semaphore_mem>>
        %dma_start3A_227 = arith.constant 0 : i32
        %dma_start3A_228 = tpu.memref_slice %arg4[%multiple_of3A_195, %dma_start3A_227] : memref<10000x128xf32, #tpu.memory_space<hbm>> -> memref<520x128xf32, #tpu.memory_space<hbm>>
        %dma_start3A_229 = arith.constant 0 : i32
        %dma_start3A_230 = tpu.memref_slice %arg12[%multiple_of3A_195, %dma_start3A_229] : memref<10000x128xf32, #tpu.memory_space<vmem_shared>> -> memref<520x128xf32, #tpu.memory_space<vmem_shared>>
        tpu.enqueue_dma source(%dma_start3A_230 : memref<520x128xf32, #tpu.memory_space<vmem_shared>>) target(%dma_start3A_228 : memref<520x128xf32, #tpu.memory_space<hbm>>) target_semaphore(%run_scoped3A : memref<!tpu.dma_semaphore, #tpu.memory_space<semaphore_mem>>)
        %dma_wait3A = arith.constant 0 : i32
        %dma_wait3A_231 = tpu.memref_slice %arg4[%multiple_of3A_195, %dma_wait3A] : memref<10000x128xf32, #tpu.memory_space<hbm>> -> memref<520x128xf32, #tpu.memory_space<hbm>>
        %dma_wait3A_232 = arith.constant 0 : i32
        %dma_wait3A_233 = tpu.memref_slice %arg12[%multiple_of3A_195, %dma_wait3A_232] : memref<10000x128xf32, #tpu.memory_space<vmem_shared>> -> memref<520x128xf32, #tpu.memory_space<vmem_shared>>
        tpu.wait_dma2 semaphore(%run_scoped3A : memref<!tpu.dma_semaphore, #tpu.memory_space<semaphore_mem>>) src(%dma_wait3A_233 : memref<520x128xf32, #tpu.memory_space<vmem_shared>>) dst(%dma_wait3A_231 : memref<520x128xf32, #tpu.memory_space<hbm>>)
        tpu.yield
      }) : () -> ()
    } else {
    }
    %eq3A_211 = arith.constant 1 : i32
    %eq3A_212 = arith.cmpi eq, %arg0, %eq3A_211 : i32
    %lt3A_213 = arith.constant 15 : i32
    %lt3A_214 = arith.cmpi slt, %arg1, %lt3A_213 : i32
    %and3A_215 = arith.andi %eq3A_212, %lt3A_214 : i1
    %convert_element_type3A_216 = arith.extui %and3A_215 : i1 to i32
    %cond3A_217 = arith.constant 0 : i32
    %cond3A_218 = arith.cmpi ne, %convert_element_type3A_216, %cond3A_217 : i32
    scf.if %cond3A_218 {
      "tpu.region"() ({
        %run_scoped3A = tpu.sem_alloc : memref<!tpu.dma_semaphore, #tpu.memory_space<semaphore_mem>>
        %dma_start3A_227 = arith.constant 0 : i32
        %dma_start3A_228 = tpu.memref_slice %arg5[%multiple_of3A_195, %dma_start3A_227] : memref<10000x128xf32, #tpu.memory_space<hbm>> -> memref<632x128xf32, #tpu.memory_space<hbm>>
        %dma_start3A_229 = arith.constant 0 : i32
        %dma_start3A_230 = tpu.memref_slice %arg12[%multiple_of3A_195, %dma_start3A_229] : memref<10000x128xf32, #tpu.memory_space<vmem_shared>> -> memref<632x128xf32, #tpu.memory_space<vmem_shared>>
        tpu.enqueue_dma source(%dma_start3A_230 : memref<632x128xf32, #tpu.memory_space<vmem_shared>>) target(%dma_start3A_228 : memref<632x128xf32, #tpu.memory_space<hbm>>) target_semaphore(%run_scoped3A : memref<!tpu.dma_semaphore, #tpu.memory_space<semaphore_mem>>)
        %dma_wait3A = arith.constant 0 : i32
        %dma_wait3A_231 = tpu.memref_slice %arg5[%multiple_of3A_195, %dma_wait3A] : memref<10000x128xf32, #tpu.memory_space<hbm>> -> memref<632x128xf32, #tpu.memory_space<hbm>>
        %dma_wait3A_232 = arith.constant 0 : i32
        %dma_wait3A_233 = tpu.memref_slice %arg12[%multiple_of3A_195, %dma_wait3A_232] : memref<10000x128xf32, #tpu.memory_space<vmem_shared>> -> memref<632x128xf32, #tpu.memory_space<vmem_shared>>
        tpu.wait_dma2 semaphore(%run_scoped3A : memref<!tpu.dma_semaphore, #tpu.memory_space<semaphore_mem>>) src(%dma_wait3A_233 : memref<632x128xf32, #tpu.memory_space<vmem_shared>>) dst(%dma_wait3A_231 : memref<632x128xf32, #tpu.memory_space<hbm>>)
        tpu.yield
      }) : () -> ()
    } else {
    }
    %eq3A_219 = arith.constant 1 : i32
    %eq3A_220 = arith.cmpi eq, %arg0, %eq3A_219 : i32
    %eq3A_221 = arith.constant 15 : i32
    %eq3A_222 = arith.cmpi eq, %arg1, %eq3A_221 : i32
    %and3A_223 = arith.andi %eq3A_220, %eq3A_222 : i1
    %convert_element_type3A_224 = arith.extui %and3A_223 : i1 to i32
    %cond3A_225 = arith.constant 0 : i32
    %cond3A_226 = arith.cmpi ne, %convert_element_type3A_224, %cond3A_225 : i32
    scf.if %cond3A_226 {
      "tpu.region"() ({
        %run_scoped3A = tpu.sem_alloc : memref<!tpu.dma_semaphore, #tpu.memory_space<semaphore_mem>>
        %dma_start3A_227 = arith.constant 0 : i32
        %dma_start3A_228 = tpu.memref_slice %arg5[%multiple_of3A_195, %dma_start3A_227] : memref<10000x128xf32, #tpu.memory_space<hbm>> -> memref<520x128xf32, #tpu.memory_space<hbm>>
        %dma_start3A_229 = arith.constant 0 : i32
        %dma_start3A_230 = tpu.memref_slice %arg12[%multiple_of3A_195, %dma_start3A_229] : memref<10000x128xf32, #tpu.memory_space<vmem_shared>> -> memref<520x128xf32, #tpu.memory_space<vmem_shared>>
        tpu.enqueue_dma source(%dma_start3A_230 : memref<520x128xf32, #tpu.memory_space<vmem_shared>>) target(%dma_start3A_228 : memref<520x128xf32, #tpu.memory_space<hbm>>) target_semaphore(%run_scoped3A : memref<!tpu.dma_semaphore, #tpu.memory_space<semaphore_mem>>)
        %dma_wait3A = arith.constant 0 : i32
        %dma_wait3A_231 = tpu.memref_slice %arg5[%multiple_of3A_195, %dma_wait3A] : memref<10000x128xf32, #tpu.memory_space<hbm>> -> memref<520x128xf32, #tpu.memory_space<hbm>>
        %dma_wait3A_232 = arith.constant 0 : i32
        %dma_wait3A_233 = tpu.memref_slice %arg12[%multiple_of3A_195, %dma_wait3A_232] : memref<10000x128xf32, #tpu.memory_space<vmem_shared>> -> memref<520x128xf32, #tpu.memory_space<vmem_shared>>
        tpu.wait_dma2 semaphore(%run_scoped3A : memref<!tpu.dma_semaphore, #tpu.memory_space<semaphore_mem>>) src(%dma_wait3A_233 : memref<520x128xf32, #tpu.memory_space<vmem_shared>>) dst(%dma_wait3A_231 : memref<520x128xf32, #tpu.memory_space<hbm>>)
        tpu.yield
      }) : () -> ()
    } else {
    }
    return
  }
}

module attributes {stable_mosaic.version = 14 : i64} {
  func.func @_mlp1_body(%arg0: i32, %arg1: memref<1x1xf32, #tpu.memory_space<vmem>>, %arg2: memref<2000x128xf32, #tpu.memory_space<vmem>>, %arg3: memref<2000x128xf32, #tpu.memory_space<vmem>>, %arg4: memref<2000x128xf32, #tpu.memory_space<vmem>>, %arg5: memref<128x128xf32, #tpu.memory_space<vmem>>, %arg6: memref<1x128xf32, #tpu.memory_space<vmem>>, %arg7: memref<1x128xf32, #tpu.memory_space<vmem>>, %arg8: memref<1x128xf32, #tpu.memory_space<vmem>>, %arg9: memref<2000x128xf32, #tpu.memory_space<vmem>>) attributes {dimension_semantics = [#tpu.dimension_semantics<arbitrary>], iteration_bounds = array<i64: 5>, scalar_prefetch = 0 : i64, scratch_operands = 0 : i64, tpu.core_type = #tpu.core_type<tc>, window_params = [{pipeline_mode = #tpu.pipeline_mode<synchronous>, transform_indices = @transform_0, window_bounds = array<i64: 1, 1>}, {transform_indices = @transform_1, window_bounds = array<i64: 2000, 128>}, {transform_indices = @transform_2, window_bounds = array<i64: 2000, 128>}, {transform_indices = @transform_3, window_bounds = array<i64: 2000, 128>}, {pipeline_mode = #tpu.pipeline_mode<synchronous>, transform_indices = @transform_4, window_bounds = array<i64: 128, 128>}, {pipeline_mode = #tpu.pipeline_mode<synchronous>, transform_indices = @transform_5, window_bounds = array<i64: 1, 128>}, {pipeline_mode = #tpu.pipeline_mode<synchronous>, transform_indices = @transform_6, window_bounds = array<i64: 1, 128>}, {pipeline_mode = #tpu.pipeline_mode<synchronous>, transform_indices = @transform_7, window_bounds = array<i64: 1, 128>}, {transform_indices = @transform_8, window_bounds = array<i64: 2000, 128>}]} {
    %get3A = arith.constant 0 : index
    %get3A_0 = arith.constant 0 : index
    %get3A_1 = vector.load %arg2[%get3A, %get3A_0] : memref<2000x128xf32, #tpu.memory_space<vmem>>, vector<2000x128xf32>
    %get3A_2 = arith.constant 0 : index
    %get3A_3 = arith.constant 0 : index
    %get3A_4 = vector.load %arg1[%get3A_2, %get3A_3] : memref<1x1xf32, #tpu.memory_space<vmem>>, vector<1x1xf32>
    %get3A_5 = vector.extract %get3A_4[0, 0] : f32 from vector<1x1xf32>
    %mul3A = vector.broadcast %get3A_5 : f32 to vector<2000x128xf32>
    %mul3A_6 = arith.mulf %get3A_1, %mul3A : vector<2000x128xf32>
    %get3A_7 = arith.constant 0 : index
    %get3A_8 = arith.constant 0 : index
    %get3A_9 = vector.load %arg3[%get3A_7, %get3A_8] : memref<2000x128xf32, #tpu.memory_space<vmem>>, vector<2000x128xf32>
    %add3A = arith.addf %mul3A_6, %get3A_9 : vector<2000x128xf32>
    %get3A_10 = arith.constant 0 : index
    %get3A_11 = arith.constant 0 : index
    %get3A_12 = vector.load %arg4[%get3A_10, %get3A_11] : memref<2000x128xf32, #tpu.memory_space<vmem>>, vector<2000x128xf32>
    %add3A_13 = arith.addf %add3A, %get3A_12 : vector<2000x128xf32>
    %get3A_14 = arith.constant 0 : index
    %get3A_15 = arith.constant 0 : index
    %get3A_16 = vector.load %arg5[%get3A_14, %get3A_15] : memref<128x128xf32, #tpu.memory_space<vmem>>, vector<128x128xf32>
    %dot_general3A = arith.constant dense<0.000000e+00> : vector<2000x128xf32>
    %dot_general3A_17 = tpu.matmul %add3A_13, %get3A_16, %dot_general3A {dimension_numbers = #tpu.dot_dimension_numbers<[1], [0], [0], [1], [0, 0, 1, 1], [], []>, transpose_lhs_hint = false} : vector<2000x128xf32>, vector<128x128xf32>, vector<2000x128xf32> -> vector<2000x128xf32>
    %get3A_18 = arith.constant 0 : index
    %get3A_19 = arith.constant 0 : index
    %get3A_20 = vector.load %arg6[%get3A_18, %get3A_19] : memref<1x128xf32, #tpu.memory_space<vmem>>, vector<1x128xf32>
    %add3A_21 = vector.broadcast %get3A_20 : vector<1x128xf32> to vector<2000x128xf32>
    %add3A_22 = arith.addf %dot_general3A_17, %add3A_21 : vector<2000x128xf32>
    %max3A = arith.constant 0.000000e+00 : f32
    %max3A_23 = vector.broadcast %max3A : f32 to vector<2000x128xf32>
    %max3A_24 = arith.maximumf %add3A_22, %max3A_23 : vector<2000x128xf32>
    %get3A_25 = arith.constant 0 : index
    %get3A_26 = arith.constant 0 : index
    %get3A_27 = vector.load %arg7[%get3A_25, %get3A_26] : memref<1x128xf32, #tpu.memory_space<vmem>>, vector<1x128xf32>
    %mul3A_28 = vector.broadcast %get3A_27 : vector<1x128xf32> to vector<2000x128xf32>
    %mul3A_29 = arith.mulf %max3A_24, %mul3A_28 : vector<2000x128xf32>
    %get3A_30 = arith.constant 0 : index
    %get3A_31 = arith.constant 0 : index
    %get3A_32 = vector.load %arg8[%get3A_30, %get3A_31] : memref<1x128xf32, #tpu.memory_space<vmem>>, vector<1x128xf32>
    %add3A_33 = vector.broadcast %get3A_32 : vector<1x128xf32> to vector<2000x128xf32>
    %add3A_34 = arith.addf %mul3A_29, %add3A_33 : vector<2000x128xf32>
    %swap3A = arith.constant 0 : index
    %swap3A_35 = arith.constant 0 : index
    %swap3A_36 = vector.load %arg9[%swap3A, %swap3A_35] : memref<2000x128xf32, #tpu.memory_space<vmem>>, vector<2000x128xf32>
    tpu.vector_store %arg9[%swap3A, %swap3A_35], %add3A_34 {strides = array<i32>} : memref<2000x128xf32, #tpu.memory_space<vmem>>, vector<2000x128xf32>,
    return
  }
  func.func @transform_0(%arg0: i32) -> (i32, i32) {
    %c0_i32 = arith.constant 0 : i32
    %c0_i32_0 = arith.constant 0 : i32
    %c0_i32_1 = arith.constant 0 : i32
    return %c0_i32, %c0_i32_0 : i32, i32
  }
  func.func @transform_1(%arg0: i32) -> (i32, i32) {
    %c0_i32 = arith.constant 0 : i32
    %c0_i32_0 = arith.constant 0 : i32
    return %arg0, %c0_i32 : i32, i32
  }
  func.func @transform_2(%arg0: i32) -> (i32, i32) {
    %c0_i32 = arith.constant 0 : i32
    %c0_i32_0 = arith.constant 0 : i32
    return %arg0, %c0_i32 : i32, i32
  }
  func.func @transform_3(%arg0: i32) -> (i32, i32) {
    %c0_i32 = arith.constant 0 : i32
    %c0_i32_0 = arith.constant 0 : i32
    return %arg0, %c0_i32 : i32, i32
  }
  func.func @transform_4(%arg0: i32) -> (i32, i32) {
    %c0_i32 = arith.constant 0 : i32
    %c0_i32_0 = arith.constant 0 : i32
    %c0_i32_1 = arith.constant 0 : i32
    return %c0_i32, %c0_i32_0 : i32, i32
  }
  func.func @transform_5(%arg0: i32) -> (i32, i32) {
    %c0_i32 = arith.constant 0 : i32
    %c0_i32_0 = arith.constant 0 : i32
    %c0_i32_1 = arith.constant 0 : i32
    return %c0_i32, %c0_i32_0 : i32, i32
  }
  func.func @transform_6(%arg0: i32) -> (i32, i32) {
    %c0_i32 = arith.constant 0 : i32
    %c0_i32_0 = arith.constant 0 : i32
    %c0_i32_1 = arith.constant 0 : i32
    return %c0_i32, %c0_i32_0 : i32, i32
  }
  func.func @transform_7(%arg0: i32) -> (i32, i32) {
    %c0_i32 = arith.constant 0 : i32
    %c0_i32_0 = arith.constant 0 : i32
    %c0_i32_1 = arith.constant 0 : i32
    return %c0_i32, %c0_i32_0 : i32, i32
  }
  func.func @transform_8(%arg0: i32) -> (i32, i32) {
    %c0_i32 = arith.constant 0 : i32
    %c0_i32_0 = arith.constant 0 : i32
    return %arg0, %c0_i32 : i32, i32
  }
}

module attributes {stable_mosaic.version = 14 : i64} {
  func.func @_mlp2_body(%arg0: i32, %arg1: memref<1x1xf32, #tpu.memory_space<vmem>>, %arg2: memref<2000x128xf32, #tpu.memory_space<vmem>>, %arg3: memref<2000x128xf32, #tpu.memory_space<vmem>>, %arg4: memref<2000x128xf32, #tpu.memory_space<vmem>>, %arg5: memref<128x128xf32, #tpu.memory_space<vmem>>, %arg6: memref<1x128xf32, #tpu.memory_space<vmem>>, %arg7: memref<128x128xf32, #tpu.memory_space<vmem>>, %arg8: memref<1x128xf32, #tpu.memory_space<vmem>>, %arg9: memref<2000x128xf32, #tpu.memory_space<vmem>>) attributes {dimension_semantics = [#tpu.dimension_semantics<arbitrary>], iteration_bounds = array<i64: 5>, scalar_prefetch = 0 : i64, scratch_operands = 0 : i64, tpu.core_type = #tpu.core_type<tc>, window_params = [{pipeline_mode = #tpu.pipeline_mode<synchronous>, transform_indices = @transform_0, window_bounds = array<i64: 1, 1>}, {transform_indices = @transform_1, window_bounds = array<i64: 2000, 128>}, {transform_indices = @transform_2, window_bounds = array<i64: 2000, 128>}, {transform_indices = @transform_3, window_bounds = array<i64: 2000, 128>}, {pipeline_mode = #tpu.pipeline_mode<synchronous>, transform_indices = @transform_4, window_bounds = array<i64: 128, 128>}, {pipeline_mode = #tpu.pipeline_mode<synchronous>, transform_indices = @transform_5, window_bounds = array<i64: 1, 128>}, {pipeline_mode = #tpu.pipeline_mode<synchronous>, transform_indices = @transform_6, window_bounds = array<i64: 128, 128>}, {pipeline_mode = #tpu.pipeline_mode<synchronous>, transform_indices = @transform_7, window_bounds = array<i64: 1, 128>}, {transform_indices = @transform_8, window_bounds = array<i64: 2000, 128>}]} {
    %get3A = arith.constant 0 : index
    %get3A_0 = arith.constant 0 : index
    %get3A_1 = vector.load %arg2[%get3A, %get3A_0] : memref<2000x128xf32, #tpu.memory_space<vmem>>, vector<2000x128xf32>
    %get3A_2 = arith.constant 0 : index
    %get3A_3 = arith.constant 0 : index
    %get3A_4 = vector.load %arg1[%get3A_2, %get3A_3] : memref<1x1xf32, #tpu.memory_space<vmem>>, vector<1x1xf32>
    %get3A_5 = vector.extract %get3A_4[0, 0] : f32 from vector<1x1xf32>
    %mul3A = vector.broadcast %get3A_5 : f32 to vector<2000x128xf32>
    %mul3A_6 = arith.mulf %get3A_1, %mul3A : vector<2000x128xf32>
    %get3A_7 = arith.constant 0 : index
    %get3A_8 = arith.constant 0 : index
    %get3A_9 = vector.load %arg3[%get3A_7, %get3A_8] : memref<2000x128xf32, #tpu.memory_space<vmem>>, vector<2000x128xf32>
    %add3A = arith.addf %mul3A_6, %get3A_9 : vector<2000x128xf32>
    %get3A_10 = arith.constant 0 : index
    %get3A_11 = arith.constant 0 : index
    %get3A_12 = vector.load %arg4[%get3A_10, %get3A_11] : memref<2000x128xf32, #tpu.memory_space<vmem>>, vector<2000x128xf32>
    %add3A_13 = arith.addf %add3A, %get3A_12 : vector<2000x128xf32>
    %get3A_14 = arith.constant 0 : index
    %get3A_15 = arith.constant 0 : index
    %get3A_16 = vector.load %arg5[%get3A_14, %get3A_15] : memref<128x128xf32, #tpu.memory_space<vmem>>, vector<128x128xf32>
    %dot_general3A = arith.constant dense<0.000000e+00> : vector<2000x128xf32>
    %dot_general3A_17 = tpu.matmul %add3A_13, %get3A_16, %dot_general3A {dimension_numbers = #tpu.dot_dimension_numbers<[1], [0], [0], [1], [0, 0, 1, 1], [], []>, transpose_lhs_hint = false} : vector<2000x128xf32>, vector<128x128xf32>, vector<2000x128xf32> -> vector<2000x128xf32>
    %get3A_18 = arith.constant 0 : index
    %get3A_19 = arith.constant 0 : index
    %get3A_20 = vector.load %arg6[%get3A_18, %get3A_19] : memref<1x128xf32, #tpu.memory_space<vmem>>, vector<1x128xf32>
    %add3A_21 = vector.broadcast %get3A_20 : vector<1x128xf32> to vector<2000x128xf32>
    %add3A_22 = arith.addf %dot_general3A_17, %add3A_21 : vector<2000x128xf32>
    %max3A = arith.constant 0.000000e+00 : f32
    %max3A_23 = vector.broadcast %max3A : f32 to vector<2000x128xf32>
    %max3A_24 = arith.maximumf %add3A_22, %max3A_23 : vector<2000x128xf32>
    %get3A_25 = arith.constant 0 : index
    %get3A_26 = arith.constant 0 : index
    %get3A_27 = vector.load %arg7[%get3A_25, %get3A_26] : memref<128x128xf32, #tpu.memory_space<vmem>>, vector<128x128xf32>
    %dot_general3A_28 = arith.constant dense<0.000000e+00> : vector<2000x128xf32>
    %dot_general3A_29 = tpu.matmul %max3A_24, %get3A_27, %dot_general3A_28 {dimension_numbers = #tpu.dot_dimension_numbers<[1], [0], [0], [1], [0, 0, 1, 1], [], []>, transpose_lhs_hint = false} : vector<2000x128xf32>, vector<128x128xf32>, vector<2000x128xf32> -> vector<2000x128xf32>
    %get3A_30 = arith.constant 0 : index
    %get3A_31 = arith.constant 0 : index
    %get3A_32 = vector.load %arg8[%get3A_30, %get3A_31] : memref<1x128xf32, #tpu.memory_space<vmem>>, vector<1x128xf32>
    %add3A_33 = vector.broadcast %get3A_32 : vector<1x128xf32> to vector<2000x128xf32>
    %add3A_34 = arith.addf %dot_general3A_29, %add3A_33 : vector<2000x128xf32>
    %swap3A = arith.constant 0 : index
    %swap3A_35 = arith.constant 0 : index
    %swap3A_36 = vector.load %arg9[%swap3A, %swap3A_35] : memref<2000x128xf32, #tpu.memory_space<vmem>>, vector<2000x128xf32>
    tpu.vector_store %arg9[%swap3A, %swap3A_35], %add3A_34 {strides = array<i32>} : memref<2000x128xf32, #tpu.memory_space<vmem>>, vector<2000x128xf32>,
    return
  }
  func.func @transform_0(%arg0: i32) -> (i32, i32) {
    %c0_i32 = arith.constant 0 : i32
    %c0_i32_0 = arith.constant 0 : i32
    %c0_i32_1 = arith.constant 0 : i32
    return %c0_i32, %c0_i32_0 : i32, i32
  }
  func.func @transform_1(%arg0: i32) -> (i32, i32) {
    %c0_i32 = arith.constant 0 : i32
    %c0_i32_0 = arith.constant 0 : i32
    return %arg0, %c0_i32 : i32, i32
  }
  func.func @transform_2(%arg0: i32) -> (i32, i32) {
    %c0_i32 = arith.constant 0 : i32
    %c0_i32_0 = arith.constant 0 : i32
    return %arg0, %c0_i32 : i32, i32
  }
  func.func @transform_3(%arg0: i32) -> (i32, i32) {
    %c0_i32 = arith.constant 0 : i32
    %c0_i32_0 = arith.constant 0 : i32
    return %arg0, %c0_i32 : i32, i32
  }
  func.func @transform_4(%arg0: i32) -> (i32, i32) {
    %c0_i32 = arith.constant 0 : i32
    %c0_i32_0 = arith.constant 0 : i32
    %c0_i32_1 = arith.constant 0 : i32
    return %c0_i32, %c0_i32_0 : i32, i32
  }
  func.func @transform_5(%arg0: i32) -> (i32, i32) {
    %c0_i32 = arith.constant 0 : i32
    %c0_i32_0 = arith.constant 0 : i32
    %c0_i32_1 = arith.constant 0 : i32
    return %c0_i32, %c0_i32_0 : i32, i32
  }
  func.func @transform_6(%arg0: i32) -> (i32, i32) {
    %c0_i32 = arith.constant 0 : i32
    %c0_i32_0 = arith.constant 0 : i32
    %c0_i32_1 = arith.constant 0 : i32
    return %c0_i32, %c0_i32_0 : i32, i32
  }
  func.func @transform_7(%arg0: i32) -> (i32, i32) {
    %c0_i32 = arith.constant 0 : i32
    %c0_i32_0 = arith.constant 0 : i32
    %c0_i32_1 = arith.constant 0 : i32
    return %c0_i32, %c0_i32_0 : i32, i32
  }
  func.func @transform_8(%arg0: i32) -> (i32, i32) {
    %c0_i32 = arith.constant 0 : i32
    %c0_i32_0 = arith.constant 0 : i32
    return %arg0, %c0_i32 : i32, i32
  }
}

</mosaic_0001>

<sc_bundles>
// kernel: kernel.6.cloned.1.call-start
scs
__scs_entry_jumppad:
0x0: {  	(pc) =	sbr.rel $0x88, $3  }
0x1: {  	(tag) =	ssettag $0x0;
	lr =	simm.s32 $0x1  }
0x2: {  	[smem:$0x3F8F] =	sst lr;
	_ =	strace $0xD0000000  }
0x3: {  	_ = 	snop  }
0x4: {  	_ = 	snop  }
0x5: {  	_ = 	snop  }
0x6: {  	_ = 	snop  }
0x7: {  	_ = 	snop  }
__scs_overlays_trampoline_lowered:
0x8: {  	[smem:$0x3F9E] =	sst s0  }
0x9: {  	[smem:$0x3F9F] =	sst s1  }
0xa: {  	[smem:$0x3FA0] =	sst s2  }
0xb: {  	[smem:$0x3FA1] =	sst s3  }
0xc: {  	[smem:$0x3FA2] =	sst s4  }
0xd: {  	[smem:$0x3FA3] =	sst s5  }
0xe: {  	[smem:$0x3FA4] =	sst s6  }
0xf: {  	[smem:$0x3FA5] =	sst s7  }
0x10: {  	[smem:$0x3FA6] =	sst s8  }
0x11: {  	[smem:$0x3FA7] =	sst s9;
	s0 =	simm.s32 @!p0 $0x0  }
0x12: {  	s1 =	sld [smem:$0x3F8D];
	s0 =	simm.s32 @p0 $0x1  }
0x13: {  	[smem:$0x3FA8] =	sst s0;
	s0 =	simm.s32 @!p1 $0x0  }
0x14: {  	s2 =	sld [smem:$0x3F8C];
	s0 =	simm.s32 @p1 $0x1  }
0x15: {  	[smem:$0x3FA9] =	sst s0;
	s0 =	simm.s32 @!p2 $0x0  }
0x16: {  	s3 =	sld [smem:$0x3FDB];
	s0 =	simm.s32 @p2 $0x1  }
0x17: {  	s4 =	simm.s32 $0x1BF5;
	[smem:$0x3FAB] =	sst s0  }
0x18: {  	s0 =	sld [smem:$0x3F8E];
	_ =	swait.ge [sflag:s4], $0x0  }
0x19: {  	s7 =	sld [smem:$0x3F8F]  }
0x1a: {  	s8 =	sadd.s32 $0xFFFFE003, lr  }
0x1b: {  	s9 =	sadd.s32 $0xFFFFFEF7, lr;
	s5 =	simm.s32 $0xFFFFFFFF;
	p2 =	slt.u32 s8, $0xFFFFF086  }
0x1c: {  	p1 =	slt.u32 s9, $0xF7A;
	s5 =	simm.s32 @!p2 $0x0  }
0x1d: {  	s5 =	simm.s32 @p1 $0x1;
	p0 =	seq.s32 s7, s2  }
0x1e: {  	s7 =	smul.u32 @!p0 $0xF7A, s2;
	p2 =	seq.s32 @!p0 s5, $0x0  }
0x1f: {  	s9 =	smul.u32 $0xF7A, s1;
	s8 =	simm.s32 @!p0 $0x1BF5;
	p2 =	por !p2, p0  }
0x20: {  	[sflag:s8] =	ssyncset.s32 @!p0 $0xFFFFF086;
	s6 =	sadd.s32 @!p0 s3, s7;
	s7 =	simm.s32 @!p0 $0x108  }
0x21: {  	s3 =	sadd.s32 s3, s9;
	s6 =	sadd.s32 @!p0 $0x88, s6;
	s7 =	simm.s32 @p2 $0x1082  }
0x22: {  	[simem:s7], [sflag:s8] =	dma.local @!p0 [hbm:s6], $0xF7A  }
0x23: {  	s9 =	sor.u32 $0xD0000000, s2;
	s6 =	simm.s32 $0x108;
	_ =	swait.ge @!p0 [sflag:s8], $0x0  }
0x24: {  	s3 =	sadd.s32 $0x88, s3;
	s6 =	simm.s32 @!p1 $0x1082;
	[sflag:s4] =	ssyncset.s32 $0xFFFFF086  }
0x25: {  	[simem:s6], [sflag:s4] =	dma.local [hbm:s3], $0xF7A  }
0x26: {  	[smem:$0x3F8F] =	sst s1;
	(tag) =	ssettag s2;
	_ =	strace s9  }
0x27: {  	s1 =	sld [smem:$0x3F9F]  }
0x28: {  	s2 =	sld [smem:$0x3FA0]  }
0x29: {  	s4 =	sld [smem:$0x3FA2]  }
0x2a: {  	p0 =	seq.s32 s5, $0x0;
	s5 =	sld [smem:$0x3FA3]  }
0x2b: {  	s6 =	sld [smem:$0x3FA4]  }
0x2c: {  	s7 =	sld [smem:$0x3FA5]  }
0x2d: {  	s3 =	simm.s32 $0x108;
	s8 =	sld [smem:$0x3FA6]  }
0x2e: {  	s3 =	simm.s32 @!p0 $0x1082;
	s9 =	sld [smem:$0x3FA7]  }
0x2f: {  	lr =	sadd.s32 s0, s3;
	s0 =	sld [smem:$0x3F9E]  }
0x30: {  	s3 =	sld [smem:$0x3FA1]  }
0x31: {  	[smem:$0x3FAA] =	sst s10  }
0x32: {  	s10 =	sld [smem:$0x3FA8];
	_ =	sdelay $0x3  }
0x33: {  	p0 =	seq.s32 s10, $0x1;
	s10 =	sld [smem:$0x3FAA];
	_ =	sdelay $0x3  }
0x34: {  	[smem:$0x3FAA] =	sst s10  }
0x35: {  	s10 =	sld [smem:$0x3FA9];
	_ =	sdelay $0x3  }
0x36: {  	p1 =	seq.s32 s10, $0x1;
	s10 =	sld [smem:$0x3FAA];
	_ =	sdelay $0x3  }
0x37: {  	[smem:$0x3FAA] =	sst s10  }
0x38: {  	s10 =	sld [smem:$0x3FAB]  }
0x39: {  	_ = 	snop;
	(pc) =	sbr.ind lr, $3  }
0x3a: {  	_ = 	snop  }
0x3b: {  	_ = 	snop  }
0x3c: {  	p2 =	seq.s32 s10, $0x1;
	s10 =	sld [smem:$0x3FAA]  }
0x3d: {  	_ =	shalt  }
0x3e: {  	_ =	shalt  }
0x3f: {  	_ =	shalt  }
0x40: {  	_ =	shalt  }
0x41: {  	_ =	shalt  }
0x42: {  	_ =	shalt  }
0x43: {  	_ =	shalt  }
0x44: {  	_ =	shalt  }
0x45: {  	_ =	shalt  }
0x46: {  	_ =	shalt  }
0x47: {  	_ =	shalt  }
0x48: {  	_ =	shalt  }
0x49: {  	_ =	shalt  }
0x4a: {  	_ =	shalt  }
0x4b: {  	_ =	shalt  }
0x4c: {  	_ =	shalt  }
0x4d: {  	_ =	shalt  }
0x4e: {  	_ =	shalt  }
0x4f: {  	_ =	shalt  }
0x50: {  	_ =	shalt  }
0x51: {  	_ =	shalt  }
0x52: {  	_ =	shalt  }
0x53: {  	_ =	shalt  }
0x54: {  	_ =	shalt  }
0x55: {  	_ =	shalt  }
0x56: {  	_ =	shalt  }
0x57: {  	_ =	shalt  }
0x58: {  	_ =	shalt  }
0x59: {  	_ =	shalt  }
0x5a: {  	_ =	shalt  }
0x5b: {  	_ =	shalt  }
0x5c: {  	_ =	shalt  }
0x5d: {  	_ =	shalt  }
0x5e: {  	_ =	shalt  }
0x5f: {  	_ =	shalt  }
0x60: {  	_ =	shalt  }
0x61: {  	_ =	shalt  }
0x62: {  	_ =	shalt  }
0x63: {  	_ =	shalt  }
0x64: {  	_ =	shalt  }
0x65: {  	_ =	shalt  }
0x66: {  	_ =	shalt  }
0x67: {  	_ =	shalt  }
0x68: {  	_ =	shalt  }
0x69: {  	_ =	shalt  }
0x6a: {  	_ =	shalt  }
0x6b: {  	_ =	shalt  }
0x6c: {  	_ =	shalt  }
0x6d: {  	_ =	shalt  }
0x6e: {  	_ =	shalt  }
0x6f: {  	_ =	shalt  }
0x70: {  	_ =	shalt  }
0x71: {  	_ =	shalt  }
0x72: {  	_ =	shalt  }
0x73: {  	_ =	shalt  }
0x74: {  	_ =	shalt  }
0x75: {  	_ =	shalt  }
0x76: {  	_ =	shalt  }
0x77: {  	_ =	shalt  }
0x78: {  	_ =	shalt  }
0x79: {  	_ =	shalt  }
0x7a: {  	_ =	shalt  }
0x7b: {  	_ =	shalt  }
0x7c: {  	_ =	shalt  }
0x7d: {  	_ =	shalt  }
0x7e: {  	_ =	shalt  }
0x7f: {  	_ =	shalt  }
0x80: {  	_ =	shalt  }
0x81: {  	_ =	shalt  }
0x82: {  	_ =	shalt  }
0x83: {  	_ =	shalt  }
0x84: {  	_ =	shalt  }
0x85: {  	_ =	shalt  }
0x86: {  	_ =	shalt  }
0x87: {  	_ =	shalt  }
.Lfunc_end0:
.L_simem_size_0:
called_computation_lowered:
.L_overlay_start_0:
0x88: {  	s2 =	sld [smem:$0x3FD9]  }
0x89: {  	s3 =	sld [smem:$0x3FFE];
	_ =	sdelay $0x1  }
0x8a: {  	s1 =	srdreg.scid  }
0x8b: {  	s0 =	sand.u32 $0x1, s1  }
0x8c: {  	s17 =	sshll.u32 s0, $0xA;
	s2 =	sadd.s32 s3, s2  }
0x8d: {  	s2 =	sadd.s32 s2, s17  }
0x8e: {  	[smem:$0x3FB6] =	sst s2  }
0x8f: {  	_ = 	snop  }
0x90: {  	s2 =	sld [smem:$0x3FC9]  }
0x91: {  	s18 =	sld [smem:$0x3FC8]  }
0x92: {  	s4 =	sld [smem:$0x3FD0];
	(tm) =	ssettm $0x1  }
0x93: {  	s5 =	sld [smem:$0x3FFB];
	_ =	sdelay $0x3  }
0x94: {  	_ =	strace s5  }
0x95: {  	s5 =	sld [smem:$0x3FFC];
	_ =	sdelay $0x3  }
0x96: {  	_ =	strace s5  }
0x97: {  	s5 =	sld [smem:$0x3FFD];
	_ =	sdelay $0x3  }
0x98: {  	_ =	strace s5  }
0x99: {  	_ =	strace $0x8FFFFFFF  }
0x9a: {  	s19 =	sld [smem:$0x3FDB];
	_ =	sdelay $0x1  }
0x9b: {  	s6 =	simm.s32 $_scs_section_size  }
0x9c: {  	s7 =	simm.s32 $_size__tile_overlayer_lowered;
	s8 =	simm.s32 $_tile_overlayer_lowered  }
0x9d: {  	s22 =	simm.s32 $0x1BFF;
	s21 =	sshll.u32 s8, $0x1;
	s5 =	sadd.s32 s6, s19  }
0x9e: {  	s9 =	simm.s32 $0x0;
	s20 =	sshll.u32 s7, $0x1;
	s7 =	sadd.s32 s21, s5  }
0x9f: {  	[timem:s9], [sflag:s22] =	dma.local [hbm:s7], s20  }
0xa0: {  	_ =	swait.ge [sflag:s22], s20  }
0xa1: {  	s6 =	ssub.s32 $0x0, s20;
	[sflag:s22] =	ssyncset.done $0x0  }
0xa2: {  	[sflag:s22] =	ssyncadd.s32 s6;
	_ =	sdelay $0x1  }
0xa3: {  	s23 =	simm.s32 $0x1B8B  }
0xa4: {  	_ =	swait.ge [sflag:s23], $0x1  }
0xa5: {  	[sflag:s23] =	ssyncset.done $0x0  }
0xa6: {  	s25 =	simm.s32 $0x1B8E;
	s24 =	sld [smem:$0x3FFE];
	[sflag:s23] =	ssyncadd.s32 $0xFFFFFFFF  }
0xa7: {  	s26 =	simm.s32 $execute0_lowered;
	[smem:$0x3FD2] =	sst s25  }
0xa8: {  	s7 =	sshll.u32 s26, $0x1;
	_ =	strace $0x80000046;
	[dreg:$0x1] =	wrdreg $0xFFFFFFFF  }
0xa9: {  	s28 =	simm.s32 $_size_execute0_lowered;
	s5 =	sadd.s32 s5, s7;
	[dreg:$0x0] =	wrdreg $0x0  }
0xaa: {  	s7 =	sshll.u32 s28, $0x1;
	[dreg:$0x2] =	wrdreg s5  }
0xab: {  	[dreg:$0x3] =	wrdreg s7  }
0xac: {  	[dreg:$0x4] =	wrdreg $0xC0  }
0xad: {  	_ =	task [dreg:s9], $0x5FFFF  }
0xae: {  	[dreg:$0x1] =	wrdreg $0xFFFFFFFF  }
0xaf: {  	[dreg:$0x0] =	wrdreg $0x60  }
0xb0: {  	[dreg:$0x2] =	wrdreg s2  }
0xb1: {  	[dreg:$0x3] =	wrdreg s18  }
0xb2: {  	[dreg:$0x4] =	wrdreg s4  }
0xb3: {  	[dreg:$0x5] =	wrdreg s24  }
0xb4: {  	[dreg:$0x6] =	wrdreg $0xB1000  }
0xb5: {  	[dreg:$0x7] =	wrdreg $0x9  }
0xb6: {  	_ =	task.clear_ibuf [dreg:s9], $0x8FFFF;
	_ =	strace $0x90000046  }
0xb7: {  	s29 =	simm.s32 $0x9;
	_ =	strace $0x80000048  }
0xb8: {  	_ =	swait.ge [sflag:s29], $0x1  }
0xb9: {  	[sflag:s29] =	ssyncadd.s32 $0xFFFFFFFF  }
0xba: {  	_ =	strace $0x90000048  }
0xbb: {  	_ =	sfence  }
0xbc: {  	s30 =	sld [smem:$0x0];
	_ =	sdelay $0x2  }
0xbd: {  	s31 =	sshll.u32 s1, $0xD;
	s1 =	sshrl.u32 s1, $0x2  }
0xbe: {  	s3 =	sand.u32 $0x4000, s31;
	s1 =	sadd.s32 s1, s30  }
0xbf: {  	s0 =	sor.u32 s3, s0;
	s1 =	sshll.u32 s1, $0x11  }
0xc0: {  	s0 =	sor.u32 s1, s0  }
0xc1: {  	s0 =	sadd.s32 $0x8F2B, s0  }
0xc2: {  	[sflag:s0] =	ssyncadd.remote.s32 $0x1  }
0xc3: {  	_ =	sfence.sel $0xFFFF  }
0xc4: {  	[dreg:$0x0] =	wrdreg $0xFFFFFFFF;
	(pc) =	sbr.abs _section_cstart, $3  }
0xc5: {  	[dreg:$0x1] =	wrdreg $0xFFFFFFFF  }
0xc6: {  	_ =	task.clear_ibuf [dreg:s9], $0x2FFFF;
	_ =	strace $0x9FFFFFFF  }
0xc7: {  	(tm) =	ssettm $0x7FFFFFFF  }
tec
execute0_lowered:
.L_overlay_start_1:
0x0: {  	(tag) =	ssettag $0x1  }
0x1: {  	s0 =	rddreg [dreg:$0x0]  }
0x2: {  	s1 =	rddreg [dreg:$0x1]  }
0x3: {  	s10 =	rddreg [dreg:$0x2]  }
0x4: {  	s2 =	rddreg [dreg:$0x3];
	s4 =	srdreg.scid  }
0x5: {  	s3 =	rddreg [dreg:$0x4];
	s11 =	stileid.u32;
	s5 =	sand.u32 $0x1, s4  }
0x6: {  	s4 =	simm.s32 $0x0;
	s13 =	sadd.s32 $0x4000, s2;
	s26 =	smul.u32 $0x4E000, s11  }
0x7: {  	s15 =	sadd.s32 $0x13220, s1;
	p5 =	sne.s32 s11, $0xF;
	s21 =	smul.u32 $0x4F000, s11  }
0x8: {  	p1 =	seq.s32 s11, $0xF;
	s22 =	smul.u32 $0x2780, s11;
	s23 =	sadd.s32 $0x128400, s3  }
0x9: {  	s31 =	sadd.s32 $0x138000, s3;
	s6 =	sshll.u32 s5, $0x4;
	[smem:$0x7FF] =	sst s4  }
0xa: {  	s7 =	ssub.s32 $0x2, s5;
	p3 =	seq.s32 s5, $0x0;
	p4 =	seq.s32 s5, $0x1  }
0xb: {  	s5 =	simm.s32 $0x5100;
	s6 =	sor.u32 s11, s6;
	_ =	strace $0x80000047  }
0xc: {  	s8 =	sshrl.u32 s7, $0x1;
	s14 =	sshrl.u32 s26, $0x2;
	[dreg:$0x9] =	wrdreg s15  }
0xd: {  	p2 =	por !p3, !p5;
	p3 =	por !p3, !p1;
	p6 =	por !p5, !p4  }
0xe: {  	s24 =	sadd.s32 s10, s22;
	[dreg:$0x6] =	wrdreg s13;
	s25 =	sadd.s32 s13, s22  }
0xf: {  	p5 =	sne.s32 s11, $0x0;
	s26 =	sshrl.u32 s23, $0x3;
	s22 =	simm.s32 $0x9100  }
0x10: {  	s23 =	simm.s32 $0x5000;
	s10 =	simm.s32 $0x4F80;
	s11 =	simm.s32 $0x1  }
0x11: {  	s13 =	simm.s32 $0x4F00;
	s9 =	smul.u32 $0x9E0, s6;
	s2 =	ssub.s32 s7, s8  }
0x12: {  	p0 =	seq.s32 s6, $0x1F;
	s7 =	simm.s32 $0x66;
	[dreg:$0x10] =	wrdreg s24  }
0x13: {  	p2 =	por !p2, !p2;
	p6 =	por !p6, !p6;
	[dreg:$0x11] =	wrdreg s25  }
0x14: {  	[dreg:$0x12] =	wrdreg s26;
	s25 =	simm.s32 $0x4;
	s7 =	simm.s32 @!p0 $0x9E  }
0x15: {  	s24 =	smax.u32 s2, $0x1;
	s2 =	simm.s32 $0x7100;
	s12 =	sadd.s32 s1, s9  }
0x16: {  	s1 =	sadd.s32 $0x13230, s1;
	s9 =	simm.s32 $0x2;
	[dreg:$0x7] =	wrdreg s12  }
0x17: {  	s6 =	sadd.s32 $0x10, s12;
	[dreg:$0xa] =	wrdreg s1;
	s12 =	sadd.s32 s14, s3  }
0x18: {  	s1 =	simm.s32 @!p1 $0x0;
	[dreg:$0x8] =	wrdreg s6;
	s16 =	sadd.s32 $0x1800, s12  }
0x19: {  	s17 =	sadd.s32 $0x3000, s12;
	s18 =	sadd.s32 $0x4800, s12;
	s19 =	sadd.s32 $0x6000, s12  }
0x1a: {  	s20 =	sadd.s32 $0x7800, s12;
	s1 =	simm.s32 @p1 $0x1;
	[dreg:$0xb] =	wrdreg s16  }
0x1b: {  	p1 =	por !p3, !p3;
	s26 =	sadd.s32 $0xD800, s12;
	[dreg:$0xc] =	wrdreg s17  }
0x1c: {  	s28 =	sadd.s32 $0xF000, s12;
	s29 =	sadd.s32 $0x10800, s12;
	[dreg:$0xd] =	wrdreg s18  }
.Ltmp0:
0x1d: {  	s30 =	sadd.s32 $0x12000, s12;
	[dreg:$0xe] =	wrdreg s19;
	(pc) =	sbr.rel .LBB2_1-.Ltmp0, $4  }
0x1e: {  	[dreg:$0xf] =	wrdreg s20;
	s18 =	sadd.s32 $0x9000, s12;
	s19 =	sadd.s32 $0xA800, s12  }
0x1f: {  	[smem:$0x7FC] =	sst s1;
	s6 =	simm.s32 @!p1 $0x0;
	s1 =	sshrl.u32 s21, $0x2  }
0x20: {  	s20 =	sadd.s32 $0xC000, s12;
	s6 =	simm.s32 @p1 $0x1;
	s21 =	sadd.s32 s1, s3  }
0x21: {  	v0 =	vimm.f32 $0.0e+00;
	s1 =	simm.s32 $0x40;
	[smem:$0x7FD] =	sst s6;
	s6 =	simm.s32 $0x3  }
.LBB2_14:
0x22: {  	s14 =	sshll.u32 s14, $0x6  }
0x23: {  	s8 =	sadd.s32 $0x25080, s8;
	s15 =	rddreg [dreg:$0x12];
	s14 =	sor.u32 $0x1C04, s14  }
0x24: {  	[hbm:s8], [sflag:s14] =	dma.local [spmem:s15], $0x2080  }
0x25: {  	_ =	swait.ge [sflag:s25], $0x2080  }
0x26: {  	[sflag:s25] =	ssyncset.done $0x0  }
0x27: {  	[sflag:s25] =	ssyncadd.s32 $0xFFFFDF80  }
.LBB2_15:
0x28: {  	s4 =	sadd.s32 $0x1, s4  }
0x29: {  	p1 =	sne.s32 s4, s24  }
.Ltmp1:
0x2a: {  	_ = 	snop;
	(pc) =	sbr.rel @!p1 .LBB2_16-.Ltmp1, $1  }
0x2b: {  	_ =	sdelay $0x3  }
.LBB2_1:
0x2c: {  	s8 =	simm.s32 @p0 $0x80  }
0x2d: {  	s14 =	simm.s32 @p0 $0x100;
	s15 =	simm.s32 @p0 $0x0;
	s16 =	rddreg [dreg:$0x9]  }
0x2e: {  	[tilespmem:s15], [sflag:$0x4] =	stream.strided.gather @p0 [hbm4b:s16+s8], $0x1980, s14, s8, $0x38;
	[tilespmem:$0x1E980] =	vst v63  }
0x2f: {  	s15 =	simm.s32 @p0 $0x4  }
0x30: {  	_ =	swait.ge @p0 [sflag:s15], $0x1980  }
0x31: {  	[sflag:s15] =	ssyncset.done @p0 $0x0  }
0x32: {  	s16 =	simm.s32 @p0 $0x2780;
	s17 =	rddreg [dreg:$0xa];
	[sflag:s15] =	ssyncadd.s32 @p0 $0xFFFFE680  }
0x33: {  	[tilespmem:s16], [sflag:$0x4] =	stream.strided.gather @p0 [hbm4b:s17+s8], $0x1980, s14, s8, $0x38;
	[tilespmem:$0x1E980] =	vst v63  }
0x34: {  	_ =	swait.ge @p0 [sflag:s15], $0x1980  }
0x35: {  	s8 =	simm.s32 @!p0 $0x80;
	s14 =	simm.s32 @!p0 $0x100;
	[sflag:s15] =	ssyncset.done @p0 $0x0  }
0x36: {  	s16 =	rddreg [dreg:$0x7];
	[sflag:s15] =	ssyncadd.s32 @p0 $0xFFFFE680;
	s15 =	simm.s32 @!p0 $0x0  }
0x37: {  	[tilespmem:s15], [sflag:$0x4] =	stream.strided.gather @!p0 [hbm4b:s16+s8], $0x2780, s14, s8, $0x38;
	[tilespmem:$0x1E980] =	vst v63  }
0x38: {  	s15 =	simm.s32 @!p0 $0x4  }
0x39: {  	_ =	swait.ge @!p0 [sflag:s15], $0x2780  }
0x3a: {  	[sflag:s15] =	ssyncset.done @!p0 $0x0  }
0x3b: {  	s16 =	simm.s32 @!p0 $0x2780;
	s17 =	rddreg [dreg:$0x8];
	[sflag:s15] =	ssyncadd.s32 @!p0 $0xFFFFD880  }
0x3c: {  	[tilespmem:s16], [sflag:$0x4] =	stream.strided.gather @!p0 [hbm4b:s17+s8], $0x2780, s14, s8, $0x38;
	[tilespmem:$0x1E980] =	vst v63  }
0x3d: {  	_ =	swait.ge @!p0 [sflag:s15], $0x2780  }
0x3e: {  	[sflag:s15] =	ssyncset.done @!p0 $0x0  }
0x3f: {  	[sflag:s15] =	ssyncadd.s32 @!p0 $0xFFFFD880  }
0x40: {  	v1 =	vld [tilespmem:$0x27C0]  }
0x41: {  	v2 =	vld [tilespmem:$0x27D0]  }
0x42: {  	v3 =	vld [tilespmem:$0x27E0]  }
0x43: {  	v4 =	vld [tilespmem:$0x27F0];
	_ =	sdelay $0x1  }
0x44: {  	[tilespmem:$0x4F80] =	vst v1  }
0x45: {  	[tilespmem:$0x4F90] =	vst v2  }
0x46: {  	[tilespmem:$0x4FA0] =	vst v3  }
0x47: {  	[tilespmem:$0x4FB0] =	vst v4  }
0x48: {  	[tilespmem:s2], [sflag:$0x2] =	stream.indirect.gather [hbm4b:s0+s1], $0x80, s1, s1, $0xb8;
	[tilespmem:$0x1E980] =	vst v63  }
0x49: {  	v1 =	vld [tilespmem:$0x2800]  }
0x4a: {  	v2 =	vld [tilespmem:$0x2810]  }
0x4b: {  	v3 =	vld [tilespmem:$0x2820]  }
0x4c: {  	v63 =	vld [tilespmem:$0x2830];
	_ =	sdelay $0x1  }
0x4d: {  	[tilespmem:$0x5000] =	vst v1  }
0x4e: {  	[tilespmem:$0x5010] =	vst v2  }
0x4f: {  	[tilespmem:$0x5020] =	vst v3  }
0x50: {  	s17 =	simm.s32 $0x80;
	s14 =	simm.s32 $0x0;
	s8 =	simm.s32 $0x200;
	[tilespmem:$0x5030] =	vst v63  }
0x51: {  	[tilespmem:s22], [sflag:$0x3] =	stream.indirect.gather [hbm4b:s0+s1], $0x80, s17, s1, $0xb8;
	[tilespmem:$0x1E980] =	vst v63  }
.LBB2_2:
0x52: {  	p3 =	sne.s32 s8, $0x5E00;
	[tilespmem:s14+$0x5170] =	vst v0  }
0x53: {  	[tilespmem:s14+$0x5100] =	vst v0  }
0x54: {  	[tilespmem:s14+$0x5110] =	vst v0  }
.Ltmp2:
0x55: {  	[tilespmem:s14+$0x5120] =	vst v0;
	(pc) =	sbr.rel @p3 .LBB2_2-.Ltmp2, $4  }
0x56: {  	[tilespmem:s14+$0x5130] =	vst v0  }
0x57: {  	[tilespmem:s14+$0x5140] =	vst v0  }
0x58: {  	[tilespmem:s14+$0x5150] =	vst v0  }
0x59: {  	[tilespmem:s14+$0x5160] =	vst v0;
	s14 =	sshra.s32 s8, $0x2;
	s8 =	sadd.s32 $0x200, s8  }
0x5a: {  	[tilespmem:s14+$0x5170] =	vst v0  }
0x5b: {  	[tilespmem:s14+$0x5100] =	vst v0  }
0x5c: {  	[tilespmem:s14+$0x5110] =	vst v0  }
0x5d: {  	[tilespmem:s14+$0x5120] =	vst v0  }
0x5e: {  	[tilespmem:s14+$0x5130] =	vst v0  }
0x5f: {  	[tilespmem:s14+$0x5140] =	vst v0  }
0x60: {  	[tilespmem:s14+$0x5150] =	vst v0  }
0x61: {  	[tilespmem:s14+$0x5160] =	vst v0  }
0x62: {  	[spmem:s12] =	stream.linear.scatter [tilespmem:s5], [sflag:$0x4], $0x1800, $0x38;
	[tilespmem:$0x1E980] =	vst v63  }
0x63: {  	_ =	swait.ge [sflag:s25], $0x1800  }
0x64: {  	[sflag:s25] =	ssyncset.done $0x0  }
0x65: {  	s8 =	rddreg [dreg:$0xb];
	[sflag:s25] =	ssyncadd.s32 $0xFFFFE800  }
0x66: {  	[spmem:s8] =	stream.linear.scatter [tilespmem:s5], [sflag:$0x4], $0x1800, $0x38;
	[tilespmem:$0x1E980] =	vst v63  }
0x67: {  	_ =	swait.ge [sflag:s25], $0x1800  }
0x68: {  	[sflag:s25] =	ssyncset.done $0x0  }
0x69: {  	s14 =	rddreg [dreg:$0xc];
	[sflag:s25] =	ssyncadd.s32 $0xFFFFE800  }
0x6a: {  	[spmem:s14] =	stream.linear.scatter [tilespmem:s5], [sflag:$0x4], $0x1800, $0x38;
	[tilespmem:$0x1E980] =	vst v63  }
0x6b: {  	_ =	swait.ge [sflag:s25], $0x1800  }
0x6c: {  	[sflag:s25] =	ssyncset.done $0x0  }
0x6d: {  	s15 =	rddreg [dreg:$0xd];
	[sflag:s25] =	ssyncadd.s32 $0xFFFFE800  }
0x6e: {  	[spmem:s15] =	stream.linear.scatter [tilespmem:s5], [sflag:$0x4], $0x1800, $0x38;
	[tilespmem:$0x1E980] =	vst v63  }
0x6f: {  	_ =	swait.ge [sflag:s25], $0x1800  }
0x70: {  	[sflag:s25] =	ssyncset.done $0x0  }
0x71: {  	s16 =	rddreg [dreg:$0xe];
	[sflag:s25] =	ssyncadd.s32 $0xFFFFE800  }
0x72: {  	[spmem:s16] =	stream.linear.scatter [tilespmem:s5], [sflag:$0x4], $0x1800, $0x38;
	[tilespmem:$0x1E980] =	vst v63  }
0x73: {  	_ =	swait.ge [sflag:s25], $0x1800  }
0x74: {  	[sflag:s25] =	ssyncset.done $0x0  }
0x75: {  	s17 =	rddreg [dreg:$0xf];
	[sflag:s25] =	ssyncadd.s32 $0xFFFFE800  }
0x76: {  	[spmem:s17] =	stream.linear.scatter [tilespmem:s5], [sflag:$0x4], $0x1800, $0x38;
	[tilespmem:$0x1E980] =	vst v63  }
0x77: {  	_ =	swait.ge [sflag:s25], $0x1800  }
0x78: {  	[sflag:s25] =	ssyncset.done $0x0  }
0x79: {  	[sflag:s25] =	ssyncadd.s32 $0xFFFFE800  }
0x7a: {  	[spmem:s18] =	stream.linear.scatter [tilespmem:s5], [sflag:$0x4], $0x1800, $0x38;
	[tilespmem:$0x1E980] =	vst v63  }
0x7b: {  	_ =	swait.ge [sflag:s25], $0x1800  }
0x7c: {  	[sflag:s25] =	ssyncset.done $0x0  }
0x7d: {  	[sflag:s25] =	ssyncadd.s32 $0xFFFFE800  }
0x7e: {  	[spmem:s19] =	stream.linear.scatter [tilespmem:s5], [sflag:$0x4], $0x1800, $0x38;
	[tilespmem:$0x1E980] =	vst v63  }
0x7f: {  	_ =	swait.ge [sflag:s25], $0x1800  }
0x80: {  	[sflag:s25] =	ssyncset.done $0x0  }
0x81: {  	[sflag:s25] =	ssyncadd.s32 $0xFFFFE800  }
0x82: {  	[spmem:s20] =	stream.linear.scatter [tilespmem:s5], [sflag:$0x4], $0x1800, $0x38;
	[tilespmem:$0x1E980] =	vst v63  }
0x83: {  	_ =	swait.ge [sflag:s25], $0x1800  }
0x84: {  	[sflag:s25] =	ssyncset.done $0x0  }
0x85: {  	[sflag:s25] =	ssyncadd.s32 $0xFFFFE800  }
0x86: {  	[spmem:s26] =	stream.linear.scatter [tilespmem:s5], [sflag:$0x4], $0x1800, $0x38;
	[tilespmem:$0x1E980] =	vst v63  }
0x87: {  	_ =	swait.ge [sflag:s25], $0x1800  }
0x88: {  	[sflag:s25] =	ssyncset.done $0x0  }
0x89: {  	[sflag:s25] =	ssyncadd.s32 $0xFFFFE800  }
0x8a: {  	[spmem:s28] =	stream.linear.scatter [tilespmem:s5], [sflag:$0x4], $0x1800, $0x38;
	[tilespmem:$0x1E980] =	vst v63  }
0x8b: {  	_ =	swait.ge [sflag:s25], $0x1800  }
0x8c: {  	[sflag:s25] =	ssyncset.done $0x0  }
0x8d: {  	[sflag:s25] =	ssyncadd.s32 $0xFFFFE800  }
0x8e: {  	[spmem:s29] =	stream.linear.scatter [tilespmem:s5], [sflag:$0x4], $0x1800, $0x38;
	[tilespmem:$0x1E980] =	vst v63  }
0x8f: {  	_ =	swait.ge [sflag:s25], $0x1800  }
0x90: {  	[sflag:s25] =	ssyncset.done $0x0  }
0x91: {  	[sflag:s25] =	ssyncadd.s32 $0xFFFFE800  }
0x92: {  	[spmem:s30] =	stream.linear.scatter [tilespmem:s5], [sflag:$0x4], $0x1800, $0x38;
	[tilespmem:$0x1E980] =	vst v63  }
0x93: {  	_ =	swait.ge [sflag:s25], $0x1800  }
0x94: {  	[sflag:s25] =	ssyncset.done $0x0  }
0x95: {  	s8 =	simm.s32 @!p5 $0x5100;
	[sflag:s25] =	ssyncadd.s32 $0xFFFFE800  }
0x96: {  	[spmem:s31] =	stream.linear.scatter @!p5 [tilespmem:s8], [sflag:$0x4], $0x800, $0x38;
	[tilespmem:$0x1E980] =	vst v63  }
0x97: {  	s8 =	simm.s32 @!p5 $0x4  }
0x98: {  	_ =	swait.ge @!p5 [sflag:s8], $0x800  }
0x99: {  	[sflag:s8] =	ssyncset.done @!p5 $0x0  }
0x9a: {  	[sflag:s8] =	ssyncadd.s32 @!p5 $0xFFFFF800  }
0x9b: {  	v1 =	vld [tilespmem:$0x2780]  }
0x9c: {  	v2 =	vld [tilespmem:$0x2790]  }
0x9d: {  	v3 =	vld [tilespmem:$0x27A0]  }
0x9e: {  	v4 =	vld [tilespmem:$0x27B0];
	_ =	sdelay $0x1  }
0x9f: {  	[tilespmem:$0x4F00] =	vst v1  }
0xa0: {  	[tilespmem:$0x4F10] =	vst v2  }
.Ltmp3:
0xa1: {  	[tilespmem:$0x4F20] =	vst v3;
	(pc) =	sbr.rel .LBB2_4-.Ltmp3, $4  }
0xa2: {  	s14 =	simm.s32 $0x0;
	[tilespmem:$0x4F30] =	vst v4  }
0xa3: {  	[tilespmem:s5], [sflag:$0x1] =	stream.indirect.gather [hbm4b:s0+s1], $0x80, s14, s1, $0xb8;
	[tilespmem:$0x1E980] =	vst v63  }
0xa4: {  	[bflag:$0x0] =	sbarrier.arrive $0xFFFF  }
0xa5: {  	s15 =	simm.s32 $0x2870;
	s16 =	simm.s32 $0xC0  }
.LBB2_8:
0xa6: {  	_ =	swait.ge [sflag:s6], $0x2000  }
0xa7: {  	[sflag:s6] =	ssyncset.done $0x0  }
0xa8: {  	[sflag:s6] =	ssyncadd.s32 $0xFFFFE000  }
0xa9: {  	[spmem:s3] =	stream.indirect.scatter.add.f32 [tilespmem:s22], [sflag:$0x4], $0x80, s23, s1, $0xb8;
	[tilespmem:$0x1E980] =	vst v63  }
0xaa: {  	_ =	swait.ge [sflag:s25], $0x2000  }
0xab: {  	[sflag:s25] =	ssyncset.done $0x0  }
0xac: {  	p3 =	sge.u32 s8, s7;
	[sflag:s25] =	ssyncadd.s32 $0xFFFFE000  }
0xad: {  	v1 =	vld @!p3 [tilespmem:s15+$0xFFFFFFD0];
	_ =	sdelay $0x4  }
0xae: {  	[tilespmem:$0x5000] =	vst @!p3 v1  }
0xaf: {  	v1 =	vld @!p3 [tilespmem:s15+$0xFFFFFFE0];
	_ =	sdelay $0x4  }
0xb0: {  	[tilespmem:$0x5010] =	vst @!p3 v1  }
0xb1: {  	v1 =	vld @!p3 [tilespmem:s15+$0xFFFFFFF0];
	_ =	sdelay $0x4  }
0xb2: {  	[tilespmem:$0x5020] =	vst @!p3 v1  }
0xb3: {  	v1 =	vld @!p3 [tilespmem:s15+$0x0];
	_ =	sdelay $0x4  }
0xb4: {  	s8 =	simm.s32 @!p3 $0x40;
	s17 =	simm.s32 @!p3 $0x9100;
	[tilespmem:$0x5030] =	vst @!p3 v1  }
0xb5: {  	[tilespmem:s17], [sflag:$0x3] =	stream.indirect.gather @!p3 [hbm4b:s0+s8], $0x80, s16, s8, $0xb8;
	[tilespmem:$0x1E980] =	vst v63  }
.LBB2_9:
0xb6: {  	s14 =	sadd.s32 $0x1, s14  }
0xb7: {  	p3 =	sne.s32 s7, s14  }
.Ltmp4:
0xb8: {  	_ = 	snop;
	(pc) =	sbr.rel @!p3 .LBB2_10-.Ltmp4, $2  }
0xb9: {  	_ =	sdelay $0x2  }
0xba: {  	s15 =	sadd.s32 $0x40, s15;
	s16 =	sadd.s32 $0x40, s16  }
.LBB2_4:
0xbb: {  	s8 =	smulhi.u32 $0xAAAAAAAB, s14;
	_ =	sdelay $0x1  }
0xbc: {  	s8 =	sshrl.u32 s8, $0x1  }
0xbd: {  	s8 =	smul.u32 $0x3, s8;
	_ =	sdelay $0x1  }
0xbe: {  	s17 =	ssub.s32 s14, s8  }
0xbf: {  	p3 =	seq.s32 s17, $0x2  }
.Ltmp5:
0xc0: {  	_ = 	snop;
	(pc) =	sbr.rel @p3 .LBB2_8-.Ltmp5, $2  }
0xc1: {  	_ =	sdelay $0x2  }
0xc2: {  	s8 =	sadd.s32 $0x3, s14  }
0xc3: {  	p3 =	seq.s32 s17, $0x1  }
.Ltmp6:
0xc4: {  	_ = 	snop;
	(pc) =	sbr.rel @!p3 .LBB2_6-.Ltmp6, $1  }
0xc5: {  	_ =	sdelay $0x3  }
0xc6: {  	_ =	swait.ge [sflag:s9], $0x2000  }
0xc7: {  	[sflag:s9] =	ssyncset.done $0x0  }
0xc8: {  	[sflag:s9] =	ssyncadd.s32 $0xFFFFE000  }
0xc9: {  	[spmem:s3] =	stream.indirect.scatter.add.f32 [tilespmem:s2], [sflag:$0x4], $0x80, s10, s1, $0xb8;
	[tilespmem:$0x1E980] =	vst v63  }
0xca: {  	_ =	swait.ge [sflag:s25], $0x2000  }
0xcb: {  	[sflag:s25] =	ssyncset.done $0x0  }
0xcc: {  	p3 =	sge.u32 s8, s7;
	[sflag:s25] =	ssyncadd.s32 $0xFFFFE000  }
0xcd: {  	v1 =	vld @!p3 [tilespmem:s15+$0xFFFFFFD0];
	_ =	sdelay $0x4  }
0xce: {  	[tilespmem:$0x4F80] =	vst @!p3 v1  }
0xcf: {  	v1 =	vld @!p3 [tilespmem:s15+$0xFFFFFFE0];
	_ =	sdelay $0x4  }
0xd0: {  	[tilespmem:$0x4F90] =	vst @!p3 v1  }
0xd1: {  	v1 =	vld @!p3 [tilespmem:s15+$0xFFFFFFF0];
	_ =	sdelay $0x4  }
0xd2: {  	[tilespmem:$0x4FA0] =	vst @!p3 v1  }
0xd3: {  	v1 =	vld @!p3 [tilespmem:s15+$0x0];
	_ =	sdelay $0x1  }
.Ltmp7:
0xd4: {  	_ = 	snop;
	(pc) =	sbr.rel .LBB2_9-.Ltmp7, $3  }
0xd5: {  	_ =	sdelay $0x1  }
0xd6: {  	s8 =	simm.s32 @!p3 $0x40;
	s17 =	simm.s32 @!p3 $0x7100;
	[tilespmem:$0x4FB0] =	vst @!p3 v1  }
0xd7: {  	[tilespmem:s17], [sflag:$0x2] =	stream.indirect.gather @!p3 [hbm4b:s0+s8], $0x80, s16, s8, $0xb8;
	[tilespmem:$0x1E980] =	vst v63  }
.LBB2_6:
0xd8: {  	_ =	swait.ge [sflag:s11], $0x2000  }
0xd9: {  	[sflag:s11] =	ssyncset.done $0x0  }
0xda: {  	[sflag:s11] =	ssyncadd.s32 $0xFFFFE000  }
0xdb: {  	[spmem:s3] =	stream.indirect.scatter.add.f32 [tilespmem:s5], [sflag:$0x4], $0x80, s13, s1, $0xb8;
	[tilespmem:$0x1E980] =	vst v63  }
0xdc: {  	_ =	swait.ge [sflag:s25], $0x2000  }
0xdd: {  	[sflag:s25] =	ssyncset.done $0x0  }
0xde: {  	p3 =	sge.u32 s8, s7;
	[sflag:s25] =	ssyncadd.s32 $0xFFFFE000  }
0xdf: {  	v1 =	vld @!p3 [tilespmem:s15+$0xFFFFFFD0];
	_ =	sdelay $0x4  }
0xe0: {  	[tilespmem:$0x4F00] =	vst @!p3 v1  }
0xe1: {  	v1 =	vld @!p3 [tilespmem:s15+$0xFFFFFFE0];
	_ =	sdelay $0x4  }
0xe2: {  	[tilespmem:$0x4F10] =	vst @!p3 v1  }
0xe3: {  	v1 =	vld @!p3 [tilespmem:s15+$0xFFFFFFF0];
	_ =	sdelay $0x4  }
0xe4: {  	[tilespmem:$0x4F20] =	vst @!p3 v1  }
0xe5: {  	v1 =	vld @!p3 [tilespmem:s15+$0x0];
	_ =	sdelay $0x1  }
.Ltmp8:
0xe6: {  	_ = 	snop;
	(pc) =	sbr.rel .LBB2_9-.Ltmp8, $3  }
0xe7: {  	_ =	sdelay $0x1  }
0xe8: {  	s8 =	simm.s32 @!p3 $0x40;
	s17 =	simm.s32 @!p3 $0x5100;
	[tilespmem:$0x4F30] =	vst @!p3 v1  }
0xe9: {  	[tilespmem:s17], [sflag:$0x1] =	stream.indirect.gather @!p3 [hbm4b:s0+s8], $0x80, s16, s8, $0xb8;
	[tilespmem:$0x1E980] =	vst v63  }
.LBB2_10:
.Ltmp9:
0xea: {  	(pc) =	sbr.rel @!p2 .LBB2_12-.Ltmp9, $2  }
0xeb: {  	_ =	sdelay $0x1  }
0xec: {  	[bflag:$0x0] =	sbarrier.arrive $0xFFFF;
	_ =	sdelay $0x1  }
0xed: {  	s8 =	stileid.u32  }
0xee: {  	s14 =	sshrl.u32 s21, $0x3;
	s8 =	sshll.u32 s8, $0x6  }
.Ltmp10:
0xef: {  	s15 =	rddreg [dreg:$0x10];
	s8 =	sor.u32 $0x1C04, s8;
	(pc) =	sbr.rel .LBB2_13-.Ltmp10, $4  }
0xf0: {  	[hbm:s15], [sflag:s8] =	dma.local [spmem:s14], $0x2780  }
0xf1: {  	_ =	swait.ge [sflag:s25], $0x2780  }
0xf2: {  	[sflag:s25] =	ssyncset.done $0x0  }
0xf3: {  	p3 =	por $0x0, $0x0;
	[sflag:s25] =	ssyncadd.s32 $0xFFFFD880  }
.LBB2_12:
0xf4: {  	s15 =	sld [smem:$0x7FD];
	_ =	sdelay $0x2  }
0xf5: {  	p1 =	seq.s32 s15, $0x1  }
.Ltmp11:
0xf6: {  	_ = 	snop;
	(pc) =	sbr.rel @p1 .LBB2_14-.Ltmp11, $2  }
0xf7: {  	s8 =	sld [smem:$0x7FC];
	_ =	sdelay $0x2  }
0xf8: {  	s14 =	simm.s32 $0xF;
	p3 =	seq.s32 s8, $0x1;
	s8 =	rddreg [dreg:$0x2]  }
.LBB2_13:
0xf9: {  	s8 =	stileid.u32;
	p1 =	por @p6 $0x1, $0x1  }
0xfa: {  	s14 =	sshrl.u32 @p6 s21, $0x3;
	s8 =	sshll.u32 @p6 s8, $0x6;
	p1 =	por @!p6 p4, p4  }
0xfb: {  	s15 =	rddreg [dreg:$0x11];
	s8 =	sor.u32 @p6 $0x1C04, s8;
	p1 =	por !p1, !p3  }
0xfc: {  	[hbm:s15], [sflag:s8] =	dma.local @p6 [spmem:s14], $0x2780  }
0xfd: {  	p1 =	por !p1, !p1  }
.Ltmp12:
0xfe: {  	_ = 	snop;
	(pc) =	sbr.rel @!p1 .LBB2_15-.Ltmp12, $4  }
.Ltmp13:
0xff: {  	s8 =	simm.s32 @p6 $0x4;
	(pc) =	sbr.rel @p1 .LBB2_14-.Ltmp13, $4  }
0x100: {  	_ =	swait.ge @p6 [sflag:s8], $0x2780  }
0x101: {  	[sflag:s8] =	ssyncset.done @p6 $0x0  }
0x102: {  	s14 =	stileid.u32;
	[sflag:s8] =	ssyncadd.s32 @p6 $0xFFFFD880;
	s8 =	rddreg [dreg:$0x6]  }
0x103: {  	_ = 	snop  }
.LBB2_16:
0x104: {  	_ =	sfence.sel $0x180000  }
0x105: {  	[bflag:$0x0] =	sbarrier.arrive $0xFFFF  }
0x106: {  	_ =	strace $0x90000047  }
0x107: {  	[bflag:$0x2] =	sbarrier.arrive $0xFFFF  }
0x108: {  	s0 =	rddreg [dreg:$0x5]  }
0x109: {  	s0 =	sadd.s32 @!p5 $0x100000, s0  }
0x10a: {  	[sflag:s0] =	ssyncadd.tile.s32 @!p5 $0x1;
	_ =	shalt  }
.Lfunc_end2:
_tile_overlayer_lowered:
.L_overlay_start_2:
0x10b: {  	(tag) =	ssettag $0x2  }
0x10c: {  	s0 =	rddreg [dreg:$0x0];
	s2 =	stileid.u32  }
0x10d: {  	s1 =	rddreg [dreg:$0x1];
	p0 =	sne.s32 s2, $0x0  }
0x10e: {  	s3 =	rddreg [dreg:$0x2];
	[bflag:$0x3] =	sbarrier.arrive $0xFFFF;
	s2 =	simm.s32 @!p0 $0x1C04  }
0x10f: {  	[timem:s3], [sflag:s2] =	dma.local @!p0 [hbm:s0], s1  }
0x110: {  	s0 =	simm.s32 @!p0 $0x4  }
0x111: {  	_ =	swait.ge @!p0 [sflag:s0], s1  }
0x112: {  	s1 =	ssub.s32 @!p0 $0x0, s1;
	[sflag:s0] =	ssyncset.done @!p0 $0x0  }
0x113: {  	[sflag:s0] =	ssyncadd.s32 @!p0 s1  }
0x114: {  	[bflag:$0x3] =	sbarrier.arrive $0xFFFF  }
0x115: {  	_ =	shalt  }

// kernel: kernel.9.cloned.1.call-start
scs
__scs_entry_jumppad:
0x0: {  	(pc) =	sbr.rel $0x88, $3  }
0x1: {  	(tag) =	ssettag $0x0;
	lr =	simm.s32 $0x1  }
0x2: {  	[smem:$0x3F8F] =	sst lr;
	_ =	strace $0xD0000000  }
0x3: {  	_ = 	snop  }
0x4: {  	_ = 	snop  }
0x5: {  	_ = 	snop  }
0x6: {  	_ = 	snop  }
0x7: {  	_ = 	snop  }
__scs_overlays_trampoline_lowered:
0x8: {  	[smem:$0x3F9E] =	sst s0  }
0x9: {  	[smem:$0x3F9F] =	sst s1  }
0xa: {  	[smem:$0x3FA0] =	sst s2  }
0xb: {  	[smem:$0x3FA1] =	sst s3  }
0xc: {  	[smem:$0x3FA2] =	sst s4  }
0xd: {  	[smem:$0x3FA3] =	sst s5  }
0xe: {  	[smem:$0x3FA4] =	sst s6  }
0xf: {  	[smem:$0x3FA5] =	sst s7  }
0x10: {  	[smem:$0x3FA6] =	sst s8  }
0x11: {  	[smem:$0x3FA7] =	sst s9;
	s0 =	simm.s32 @!p0 $0x0  }
0x12: {  	s1 =	sld [smem:$0x3F8D];
	s0 =	simm.s32 @p0 $0x1  }
0x13: {  	[smem:$0x3FA8] =	sst s0;
	s0 =	simm.s32 @!p1 $0x0  }
0x14: {  	s2 =	sld [smem:$0x3F8C];
	s0 =	simm.s32 @p1 $0x1  }
0x15: {  	[smem:$0x3FA9] =	sst s0;
	s0 =	simm.s32 @!p2 $0x0  }
0x16: {  	s3 =	sld [smem:$0x3FDB];
	s0 =	simm.s32 @p2 $0x1  }
0x17: {  	s4 =	simm.s32 $0x1BF5;
	[smem:$0x3FAB] =	sst s0  }
0x18: {  	s0 =	sld [smem:$0x3F8E];
	_ =	swait.ge [sflag:s4], $0x0  }
0x19: {  	s7 =	sld [smem:$0x3F8F]  }
0x1a: {  	s8 =	sadd.s32 $0xFFFFE003, lr  }
0x1b: {  	s9 =	sadd.s32 $0xFFFFFEF7, lr;
	s5 =	simm.s32 $0xFFFFFFFF;
	p2 =	slt.u32 s8, $0xFFFFF086  }
0x1c: {  	p1 =	slt.u32 s9, $0xF7A;
	s5 =	simm.s32 @!p2 $0x0  }
0x1d: {  	s5 =	simm.s32 @p1 $0x1;
	p0 =	seq.s32 s7, s2  }
0x1e: {  	s7 =	smul.u32 @!p0 $0xF7A, s2;
	p2 =	seq.s32 @!p0 s5, $0x0  }
0x1f: {  	s9 =	smul.u32 $0xF7A, s1;
	s8 =	simm.s32 @!p0 $0x1BF5;
	p2 =	por !p2, p0  }
0x20: {  	[sflag:s8] =	ssyncset.s32 @!p0 $0xFFFFF086;
	s6 =	sadd.s32 @!p0 s3, s7;
	s7 =	simm.s32 @!p0 $0x108  }
0x21: {  	s3 =	sadd.s32 s3, s9;
	s6 =	sadd.s32 @!p0 $0x88, s6;
	s7 =	simm.s32 @p2 $0x1082  }
0x22: {  	[simem:s7], [sflag:s8] =	dma.local @!p0 [hbm:s6], $0xF7A  }
0x23: {  	s9 =	sor.u32 $0xD0000000, s2;
	s6 =	simm.s32 $0x108;
	_ =	swait.ge @!p0 [sflag:s8], $0x0  }
0x24: {  	s3 =	sadd.s32 $0x88, s3;
	s6 =	simm.s32 @!p1 $0x1082;
	[sflag:s4] =	ssyncset.s32 $0xFFFFF086  }
0x25: {  	[simem:s6], [sflag:s4] =	dma.local [hbm:s3], $0xF7A  }
0x26: {  	[smem:$0x3F8F] =	sst s1;
	(tag) =	ssettag s2;
	_ =	strace s9  }
0x27: {  	s1 =	sld [smem:$0x3F9F]  }
0x28: {  	s2 =	sld [smem:$0x3FA0]  }
0x29: {  	s4 =	sld [smem:$0x3FA2]  }
0x2a: {  	p0 =	seq.s32 s5, $0x0;
	s5 =	sld [smem:$0x3FA3]  }
0x2b: {  	s6 =	sld [smem:$0x3FA4]  }
0x2c: {  	s7 =	sld [smem:$0x3FA5]  }
0x2d: {  	s3 =	simm.s32 $0x108;
	s8 =	sld [smem:$0x3FA6]  }
0x2e: {  	s3 =	simm.s32 @!p0 $0x1082;
	s9 =	sld [smem:$0x3FA7]  }
0x2f: {  	lr =	sadd.s32 s0, s3;
	s0 =	sld [smem:$0x3F9E]  }
0x30: {  	s3 =	sld [smem:$0x3FA1]  }
0x31: {  	[smem:$0x3FAA] =	sst s10  }
0x32: {  	s10 =	sld [smem:$0x3FA8];
	_ =	sdelay $0x3  }
0x33: {  	p0 =	seq.s32 s10, $0x1;
	s10 =	sld [smem:$0x3FAA];
	_ =	sdelay $0x3  }
0x34: {  	[smem:$0x3FAA] =	sst s10  }
0x35: {  	s10 =	sld [smem:$0x3FA9];
	_ =	sdelay $0x3  }
0x36: {  	p1 =	seq.s32 s10, $0x1;
	s10 =	sld [smem:$0x3FAA];
	_ =	sdelay $0x3  }
0x37: {  	[smem:$0x3FAA] =	sst s10  }
0x38: {  	s10 =	sld [smem:$0x3FAB]  }
0x39: {  	_ = 	snop;
	(pc) =	sbr.ind lr, $3  }
0x3a: {  	_ = 	snop  }
0x3b: {  	_ = 	snop  }
0x3c: {  	p2 =	seq.s32 s10, $0x1;
	s10 =	sld [smem:$0x3FAA]  }
0x3d: {  	_ =	shalt  }
0x3e: {  	_ =	shalt  }
0x3f: {  	_ =	shalt  }
0x40: {  	_ =	shalt  }
0x41: {  	_ =	shalt  }
0x42: {  	_ =	shalt  }
0x43: {  	_ =	shalt  }
0x44: {  	_ =	shalt  }
0x45: {  	_ =	shalt  }
0x46: {  	_ =	shalt  }
0x47: {  	_ =	shalt  }
0x48: {  	_ =	shalt  }
0x49: {  	_ =	shalt  }
0x4a: {  	_ =	shalt  }
0x4b: {  	_ =	shalt  }
0x4c: {  	_ =	shalt  }
0x4d: {  	_ =	shalt  }
0x4e: {  	_ =	shalt  }
0x4f: {  	_ =	shalt  }
0x50: {  	_ =	shalt  }
0x51: {  	_ =	shalt  }
0x52: {  	_ =	shalt  }
0x53: {  	_ =	shalt  }
0x54: {  	_ =	shalt  }
0x55: {  	_ =	shalt  }
0x56: {  	_ =	shalt  }
0x57: {  	_ =	shalt  }
0x58: {  	_ =	shalt  }
0x59: {  	_ =	shalt  }
0x5a: {  	_ =	shalt  }
0x5b: {  	_ =	shalt  }
0x5c: {  	_ =	shalt  }
0x5d: {  	_ =	shalt  }
0x5e: {  	_ =	shalt  }
0x5f: {  	_ =	shalt  }
0x60: {  	_ =	shalt  }
0x61: {  	_ =	shalt  }
0x62: {  	_ =	shalt  }
0x63: {  	_ =	shalt  }
0x64: {  	_ =	shalt  }
0x65: {  	_ =	shalt  }
0x66: {  	_ =	shalt  }
0x67: {  	_ =	shalt  }
0x68: {  	_ =	shalt  }
0x69: {  	_ =	shalt  }
0x6a: {  	_ =	shalt  }
0x6b: {  	_ =	shalt  }
0x6c: {  	_ =	shalt  }
0x6d: {  	_ =	shalt  }
0x6e: {  	_ =	shalt  }
0x6f: {  	_ =	shalt  }
0x70: {  	_ =	shalt  }
0x71: {  	_ =	shalt  }
0x72: {  	_ =	shalt  }
0x73: {  	_ =	shalt  }
0x74: {  	_ =	shalt  }
0x75: {  	_ =	shalt  }
0x76: {  	_ =	shalt  }
0x77: {  	_ =	shalt  }
0x78: {  	_ =	shalt  }
0x79: {  	_ =	shalt  }
0x7a: {  	_ =	shalt  }
0x7b: {  	_ =	shalt  }
0x7c: {  	_ =	shalt  }
0x7d: {  	_ =	shalt  }
0x7e: {  	_ =	shalt  }
0x7f: {  	_ =	shalt  }
0x80: {  	_ =	shalt  }
0x81: {  	_ =	shalt  }
0x82: {  	_ =	shalt  }
0x83: {  	_ =	shalt  }
0x84: {  	_ =	shalt  }
0x85: {  	_ =	shalt  }
0x86: {  	_ =	shalt  }
0x87: {  	_ =	shalt  }
.Lfunc_end0:
.L_simem_size_0:
called_computation.1_lowered:
.L_overlay_start_0:
0x88: {  	s2 =	sld [smem:$0x3FD9]  }
0x89: {  	s3 =	sld [smem:$0x3FFE];
	_ =	sdelay $0x1  }
0x8a: {  	s1 =	srdreg.scid  }
0x8b: {  	s0 =	sand.u32 $0x1, s1  }
0x8c: {  	s17 =	sshll.u32 s0, $0xA;
	s2 =	sadd.s32 s3, s2  }
0x8d: {  	s2 =	sadd.s32 s2, s17  }
0x8e: {  	[smem:$0x3FB6] =	sst s2  }
0x8f: {  	_ = 	snop  }
0x90: {  	s2 =	sld [smem:$0x3FC8]  }
0x91: {  	s18 =	sld [smem:$0x3FD0];
	(tm) =	ssettm $0x1  }
0x92: {  	s4 =	sld [smem:$0x3FFB];
	_ =	sdelay $0x3  }
0x93: {  	_ =	strace s4  }
0x94: {  	s4 =	sld [smem:$0x3FFC];
	_ =	sdelay $0x3  }
0x95: {  	_ =	strace s4  }
0x96: {  	s4 =	sld [smem:$0x3FFD];
	_ =	sdelay $0x3  }
0x97: {  	_ =	strace s4  }
0x98: {  	_ =	strace $0x8FFFFFFF  }
0x99: {  	s19 =	sld [smem:$0x3FDB];
	_ =	sdelay $0x1  }
0x9a: {  	s5 =	simm.s32 $_scs_section_size  }
0x9b: {  	s6 =	simm.s32 $_size__tile_overlayer_lowered;
	s7 =	simm.s32 $_tile_overlayer_lowered  }
0x9c: {  	s22 =	simm.s32 $0x1BFF;
	s21 =	sshll.u32 s7, $0x1;
	s4 =	sadd.s32 s5, s19  }
0x9d: {  	s8 =	simm.s32 $0x0;
	s20 =	sshll.u32 s6, $0x1;
	s6 =	sadd.s32 s21, s4  }
0x9e: {  	[timem:s8], [sflag:s22] =	dma.local [hbm:s6], s20  }
0x9f: {  	_ =	swait.ge [sflag:s22], s20  }
0xa0: {  	s5 =	ssub.s32 $0x0, s20;
	[sflag:s22] =	ssyncset.done $0x0  }
0xa1: {  	[sflag:s22] =	ssyncadd.s32 s5;
	_ =	sdelay $0x1  }
0xa2: {  	s23 =	simm.s32 $0x1B8B  }
0xa3: {  	_ =	swait.ge [sflag:s23], $0x1  }
0xa4: {  	[sflag:s23] =	ssyncset.done $0x0  }
0xa5: {  	s25 =	simm.s32 $0x1B8E;
	s24 =	sld [smem:$0x3FFE];
	[sflag:s23] =	ssyncadd.s32 $0xFFFFFFFF  }
0xa6: {  	s26 =	simm.s32 $execute0_lowered;
	[smem:$0x3FD2] =	sst s25  }
0xa7: {  	s6 =	sshll.u32 s26, $0x1;
	_ =	strace $0x80000049;
	[dreg:$0x1] =	wrdreg $0xFFFFFFFF  }
0xa8: {  	s28 =	simm.s32 $_size_execute0_lowered;
	s4 =	sadd.s32 s4, s6;
	[dreg:$0x0] =	wrdreg $0x0  }
0xa9: {  	s6 =	sshll.u32 s28, $0x1;
	[dreg:$0x2] =	wrdreg s4  }
0xaa: {  	[dreg:$0x3] =	wrdreg s6  }
0xab: {  	[dreg:$0x4] =	wrdreg $0xC0  }
0xac: {  	_ =	task [dreg:s8], $0x5FFFF  }
0xad: {  	[dreg:$0x1] =	wrdreg $0xFFFFFFFF  }
0xae: {  	[dreg:$0x0] =	wrdreg $0x60  }
0xaf: {  	[dreg:$0x2] =	wrdreg s18  }
0xb0: {  	[dreg:$0x3] =	wrdreg s2  }
0xb1: {  	[dreg:$0x4] =	wrdreg s24  }
0xb2: {  	[dreg:$0x5] =	wrdreg $0xB1000  }
0xb3: {  	[dreg:$0x6] =	wrdreg $0x9  }
0xb4: {  	_ =	task.clear_ibuf [dreg:s8], $0x7FFFF;
	_ =	strace $0x90000049  }
0xb5: {  	s29 =	simm.s32 $0x9;
	_ =	strace $0x8000004B  }
0xb6: {  	_ =	swait.ge [sflag:s29], $0x1  }
0xb7: {  	[sflag:s29] =	ssyncadd.s32 $0xFFFFFFFF  }
0xb8: {  	_ =	strace $0x9000004B  }
0xb9: {  	_ =	sfence  }
0xba: {  	s30 =	sld [smem:$0x0];
	_ =	sdelay $0x2  }
0xbb: {  	s31 =	sshll.u32 s1, $0xD;
	s1 =	sshrl.u32 s1, $0x2  }
0xbc: {  	s3 =	sand.u32 $0x4000, s31;
	s1 =	sadd.s32 s1, s30  }
0xbd: {  	s0 =	sor.u32 s3, s0;
	s1 =	sshll.u32 s1, $0x11  }
0xbe: {  	s0 =	sor.u32 s1, s0  }
0xbf: {  	s0 =	sadd.s32 $0x8F2B, s0  }
0xc0: {  	[sflag:s0] =	ssyncadd.remote.s32 $0x1  }
0xc1: {  	_ =	sfence.sel $0xFFFF  }
0xc2: {  	[dreg:$0x0] =	wrdreg $0xFFFFFFFF;
	(pc) =	sbr.abs _section_cstart, $3  }
0xc3: {  	[dreg:$0x1] =	wrdreg $0xFFFFFFFF  }
0xc4: {  	_ =	task.clear_ibuf [dreg:s8], $0x2FFFF;
	_ =	strace $0x9FFFFFFF  }
0xc5: {  	(tm) =	ssettm $0x7FFFFFFF  }
tec
execute0_lowered:
.L_overlay_start_1:
0x0: {  	(tag) =	ssettag $0x1  }
0x1: {  	s1 =	rddreg [dreg:$0x0]  }
0x2: {  	s0 =	rddreg [dreg:$0x1]  }
0x3: {  	s4 =	rddreg [dreg:$0x2]  }
0x4: {  	s2 =	rddreg [dreg:$0x3];
	s5 =	srdreg.scid;
	s3 =	simm.s32 $0x0  }
0x5: {  	s10 =	stileid.u32;
	s5 =	sand.u32 $0x1, s5;
	[smem:$0x7FF] =	sst s3  }
0x6: {  	s11 =	sadd.s32 $0x4000, s4;
	s13 =	sadd.s32 $0x2B200, s4;
	s26 =	smul.u32 $0x4E000, s10  }
0x7: {  	s15 =	sadd.s32 $0x13220, s0;
	p5 =	sne.s32 s10, $0xF;
	s21 =	smul.u32 $0x4F000, s10  }
0x8: {  	p1 =	seq.s32 s10, $0xF;
	s22 =	smul.u32 $0x2780, s10;
	s23 =	sadd.s32 $0x128400, s2  }
0x9: {  	s31 =	sadd.s32 $0x138000, s2;
	_ =	strace $0x8000004A;
	[dreg:$0x9] =	wrdreg s15  }
0xa: {  	s6 =	sshll.u32 s5, $0x4;
	s7 =	ssub.s32 $0x2, s5;
	[dreg:$0x5] =	wrdreg s11  }
0xb: {  	p3 =	seq.s32 s5, $0x0;
	p4 =	seq.s32 s5, $0x1;
	[dreg:$0x6] =	wrdreg s13  }
0xc: {  	s5 =	simm.s32 $0x7100;
	s6 =	sor.u32 s10, s6;
	s8 =	sshrl.u32 s7, $0x1  }
0xd: {  	s14 =	sshrl.u32 s26, $0x2;
	p2 =	por !p3, !p5;
	p3 =	por !p3, !p1  }
0xe: {  	p6 =	por !p5, !p4;
	s24 =	sadd.s32 s11, s22;
	s25 =	sadd.s32 s13, s22  }
0xf: {  	p5 =	sne.s32 s10, $0x0;
	s26 =	sshrl.u32 s23, $0x3;
	s22 =	simm.s32 $0x9100  }
0x10: {  	s23 =	simm.s32 $0x5000;
	s10 =	simm.s32 $0x4F80;
	s11 =	simm.s32 $0x1  }
0x11: {  	s13 =	simm.s32 $0x4F00;
	s9 =	smul.u32 $0x9E0, s6;
	s4 =	ssub.s32 s7, s8  }
0x12: {  	p0 =	seq.s32 s6, $0x1F;
	s7 =	simm.s32 $0x66;
	[dreg:$0x10] =	wrdreg s24  }
0x13: {  	p2 =	por !p2, !p2;
	p6 =	por !p6, !p6;
	[dreg:$0x11] =	wrdreg s25  }
0x14: {  	[dreg:$0x12] =	wrdreg s26;
	s25 =	simm.s32 $0x4;
	s7 =	simm.s32 @!p0 $0x9E  }
0x15: {  	s24 =	smax.u32 s4, $0x1;
	s4 =	simm.s32 $0x5100;
	s12 =	sadd.s32 s0, s9  }
0x16: {  	s0 =	sadd.s32 $0x13230, s0;
	s9 =	simm.s32 $0x2;
	[dreg:$0x7] =	wrdreg s12  }
0x17: {  	s6 =	sadd.s32 $0x10, s12;
	[dreg:$0xa] =	wrdreg s0;
	s12 =	sadd.s32 s14, s2  }
0x18: {  	s0 =	simm.s32 @!p1 $0x0;
	[dreg:$0x8] =	wrdreg s6;
	s16 =	sadd.s32 $0x1800, s12  }
0x19: {  	s17 =	sadd.s32 $0x3000, s12;
	s18 =	sadd.s32 $0x4800, s12;
	s19 =	sadd.s32 $0x6000, s12  }
0x1a: {  	s20 =	sadd.s32 $0x7800, s12;
	s0 =	simm.s32 @p1 $0x1;
	[dreg:$0xb] =	wrdreg s16  }
0x1b: {  	p1 =	por !p3, !p3;
	s26 =	sadd.s32 $0xD800, s12;
	[dreg:$0xc] =	wrdreg s17  }
0x1c: {  	s28 =	sadd.s32 $0xF000, s12;
	s29 =	sadd.s32 $0x10800, s12;
	[dreg:$0xd] =	wrdreg s18  }
.Ltmp0:
0x1d: {  	s30 =	sadd.s32 $0x12000, s12;
	[dreg:$0xe] =	wrdreg s19;
	(pc) =	sbr.rel .LBB2_1-.Ltmp0, $4  }
0x1e: {  	[dreg:$0xf] =	wrdreg s20;
	s18 =	sadd.s32 $0x9000, s12;
	s19 =	sadd.s32 $0xA800, s12  }
0x1f: {  	[smem:$0x7FC] =	sst s0;
	s6 =	simm.s32 @!p1 $0x0;
	s0 =	sshrl.u32 s21, $0x2  }
0x20: {  	s20 =	sadd.s32 $0xC000, s12;
	s6 =	simm.s32 @p1 $0x1;
	s21 =	sadd.s32 s0, s2  }
0x21: {  	v0 =	vimm.f32 $0.0e+00;
	s0 =	simm.s32 $0x40;
	[smem:$0x7FD] =	sst s6;
	s6 =	simm.s32 $0x3  }
.LBB2_14:
0x22: {  	s14 =	sshll.u32 s14, $0x6  }
0x23: {  	s8 =	sadd.s32 $0x25080, s8;
	s15 =	rddreg [dreg:$0x12];
	s14 =	sor.u32 $0x1C04, s14  }
0x24: {  	[hbm:s8], [sflag:s14] =	dma.local [spmem:s15], $0x2080  }
0x25: {  	_ =	swait.ge [sflag:s25], $0x2080  }
0x26: {  	[sflag:s25] =	ssyncset.done $0x0  }
0x27: {  	[sflag:s25] =	ssyncadd.s32 $0xFFFFDF80  }
.LBB2_15:
0x28: {  	s3 =	sadd.s32 $0x1, s3  }
0x29: {  	p1 =	sne.s32 s3, s24  }
.Ltmp1:
0x2a: {  	_ = 	snop;
	(pc) =	sbr.rel @!p1 .LBB2_16-.Ltmp1, $1  }
0x2b: {  	_ =	sdelay $0x3  }
.LBB2_1:
0x2c: {  	s8 =	simm.s32 @p0 $0x80  }
0x2d: {  	s14 =	simm.s32 @p0 $0x100;
	s15 =	simm.s32 @p0 $0x0;
	s16 =	rddreg [dreg:$0x9]  }
0x2e: {  	[tilespmem:s15], [sflag:$0x4] =	stream.strided.gather @p0 [hbm4b:s16+s8], $0x1980, s14, s8, $0x38;
	[tilespmem:$0x1E980] =	vst v63  }
0x2f: {  	s15 =	simm.s32 @p0 $0x4  }
0x30: {  	_ =	swait.ge @p0 [sflag:s15], $0x1980  }
0x31: {  	[sflag:s15] =	ssyncset.done @p0 $0x0  }
0x32: {  	s16 =	simm.s32 @p0 $0x2780;
	s17 =	rddreg [dreg:$0xa];
	[sflag:s15] =	ssyncadd.s32 @p0 $0xFFFFE680  }
0x33: {  	[tilespmem:s16], [sflag:$0x4] =	stream.strided.gather @p0 [hbm4b:s17+s8], $0x1980, s14, s8, $0x38;
	[tilespmem:$0x1E980] =	vst v63  }
0x34: {  	_ =	swait.ge @p0 [sflag:s15], $0x1980  }
0x35: {  	s8 =	simm.s32 @!p0 $0x80;
	s14 =	simm.s32 @!p0 $0x100;
	[sflag:s15] =	ssyncset.done @p0 $0x0  }
0x36: {  	s16 =	rddreg [dreg:$0x7];
	[sflag:s15] =	ssyncadd.s32 @p0 $0xFFFFE680;
	s15 =	simm.s32 @!p0 $0x0  }
0x37: {  	[tilespmem:s15], [sflag:$0x4] =	stream.strided.gather @!p0 [hbm4b:s16+s8], $0x2780, s14, s8, $0x38;
	[tilespmem:$0x1E980] =	vst v63  }
0x38: {  	s15 =	simm.s32 @!p0 $0x4  }
0x39: {  	_ =	swait.ge @!p0 [sflag:s15], $0x2780  }
0x3a: {  	[sflag:s15] =	ssyncset.done @!p0 $0x0  }
0x3b: {  	s16 =	simm.s32 @!p0 $0x2780;
	s17 =	rddreg [dreg:$0x8];
	[sflag:s15] =	ssyncadd.s32 @!p0 $0xFFFFD880  }
0x3c: {  	[tilespmem:s16], [sflag:$0x4] =	stream.strided.gather @!p0 [hbm4b:s17+s8], $0x2780, s14, s8, $0x38;
	[tilespmem:$0x1E980] =	vst v63  }
0x3d: {  	_ =	swait.ge @!p0 [sflag:s15], $0x2780  }
0x3e: {  	[sflag:s15] =	ssyncset.done @!p0 $0x0  }
0x3f: {  	[sflag:s15] =	ssyncadd.s32 @!p0 $0xFFFFD880  }
0x40: {  	v1 =	vld [tilespmem:$0x27C0]  }
0x41: {  	v2 =	vld [tilespmem:$0x27D0]  }
0x42: {  	v3 =	vld [tilespmem:$0x27E0]  }
0x43: {  	v4 =	vld [tilespmem:$0x27F0];
	_ =	sdelay $0x1  }
0x44: {  	[tilespmem:$0x4F80] =	vst v1  }
0x45: {  	[tilespmem:$0x4F90] =	vst v2  }
0x46: {  	[tilespmem:$0x4FA0] =	vst v3  }
0x47: {  	[tilespmem:$0x4FB0] =	vst v4  }
0x48: {  	[tilespmem:s5], [sflag:$0x2] =	stream.indirect.gather [hbm4b:s1+s0], $0x80, s0, s0, $0xb8;
	[tilespmem:$0x1E980] =	vst v63  }
0x49: {  	v1 =	vld [tilespmem:$0x2800]  }
0x4a: {  	v2 =	vld [tilespmem:$0x2810]  }
0x4b: {  	v3 =	vld [tilespmem:$0x2820]  }
0x4c: {  	v63 =	vld [tilespmem:$0x2830];
	_ =	sdelay $0x1  }
0x4d: {  	[tilespmem:$0x5000] =	vst v1  }
0x4e: {  	[tilespmem:$0x5010] =	vst v2  }
0x4f: {  	[tilespmem:$0x5020] =	vst v3  }
0x50: {  	s17 =	simm.s32 $0x80;
	s14 =	simm.s32 $0x0;
	s8 =	simm.s32 $0x200;
	[tilespmem:$0x5030] =	vst v63  }
0x51: {  	[tilespmem:s22], [sflag:$0x3] =	stream.indirect.gather [hbm4b:s1+s0], $0x80, s17, s0, $0xb8;
	[tilespmem:$0x1E980] =	vst v63  }
.LBB2_2:
0x52: {  	p3 =	sne.s32 s8, $0x5E00;
	[tilespmem:s14+$0x5170] =	vst v0  }
0x53: {  	[tilespmem:s14+$0x5100] =	vst v0  }
0x54: {  	[tilespmem:s14+$0x5110] =	vst v0  }
.Ltmp2:
0x55: {  	[tilespmem:s14+$0x5120] =	vst v0;
	(pc) =	sbr.rel @p3 .LBB2_2-.Ltmp2, $4  }
0x56: {  	[tilespmem:s14+$0x5130] =	vst v0  }
0x57: {  	[tilespmem:s14+$0x5140] =	vst v0  }
0x58: {  	[tilespmem:s14+$0x5150] =	vst v0  }
0x59: {  	[tilespmem:s14+$0x5160] =	vst v0;
	s14 =	sshra.s32 s8, $0x2;
	s8 =	sadd.s32 $0x200, s8  }
0x5a: {  	[tilespmem:s14+$0x5170] =	vst v0  }
0x5b: {  	[tilespmem:s14+$0x5100] =	vst v0  }
0x5c: {  	[tilespmem:s14+$0x5110] =	vst v0  }
0x5d: {  	[tilespmem:s14+$0x5120] =	vst v0  }
0x5e: {  	[tilespmem:s14+$0x5130] =	vst v0  }
0x5f: {  	[tilespmem:s14+$0x5140] =	vst v0  }
0x60: {  	[tilespmem:s14+$0x5150] =	vst v0  }
0x61: {  	[tilespmem:s14+$0x5160] =	vst v0  }
0x62: {  	[spmem:s12] =	stream.linear.scatter [tilespmem:s4], [sflag:$0x4], $0x1800, $0x38;
	[tilespmem:$0x1E980] =	vst v63  }
0x63: {  	_ =	swait.ge [sflag:s25], $0x1800  }
0x64: {  	[sflag:s25] =	ssyncset.done $0x0  }
0x65: {  	s8 =	rddreg [dreg:$0xb];
	[sflag:s25] =	ssyncadd.s32 $0xFFFFE800  }
0x66: {  	[spmem:s8] =	stream.linear.scatter [tilespmem:s4], [sflag:$0x4], $0x1800, $0x38;
	[tilespmem:$0x1E980] =	vst v63  }
0x67: {  	_ =	swait.ge [sflag:s25], $0x1800  }
0x68: {  	[sflag:s25] =	ssyncset.done $0x0  }
0x69: {  	s14 =	rddreg [dreg:$0xc];
	[sflag:s25] =	ssyncadd.s32 $0xFFFFE800  }
0x6a: {  	[spmem:s14] =	stream.linear.scatter [tilespmem:s4], [sflag:$0x4], $0x1800, $0x38;
	[tilespmem:$0x1E980] =	vst v63  }
0x6b: {  	_ =	swait.ge [sflag:s25], $0x1800  }
0x6c: {  	[sflag:s25] =	ssyncset.done $0x0  }
0x6d: {  	s15 =	rddreg [dreg:$0xd];
	[sflag:s25] =	ssyncadd.s32 $0xFFFFE800  }
0x6e: {  	[spmem:s15] =	stream.linear.scatter [tilespmem:s4], [sflag:$0x4], $0x1800, $0x38;
	[tilespmem:$0x1E980] =	vst v63  }
0x6f: {  	_ =	swait.ge [sflag:s25], $0x1800  }
0x70: {  	[sflag:s25] =	ssyncset.done $0x0  }
0x71: {  	s16 =	rddreg [dreg:$0xe];
	[sflag:s25] =	ssyncadd.s32 $0xFFFFE800  }
0x72: {  	[spmem:s16] =	stream.linear.scatter [tilespmem:s4], [sflag:$0x4], $0x1800, $0x38;
	[tilespmem:$0x1E980] =	vst v63  }
0x73: {  	_ =	swait.ge [sflag:s25], $0x1800  }
0x74: {  	[sflag:s25] =	ssyncset.done $0x0  }
0x75: {  	s17 =	rddreg [dreg:$0xf];
	[sflag:s25] =	ssyncadd.s32 $0xFFFFE800  }
0x76: {  	[spmem:s17] =	stream.linear.scatter [tilespmem:s4], [sflag:$0x4], $0x1800, $0x38;
	[tilespmem:$0x1E980] =	vst v63  }
0x77: {  	_ =	swait.ge [sflag:s25], $0x1800  }
0x78: {  	[sflag:s25] =	ssyncset.done $0x0  }
0x79: {  	[sflag:s25] =	ssyncadd.s32 $0xFFFFE800  }
0x7a: {  	[spmem:s18] =	stream.linear.scatter [tilespmem:s4], [sflag:$0x4], $0x1800, $0x38;
	[tilespmem:$0x1E980] =	vst v63  }
0x7b: {  	_ =	swait.ge [sflag:s25], $0x1800  }
0x7c: {  	[sflag:s25] =	ssyncset.done $0x0  }
0x7d: {  	[sflag:s25] =	ssyncadd.s32 $0xFFFFE800  }
0x7e: {  	[spmem:s19] =	stream.linear.scatter [tilespmem:s4], [sflag:$0x4], $0x1800, $0x38;
	[tilespmem:$0x1E980] =	vst v63  }
0x7f: {  	_ =	swait.ge [sflag:s25], $0x1800  }
0x80: {  	[sflag:s25] =	ssyncset.done $0x0  }
0x81: {  	[sflag:s25] =	ssyncadd.s32 $0xFFFFE800  }
0x82: {  	[spmem:s20] =	stream.linear.scatter [tilespmem:s4], [sflag:$0x4], $0x1800, $0x38;
	[tilespmem:$0x1E980] =	vst v63  }
0x83: {  	_ =	swait.ge [sflag:s25], $0x1800  }
0x84: {  	[sflag:s25] =	ssyncset.done $0x0  }
0x85: {  	[sflag:s25] =	ssyncadd.s32 $0xFFFFE800  }
0x86: {  	[spmem:s26] =	stream.linear.scatter [tilespmem:s4], [sflag:$0x4], $0x1800, $0x38;
	[tilespmem:$0x1E980] =	vst v63  }
0x87: {  	_ =	swait.ge [sflag:s25], $0x1800  }
0x88: {  	[sflag:s25] =	ssyncset.done $0x0  }
0x89: {  	[sflag:s25] =	ssyncadd.s32 $0xFFFFE800  }
0x8a: {  	[spmem:s28] =	stream.linear.scatter [tilespmem:s4], [sflag:$0x4], $0x1800, $0x38;
	[tilespmem:$0x1E980] =	vst v63  }
0x8b: {  	_ =	swait.ge [sflag:s25], $0x1800  }
0x8c: {  	[sflag:s25] =	ssyncset.done $0x0  }
0x8d: {  	[sflag:s25] =	ssyncadd.s32 $0xFFFFE800  }
0x8e: {  	[spmem:s29] =	stream.linear.scatter [tilespmem:s4], [sflag:$0x4], $0x1800, $0x38;
	[tilespmem:$0x1E980] =	vst v63  }
0x8f: {  	_ =	swait.ge [sflag:s25], $0x1800  }
0x90: {  	[sflag:s25] =	ssyncset.done $0x0  }
0x91: {  	[sflag:s25] =	ssyncadd.s32 $0xFFFFE800  }
0x92: {  	[spmem:s30] =	stream.linear.scatter [tilespmem:s4], [sflag:$0x4], $0x1800, $0x38;
	[tilespmem:$0x1E980] =	vst v63  }
0x93: {  	_ =	swait.ge [sflag:s25], $0x1800  }
0x94: {  	[sflag:s25] =	ssyncset.done $0x0  }
0x95: {  	s8 =	simm.s32 @!p5 $0x5100;
	[sflag:s25] =	ssyncadd.s32 $0xFFFFE800  }
0x96: {  	[spmem:s31] =	stream.linear.scatter @!p5 [tilespmem:s8], [sflag:$0x4], $0x800, $0x38;
	[tilespmem:$0x1E980] =	vst v63  }
0x97: {  	s8 =	simm.s32 @!p5 $0x4  }
0x98: {  	_ =	swait.ge @!p5 [sflag:s8], $0x800  }
0x99: {  	[sflag:s8] =	ssyncset.done @!p5 $0x0  }
0x9a: {  	[sflag:s8] =	ssyncadd.s32 @!p5 $0xFFFFF800  }
0x9b: {  	v1 =	vld [tilespmem:$0x2780]  }
0x9c: {  	v2 =	vld [tilespmem:$0x2790]  }
0x9d: {  	v3 =	vld [tilespmem:$0x27A0]  }
0x9e: {  	v4 =	vld [tilespmem:$0x27B0];
	_ =	sdelay $0x1  }
0x9f: {  	[tilespmem:$0x4F00] =	vst v1  }
0xa0: {  	[tilespmem:$0x4F10] =	vst v2  }
.Ltmp3:
0xa1: {  	[tilespmem:$0x4F20] =	vst v3;
	(pc) =	sbr.rel .LBB2_4-.Ltmp3, $4  }
0xa2: {  	s14 =	simm.s32 $0x0;
	[tilespmem:$0x4F30] =	vst v4  }
0xa3: {  	[tilespmem:s4], [sflag:$0x1] =	stream.indirect.gather [hbm4b:s1+s0], $0x80, s14, s0, $0xb8;
	[tilespmem:$0x1E980] =	vst v63  }
0xa4: {  	[bflag:$0x0] =	sbarrier.arrive $0xFFFF  }
0xa5: {  	s15 =	simm.s32 $0x2870;
	s16 =	simm.s32 $0xC0  }
.LBB2_8:
0xa6: {  	_ =	swait.ge [sflag:s6], $0x2000  }
0xa7: {  	[sflag:s6] =	ssyncset.done $0x0  }
0xa8: {  	[sflag:s6] =	ssyncadd.s32 $0xFFFFE000  }
0xa9: {  	[spmem:s2] =	stream.indirect.scatter.add.f32 [tilespmem:s22], [sflag:$0x4], $0x80, s23, s0, $0xb8;
	[tilespmem:$0x1E980] =	vst v63  }
0xaa: {  	_ =	swait.ge [sflag:s25], $0x2000  }
0xab: {  	[sflag:s25] =	ssyncset.done $0x0  }
0xac: {  	p3 =	sge.u32 s8, s7;
	[sflag:s25] =	ssyncadd.s32 $0xFFFFE000  }
0xad: {  	v1 =	vld @!p3 [tilespmem:s15+$0xFFFFFFD0];
	_ =	sdelay $0x4  }
0xae: {  	[tilespmem:$0x5000] =	vst @!p3 v1  }
0xaf: {  	v1 =	vld @!p3 [tilespmem:s15+$0xFFFFFFE0];
	_ =	sdelay $0x4  }
0xb0: {  	[tilespmem:$0x5010] =	vst @!p3 v1  }
0xb1: {  	v1 =	vld @!p3 [tilespmem:s15+$0xFFFFFFF0];
	_ =	sdelay $0x4  }
0xb2: {  	[tilespmem:$0x5020] =	vst @!p3 v1  }
0xb3: {  	v1 =	vld @!p3 [tilespmem:s15+$0x0];
	_ =	sdelay $0x4  }
0xb4: {  	s8 =	simm.s32 @!p3 $0x40;
	s17 =	simm.s32 @!p3 $0x9100;
	[tilespmem:$0x5030] =	vst @!p3 v1  }
0xb5: {  	[tilespmem:s17], [sflag:$0x3] =	stream.indirect.gather @!p3 [hbm4b:s1+s8], $0x80, s16, s8, $0xb8;
	[tilespmem:$0x1E980] =	vst v63  }
.LBB2_9:
0xb6: {  	s14 =	sadd.s32 $0x1, s14  }
0xb7: {  	p3 =	sne.s32 s7, s14  }
.Ltmp4:
0xb8: {  	_ = 	snop;
	(pc) =	sbr.rel @!p3 .LBB2_10-.Ltmp4, $2  }
0xb9: {  	_ =	sdelay $0x2  }
0xba: {  	s15 =	sadd.s32 $0x40, s15;
	s16 =	sadd.s32 $0x40, s16  }
.LBB2_4:
0xbb: {  	s8 =	smulhi.u32 $0xAAAAAAAB, s14;
	_ =	sdelay $0x1  }
0xbc: {  	s8 =	sshrl.u32 s8, $0x1  }
0xbd: {  	s8 =	smul.u32 $0x3, s8;
	_ =	sdelay $0x1  }
0xbe: {  	s17 =	ssub.s32 s14, s8  }
0xbf: {  	p3 =	seq.s32 s17, $0x2  }
.Ltmp5:
0xc0: {  	_ = 	snop;
	(pc) =	sbr.rel @p3 .LBB2_8-.Ltmp5, $2  }
0xc1: {  	_ =	sdelay $0x2  }
0xc2: {  	s8 =	sadd.s32 $0x3, s14  }
0xc3: {  	p3 =	seq.s32 s17, $0x1  }
.Ltmp6:
0xc4: {  	_ = 	snop;
	(pc) =	sbr.rel @!p3 .LBB2_6-.Ltmp6, $1  }
0xc5: {  	_ =	sdelay $0x3  }
0xc6: {  	_ =	swait.ge [sflag:s9], $0x2000  }
0xc7: {  	[sflag:s9] =	ssyncset.done $0x0  }
0xc8: {  	[sflag:s9] =	ssyncadd.s32 $0xFFFFE000  }
0xc9: {  	[spmem:s2] =	stream.indirect.scatter.add.f32 [tilespmem:s5], [sflag:$0x4], $0x80, s10, s0, $0xb8;
	[tilespmem:$0x1E980] =	vst v63  }
0xca: {  	_ =	swait.ge [sflag:s25], $0x2000  }
0xcb: {  	[sflag:s25] =	ssyncset.done $0x0  }
0xcc: {  	p3 =	sge.u32 s8, s7;
	[sflag:s25] =	ssyncadd.s32 $0xFFFFE000  }
0xcd: {  	v1 =	vld @!p3 [tilespmem:s15+$0xFFFFFFD0];
	_ =	sdelay $0x4  }
0xce: {  	[tilespmem:$0x4F80] =	vst @!p3 v1  }
0xcf: {  	v1 =	vld @!p3 [tilespmem:s15+$0xFFFFFFE0];
	_ =	sdelay $0x4  }
0xd0: {  	[tilespmem:$0x4F90] =	vst @!p3 v1  }
0xd1: {  	v1 =	vld @!p3 [tilespmem:s15+$0xFFFFFFF0];
	_ =	sdelay $0x4  }
0xd2: {  	[tilespmem:$0x4FA0] =	vst @!p3 v1  }
0xd3: {  	v1 =	vld @!p3 [tilespmem:s15+$0x0];
	_ =	sdelay $0x1  }
.Ltmp7:
0xd4: {  	_ = 	snop;
	(pc) =	sbr.rel .LBB2_9-.Ltmp7, $3  }
0xd5: {  	_ =	sdelay $0x1  }
0xd6: {  	s8 =	simm.s32 @!p3 $0x40;
	s17 =	simm.s32 @!p3 $0x7100;
	[tilespmem:$0x4FB0] =	vst @!p3 v1  }
0xd7: {  	[tilespmem:s17], [sflag:$0x2] =	stream.indirect.gather @!p3 [hbm4b:s1+s8], $0x80, s16, s8, $0xb8;
	[tilespmem:$0x1E980] =	vst v63  }
.LBB2_6:
0xd8: {  	_ =	swait.ge [sflag:s11], $0x2000  }
0xd9: {  	[sflag:s11] =	ssyncset.done $0x0  }
0xda: {  	[sflag:s11] =	ssyncadd.s32 $0xFFFFE000  }
0xdb: {  	[spmem:s2] =	stream.indirect.scatter.add.f32 [tilespmem:s4], [sflag:$0x4], $0x80, s13, s0, $0xb8;
	[tilespmem:$0x1E980] =	vst v63  }
0xdc: {  	_ =	swait.ge [sflag:s25], $0x2000  }
0xdd: {  	[sflag:s25] =	ssyncset.done $0x0  }
0xde: {  	p3 =	sge.u32 s8, s7;
	[sflag:s25] =	ssyncadd.s32 $0xFFFFE000  }
0xdf: {  	v1 =	vld @!p3 [tilespmem:s15+$0xFFFFFFD0];
	_ =	sdelay $0x4  }
0xe0: {  	[tilespmem:$0x4F00] =	vst @!p3 v1  }
0xe1: {  	v1 =	vld @!p3 [tilespmem:s15+$0xFFFFFFE0];
	_ =	sdelay $0x4  }
0xe2: {  	[tilespmem:$0x4F10] =	vst @!p3 v1  }
0xe3: {  	v1 =	vld @!p3 [tilespmem:s15+$0xFFFFFFF0];
	_ =	sdelay $0x4  }
0xe4: {  	[tilespmem:$0x4F20] =	vst @!p3 v1  }
0xe5: {  	v1 =	vld @!p3 [tilespmem:s15+$0x0];
	_ =	sdelay $0x1  }
.Ltmp8:
0xe6: {  	_ = 	snop;
	(pc) =	sbr.rel .LBB2_9-.Ltmp8, $3  }
0xe7: {  	_ =	sdelay $0x1  }
0xe8: {  	s8 =	simm.s32 @!p3 $0x40;
	s17 =	simm.s32 @!p3 $0x5100;
	[tilespmem:$0x4F30] =	vst @!p3 v1  }
0xe9: {  	[tilespmem:s17], [sflag:$0x1] =	stream.indirect.gather @!p3 [hbm4b:s1+s8], $0x80, s16, s8, $0xb8;
	[tilespmem:$0x1E980] =	vst v63  }
.LBB2_10:
.Ltmp9:
0xea: {  	(pc) =	sbr.rel @!p2 .LBB2_12-.Ltmp9, $2  }
0xeb: {  	_ =	sdelay $0x1  }
0xec: {  	[bflag:$0x0] =	sbarrier.arrive $0xFFFF;
	_ =	sdelay $0x1  }
0xed: {  	s8 =	stileid.u32  }
0xee: {  	s14 =	sshrl.u32 s21, $0x3;
	s8 =	sshll.u32 s8, $0x6  }
.Ltmp10:
0xef: {  	s15 =	rddreg [dreg:$0x10];
	s8 =	sor.u32 $0x1C04, s8;
	(pc) =	sbr.rel .LBB2_13-.Ltmp10, $4  }
0xf0: {  	[hbm:s15], [sflag:s8] =	dma.local [spmem:s14], $0x2780  }
0xf1: {  	_ =	swait.ge [sflag:s25], $0x2780  }
0xf2: {  	[sflag:s25] =	ssyncset.done $0x0  }
0xf3: {  	p3 =	por $0x0, $0x0;
	[sflag:s25] =	ssyncadd.s32 $0xFFFFD880  }
.LBB2_12:
0xf4: {  	s15 =	sld [smem:$0x7FD];
	_ =	sdelay $0x2  }
0xf5: {  	p1 =	seq.s32 s15, $0x1  }
.Ltmp11:
0xf6: {  	_ = 	snop;
	(pc) =	sbr.rel @p1 .LBB2_14-.Ltmp11, $2  }
0xf7: {  	s8 =	sld [smem:$0x7FC];
	_ =	sdelay $0x2  }
0xf8: {  	s14 =	simm.s32 $0xF;
	p3 =	seq.s32 s8, $0x1;
	s8 =	rddreg [dreg:$0x5]  }
.LBB2_13:
0xf9: {  	s8 =	stileid.u32;
	p1 =	por @p6 $0x1, $0x1  }
0xfa: {  	s14 =	sshrl.u32 @p6 s21, $0x3;
	s8 =	sshll.u32 @p6 s8, $0x6;
	p1 =	por @!p6 p4, p4  }
0xfb: {  	s15 =	rddreg [dreg:$0x11];
	s8 =	sor.u32 @p6 $0x1C04, s8;
	p1 =	por !p1, !p3  }
0xfc: {  	[hbm:s15], [sflag:s8] =	dma.local @p6 [spmem:s14], $0x2780  }
0xfd: {  	p1 =	por !p1, !p1  }
.Ltmp12:
0xfe: {  	_ = 	snop;
	(pc) =	sbr.rel @!p1 .LBB2_15-.Ltmp12, $4  }
.Ltmp13:
0xff: {  	s8 =	simm.s32 @p6 $0x4;
	(pc) =	sbr.rel @p1 .LBB2_14-.Ltmp13, $4  }
0x100: {  	_ =	swait.ge @p6 [sflag:s8], $0x2780  }
0x101: {  	[sflag:s8] =	ssyncset.done @p6 $0x0  }
0x102: {  	s14 =	stileid.u32;
	[sflag:s8] =	ssyncadd.s32 @p6 $0xFFFFD880;
	s8 =	rddreg [dreg:$0x6]  }
0x103: {  	_ = 	snop  }
.LBB2_16:
0x104: {  	_ =	sfence.sel $0x180000  }
0x105: {  	[bflag:$0x0] =	sbarrier.arrive $0xFFFF  }
0x106: {  	_ =	strace $0x9000004A  }
0x107: {  	[bflag:$0x2] =	sbarrier.arrive $0xFFFF  }
0x108: {  	s0 =	rddreg [dreg:$0x4]  }
0x109: {  	s0 =	sadd.s32 @!p5 $0x100000, s0  }
0x10a: {  	[sflag:s0] =	ssyncadd.tile.s32 @!p5 $0x1;
	_ =	shalt  }
.Lfunc_end2:
_tile_overlayer_lowered:
.L_overlay_start_2:
0x10b: {  	(tag) =	ssettag $0x2  }
0x10c: {  	s0 =	rddreg [dreg:$0x0];
	s2 =	stileid.u32  }
0x10d: {  	s1 =	rddreg [dreg:$0x1];
	p0 =	sne.s32 s2, $0x0  }
0x10e: {  	s3 =	rddreg [dreg:$0x2];
	[bflag:$0x3] =	sbarrier.arrive $0xFFFF;
	s2 =	simm.s32 @!p0 $0x1C04  }
0x10f: {  	[timem:s3], [sflag:s2] =	dma.local @!p0 [hbm:s0], s1  }
0x110: {  	s0 =	simm.s32 @!p0 $0x4  }
0x111: {  	_ =	swait.ge @!p0 [sflag:s0], s1  }
0x112: {  	s1 =	ssub.s32 @!p0 $0x0, s1;
	[sflag:s0] =	ssyncset.done @!p0 $0x0  }
0x113: {  	[sflag:s0] =	ssyncadd.s32 @!p0 s1  }
0x114: {  	[bflag:$0x3] =	sbarrier.arrive $0xFFFF  }
0x115: {  	_ =	shalt  }

</sc_bundles>
